<compile_context>
chip_gen: v7x
topology: tpu7x:2x2x1
jax: 0.10.2.dev20260603
libtpu: 0.0.44.dev20260713+nightly
codegen_flags: <defaults>
</compile_context>

<pallas_src>
import functools

import jax
import jax.numpy as jnp
from jax import lax
from jax.experimental import pallas as pl
from jax.experimental.pallas import tpu as pltpu
from jax.experimental.pallas import tpu_sc as plsc

LANES = 128


def _idx_body(x_ref, t_ref, r_ref, *, k):
    b = x_ref.shape[0]
    sel = lax.broadcasted_iota(jnp.int32, (1, k), 1).astype(jnp.float32)
    j = lax.dot_general(sel, x_ref[...], (((1,), (1,)), ((), ())),
                        preferred_element_type=jnp.float32)
    r_ref[...] = (t_ref[...] * k
                  + (j + 0.5).astype(jnp.int32).reshape(1, 1, b))


def _compute_indices(x0, t, block=32768):
    n, k = x0.shape
    t3 = t.astype(jnp.int32).reshape(n // block, 1, block)
    r = pl.pallas_call(
        functools.partial(_idx_body, k=k),
        grid=(n // block,),
        in_specs=[
            pl.BlockSpec((block, k), lambda i: (i, 0)),
            pl.BlockSpec((1, 1, block), lambda i: (i, 0, 0)),
        ],
        out_specs=pl.BlockSpec((1, 1, block), lambda i: (i, 0, 0)),
        out_shape=jax.ShapeDtypeStruct((n // block, 1, block), jnp.int32),
    )(x0, t3)
    return r.reshape(n // LANES, LANES)


def _sc_gather(r2d, table, n, k):
    info = plsc.get_sparse_core_info()
    nw = info.num_cores * info.num_subcores
    tok_per_w = n // nw
    chunk = 1024
    sub = 128
    n_chunks = tok_per_w // chunk
    idx_rows = chunk // LANES

    mesh = plsc.VectorSubcoreMesh(core_axis_name="c", subcore_axis_name="s")

    def body(r_hbm, tab_hbm, out_hbm, idx_v, rows_v, sem_i, sem_g, sem_o):
        wid = lax.axis_index("c") * info.num_subcores + lax.axis_index("s")
        idx_row0 = wid * (tok_per_w // LANES)
        base = wid * tok_per_w

        def idx_copy(ch, b):
            return pltpu.async_copy(
                r_hbm.at[pl.ds(idx_row0 + ch * idx_rows, idx_rows)],
                idx_v.at[b], sem_i[b])

        out_copies = [None, None]
        pend_idx = idx_copy(0, 0)
        for ch in range(n_chunks):
            b = ch % 2
            cur_idx = pend_idx
            if ch + 1 < n_chunks:
                pend_idx = idx_copy(ch + 1, 1 - b)
            cur_idx.wait()
            if out_copies[b] is not None:
                out_copies[b].wait()
            gathers = [
                pltpu.async_copy(tab_hbm.at[idx_v.at[b].at[i]],
                                 rows_v.at[b].at[pl.ds(i * sub, sub)],
                                 sem_g[b])
                for i in range(chunk // sub)
            ]
            for g in gathers:
                g.wait()
            out_copies[b] = pltpu.async_copy(
                rows_v.at[b], out_hbm.at[pl.ds(base + ch * chunk, chunk)],
                sem_o[b])
        for oc in out_copies:
            if oc is not None:
                oc.wait()

    gather = pl.kernel(
        body,
        out_type=jax.ShapeDtypeStruct((n, k), jnp.float32),
        mesh=mesh,
        scratch_types=[
            pltpu.VMEM((2, idx_rows, LANES), jnp.int32),
            pltpu.VMEM((2, chunk, k), jnp.float32),
            [pltpu.SemaphoreType.DMA, pltpu.SemaphoreType.DMA],
            [pltpu.SemaphoreType.DMA, pltpu.SemaphoreType.DMA],
            [pltpu.SemaphoreType.DMA, pltpu.SemaphoreType.DMA],
        ],
        compiler_params=pltpu.CompilerParams(use_tc_tiling_on_sc=False),
    )
    return gather(r2d, table)


def _full_kernel(x0, t, Qt_bar):
    n, k = x0.shape
    table = Qt_bar.reshape(-1, k)
    r2d = _compute_indices(x0, t)
    return _sc_gather(r2d, table, n, k)


def kernel(x0, t, Qt_bar):
    return _full_kernel(x0, t, Qt_bar)

# --- scband reference (transcript-rebuilt; emitter-appended) ---
"""Pipeline reference for scband-categorical-diffusion-kernel-45681272160477 (READ-ONLY COPY).

The authoritative reference and input builder live on the scoring server;
editing this copy changes nothing except your own understanding.
"""

import jax, jax.numpy as jnp
import numpy as np

NUM_CLASSES = 32
NUM_TIMESTEPS = 100
N = 262144


def _build_qt_bar():
    terminal = jnp.ones((NUM_CLASSES,), dtype=jnp.float32) / NUM_CLASSES
    alphas = jnp.full((NUM_TIMESTEPS,), 0.99, dtype=jnp.float32)
    eye = jnp.eye(NUM_CLASSES, dtype=jnp.float32)
    # Q_t = alpha_t * I + (1 - alpha_t) * 1 terminal^T  (rows are distributions)
    stay = alphas[:, None, None] * eye[None, :, :]
    diffuse = (1.0 - alphas)[:, None, None] * jnp.broadcast_to(
        terminal[None, None, :], (NUM_TIMESTEPS, NUM_CLASSES, NUM_CLASSES))
    Qt = stay + diffuse
    # cumulative products Qt_bar[t] = Qt[0] @ ... @ Qt[t]
    mats = []
    prev = eye
    for i in range(NUM_TIMESTEPS):
        prev = prev @ Qt[i]
        mats.append(prev)
    Qt_bar = jnp.stack(mats, axis=0)
    return Qt_bar


def setup_inputs(seed: int = 0) -> dict:
    key = jax.random.key(seed)
    k1, k2 = jax.random.split(key)
    # x0 must be one-hot rows so that q(xt|x0) sums to 1 (module asserts this)
    x0_idx = jax.random.randint(k1, (N,), 0, NUM_CLASSES)
    x0 = jax.nn.one_hot(x0_idx, NUM_CLASSES, dtype=jnp.float32)
    t = jax.random.randint(k2, (N,), 0, NUM_TIMESTEPS)
    Qt_bar = _build_qt_bar()
    return {"x0": x0, "t": t, "Qt_bar": Qt_bar}


def reference(x0, t, Qt_bar):
    # marginal_prob: q(xt | x0) = einsum('nj,nji->ni', x0, Qt_bar[t])
    Qb = jnp.take(Qt_bar, t, axis=0)          # gather: (n, K, K)
    probs = jnp.einsum('nj,nji->ni', x0, Qb)   # (n, K)
    return probs

if __name__ == "__main__":
    import jax
    _d = setup_inputs()
    print(jax.jit(kernel)(*tuple(_d.values())))

</pallas_src>

<mosaic_0001>
#map = affine_map<(d0, d1) -> (0, 0)>
module attributes {stable_mosaic.version = 14 : i64} {
  func.func @body(%arg0: i32, %arg1: i32, %arg2: memref<2048x128xi32, #tpu.memory_space<hbm>>, %arg3: memref<3200x32xf32, #tpu.memory_space<hbm>>, %arg4: memref<262144x32xf32, #tpu.memory_space<hbm>>, %arg5: memref<2x8x128xi32, #tpu.memory_space<vmem>>, %arg6: memref<2x1024x32xf32, #tpu.memory_space<vmem>>, %arg7: memref<!tpu.dma_semaphore, #tpu.memory_space<semaphore_mem>>, %arg8: memref<!tpu.dma_semaphore, #tpu.memory_space<semaphore_mem>>, %arg9: memref<!tpu.dma_semaphore, #tpu.memory_space<semaphore_mem>>, %arg10: memref<!tpu.dma_semaphore, #tpu.memory_space<semaphore_mem>>, %arg11: memref<!tpu.dma_semaphore, #tpu.memory_space<semaphore_mem>>, %arg12: memref<!tpu.dma_semaphore, #tpu.memory_space<semaphore_mem>>) attributes {dimension_semantics = [#tpu.dimension_semantics<core_parallel>, #tpu.dimension_semantics<subcore_parallel>], iteration_bounds = array<i64: 2, 16>, scalar_prefetch = 0 : i64, scratch_operands = 8 : i64, tpu.core_type = #tpu.core_type<sc_vector_subcore>, window_params = [{transform_indices = #map}, {transform_indices = #map}, {transform_indices = #map}]} {
    %mul3A = arith.constant 16 : i32
    %mul3A_0 = arith.muli %arg0, %mul3A : i32
    %add3A = arith.addi %mul3A_0, %arg1 : i32
    %mul3A_1 = arith.constant 64 : i32
    %mul3A_2 = arith.muli %add3A, %mul3A_1 : i32
    %mul3A_3 = arith.constant 8192 : i32
    %mul3A_4 = arith.muli %add3A, %mul3A_3 : i32
    %add3A_5 = arith.constant 0 : i32
    %add3A_6 = arith.addi %mul3A_2, %add3A_5 : i32
    %dma_start3A = arith.constant 0 : i32
    %dma_start3A_7 = arith.constant 0 : i32
    %dma_start3A_8 = arith.constant 0 : i32
    %dma_start3A_9 = tpu.memref_slice %arg5[%dma_start3A, %dma_start3A_7, %dma_start3A_8] : memref<2x8x128xi32, #tpu.memory_space<vmem>> -> memref<1x8x128xi32, #tpu.memory_space<vmem>>
    %dma_start3A_10 = tpu.memref_squeeze %dma_start3A_9 : memref<1x8x128xi32, #tpu.memory_space<vmem>> -> memref<8x128xi32, #tpu.memory_space<vmem>>
    %dma_start3A_11 = arith.constant 0 : i32
    %dma_start3A_12 = tpu.memref_slice %arg2[%add3A_6, %dma_start3A_11] : memref<2048x128xi32, #tpu.memory_space<hbm>> -> memref<8x128xi32, #tpu.memory_space<hbm>>
    %dma_start3A_13 = arith.constant 0 : i32
    %dma_start3A_14 = arith.constant 0 : i32
    %dma_start3A_15 = tpu.memref_slice %arg5[%dma_start3A, %dma_start3A_13, %dma_start3A_14] : memref<2x8x128xi32, #tpu.memory_space<vmem>> -> memref<1x8x128xi32, #tpu.memory_space<vmem>>
    %dma_start3A_16 = tpu.memref_squeeze %dma_start3A_15 : memref<1x8x128xi32, #tpu.memory_space<vmem>> -> memref<8x128xi32, #tpu.memory_space<vmem>>
    %dma_start3A_17 = arith.constant 0 : i32
    %dma_start3A_18 = tpu.memref_slice %arg2[%add3A_6, %dma_start3A_17] : memref<2048x128xi32, #tpu.memory_space<hbm>> -> memref<8x128xi32, #tpu.memory_space<hbm>>
    tpu.enqueue_dma source(%dma_start3A_18 : memref<8x128xi32, #tpu.memory_space<hbm>>) target(%dma_start3A_16 : memref<8x128xi32, #tpu.memory_space<vmem>>) target_semaphore(%arg7 : memref<!tpu.dma_semaphore, #tpu.memory_space<semaphore_mem>>)
    %add3A_19 = arith.constant 8 : i32
    %add3A_20 = arith.addi %mul3A_2, %add3A_19 : i32
    %dma_start3A_21 = arith.constant 1 : i32
    %dma_start3A_22 = arith.constant 0 : i32
    %dma_start3A_23 = arith.constant 0 : i32
    %dma_start3A_24 = tpu.memref_slice %arg5[%dma_start3A_21, %dma_start3A_22, %dma_start3A_23] : memref<2x8x128xi32, #tpu.memory_space<vmem>> -> memref<1x8x128xi32, #tpu.memory_space<vmem>>
    %dma_start3A_25 = tpu.memref_squeeze %dma_start3A_24 : memref<1x8x128xi32, #tpu.memory_space<vmem>> -> memref<8x128xi32, #tpu.memory_space<vmem>>
    %dma_start3A_26 = arith.constant 0 : i32
    %dma_start3A_27 = tpu.memref_slice %arg2[%add3A_20, %dma_start3A_26] : memref<2048x128xi32, #tpu.memory_space<hbm>> -> memref<8x128xi32, #tpu.memory_space<hbm>>
    %dma_start3A_28 = arith.constant 0 : i32
    %dma_start3A_29 = arith.constant 0 : i32
    %dma_start3A_30 = tpu.memref_slice %arg5[%dma_start3A_21, %dma_start3A_28, %dma_start3A_29] : memref<2x8x128xi32, #tpu.memory_space<vmem>> -> memref<1x8x128xi32, #tpu.memory_space<vmem>>
    %dma_start3A_31 = tpu.memref_squeeze %dma_start3A_30 : memref<1x8x128xi32, #tpu.memory_space<vmem>> -> memref<8x128xi32, #tpu.memory_space<vmem>>
    %dma_start3A_32 = arith.constant 0 : i32
    %dma_start3A_33 = tpu.memref_slice %arg2[%add3A_20, %dma_start3A_32] : memref<2048x128xi32, #tpu.memory_space<hbm>> -> memref<8x128xi32, #tpu.memory_space<hbm>>
    tpu.enqueue_dma source(%dma_start3A_33 : memref<8x128xi32, #tpu.memory_space<hbm>>) target(%dma_start3A_31 : memref<8x128xi32, #tpu.memory_space<vmem>>) target_semaphore(%arg8 : memref<!tpu.dma_semaphore, #tpu.memory_space<semaphore_mem>>)
    %dma_wait3A = arith.constant 0 : i32
    %dma_wait3A_34 = arith.constant 0 : i32
    %dma_wait3A_35 = arith.constant 0 : i32
    %dma_wait3A_36 = tpu.memref_slice %arg5[%dma_wait3A, %dma_wait3A_34, %dma_wait3A_35] : memref<2x8x128xi32, #tpu.memory_space<vmem>> -> memref<1x8x128xi32, #tpu.memory_space<vmem>>
    %dma_wait3A_37 = tpu.memref_squeeze %dma_wait3A_36 : memref<1x8x128xi32, #tpu.memory_space<vmem>> -> memref<8x128xi32, #tpu.memory_space<vmem>>
    %dma_wait3A_38 = arith.constant 0 : i32
    %dma_wait3A_39 = tpu.memref_slice %arg2[%add3A_6, %dma_wait3A_38] : memref<2048x128xi32, #tpu.memory_space<hbm>> -> memref<8x128xi32, #tpu.memory_space<hbm>>
    %dma_wait3A_40 = arith.constant 0 : i32
    %dma_wait3A_41 = arith.constant 0 : i32
    %dma_wait3A_42 = tpu.memref_slice %arg5[%dma_wait3A, %dma_wait3A_40, %dma_wait3A_41] : memref<2x8x128xi32, #tpu.memory_space<vmem>> -> memref<1x8x128xi32, #tpu.memory_space<vmem>>
    %dma_wait3A_43 = tpu.memref_squeeze %dma_wait3A_42 : memref<1x8x128xi32, #tpu.memory_space<vmem>> -> memref<8x128xi32, #tpu.memory_space<vmem>>
    %dma_wait3A_44 = arith.constant 0 : i32
    %dma_wait3A_45 = tpu.memref_slice %arg2[%add3A_6, %dma_wait3A_44] : memref<2048x128xi32, #tpu.memory_space<hbm>> -> memref<8x128xi32, #tpu.memory_space<hbm>>
    tpu.wait_dma2 semaphore(%arg7 : memref<!tpu.dma_semaphore, #tpu.memory_space<semaphore_mem>>) src(%dma_wait3A_45 : memref<8x128xi32, #tpu.memory_space<hbm>>) dst(%dma_wait3A_43 : memref<8x128xi32, #tpu.memory_space<vmem>>)
    %dma_start3A_46 = arith.constant 0 : i32
    %dma_start3A_47 = arith.constant 0 : i32
    %dma_start3A_48 = arith.constant 0 : i32
    %dma_start3A_49 = arith.constant 0 : i32
    %dma_start3A_50 = arith.constant 0 : i32
    %dma_start3A_51 = tpu.memref_slice %arg6[%dma_start3A_48, %dma_start3A_49, %dma_start3A_50] : memref<2x1024x32xf32, #tpu.memory_space<vmem>> -> memref<1x1024x32xf32, #tpu.memory_space<vmem>>
    %dma_start3A_52 = tpu.memref_squeeze %dma_start3A_51 : memref<1x1024x32xf32, #tpu.memory_space<vmem>> -> memref<1024x32xf32, #tpu.memory_space<vmem>>
    %dma_start3A_53 = arith.constant 0 : i32
    %dma_start3A_54 = arith.constant 0 : i32
    %dma_start3A_55 = tpu.memref_slice %dma_start3A_52[%dma_start3A_53, %dma_start3A_54] : memref<1024x32xf32, #tpu.memory_space<vmem>> -> memref<128x32xf32, #tpu.memory_space<vmem>>
    %dma_start3A_56 = arith.constant 0 : i32
    %dma_start3A_57 = arith.constant 0 : i32
    %dma_start3A_58 = tpu.memref_slice %arg5[%dma_start3A_46, %dma_start3A_56, %dma_start3A_57] : memref<2x8x128xi32, #tpu.memory_space<vmem>> -> memref<1x8x128xi32, #tpu.memory_space<vmem>>
    %dma_start3A_59 = tpu.memref_squeeze %dma_start3A_58 : memref<1x8x128xi32, #tpu.memory_space<vmem>> -> memref<8x128xi32, #tpu.memory_space<vmem>>
    %dma_start3A_60 = arith.constant 0 : i32
    %dma_start3A_61 = tpu.memref_slice %dma_start3A_59[%dma_start3A_47, %dma_start3A_60] : memref<8x128xi32, #tpu.memory_space<vmem>> -> memref<1x128xi32, #tpu.memory_space<vmem>>
    %dma_start3A_62 = tpu.memref_squeeze %dma_start3A_61 : memref<1x128xi32, #tpu.memory_space<vmem>> -> memref<128xi32, #tpu.memory_space<vmem>>
    %dma_start3A_63 = arith.constant 0 : i32
    %dma_start3A_64 = arith.constant 0 : i32
    %dma_start3A_65 = tpu.memref_slice %arg3[%dma_start3A_63, %dma_start3A_64] : memref<3200x32xf32, #tpu.memory_space<hbm>> -> memref<3200x32xf32, #tpu.memory_space<hbm>>
    tpu.enqueue_indirect_dma source(%dma_start3A_65 : memref<3200x32xf32, #tpu.memory_space<hbm>>) target(%dma_start3A_55 : memref<128x32xf32, #tpu.memory_space<vmem>>) offsets(%dma_start3A_62 : memref<128xi32, #tpu.memory_space<vmem>>) semaphore(%arg9 : memref<!tpu.dma_semaphore, #tpu.memory_space<semaphore_mem>>)
    %dma_start3A_66 = arith.constant 0 : i32
    %dma_start3A_67 = arith.constant 1 : i32
    %dma_start3A_68 = arith.constant 0 : i32
    %dma_start3A_69 = arith.constant 0 : i32
    %dma_start3A_70 = arith.constant 0 : i32
    %dma_start3A_71 = tpu.memref_slice %arg6[%dma_start3A_68, %dma_start3A_69, %dma_start3A_70] : memref<2x1024x32xf32, #tpu.memory_space<vmem>> -> memref<1x1024x32xf32, #tpu.memory_space<vmem>>
    %dma_start3A_72 = tpu.memref_squeeze %dma_start3A_71 : memref<1x1024x32xf32, #tpu.memory_space<vmem>> -> memref<1024x32xf32, #tpu.memory_space<vmem>>
    %dma_start3A_73 = arith.constant 128 : i32
    %dma_start3A_74 = arith.constant 0 : i32
    %dma_start3A_75 = tpu.memref_slice %dma_start3A_72[%dma_start3A_73, %dma_start3A_74] : memref<1024x32xf32, #tpu.memory_space<vmem>> -> memref<128x32xf32, #tpu.memory_space<vmem>>
    %dma_start3A_76 = arith.constant 0 : i32
    %dma_start3A_77 = arith.constant 0 : i32
    %dma_start3A_78 = tpu.memref_slice %arg5[%dma_start3A_66, %dma_start3A_76, %dma_start3A_77] : memref<2x8x128xi32, #tpu.memory_space<vmem>> -> memref<1x8x128xi32, #tpu.memory_space<vmem>>
    %dma_start3A_79 = tpu.memref_squeeze %dma_start3A_78 : memref<1x8x128xi32, #tpu.memory_space<vmem>> -> memref<8x128xi32, #tpu.memory_space<vmem>>
    %dma_start3A_80 = arith.constant 0 : i32
    %dma_start3A_81 = tpu.memref_slice %dma_start3A_79[%dma_start3A_67, %dma_start3A_80] : memref<8x128xi32, #tpu.memory_space<vmem>> -> memref<1x128xi32, #tpu.memory_space<vmem>>
    %dma_start3A_82 = tpu.memref_squeeze %dma_start3A_81 : memref<1x128xi32, #tpu.memory_space<vmem>> -> memref<128xi32, #tpu.memory_space<vmem>>
    %dma_start3A_83 = arith.constant 0 : i32
    %dma_start3A_84 = arith.constant 0 : i32
    %dma_start3A_85 = tpu.memref_slice %arg3[%dma_start3A_83, %dma_start3A_84] : memref<3200x32xf32, #tpu.memory_space<hbm>> -> memref<3200x32xf32, #tpu.memory_space<hbm>>
    tpu.enqueue_indirect_dma source(%dma_start3A_85 : memref<3200x32xf32, #tpu.memory_space<hbm>>) target(%dma_start3A_75 : memref<128x32xf32, #tpu.memory_space<vmem>>) offsets(%dma_start3A_82 : memref<128xi32, #tpu.memory_space<vmem>>) semaphore(%arg9 : memref<!tpu.dma_semaphore, #tpu.memory_space<semaphore_mem>>)
    %dma_start3A_86 = arith.constant 0 : i32
    %dma_start3A_87 = arith.constant 2 : i32
    %dma_start3A_88 = arith.constant 0 : i32
    %dma_start3A_89 = arith.constant 0 : i32
    %dma_start3A_90 = arith.constant 0 : i32
    %dma_start3A_91 = tpu.memref_slice %arg6[%dma_start3A_88, %dma_start3A_89, %dma_start3A_90] : memref<2x1024x32xf32, #tpu.memory_space<vmem>> -> memref<1x1024x32xf32, #tpu.memory_space<vmem>>
    %dma_start3A_92 = tpu.memref_squeeze %dma_start3A_91 : memref<1x1024x32xf32, #tpu.memory_space<vmem>> -> memref<1024x32xf32, #tpu.memory_space<vmem>>
    %dma_start3A_93 = arith.constant 256 : i32
    %dma_start3A_94 = arith.constant 0 : i32
    %dma_start3A_95 = tpu.memref_slice %dma_start3A_92[%dma_start3A_93, %dma_start3A_94] : memref<1024x32xf32, #tpu.memory_space<vmem>> -> memref<128x32xf32, #tpu.memory_space<vmem>>
    %dma_start3A_96 = arith.constant 0 : i32
    %dma_start3A_97 = arith.constant 0 : i32
    %dma_start3A_98 = tpu.memref_slice %arg5[%dma_start3A_86, %dma_start3A_96, %dma_start3A_97] : memref<2x8x128xi32, #tpu.memory_space<vmem>> -> memref<1x8x128xi32, #tpu.memory_space<vmem>>
    %dma_start3A_99 = tpu.memref_squeeze %dma_start3A_98 : memref<1x8x128xi32, #tpu.memory_space<vmem>> -> memref<8x128xi32, #tpu.memory_space<vmem>>
    %dma_start3A_100 = arith.constant 0 : i32
    %dma_start3A_101 = tpu.memref_slice %dma_start3A_99[%dma_start3A_87, %dma_start3A_100] : memref<8x128xi32, #tpu.memory_space<vmem>> -> memref<1x128xi32, #tpu.memory_space<vmem>>
    %dma_start3A_102 = tpu.memref_squeeze %dma_start3A_101 : memref<1x128xi32, #tpu.memory_space<vmem>> -> memref<128xi32, #tpu.memory_space<vmem>>
    %dma_start3A_103 = arith.constant 0 : i32
    %dma_start3A_104 = arith.constant 0 : i32
    %dma_start3A_105 = tpu.memref_slice %arg3[%dma_start3A_103, %dma_start3A_104] : memref<3200x32xf32, #tpu.memory_space<hbm>> -> memref<3200x32xf32, #tpu.memory_space<hbm>>
    tpu.enqueue_indirect_dma source(%dma_start3A_105 : memref<3200x32xf32, #tpu.memory_space<hbm>>) target(%dma_start3A_95 : memref<128x32xf32, #tpu.memory_space<vmem>>) offsets(%dma_start3A_102 : memref<128xi32, #tpu.memory_space<vmem>>) semaphore(%arg9 : memref<!tpu.dma_semaphore, #tpu.memory_space<semaphore_mem>>)
    %dma_start3A_106 = arith.constant 0 : i32
    %dma_start3A_107 = arith.constant 3 : i32
    %dma_start3A_108 = arith.constant 0 : i32
    %dma_start3A_109 = arith.constant 0 : i32
    %dma_start3A_110 = arith.constant 0 : i32
    %dma_start3A_111 = tpu.memref_slice %arg6[%dma_start3A_108, %dma_start3A_109, %dma_start3A_110] : memref<2x1024x32xf32, #tpu.memory_space<vmem>> -> memref<1x1024x32xf32, #tpu.memory_space<vmem>>
    %dma_start3A_112 = tpu.memref_squeeze %dma_start3A_111 : memref<1x1024x32xf32, #tpu.memory_space<vmem>> -> memref<1024x32xf32, #tpu.memory_space<vmem>>
    %dma_start3A_113 = arith.constant 384 : i32
    %dma_start3A_114 = arith.constant 0 : i32
    %dma_start3A_115 = tpu.memref_slice %dma_start3A_112[%dma_start3A_113, %dma_start3A_114] : memref<1024x32xf32, #tpu.memory_space<vmem>> -> memref<128x32xf32, #tpu.memory_space<vmem>>
    %dma_start3A_116 = arith.constant 0 : i32
    %dma_start3A_117 = arith.constant 0 : i32
    %dma_start3A_118 = tpu.memref_slice %arg5[%dma_start3A_106, %dma_start3A_116, %dma_start3A_117] : memref<2x8x128xi32, #tpu.memory_space<vmem>> -> memref<1x8x128xi32, #tpu.memory_space<vmem>>
    %dma_start3A_119 = tpu.memref_squeeze %dma_start3A_118 : memref<1x8x128xi32, #tpu.memory_space<vmem>> -> memref<8x128xi32, #tpu.memory_space<vmem>>
    %dma_start3A_120 = arith.constant 0 : i32
    %dma_start3A_121 = tpu.memref_slice %dma_start3A_119[%dma_start3A_107, %dma_start3A_120] : memref<8x128xi32, #tpu.memory_space<vmem>> -> memref<1x128xi32, #tpu.memory_space<vmem>>
    %dma_start3A_122 = tpu.memref_squeeze %dma_start3A_121 : memref<1x128xi32, #tpu.memory_space<vmem>> -> memref<128xi32, #tpu.memory_space<vmem>>
    %dma_start3A_123 = arith.constant 0 : i32
    %dma_start3A_124 = arith.constant 0 : i32
    %dma_start3A_125 = tpu.memref_slice %arg3[%dma_start3A_123, %dma_start3A_124] : memref<3200x32xf32, #tpu.memory_space<hbm>> -> memref<3200x32xf32, #tpu.memory_space<hbm>>
    tpu.enqueue_indirect_dma source(%dma_start3A_125 : memref<3200x32xf32, #tpu.memory_space<hbm>>) target(%dma_start3A_115 : memref<128x32xf32, #tpu.memory_space<vmem>>) offsets(%dma_start3A_122 : memref<128xi32, #tpu.memory_space<vmem>>) semaphore(%arg9 : memref<!tpu.dma_semaphore, #tpu.memory_space<semaphore_mem>>)
    %dma_start3A_126 = arith.constant 0 : i32
    %dma_start3A_127 = arith.constant 4 : i32
    %dma_start3A_128 = arith.constant 0 : i32
    %dma_start3A_129 = arith.constant 0 : i32
    %dma_start3A_130 = arith.constant 0 : i32
    %dma_start3A_131 = tpu.memref_slice %arg6[%dma_start3A_128, %dma_start3A_129, %dma_start3A_130] : memref<2x1024x32xf32, #tpu.memory_space<vmem>> -> memref<1x1024x32xf32, #tpu.memory_space<vmem>>
    %dma_start3A_132 = tpu.memref_squeeze %dma_start3A_131 : memref<1x1024x32xf32, #tpu.memory_space<vmem>> -> memref<1024x32xf32, #tpu.memory_space<vmem>>
    %dma_start3A_133 = arith.constant 512 : i32
    %dma_start3A_134 = arith.constant 0 : i32
    %dma_start3A_135 = tpu.memref_slice %dma_start3A_132[%dma_start3A_133, %dma_start3A_134] : memref<1024x32xf32, #tpu.memory_space<vmem>> -> memref<128x32xf32, #tpu.memory_space<vmem>>
    %dma_start3A_136 = arith.constant 0 : i32
    %dma_start3A_137 = arith.constant 0 : i32
    %dma_start3A_138 = tpu.memref_slice %arg5[%dma_start3A_126, %dma_start3A_136, %dma_start3A_137] : memref<2x8x128xi32, #tpu.memory_space<vmem>> -> memref<1x8x128xi32, #tpu.memory_space<vmem>>
    %dma_start3A_139 = tpu.memref_squeeze %dma_start3A_138 : memref<1x8x128xi32, #tpu.memory_space<vmem>> -> memref<8x128xi32, #tpu.memory_space<vmem>>
    %dma_start3A_140 = arith.constant 0 : i32
    %dma_start3A_141 = tpu.memref_slice %dma_start3A_139[%dma_start3A_127, %dma_start3A_140] : memref<8x128xi32, #tpu.memory_space<vmem>> -> memref<1x128xi32, #tpu.memory_space<vmem>>
    %dma_start3A_142 = tpu.memref_squeeze %dma_start3A_141 : memref<1x128xi32, #tpu.memory_space<vmem>> -> memref<128xi32, #tpu.memory_space<vmem>>
    %dma_start3A_143 = arith.constant 0 : i32
    %dma_start3A_144 = arith.constant 0 : i32
    %dma_start3A_145 = tpu.memref_slice %arg3[%dma_start3A_143, %dma_start3A_144] : memref<3200x32xf32, #tpu.memory_space<hbm>> -> memref<3200x32xf32, #tpu.memory_space<hbm>>
    tpu.enqueue_indirect_dma source(%dma_start3A_145 : memref<3200x32xf32, #tpu.memory_space<hbm>>) target(%dma_start3A_135 : memref<128x32xf32, #tpu.memory_space<vmem>>) offsets(%dma_start3A_142 : memref<128xi32, #tpu.memory_space<vmem>>) semaphore(%arg9 : memref<!tpu.dma_semaphore, #tpu.memory_space<semaphore_mem>>)
    %dma_start3A_146 = arith.constant 0 : i32
    %dma_start3A_147 = arith.constant 5 : i32
    %dma_start3A_148 = arith.constant 0 : i32
    %dma_start3A_149 = arith.constant 0 : i32
    %dma_start3A_150 = arith.constant 0 : i32
    %dma_start3A_151 = tpu.memref_slice %arg6[%dma_start3A_148, %dma_start3A_149, %dma_start3A_150] : memref<2x1024x32xf32, #tpu.memory_space<vmem>> -> memref<1x1024x32xf32, #tpu.memory_space<vmem>>
    %dma_start3A_152 = tpu.memref_squeeze %dma_start3A_151 : memref<1x1024x32xf32, #tpu.memory_space<vmem>> -> memref<1024x32xf32, #tpu.memory_space<vmem>>
    %dma_start3A_153 = arith.constant 640 : i32
    %dma_start3A_154 = arith.constant 0 : i32
    %dma_start3A_155 = tpu.memref_slice %dma_start3A_152[%dma_start3A_153, %dma_start3A_154] : memref<1024x32xf32, #tpu.memory_space<vmem>> -> memref<128x32xf32, #tpu.memory_space<vmem>>
    %dma_start3A_156 = arith.constant 0 : i32
    %dma_start3A_157 = arith.constant 0 : i32
    %dma_start3A_158 = tpu.memref_slice %arg5[%dma_start3A_146, %dma_start3A_156, %dma_start3A_157] : memref<2x8x128xi32, #tpu.memory_space<vmem>> -> memref<1x8x128xi32, #tpu.memory_space<vmem>>
    %dma_start3A_159 = tpu.memref_squeeze %dma_start3A_158 : memref<1x8x128xi32, #tpu.memory_space<vmem>> -> memref<8x128xi32, #tpu.memory_space<vmem>>
    %dma_start3A_160 = arith.constant 0 : i32
    %dma_start3A_161 = tpu.memref_slice %dma_start3A_159[%dma_start3A_147, %dma_start3A_160] : memref<8x128xi32, #tpu.memory_space<vmem>> -> memref<1x128xi32, #tpu.memory_space<vmem>>
    %dma_start3A_162 = tpu.memref_squeeze %dma_start3A_161 : memref<1x128xi32, #tpu.memory_space<vmem>> -> memref<128xi32, #tpu.memory_space<vmem>>
    %dma_start3A_163 = arith.constant 0 : i32
    %dma_start3A_164 = arith.constant 0 : i32
    %dma_start3A_165 = tpu.memref_slice %arg3[%dma_start3A_163, %dma_start3A_164] : memref<3200x32xf32, #tpu.memory_space<hbm>> -> memref<3200x32xf32, #tpu.memory_space<hbm>>
    tpu.enqueue_indirect_dma source(%dma_start3A_165 : memref<3200x32xf32, #tpu.memory_space<hbm>>) target(%dma_start3A_155 : memref<128x32xf32, #tpu.memory_space<vmem>>) offsets(%dma_start3A_162 : memref<128xi32, #tpu.memory_space<vmem>>) semaphore(%arg9 : memref<!tpu.dma_semaphore, #tpu.memory_space<semaphore_mem>>)
    %dma_start3A_166 = arith.constant 0 : i32
    %dma_start3A_167 = arith.constant 6 : i32
    %dma_start3A_168 = arith.constant 0 : i32
    %dma_start3A_169 = arith.constant 0 : i32
    %dma_start3A_170 = arith.constant 0 : i32
    %dma_start3A_171 = tpu.memref_slice %arg6[%dma_start3A_168, %dma_start3A_169, %dma_start3A_170] : memref<2x1024x32xf32, #tpu.memory_space<vmem>> -> memref<1x1024x32xf32, #tpu.memory_space<vmem>>
    %dma_start3A_172 = tpu.memref_squeeze %dma_start3A_171 : memref<1x1024x32xf32, #tpu.memory_space<vmem>> -> memref<1024x32xf32, #tpu.memory_space<vmem>>
    %dma_start3A_173 = arith.constant 768 : i32
    %dma_start3A_174 = arith.constant 0 : i32
    %dma_start3A_175 = tpu.memref_slice %dma_start3A_172[%dma_start3A_173, %dma_start3A_174] : memref<1024x32xf32, #tpu.memory_space<vmem>> -> memref<128x32xf32, #tpu.memory_space<vmem>>
    %dma_start3A_176 = arith.constant 0 : i32
    %dma_start3A_177 = arith.constant 0 : i32
    %dma_start3A_178 = tpu.memref_slice %arg5[%dma_start3A_166, %dma_start3A_176, %dma_start3A_177] : memref<2x8x128xi32, #tpu.memory_space<vmem>> -> memref<1x8x128xi32, #tpu.memory_space<vmem>>
    %dma_start3A_179 = tpu.memref_squeeze %dma_start3A_178 : memref<1x8x128xi32, #tpu.memory_space<vmem>> -> memref<8x128xi32, #tpu.memory_space<vmem>>
    %dma_start3A_180 = arith.constant 0 : i32
    %dma_start3A_181 = tpu.memref_slice %dma_start3A_179[%dma_start3A_167, %dma_start3A_180] : memref<8x128xi32, #tpu.memory_space<vmem>> -> memref<1x128xi32, #tpu.memory_space<vmem>>
    %dma_start3A_182 = tpu.memref_squeeze %dma_start3A_181 : memref<1x128xi32, #tpu.memory_space<vmem>> -> memref<128xi32, #tpu.memory_space<vmem>>
    %dma_start3A_183 = arith.constant 0 : i32
    %dma_start3A_184 = arith.constant 0 : i32
    %dma_start3A_185 = tpu.memref_slice %arg3[%dma_start3A_183, %dma_start3A_184] : memref<3200x32xf32, #tpu.memory_space<hbm>> -> memref<3200x32xf32, #tpu.memory_space<hbm>>
    tpu.enqueue_indirect_dma source(%dma_start3A_185 : memref<3200x32xf32, #tpu.memory_space<hbm>>) target(%dma_start3A_175 : memref<128x32xf32, #tpu.memory_space<vmem>>) offsets(%dma_start3A_182 : memref<128xi32, #tpu.memory_space<vmem>>) semaphore(%arg9 : memref<!tpu.dma_semaphore, #tpu.memory_space<semaphore_mem>>)
    %dma_start3A_186 = arith.constant 0 : i32
    %dma_start3A_187 = arith.constant 7 : i32
    %dma_start3A_188 = arith.constant 0 : i32
    %dma_start3A_189 = arith.constant 0 : i32
    %dma_start3A_190 = arith.constant 0 : i32
    %dma_start3A_191 = tpu.memref_slice %arg6[%dma_start3A_188, %dma_start3A_189, %dma_start3A_190] : memref<2x1024x32xf32, #tpu.memory_space<vmem>> -> memref<1x1024x32xf32, #tpu.memory_space<vmem>>
    %dma_start3A_192 = tpu.memref_squeeze %dma_start3A_191 : memref<1x1024x32xf32, #tpu.memory_space<vmem>> -> memref<1024x32xf32, #tpu.memory_space<vmem>>
    %dma_start3A_193 = arith.constant 896 : i32
    %dma_start3A_194 = arith.constant 0 : i32
    %dma_start3A_195 = tpu.memref_slice %dma_start3A_192[%dma_start3A_193, %dma_start3A_194] : memref<1024x32xf32, #tpu.memory_space<vmem>> -> memref<128x32xf32, #tpu.memory_space<vmem>>
    %dma_start3A_196 = arith.constant 0 : i32
    %dma_start3A_197 = arith.constant 0 : i32
    %dma_start3A_198 = tpu.memref_slice %arg5[%dma_start3A_186, %dma_start3A_196, %dma_start3A_197] : memref<2x8x128xi32, #tpu.memory_space<vmem>> -> memref<1x8x128xi32, #tpu.memory_space<vmem>>
    %dma_start3A_199 = tpu.memref_squeeze %dma_start3A_198 : memref<1x8x128xi32, #tpu.memory_space<vmem>> -> memref<8x128xi32, #tpu.memory_space<vmem>>
    %dma_start3A_200 = arith.constant 0 : i32
    %dma_start3A_201 = tpu.memref_slice %dma_start3A_199[%dma_start3A_187, %dma_start3A_200] : memref<8x128xi32, #tpu.memory_space<vmem>> -> memref<1x128xi32, #tpu.memory_space<vmem>>
    %dma_start3A_202 = tpu.memref_squeeze %dma_start3A_201 : memref<1x128xi32, #tpu.memory_space<vmem>> -> memref<128xi32, #tpu.memory_space<vmem>>
    %dma_start3A_203 = arith.constant 0 : i32
    %dma_start3A_204 = arith.constant 0 : i32
    %dma_start3A_205 = tpu.memref_slice %arg3[%dma_start3A_203, %dma_start3A_204] : memref<3200x32xf32, #tpu.memory_space<hbm>> -> memref<3200x32xf32, #tpu.memory_space<hbm>>
    tpu.enqueue_indirect_dma source(%dma_start3A_205 : memref<3200x32xf32, #tpu.memory_space<hbm>>) target(%dma_start3A_195 : memref<128x32xf32, #tpu.memory_space<vmem>>) offsets(%dma_start3A_202 : memref<128xi32, #tpu.memory_space<vmem>>) semaphore(%arg9 : memref<!tpu.dma_semaphore, #tpu.memory_space<semaphore_mem>>)
    %dma_wait3A_206 = arith.constant 0 : i32
    %dma_wait3A_207 = arith.constant 0 : i32
    %dma_wait3A_208 = arith.constant 0 : i32
    %dma_wait3A_209 = arith.constant 0 : i32
    %dma_wait3A_210 = arith.constant 0 : i32
    %dma_wait3A_211 = tpu.memref_slice %arg6[%dma_wait3A_208, %dma_wait3A_209, %dma_wait3A_210] : memref<2x1024x32xf32, #tpu.memory_space<vmem>> -> memref<1x1024x32xf32, #tpu.memory_space<vmem>>
    %dma_wait3A_212 = tpu.memref_squeeze %dma_wait3A_211 : memref<1x1024x32xf32, #tpu.memory_space<vmem>> -> memref<1024x32xf32, #tpu.memory_space<vmem>>
    %dma_wait3A_213 = arith.constant 0 : i32
    %dma_wait3A_214 = arith.constant 0 : i32
    %dma_wait3A_215 = tpu.memref_slice %dma_wait3A_212[%dma_wait3A_213, %dma_wait3A_214] : memref<1024x32xf32, #tpu.memory_space<vmem>> -> memref<128x32xf32, #tpu.memory_space<vmem>>
    %dma_wait3A_216 = arith.constant 0 : i32
    %dma_wait3A_217 = arith.constant 0 : i32
    %dma_wait3A_218 = tpu.memref_slice %arg5[%dma_wait3A_206, %dma_wait3A_216, %dma_wait3A_217] : memref<2x8x128xi32, #tpu.memory_space<vmem>> -> memref<1x8x128xi32, #tpu.memory_space<vmem>>
    %dma_wait3A_219 = tpu.memref_squeeze %dma_wait3A_218 : memref<1x8x128xi32, #tpu.memory_space<vmem>> -> memref<8x128xi32, #tpu.memory_space<vmem>>
    %dma_wait3A_220 = arith.constant 0 : i32
    %dma_wait3A_221 = tpu.memref_slice %dma_wait3A_219[%dma_wait3A_207, %dma_wait3A_220] : memref<8x128xi32, #tpu.memory_space<vmem>> -> memref<1x128xi32, #tpu.memory_space<vmem>>
    %dma_wait3A_222 = tpu.memref_squeeze %dma_wait3A_221 : memref<1x128xi32, #tpu.memory_space<vmem>> -> memref<128xi32, #tpu.memory_space<vmem>>
    %dma_wait3A_223 = arith.constant 0 : i32
    %dma_wait3A_224 = arith.constant 0 : i32
    %dma_wait3A_225 = tpu.memref_slice %arg3[%dma_wait3A_223, %dma_wait3A_224] : memref<3200x32xf32, #tpu.memory_space<hbm>> -> memref<3200x32xf32, #tpu.memory_space<hbm>>
    tpu.wait_indirect_dma semaphore(%arg9 : memref<!tpu.dma_semaphore, #tpu.memory_space<semaphore_mem>>) src(%dma_wait3A_225 : memref<3200x32xf32, #tpu.memory_space<hbm>>) dst(%dma_wait3A_215 : memref<128x32xf32, #tpu.memory_space<vmem>>)
    %dma_wait3A_226 = arith.constant 0 : i32
    %dma_wait3A_227 = arith.constant 1 : i32
    %dma_wait3A_228 = arith.constant 0 : i32
    %dma_wait3A_229 = arith.constant 0 : i32
    %dma_wait3A_230 = arith.constant 0 : i32
    %dma_wait3A_231 = tpu.memref_slice %arg6[%dma_wait3A_228, %dma_wait3A_229, %dma_wait3A_230] : memref<2x1024x32xf32, #tpu.memory_space<vmem>> -> memref<1x1024x32xf32, #tpu.memory_space<vmem>>
    %dma_wait3A_232 = tpu.memref_squeeze %dma_wait3A_231 : memref<1x1024x32xf32, #tpu.memory_space<vmem>> -> memref<1024x32xf32, #tpu.memory_space<vmem>>
    %dma_wait3A_233 = arith.constant 128 : i32
    %dma_wait3A_234 = arith.constant 0 : i32
    %dma_wait3A_235 = tpu.memref_slice %dma_wait3A_232[%dma_wait3A_233, %dma_wait3A_234] : memref<1024x32xf32, #tpu.memory_space<vmem>> -> memref<128x32xf32, #tpu.memory_space<vmem>>
    %dma_wait3A_236 = arith.constant 0 : i32
    %dma_wait3A_237 = arith.constant 0 : i32
    %dma_wait3A_238 = tpu.memref_slice %arg5[%dma_wait3A_226, %dma_wait3A_236, %dma_wait3A_237] : memref<2x8x128xi32, #tpu.memory_space<vmem>> -> memref<1x8x128xi32, #tpu.memory_space<vmem>>
    %dma_wait3A_239 = tpu.memref_squeeze %dma_wait3A_238 : memref<1x8x128xi32, #tpu.memory_space<vmem>> -> memref<8x128xi32, #tpu.memory_space<vmem>>
    %dma_wait3A_240 = arith.constant 0 : i32
    %dma_wait3A_241 = tpu.memref_slice %dma_wait3A_239[%dma_wait3A_227, %dma_wait3A_240] : memref<8x128xi32, #tpu.memory_space<vmem>> -> memref<1x128xi32, #tpu.memory_space<vmem>>
    %dma_wait3A_242 = tpu.memref_squeeze %dma_wait3A_241 : memref<1x128xi32, #tpu.memory_space<vmem>> -> memref<128xi32, #tpu.memory_space<vmem>>
    %dma_wait3A_243 = arith.constant 0 : i32
    %dma_wait3A_244 = arith.constant 0 : i32
    %dma_wait3A_245 = tpu.memref_slice %arg3[%dma_wait3A_243, %dma_wait3A_244] : memref<3200x32xf32, #tpu.memory_space<hbm>> -> memref<3200x32xf32, #tpu.memory_space<hbm>>
    tpu.wait_indirect_dma semaphore(%arg9 : memref<!tpu.dma_semaphore, #tpu.memory_space<semaphore_mem>>) src(%dma_wait3A_245 : memref<3200x32xf32, #tpu.memory_space<hbm>>) dst(%dma_wait3A_235 : memref<128x32xf32, #tpu.memory_space<vmem>>)
    %dma_wait3A_246 = arith.constant 0 : i32
    %dma_wait3A_247 = arith.constant 2 : i32
    %dma_wait3A_248 = arith.constant 0 : i32
    %dma_wait3A_249 = arith.constant 0 : i32
    %dma_wait3A_250 = arith.constant 0 : i32
    %dma_wait3A_251 = tpu.memref_slice %arg6[%dma_wait3A_248, %dma_wait3A_249, %dma_wait3A_250] : memref<2x1024x32xf32, #tpu.memory_space<vmem>> -> memref<1x1024x32xf32, #tpu.memory_space<vmem>>
    %dma_wait3A_252 = tpu.memref_squeeze %dma_wait3A_251 : memref<1x1024x32xf32, #tpu.memory_space<vmem>> -> memref<1024x32xf32, #tpu.memory_space<vmem>>
    %dma_wait3A_253 = arith.constant 256 : i32
    %dma_wait3A_254 = arith.constant 0 : i32
    %dma_wait3A_255 = tpu.memref_slice %dma_wait3A_252[%dma_wait3A_253, %dma_wait3A_254] : memref<1024x32xf32, #tpu.memory_space<vmem>> -> memref<128x32xf32, #tpu.memory_space<vmem>>
    %dma_wait3A_256 = arith.constant 0 : i32
    %dma_wait3A_257 = arith.constant 0 : i32
    %dma_wait3A_258 = tpu.memref_slice %arg5[%dma_wait3A_246, %dma_wait3A_256, %dma_wait3A_257] : memref<2x8x128xi32, #tpu.memory_space<vmem>> -> memref<1x8x128xi32, #tpu.memory_space<vmem>>
    %dma_wait3A_259 = tpu.memref_squeeze %dma_wait3A_258 : memref<1x8x128xi32, #tpu.memory_space<vmem>> -> memref<8x128xi32, #tpu.memory_space<vmem>>
    %dma_wait3A_260 = arith.constant 0 : i32
    %dma_wait3A_261 = tpu.memref_slice %dma_wait3A_259[%dma_wait3A_247, %dma_wait3A_260] : memref<8x128xi32, #tpu.memory_space<vmem>> -> memref<1x128xi32, #tpu.memory_space<vmem>>
    %dma_wait3A_262 = tpu.memref_squeeze %dma_wait3A_261 : memref<1x128xi32, #tpu.memory_space<vmem>> -> memref<128xi32, #tpu.memory_space<vmem>>
    %dma_wait3A_263 = arith.constant 0 : i32
    %dma_wait3A_264 = arith.constant 0 : i32
    %dma_wait3A_265 = tpu.memref_slice %arg3[%dma_wait3A_263, %dma_wait3A_264] : memref<3200x32xf32, #tpu.memory_space<hbm>> -> memref<3200x32xf32, #tpu.memory_space<hbm>>
    tpu.wait_indirect_dma semaphore(%arg9 : memref<!tpu.dma_semaphore, #tpu.memory_space<semaphore_mem>>) src(%dma_wait3A_265 : memref<3200x32xf32, #tpu.memory_space<hbm>>) dst(%dma_wait3A_255 : memref<128x32xf32, #tpu.memory_space<vmem>>)
    %dma_wait3A_266 = arith.constant 0 : i32
    %dma_wait3A_267 = arith.constant 3 : i32
    %dma_wait3A_268 = arith.constant 0 : i32
    %dma_wait3A_269 = arith.constant 0 : i32
    %dma_wait3A_270 = arith.constant 0 : i32
    %dma_wait3A_271 = tpu.memref_slice %arg6[%dma_wait3A_268, %dma_wait3A_269, %dma_wait3A_270] : memref<2x1024x32xf32, #tpu.memory_space<vmem>> -> memref<1x1024x32xf32, #tpu.memory_space<vmem>>
    %dma_wait3A_272 = tpu.memref_squeeze %dma_wait3A_271 : memref<1x1024x32xf32, #tpu.memory_space<vmem>> -> memref<1024x32xf32, #tpu.memory_space<vmem>>
    %dma_wait3A_273 = arith.constant 384 : i32
    %dma_wait3A_274 = arith.constant 0 : i32
    %dma_wait3A_275 = tpu.memref_slice %dma_wait3A_272[%dma_wait3A_273, %dma_wait3A_274] : memref<1024x32xf32, #tpu.memory_space<vmem>> -> memref<128x32xf32, #tpu.memory_space<vmem>>
    %dma_wait3A_276 = arith.constant 0 : i32
    %dma_wait3A_277 = arith.constant 0 : i32
    %dma_wait3A_278 = tpu.memref_slice %arg5[%dma_wait3A_266, %dma_wait3A_276, %dma_wait3A_277] : memref<2x8x128xi32, #tpu.memory_space<vmem>> -> memref<1x8x128xi32, #tpu.memory_space<vmem>>
    %dma_wait3A_279 = tpu.memref_squeeze %dma_wait3A_278 : memref<1x8x128xi32, #tpu.memory_space<vmem>> -> memref<8x128xi32, #tpu.memory_space<vmem>>
    %dma_wait3A_280 = arith.constant 0 : i32
    %dma_wait3A_281 = tpu.memref_slice %dma_wait3A_279[%dma_wait3A_267, %dma_wait3A_280] : memref<8x128xi32, #tpu.memory_space<vmem>> -> memref<1x128xi32, #tpu.memory_space<vmem>>
    %dma_wait3A_282 = tpu.memref_squeeze %dma_wait3A_281 : memref<1x128xi32, #tpu.memory_space<vmem>> -> memref<128xi32, #tpu.memory_space<vmem>>
    %dma_wait3A_283 = arith.constant 0 : i32
    %dma_wait3A_284 = arith.constant 0 : i32
    %dma_wait3A_285 = tpu.memref_slice %arg3[%dma_wait3A_283, %dma_wait3A_284] : memref<3200x32xf32, #tpu.memory_space<hbm>> -> memref<3200x32xf32, #tpu.memory_space<hbm>>
    tpu.wait_indirect_dma semaphore(%arg9 : memref<!tpu.dma_semaphore, #tpu.memory_space<semaphore_mem>>) src(%dma_wait3A_285 : memref<3200x32xf32, #tpu.memory_space<hbm>>) dst(%dma_wait3A_275 : memref<128x32xf32, #tpu.memory_space<vmem>>)
    %dma_wait3A_286 = arith.constant 0 : i32
    %dma_wait3A_287 = arith.constant 4 : i32
    %dma_wait3A_288 = arith.constant 0 : i32
    %dma_wait3A_289 = arith.constant 0 : i32
    %dma_wait3A_290 = arith.constant 0 : i32
    %dma_wait3A_291 = tpu.memref_slice %arg6[%dma_wait3A_288, %dma_wait3A_289, %dma_wait3A_290] : memref<2x1024x32xf32, #tpu.memory_space<vmem>> -> memref<1x1024x32xf32, #tpu.memory_space<vmem>>
    %dma_wait3A_292 = tpu.memref_squeeze %dma_wait3A_291 : memref<1x1024x32xf32, #tpu.memory_space<vmem>> -> memref<1024x32xf32, #tpu.memory_space<vmem>>
    %dma_wait3A_293 = arith.constant 512 : i32
    %dma_wait3A_294 = arith.constant 0 : i32
    %dma_wait3A_295 = tpu.memref_slice %dma_wait3A_292[%dma_wait3A_293, %dma_wait3A_294] : memref<1024x32xf32, #tpu.memory_space<vmem>> -> memref<128x32xf32, #tpu.memory_space<vmem>>
    %dma_wait3A_296 = arith.constant 0 : i32
    %dma_wait3A_297 = arith.constant 0 : i32
    %dma_wait3A_298 = tpu.memref_slice %arg5[%dma_wait3A_286, %dma_wait3A_296, %dma_wait3A_297] : memref<2x8x128xi32, #tpu.memory_space<vmem>> -> memref<1x8x128xi32, #tpu.memory_space<vmem>>
    %dma_wait3A_299 = tpu.memref_squeeze %dma_wait3A_298 : memref<1x8x128xi32, #tpu.memory_space<vmem>> -> memref<8x128xi32, #tpu.memory_space<vmem>>
    %dma_wait3A_300 = arith.constant 0 : i32
    %dma_wait3A_301 = tpu.memref_slice %dma_wait3A_299[%dma_wait3A_287, %dma_wait3A_300] : memref<8x128xi32, #tpu.memory_space<vmem>> -> memref<1x128xi32, #tpu.memory_space<vmem>>
    %dma_wait3A_302 = tpu.memref_squeeze %dma_wait3A_301 : memref<1x128xi32, #tpu.memory_space<vmem>> -> memref<128xi32, #tpu.memory_space<vmem>>
    %dma_wait3A_303 = arith.constant 0 : i32
    %dma_wait3A_304 = arith.constant 0 : i32
    %dma_wait3A_305 = tpu.memref_slice %arg3[%dma_wait3A_303, %dma_wait3A_304] : memref<3200x32xf32, #tpu.memory_space<hbm>> -> memref<3200x32xf32, #tpu.memory_space<hbm>>
    tpu.wait_indirect_dma semaphore(%arg9 : memref<!tpu.dma_semaphore, #tpu.memory_space<semaphore_mem>>) src(%dma_wait3A_305 : memref<3200x32xf32, #tpu.memory_space<hbm>>) dst(%dma_wait3A_295 : memref<128x32xf32, #tpu.memory_space<vmem>>)
    %dma_wait3A_306 = arith.constant 0 : i32
    %dma_wait3A_307 = arith.constant 5 : i32
    %dma_wait3A_308 = arith.constant 0 : i32
    %dma_wait3A_309 = arith.constant 0 : i32
    %dma_wait3A_310 = arith.constant 0 : i32
    %dma_wait3A_311 = tpu.memref_slice %arg6[%dma_wait3A_308, %dma_wait3A_309, %dma_wait3A_310] : memref<2x1024x32xf32, #tpu.memory_space<vmem>> -> memref<1x1024x32xf32, #tpu.memory_space<vmem>>
    %dma_wait3A_312 = tpu.memref_squeeze %dma_wait3A_311 : memref<1x1024x32xf32, #tpu.memory_space<vmem>> -> memref<1024x32xf32, #tpu.memory_space<vmem>>
    %dma_wait3A_313 = arith.constant 640 : i32
    %dma_wait3A_314 = arith.constant 0 : i32
    %dma_wait3A_315 = tpu.memref_slice %dma_wait3A_312[%dma_wait3A_313, %dma_wait3A_314] : memref<1024x32xf32, #tpu.memory_space<vmem>> -> memref<128x32xf32, #tpu.memory_space<vmem>>
    %dma_wait3A_316 = arith.constant 0 : i32
    %dma_wait3A_317 = arith.constant 0 : i32
    %dma_wait3A_318 = tpu.memref_slice %arg5[%dma_wait3A_306, %dma_wait3A_316, %dma_wait3A_317] : memref<2x8x128xi32, #tpu.memory_space<vmem>> -> memref<1x8x128xi32, #tpu.memory_space<vmem>>
    %dma_wait3A_319 = tpu.memref_squeeze %dma_wait3A_318 : memref<1x8x128xi32, #tpu.memory_space<vmem>> -> memref<8x128xi32, #tpu.memory_space<vmem>>
    %dma_wait3A_320 = arith.constant 0 : i32
    %dma_wait3A_321 = tpu.memref_slice %dma_wait3A_319[%dma_wait3A_307, %dma_wait3A_320] : memref<8x128xi32, #tpu.memory_space<vmem>> -> memref<1x128xi32, #tpu.memory_space<vmem>>
    %dma_wait3A_322 = tpu.memref_squeeze %dma_wait3A_321 : memref<1x128xi32, #tpu.memory_space<vmem>> -> memref<128xi32, #tpu.memory_space<vmem>>
    %dma_wait3A_323 = arith.constant 0 : i32
    %dma_wait3A_324 = arith.constant 0 : i32
    %dma_wait3A_325 = tpu.memref_slice %arg3[%dma_wait3A_323, %dma_wait3A_324] : memref<3200x32xf32, #tpu.memory_space<hbm>> -> memref<3200x32xf32, #tpu.memory_space<hbm>>
    tpu.wait_indirect_dma semaphore(%arg9 : memref<!tpu.dma_semaphore, #tpu.memory_space<semaphore_mem>>) src(%dma_wait3A_325 : memref<3200x32xf32, #tpu.memory_space<hbm>>) dst(%dma_wait3A_315 : memref<128x32xf32, #tpu.memory_space<vmem>>)
    %dma_wait3A_326 = arith.constant 0 : i32
    %dma_wait3A_327 = arith.constant 6 : i32
    %dma_wait3A_328 = arith.constant 0 : i32
    %dma_wait3A_329 = arith.constant 0 : i32
    %dma_wait3A_330 = arith.constant 0 : i32
    %dma_wait3A_331 = tpu.memref_slice %arg6[%dma_wait3A_328, %dma_wait3A_329, %dma_wait3A_330] : memref<2x1024x32xf32, #tpu.memory_space<vmem>> -> memref<1x1024x32xf32, #tpu.memory_space<vmem>>
    %dma_wait3A_332 = tpu.memref_squeeze %dma_wait3A_331 : memref<1x1024x32xf32, #tpu.memory_space<vmem>> -> memref<1024x32xf32, #tpu.memory_space<vmem>>
    %dma_wait3A_333 = arith.constant 768 : i32
    %dma_wait3A_334 = arith.constant 0 : i32
    %dma_wait3A_335 = tpu.memref_slice %dma_wait3A_332[%dma_wait3A_333, %dma_wait3A_334] : memref<1024x32xf32, #tpu.memory_space<vmem>> -> memref<128x32xf32, #tpu.memory_space<vmem>>
    %dma_wait3A_336 = arith.constant 0 : i32
    %dma_wait3A_337 = arith.constant 0 : i32
    %dma_wait3A_338 = tpu.memref_slice %arg5[%dma_wait3A_326, %dma_wait3A_336, %dma_wait3A_337] : memref<2x8x128xi32, #tpu.memory_space<vmem>> -> memref<1x8x128xi32, #tpu.memory_space<vmem>>
    %dma_wait3A_339 = tpu.memref_squeeze %dma_wait3A_338 : memref<1x8x128xi32, #tpu.memory_space<vmem>> -> memref<8x128xi32, #tpu.memory_space<vmem>>
    %dma_wait3A_340 = arith.constant 0 : i32
    %dma_wait3A_341 = tpu.memref_slice %dma_wait3A_339[%dma_wait3A_327, %dma_wait3A_340] : memref<8x128xi32, #tpu.memory_space<vmem>> -> memref<1x128xi32, #tpu.memory_space<vmem>>
    %dma_wait3A_342 = tpu.memref_squeeze %dma_wait3A_341 : memref<1x128xi32, #tpu.memory_space<vmem>> -> memref<128xi32, #tpu.memory_space<vmem>>
    %dma_wait3A_343 = arith.constant 0 : i32
    %dma_wait3A_344 = arith.constant 0 : i32
    %dma_wait3A_345 = tpu.memref_slice %arg3[%dma_wait3A_343, %dma_wait3A_344] : memref<3200x32xf32, #tpu.memory_space<hbm>> -> memref<3200x32xf32, #tpu.memory_space<hbm>>
    tpu.wait_indirect_dma semaphore(%arg9 : memref<!tpu.dma_semaphore, #tpu.memory_space<semaphore_mem>>) src(%dma_wait3A_345 : memref<3200x32xf32, #tpu.memory_space<hbm>>) dst(%dma_wait3A_335 : memref<128x32xf32, #tpu.memory_space<vmem>>)
    %dma_wait3A_346 = arith.constant 0 : i32
    %dma_wait3A_347 = arith.constant 7 : i32
    %dma_wait3A_348 = arith.constant 0 : i32
    %dma_wait3A_349 = arith.constant 0 : i32
    %dma_wait3A_350 = arith.constant 0 : i32
    %dma_wait3A_351 = tpu.memref_slice %arg6[%dma_wait3A_348, %dma_wait3A_349, %dma_wait3A_350] : memref<2x1024x32xf32, #tpu.memory_space<vmem>> -> memref<1x1024x32xf32, #tpu.memory_space<vmem>>
    %dma_wait3A_352 = tpu.memref_squeeze %dma_wait3A_351 : memref<1x1024x32xf32, #tpu.memory_space<vmem>> -> memref<1024x32xf32, #tpu.memory_space<vmem>>
    %dma_wait3A_353 = arith.constant 896 : i32
    %dma_wait3A_354 = arith.constant 0 : i32
    %dma_wait3A_355 = tpu.memref_slice %dma_wait3A_352[%dma_wait3A_353, %dma_wait3A_354] : memref<1024x32xf32, #tpu.memory_space<vmem>> -> memref<128x32xf32, #tpu.memory_space<vmem>>
    %dma_wait3A_356 = arith.constant 0 : i32
    %dma_wait3A_357 = arith.constant 0 : i32
    %dma_wait3A_358 = tpu.memref_slice %arg5[%dma_wait3A_346, %dma_wait3A_356, %dma_wait3A_357] : memref<2x8x128xi32, #tpu.memory_space<vmem>> -> memref<1x8x128xi32, #tpu.memory_space<vmem>>
    %dma_wait3A_359 = tpu.memref_squeeze %dma_wait3A_358 : memref<1x8x128xi32, #tpu.memory_space<vmem>> -> memref<8x128xi32, #tpu.memory_space<vmem>>
    %dma_wait3A_360 = arith.constant 0 : i32
    %dma_wait3A_361 = tpu.memref_slice %dma_wait3A_359[%dma_wait3A_347, %dma_wait3A_360] : memref<8x128xi32, #tpu.memory_space<vmem>> -> memref<1x128xi32, #tpu.memory_space<vmem>>
    %dma_wait3A_362 = tpu.memref_squeeze %dma_wait3A_361 : memref<1x128xi32, #tpu.memory_space<vmem>> -> memref<128xi32, #tpu.memory_space<vmem>>
    %dma_wait3A_363 = arith.constant 0 : i32
    %dma_wait3A_364 = arith.constant 0 : i32
    %dma_wait3A_365 = tpu.memref_slice %arg3[%dma_wait3A_363, %dma_wait3A_364] : memref<3200x32xf32, #tpu.memory_space<hbm>> -> memref<3200x32xf32, #tpu.memory_space<hbm>>
    tpu.wait_indirect_dma semaphore(%arg9 : memref<!tpu.dma_semaphore, #tpu.memory_space<semaphore_mem>>) src(%dma_wait3A_365 : memref<3200x32xf32, #tpu.memory_space<hbm>>) dst(%dma_wait3A_355 : memref<128x32xf32, #tpu.memory_space<vmem>>)
    %add3A_366 = arith.constant 0 : i32
    %add3A_367 = arith.addi %mul3A_4, %add3A_366 : i32
    %dma_start3A_368 = arith.constant 0 : i32
    %dma_start3A_369 = arith.constant 0 : i32
    %dma_start3A_370 = arith.constant 0 : i32
    %dma_start3A_371 = tpu.memref_slice %arg6[%dma_start3A_368, %dma_start3A_369, %dma_start3A_370] : memref<2x1024x32xf32, #tpu.memory_space<vmem>> -> memref<1x1024x32xf32, #tpu.memory_space<vmem>>
    %dma_start3A_372 = tpu.memref_squeeze %dma_start3A_371 : memref<1x1024x32xf32, #tpu.memory_space<vmem>> -> memref<1024x32xf32, #tpu.memory_space<vmem>>
    %dma_start3A_373 = arith.constant 0 : i32
    %dma_start3A_374 = tpu.memref_slice %arg4[%add3A_367, %dma_start3A_373] : memref<262144x32xf32, #tpu.memory_space<hbm>> -> memref<1024x32xf32, #tpu.memory_space<hbm>>
    %dma_start3A_375 = arith.constant 0 : i32
    %dma_start3A_376 = tpu.memref_slice %arg4[%add3A_367, %dma_start3A_375] : memref<262144x32xf32, #tpu.memory_space<hbm>> -> memref<1024x32xf32, #tpu.memory_space<hbm>>
    %dma_start3A_377 = arith.constant 0 : i32
    %dma_start3A_378 = arith.constant 0 : i32
    %dma_start3A_379 = tpu.memref_slice %arg6[%dma_start3A_368, %dma_start3A_377, %dma_start3A_378] : memref<2x1024x32xf32, #tpu.memory_space<vmem>> -> memref<1x1024x32xf32, #tpu.memory_space<vmem>>
    %dma_start3A_380 = tpu.memref_squeeze %dma_start3A_379 : memref<1x1024x32xf32, #tpu.memory_space<vmem>> -> memref<1024x32xf32, #tpu.memory_space<vmem>>
    tpu.enqueue_dma source(%dma_start3A_380 : memref<1024x32xf32, #tpu.memory_space<vmem>>) target(%dma_start3A_376 : memref<1024x32xf32, #tpu.memory_space<hbm>>) target_semaphore(%arg11 : memref<!tpu.dma_semaphore, #tpu.memory_space<semaphore_mem>>)
    %add3A_381 = arith.constant 16 : i32
    %add3A_382 = arith.addi %mul3A_2, %add3A_381 : i32
    %dma_start3A_383 = arith.constant 0 : i32
    %dma_start3A_384 = arith.constant 0 : i32
    %dma_start3A_385 = arith.constant 0 : i32
    %dma_start3A_386 = tpu.memref_slice %arg5[%dma_start3A_383, %dma_start3A_384, %dma_start3A_385] : memref<2x8x128xi32, #tpu.memory_space<vmem>> -> memref<1x8x128xi32, #tpu.memory_space<vmem>>
    %dma_start3A_387 = tpu.memref_squeeze %dma_start3A_386 : memref<1x8x128xi32, #tpu.memory_space<vmem>> -> memref<8x128xi32, #tpu.memory_space<vmem>>
    %dma_start3A_388 = arith.constant 0 : i32
    %dma_start3A_389 = tpu.memref_slice %arg2[%add3A_382, %dma_start3A_388] : memref<2048x128xi32, #tpu.memory_space<hbm>> -> memref<8x128xi32, #tpu.memory_space<hbm>>
    %dma_start3A_390 = arith.constant 0 : i32
    %dma_start3A_391 = arith.constant 0 : i32
    %dma_start3A_392 = tpu.memref_slice %arg5[%dma_start3A_383, %dma_start3A_390, %dma_start3A_391] : memref<2x8x128xi32, #tpu.memory_space<vmem>> -> memref<1x8x128xi32, #tpu.memory_space<vmem>>
    %dma_start3A_393 = tpu.memref_squeeze %dma_start3A_392 : memref<1x8x128xi32, #tpu.memory_space<vmem>> -> memref<8x128xi32, #tpu.memory_space<vmem>>
    %dma_start3A_394 = arith.constant 0 : i32
    %dma_start3A_395 = tpu.memref_slice %arg2[%add3A_382, %dma_start3A_394] : memref<2048x128xi32, #tpu.memory_space<hbm>> -> memref<8x128xi32, #tpu.memory_space<hbm>>
    tpu.enqueue_dma source(%dma_start3A_395 : memref<8x128xi32, #tpu.memory_space<hbm>>) target(%dma_start3A_393 : memref<8x128xi32, #tpu.memory_space<vmem>>) target_semaphore(%arg7 : memref<!tpu.dma_semaphore, #tpu.memory_space<semaphore_mem>>)
    %dma_wait3A_396 = arith.constant 1 : i32
    %dma_wait3A_397 = arith.constant 0 : i32
    %dma_wait3A_398 = arith.constant 0 : i32
    %dma_wait3A_399 = tpu.memref_slice %arg5[%dma_wait3A_396, %dma_wait3A_397, %dma_wait3A_398] : memref<2x8x128xi32, #tpu.memory_space<vmem>> -> memref<1x8x128xi32, #tpu.memory_space<vmem>>
    %dma_wait3A_400 = tpu.memref_squeeze %dma_wait3A_399 : memref<1x8x128xi32, #tpu.memory_space<vmem>> -> memref<8x128xi32, #tpu.memory_space<vmem>>
    %dma_wait3A_401 = arith.constant 0 : i32
    %dma_wait3A_402 = tpu.memref_slice %arg2[%add3A_20, %dma_wait3A_401] : memref<2048x128xi32, #tpu.memory_space<hbm>> -> memref<8x128xi32, #tpu.memory_space<hbm>>
    %dma_wait3A_403 = arith.constant 0 : i32
    %dma_wait3A_404 = arith.constant 0 : i32
    %dma_wait3A_405 = tpu.memref_slice %arg5[%dma_wait3A_396, %dma_wait3A_403, %dma_wait3A_404] : memref<2x8x128xi32, #tpu.memory_space<vmem>> -> memref<1x8x128xi32, #tpu.memory_space<vmem>>
    %dma_wait3A_406 = tpu.memref_squeeze %dma_wait3A_405 : memref<1x8x128xi32, #tpu.memory_space<vmem>> -> memref<8x128xi32, #tpu.memory_space<vmem>>
    %dma_wait3A_407 = arith.constant 0 : i32
    %dma_wait3A_408 = tpu.memref_slice %arg2[%add3A_20, %dma_wait3A_407] : memref<2048x128xi32, #tpu.memory_space<hbm>> -> memref<8x128xi32, #tpu.memory_space<hbm>>
    tpu.wait_dma2 semaphore(%arg8 : memref<!tpu.dma_semaphore, #tpu.memory_space<semaphore_mem>>) src(%dma_wait3A_408 : memref<8x128xi32, #tpu.memory_space<hbm>>) dst(%dma_wait3A_406 : memref<8x128xi32, #tpu.memory_space<vmem>>)
    %dma_start3A_409 = arith.constant 1 : i32
    %dma_start3A_410 = arith.constant 0 : i32
    %dma_start3A_411 = arith.constant 1 : i32
    %dma_start3A_412 = arith.constant 0 : i32
    %dma_start3A_413 = arith.constant 0 : i32
    %dma_start3A_414 = tpu.memref_slice %arg6[%dma_start3A_411, %dma_start3A_412, %dma_start3A_413] : memref<2x1024x32xf32, #tpu.memory_space<vmem>> -> memref<1x1024x32xf32, #tpu.memory_space<vmem>>
    %dma_start3A_415 = tpu.memref_squeeze %dma_start3A_414 : memref<1x1024x32xf32, #tpu.memory_space<vmem>> -> memref<1024x32xf32, #tpu.memory_space<vmem>>
    %dma_start3A_416 = arith.constant 0 : i32
    %dma_start3A_417 = arith.constant 0 : i32
    %dma_start3A_418 = tpu.memref_slice %dma_start3A_415[%dma_start3A_416, %dma_start3A_417] : memref<1024x32xf32, #tpu.memory_space<vmem>> -> memref<128x32xf32, #tpu.memory_space<vmem>>
    %dma_start3A_419 = arith.constant 0 : i32
    %dma_start3A_420 = arith.constant 0 : i32
    %dma_start3A_421 = tpu.memref_slice %arg5[%dma_start3A_409, %dma_start3A_419, %dma_start3A_420] : memref<2x8x128xi32, #tpu.memory_space<vmem>> -> memref<1x8x128xi32, #tpu.memory_space<vmem>>
    %dma_start3A_422 = tpu.memref_squeeze %dma_start3A_421 : memref<1x8x128xi32, #tpu.memory_space<vmem>> -> memref<8x128xi32, #tpu.memory_space<vmem>>
    %dma_start3A_423 = arith.constant 0 : i32
    %dma_start3A_424 = tpu.memref_slice %dma_start3A_422[%dma_start3A_410, %dma_start3A_423] : memref<8x128xi32, #tpu.memory_space<vmem>> -> memref<1x128xi32, #tpu.memory_space<vmem>>
    %dma_start3A_425 = tpu.memref_squeeze %dma_start3A_424 : memref<1x128xi32, #tpu.memory_space<vmem>> -> memref<128xi32, #tpu.memory_space<vmem>>
    %dma_start3A_426 = arith.constant 0 : i32
    %dma_start3A_427 = arith.constant 0 : i32
    %dma_start3A_428 = tpu.memref_slice %arg3[%dma_start3A_426, %dma_start3A_427] : memref<3200x32xf32, #tpu.memory_space<hbm>> -> memref<3200x32xf32, #tpu.memory_space<hbm>>
    tpu.enqueue_indirect_dma source(%dma_start3A_428 : memref<3200x32xf32, #tpu.memory_space<hbm>>) target(%dma_start3A_418 : memref<128x32xf32, #tpu.memory_space<vmem>>) offsets(%dma_start3A_425 : memref<128xi32, #tpu.memory_space<vmem>>) semaphore(%arg10 : memref<!tpu.dma_semaphore, #tpu.memory_space<semaphore_mem>>)
    %dma_start3A_429 = arith.constant 1 : i32
    %dma_start3A_430 = arith.constant 1 : i32
    %dma_start3A_431 = arith.constant 1 : i32
    %dma_start3A_432 = arith.constant 0 : i32
    %dma_start3A_433 = arith.constant 0 : i32
    %dma_start3A_434 = tpu.memref_slice %arg6[%dma_start3A_431, %dma_start3A_432, %dma_start3A_433] : memref<2x1024x32xf32, #tpu.memory_space<vmem>> -> memref<1x1024x32xf32, #tpu.memory_space<vmem>>
    %dma_start3A_435 = tpu.memref_squeeze %dma_start3A_434 : memref<1x1024x32xf32, #tpu.memory_space<vmem>> -> memref<1024x32xf32, #tpu.memory_space<vmem>>
    %dma_start3A_436 = arith.constant 128 : i32
    %dma_start3A_437 = arith.constant 0 : i32
    %dma_start3A_438 = tpu.memref_slice %dma_start3A_435[%dma_start3A_436, %dma_start3A_437] : memref<1024x32xf32, #tpu.memory_space<vmem>> -> memref<128x32xf32, #tpu.memory_space<vmem>>
    %dma_start3A_439 = arith.constant 0 : i32
    %dma_start3A_440 = arith.constant 0 : i32
    %dma_start3A_441 = tpu.memref_slice %arg5[%dma_start3A_429, %dma_start3A_439, %dma_start3A_440] : memref<2x8x128xi32, #tpu.memory_space<vmem>> -> memref<1x8x128xi32, #tpu.memory_space<vmem>>
    %dma_start3A_442 = tpu.memref_squeeze %dma_start3A_441 : memref<1x8x128xi32, #tpu.memory_space<vmem>> -> memref<8x128xi32, #tpu.memory_space<vmem>>
    %dma_start3A_443 = arith.constant 0 : i32
    %dma_start3A_444 = tpu.memref_slice %dma_start3A_442[%dma_start3A_430, %dma_start3A_443] : memref<8x128xi32, #tpu.memory_space<vmem>> -> memref<1x128xi32, #tpu.memory_space<vmem>>
    %dma_start3A_445 = tpu.memref_squeeze %dma_start3A_444 : memref<1x128xi32, #tpu.memory_space<vmem>> -> memref<128xi32, #tpu.memory_space<vmem>>
    %dma_start3A_446 = arith.constant 0 : i32
    %dma_start3A_447 = arith.constant 0 : i32
    %dma_start3A_448 = tpu.memref_slice %arg3[%dma_start3A_446, %dma_start3A_447] : memref<3200x32xf32, #tpu.memory_space<hbm>> -> memref<3200x32xf32, #tpu.memory_space<hbm>>
    tpu.enqueue_indirect_dma source(%dma_start3A_448 : memref<3200x32xf32, #tpu.memory_space<hbm>>) target(%dma_start3A_438 : memref<128x32xf32, #tpu.memory_space<vmem>>) offsets(%dma_start3A_445 : memref<128xi32, #tpu.memory_space<vmem>>) semaphore(%arg10 : memref<!tpu.dma_semaphore, #tpu.memory_space<semaphore_mem>>)
    %dma_start3A_449 = arith.constant 1 : i32
    %dma_start3A_450 = arith.constant 2 : i32
    %dma_start3A_451 = arith.constant 1 : i32
    %dma_start3A_452 = arith.constant 0 : i32
    %dma_start3A_453 = arith.constant 0 : i32
    %dma_start3A_454 = tpu.memref_slice %arg6[%dma_start3A_451, %dma_start3A_452, %dma_start3A_453] : memref<2x1024x32xf32, #tpu.memory_space<vmem>> -> memref<1x1024x32xf32, #tpu.memory_space<vmem>>
    %dma_start3A_455 = tpu.memref_squeeze %dma_start3A_454 : memref<1x1024x32xf32, #tpu.memory_space<vmem>> -> memref<1024x32xf32, #tpu.memory_space<vmem>>
    %dma_start3A_456 = arith.constant 256 : i32
    %dma_start3A_457 = arith.constant 0 : i32
    %dma_start3A_458 = tpu.memref_slice %dma_start3A_455[%dma_start3A_456, %dma_start3A_457] : memref<1024x32xf32, #tpu.memory_space<vmem>> -> memref<128x32xf32, #tpu.memory_space<vmem>>
    %dma_start3A_459 = arith.constant 0 : i32
    %dma_start3A_460 = arith.constant 0 : i32
    %dma_start3A_461 = tpu.memref_slice %arg5[%dma_start3A_449, %dma_start3A_459, %dma_start3A_460] : memref<2x8x128xi32, #tpu.memory_space<vmem>> -> memref<1x8x128xi32, #tpu.memory_space<vmem>>
    %dma_start3A_462 = tpu.memref_squeeze %dma_start3A_461 : memref<1x8x128xi32, #tpu.memory_space<vmem>> -> memref<8x128xi32, #tpu.memory_space<vmem>>
    %dma_start3A_463 = arith.constant 0 : i32
    %dma_start3A_464 = tpu.memref_slice %dma_start3A_462[%dma_start3A_450, %dma_start3A_463] : memref<8x128xi32, #tpu.memory_space<vmem>> -> memref<1x128xi32, #tpu.memory_space<vmem>>
    %dma_start3A_465 = tpu.memref_squeeze %dma_start3A_464 : memref<1x128xi32, #tpu.memory_space<vmem>> -> memref<128xi32, #tpu.memory_space<vmem>>
    %dma_start3A_466 = arith.constant 0 : i32
    %dma_start3A_467 = arith.constant 0 : i32
    %dma_start3A_468 = tpu.memref_slice %arg3[%dma_start3A_466, %dma_start3A_467] : memref<3200x32xf32, #tpu.memory_space<hbm>> -> memref<3200x32xf32, #tpu.memory_space<hbm>>
    tpu.enqueue_indirect_dma source(%dma_start3A_468 : memref<3200x32xf32, #tpu.memory_space<hbm>>) target(%dma_start3A_458 : memref<128x32xf32, #tpu.memory_space<vmem>>) offsets(%dma_start3A_465 : memref<128xi32, #tpu.memory_space<vmem>>) semaphore(%arg10 : memref<!tpu.dma_semaphore, #tpu.memory_space<semaphore_mem>>)
    %dma_start3A_469 = arith.constant 1 : i32
    %dma_start3A_470 = arith.constant 3 : i32
    %dma_start3A_471 = arith.constant 1 : i32
    %dma_start3A_472 = arith.constant 0 : i32
    %dma_start3A_473 = arith.constant 0 : i32
    %dma_start3A_474 = tpu.memref_slice %arg6[%dma_start3A_471, %dma_start3A_472, %dma_start3A_473] : memref<2x1024x32xf32, #tpu.memory_space<vmem>> -> memref<1x1024x32xf32, #tpu.memory_space<vmem>>
    %dma_start3A_475 = tpu.memref_squeeze %dma_start3A_474 : memref<1x1024x32xf32, #tpu.memory_space<vmem>> -> memref<1024x32xf32, #tpu.memory_space<vmem>>
    %dma_start3A_476 = arith.constant 384 : i32
    %dma_start3A_477 = arith.constant 0 : i32
    %dma_start3A_478 = tpu.memref_slice %dma_start3A_475[%dma_start3A_476, %dma_start3A_477] : memref<1024x32xf32, #tpu.memory_space<vmem>> -> memref<128x32xf32, #tpu.memory_space<vmem>>
    %dma_start3A_479 = arith.constant 0 : i32
    %dma_start3A_480 = arith.constant 0 : i32
    %dma_start3A_481 = tpu.memref_slice %arg5[%dma_start3A_469, %dma_start3A_479, %dma_start3A_480] : memref<2x8x128xi32, #tpu.memory_space<vmem>> -> memref<1x8x128xi32, #tpu.memory_space<vmem>>
    %dma_start3A_482 = tpu.memref_squeeze %dma_start3A_481 : memref<1x8x128xi32, #tpu.memory_space<vmem>> -> memref<8x128xi32, #tpu.memory_space<vmem>>
    %dma_start3A_483 = arith.constant 0 : i32
    %dma_start3A_484 = tpu.memref_slice %dma_start3A_482[%dma_start3A_470, %dma_start3A_483] : memref<8x128xi32, #tpu.memory_space<vmem>> -> memref<1x128xi32, #tpu.memory_space<vmem>>
    %dma_start3A_485 = tpu.memref_squeeze %dma_start3A_484 : memref<1x128xi32, #tpu.memory_space<vmem>> -> memref<128xi32, #tpu.memory_space<vmem>>
    %dma_start3A_486 = arith.constant 0 : i32
    %dma_start3A_487 = arith.constant 0 : i32
    %dma_start3A_488 = tpu.memref_slice %arg3[%dma_start3A_486, %dma_start3A_487] : memref<3200x32xf32, #tpu.memory_space<hbm>> -> memref<3200x32xf32, #tpu.memory_space<hbm>>
    tpu.enqueue_indirect_dma source(%dma_start3A_488 : memref<3200x32xf32, #tpu.memory_space<hbm>>) target(%dma_start3A_478 : memref<128x32xf32, #tpu.memory_space<vmem>>) offsets(%dma_start3A_485 : memref<128xi32, #tpu.memory_space<vmem>>) semaphore(%arg10 : memref<!tpu.dma_semaphore, #tpu.memory_space<semaphore_mem>>)
    %dma_start3A_489 = arith.constant 1 : i32
    %dma_start3A_490 = arith.constant 4 : i32
    %dma_start3A_491 = arith.constant 1 : i32
    %dma_start3A_492 = arith.constant 0 : i32
    %dma_start3A_493 = arith.constant 0 : i32
    %dma_start3A_494 = tpu.memref_slice %arg6[%dma_start3A_491, %dma_start3A_492, %dma_start3A_493] : memref<2x1024x32xf32, #tpu.memory_space<vmem>> -> memref<1x1024x32xf32, #tpu.memory_space<vmem>>
    %dma_start3A_495 = tpu.memref_squeeze %dma_start3A_494 : memref<1x1024x32xf32, #tpu.memory_space<vmem>> -> memref<1024x32xf32, #tpu.memory_space<vmem>>
    %dma_start3A_496 = arith.constant 512 : i32
    %dma_start3A_497 = arith.constant 0 : i32
    %dma_start3A_498 = tpu.memref_slice %dma_start3A_495[%dma_start3A_496, %dma_start3A_497] : memref<1024x32xf32, #tpu.memory_space<vmem>> -> memref<128x32xf32, #tpu.memory_space<vmem>>
    %dma_start3A_499 = arith.constant 0 : i32
    %dma_start3A_500 = arith.constant 0 : i32
    %dma_start3A_501 = tpu.memref_slice %arg5[%dma_start3A_489, %dma_start3A_499, %dma_start3A_500] : memref<2x8x128xi32, #tpu.memory_space<vmem>> -> memref<1x8x128xi32, #tpu.memory_space<vmem>>
    %dma_start3A_502 = tpu.memref_squeeze %dma_start3A_501 : memref<1x8x128xi32, #tpu.memory_space<vmem>> -> memref<8x128xi32, #tpu.memory_space<vmem>>
    %dma_start3A_503 = arith.constant 0 : i32
    %dma_start3A_504 = tpu.memref_slice %dma_start3A_502[%dma_start3A_490, %dma_start3A_503] : memref<8x128xi32, #tpu.memory_space<vmem>> -> memref<1x128xi32, #tpu.memory_space<vmem>>
    %dma_start3A_505 = tpu.memref_squeeze %dma_start3A_504 : memref<1x128xi32, #tpu.memory_space<vmem>> -> memref<128xi32, #tpu.memory_space<vmem>>
    %dma_start3A_506 = arith.constant 0 : i32
    %dma_start3A_507 = arith.constant 0 : i32
    %dma_start3A_508 = tpu.memref_slice %arg3[%dma_start3A_506, %dma_start3A_507] : memref<3200x32xf32, #tpu.memory_space<hbm>> -> memref<3200x32xf32, #tpu.memory_space<hbm>>
    tpu.enqueue_indirect_dma source(%dma_start3A_508 : memref<3200x32xf32, #tpu.memory_space<hbm>>) target(%dma_start3A_498 : memref<128x32xf32, #tpu.memory_space<vmem>>) offsets(%dma_start3A_505 : memref<128xi32, #tpu.memory_space<vmem>>) semaphore(%arg10 : memref<!tpu.dma_semaphore, #tpu.memory_space<semaphore_mem>>)
    %dma_start3A_509 = arith.constant 1 : i32
    %dma_start3A_510 = arith.constant 5 : i32
    %dma_start3A_511 = arith.constant 1 : i32
    %dma_start3A_512 = arith.constant 0 : i32
    %dma_start3A_513 = arith.constant 0 : i32
    %dma_start3A_514 = tpu.memref_slice %arg6[%dma_start3A_511, %dma_start3A_512, %dma_start3A_513] : memref<2x1024x32xf32, #tpu.memory_space<vmem>> -> memref<1x1024x32xf32, #tpu.memory_space<vmem>>
    %dma_start3A_515 = tpu.memref_squeeze %dma_start3A_514 : memref<1x1024x32xf32, #tpu.memory_space<vmem>> -> memref<1024x32xf32, #tpu.memory_space<vmem>>
    %dma_start3A_516 = arith.constant 640 : i32
    %dma_start3A_517 = arith.constant 0 : i32
    %dma_start3A_518 = tpu.memref_slice %dma_start3A_515[%dma_start3A_516, %dma_start3A_517] : memref<1024x32xf32, #tpu.memory_space<vmem>> -> memref<128x32xf32, #tpu.memory_space<vmem>>
    %dma_start3A_519 = arith.constant 0 : i32
    %dma_start3A_520 = arith.constant 0 : i32
    %dma_start3A_521 = tpu.memref_slice %arg5[%dma_start3A_509, %dma_start3A_519, %dma_start3A_520] : memref<2x8x128xi32, #tpu.memory_space<vmem>> -> memref<1x8x128xi32, #tpu.memory_space<vmem>>
    %dma_start3A_522 = tpu.memref_squeeze %dma_start3A_521 : memref<1x8x128xi32, #tpu.memory_space<vmem>> -> memref<8x128xi32, #tpu.memory_space<vmem>>
    %dma_start3A_523 = arith.constant 0 : i32
    %dma_start3A_524 = tpu.memref_slice %dma_start3A_522[%dma_start3A_510, %dma_start3A_523] : memref<8x128xi32, #tpu.memory_space<vmem>> -> memref<1x128xi32, #tpu.memory_space<vmem>>
    %dma_start3A_525 = tpu.memref_squeeze %dma_start3A_524 : memref<1x128xi32, #tpu.memory_space<vmem>> -> memref<128xi32, #tpu.memory_space<vmem>>
    %dma_start3A_526 = arith.constant 0 : i32
    %dma_start3A_527 = arith.constant 0 : i32
    %dma_start3A_528 = tpu.memref_slice %arg3[%dma_start3A_526, %dma_start3A_527] : memref<3200x32xf32, #tpu.memory_space<hbm>> -> memref<3200x32xf32, #tpu.memory_space<hbm>>
    tpu.enqueue_indirect_dma source(%dma_start3A_528 : memref<3200x32xf32, #tpu.memory_space<hbm>>) target(%dma_start3A_518 : memref<128x32xf32, #tpu.memory_space<vmem>>) offsets(%dma_start3A_525 : memref<128xi32, #tpu.memory_space<vmem>>) semaphore(%arg10 : memref<!tpu.dma_semaphore, #tpu.memory_space<semaphore_mem>>)
    %dma_start3A_529 = arith.constant 1 : i32
    %dma_start3A_530 = arith.constant 6 : i32
    %dma_start3A_531 = arith.constant 1 : i32
    %dma_start3A_532 = arith.constant 0 : i32
    %dma_start3A_533 = arith.constant 0 : i32
    %dma_start3A_534 = tpu.memref_slice %arg6[%dma_start3A_531, %dma_start3A_532, %dma_start3A_533] : memref<2x1024x32xf32, #tpu.memory_space<vmem>> -> memref<1x1024x32xf32, #tpu.memory_space<vmem>>
    %dma_start3A_535 = tpu.memref_squeeze %dma_start3A_534 : memref<1x1024x32xf32, #tpu.memory_space<vmem>> -> memref<1024x32xf32, #tpu.memory_space<vmem>>
    %dma_start3A_536 = arith.constant 768 : i32
    %dma_start3A_537 = arith.constant 0 : i32
    %dma_start3A_538 = tpu.memref_slice %dma_start3A_535[%dma_start3A_536, %dma_start3A_537] : memref<1024x32xf32, #tpu.memory_space<vmem>> -> memref<128x32xf32, #tpu.memory_space<vmem>>
    %dma_start3A_539 = arith.constant 0 : i32
    %dma_start3A_540 = arith.constant 0 : i32
    %dma_start3A_541 = tpu.memref_slice %arg5[%dma_start3A_529, %dma_start3A_539, %dma_start3A_540] : memref<2x8x128xi32, #tpu.memory_space<vmem>> -> memref<1x8x128xi32, #tpu.memory_space<vmem>>
    %dma_start3A_542 = tpu.memref_squeeze %dma_start3A_541 : memref<1x8x128xi32, #tpu.memory_space<vmem>> -> memref<8x128xi32, #tpu.memory_space<vmem>>
    %dma_start3A_543 = arith.constant 0 : i32
    %dma_start3A_544 = tpu.memref_slice %dma_start3A_542[%dma_start3A_530, %dma_start3A_543] : memref<8x128xi32, #tpu.memory_space<vmem>> -> memref<1x128xi32, #tpu.memory_space<vmem>>
    %dma_start3A_545 = tpu.memref_squeeze %dma_start3A_544 : memref<1x128xi32, #tpu.memory_space<vmem>> -> memref<128xi32, #tpu.memory_space<vmem>>
    %dma_start3A_546 = arith.constant 0 : i32
    %dma_start3A_547 = arith.constant 0 : i32
    %dma_start3A_548 = tpu.memref_slice %arg3[%dma_start3A_546, %dma_start3A_547] : memref<3200x32xf32, #tpu.memory_space<hbm>> -> memref<3200x32xf32, #tpu.memory_space<hbm>>
    tpu.enqueue_indirect_dma source(%dma_start3A_548 : memref<3200x32xf32, #tpu.memory_space<hbm>>) target(%dma_start3A_538 : memref<128x32xf32, #tpu.memory_space<vmem>>) offsets(%dma_start3A_545 : memref<128xi32, #tpu.memory_space<vmem>>) semaphore(%arg10 : memref<!tpu.dma_semaphore, #tpu.memory_space<semaphore_mem>>)
    %dma_start3A_549 = arith.constant 1 : i32
    %dma_start3A_550 = arith.constant 7 : i32
    %dma_start3A_551 = arith.constant 1 : i32
    %dma_start3A_552 = arith.constant 0 : i32
    %dma_start3A_553 = arith.constant 0 : i32
    %dma_start3A_554 = tpu.memref_slice %arg6[%dma_start3A_551, %dma_start3A_552, %dma_start3A_553] : memref<2x1024x32xf32, #tpu.memory_space<vmem>> -> memref<1x1024x32xf32, #tpu.memory_space<vmem>>
    %dma_start3A_555 = tpu.memref_squeeze %dma_start3A_554 : memref<1x1024x32xf32, #tpu.memory_space<vmem>> -> memref<1024x32xf32, #tpu.memory_space<vmem>>
    %dma_start3A_556 = arith.constant 896 : i32
    %dma_start3A_557 = arith.constant 0 : i32
    %dma_start3A_558 = tpu.memref_slice %dma_start3A_555[%dma_start3A_556, %dma_start3A_557] : memref<1024x32xf32, #tpu.memory_space<vmem>> -> memref<128x32xf32, #tpu.memory_space<vmem>>
    %dma_start3A_559 = arith.constant 0 : i32
    %dma_start3A_560 = arith.constant 0 : i32
    %dma_start3A_561 = tpu.memref_slice %arg5[%dma_start3A_549, %dma_start3A_559, %dma_start3A_560] : memref<2x8x128xi32, #tpu.memory_space<vmem>> -> memref<1x8x128xi32, #tpu.memory_space<vmem>>
    %dma_start3A_562 = tpu.memref_squeeze %dma_start3A_561 : memref<1x8x128xi32, #tpu.memory_space<vmem>> -> memref<8x128xi32, #tpu.memory_space<vmem>>
    %dma_start3A_563 = arith.constant 0 : i32
    %dma_start3A_564 = tpu.memref_slice %dma_start3A_562[%dma_start3A_550, %dma_start3A_563] : memref<8x128xi32, #tpu.memory_space<vmem>> -> memref<1x128xi32, #tpu.memory_space<vmem>>
    %dma_start3A_565 = tpu.memref_squeeze %dma_start3A_564 : memref<1x128xi32, #tpu.memory_space<vmem>> -> memref<128xi32, #tpu.memory_space<vmem>>
    %dma_start3A_566 = arith.constant 0 : i32
    %dma_start3A_567 = arith.constant 0 : i32
    %dma_start3A_568 = tpu.memref_slice %arg3[%dma_start3A_566, %dma_start3A_567] : memref<3200x32xf32, #tpu.memory_space<hbm>> -> memref<3200x32xf32, #tpu.memory_space<hbm>>
    tpu.enqueue_indirect_dma source(%dma_start3A_568 : memref<3200x32xf32, #tpu.memory_space<hbm>>) target(%dma_start3A_558 : memref<128x32xf32, #tpu.memory_space<vmem>>) offsets(%dma_start3A_565 : memref<128xi32, #tpu.memory_space<vmem>>) semaphore(%arg10 : memref<!tpu.dma_semaphore, #tpu.memory_space<semaphore_mem>>)
    %dma_wait3A_569 = arith.constant 1 : i32
    %dma_wait3A_570 = arith.constant 0 : i32
    %dma_wait3A_571 = arith.constant 1 : i32
    %dma_wait3A_572 = arith.constant 0 : i32
    %dma_wait3A_573 = arith.constant 0 : i32
    %dma_wait3A_574 = tpu.memref_slice %arg6[%dma_wait3A_571, %dma_wait3A_572, %dma_wait3A_573] : memref<2x1024x32xf32, #tpu.memory_space<vmem>> -> memref<1x1024x32xf32, #tpu.memory_space<vmem>>
    %dma_wait3A_575 = tpu.memref_squeeze %dma_wait3A_574 : memref<1x1024x32xf32, #tpu.memory_space<vmem>> -> memref<1024x32xf32, #tpu.memory_space<vmem>>
    %dma_wait3A_576 = arith.constant 0 : i32
    %dma_wait3A_577 = arith.constant 0 : i32
    %dma_wait3A_578 = tpu.memref_slice %dma_wait3A_575[%dma_wait3A_576, %dma_wait3A_577] : memref<1024x32xf32, #tpu.memory_space<vmem>> -> memref<128x32xf32, #tpu.memory_space<vmem>>
    %dma_wait3A_579 = arith.constant 0 : i32
    %dma_wait3A_580 = arith.constant 0 : i32
    %dma_wait3A_581 = tpu.memref_slice %arg5[%dma_wait3A_569, %dma_wait3A_579, %dma_wait3A_580] : memref<2x8x128xi32, #tpu.memory_space<vmem>> -> memref<1x8x128xi32, #tpu.memory_space<vmem>>
    %dma_wait3A_582 = tpu.memref_squeeze %dma_wait3A_581 : memref<1x8x128xi32, #tpu.memory_space<vmem>> -> memref<8x128xi32, #tpu.memory_space<vmem>>
    %dma_wait3A_583 = arith.constant 0 : i32
    %dma_wait3A_584 = tpu.memref_slice %dma_wait3A_582[%dma_wait3A_570, %dma_wait3A_583] : memref<8x128xi32, #tpu.memory_space<vmem>> -> memref<1x128xi32, #tpu.memory_space<vmem>>
    %dma_wait3A_585 = tpu.memref_squeeze %dma_wait3A_584 : memref<1x128xi32, #tpu.memory_space<vmem>> -> memref<128xi32, #tpu.memory_space<vmem>>
    %dma_wait3A_586 = arith.constant 0 : i32
    %dma_wait3A_587 = arith.constant 0 : i32
    %dma_wait3A_588 = tpu.memref_slice %arg3[%dma_wait3A_586, %dma_wait3A_587] : memref<3200x32xf32, #tpu.memory_space<hbm>> -> memref<3200x32xf32, #tpu.memory_space<hbm>>
    tpu.wait_indirect_dma semaphore(%arg10 : memref<!tpu.dma_semaphore, #tpu.memory_space<semaphore_mem>>) src(%dma_wait3A_588 : memref<3200x32xf32, #tpu.memory_space<hbm>>) dst(%dma_wait3A_578 : memref<128x32xf32, #tpu.memory_space<vmem>>)
    %dma_wait3A_589 = arith.constant 1 : i32
    %dma_wait3A_590 = arith.constant 1 : i32
    %dma_wait3A_591 = arith.constant 1 : i32
    %dma_wait3A_592 = arith.constant 0 : i32
    %dma_wait3A_593 = arith.constant 0 : i32
    %dma_wait3A_594 = tpu.memref_slice %arg6[%dma_wait3A_591, %dma_wait3A_592, %dma_wait3A_593] : memref<2x1024x32xf32, #tpu.memory_space<vmem>> -> memref<1x1024x32xf32, #tpu.memory_space<vmem>>
    %dma_wait3A_595 = tpu.memref_squeeze %dma_wait3A_594 : memref<1x1024x32xf32, #tpu.memory_space<vmem>> -> memref<1024x32xf32, #tpu.memory_space<vmem>>
    %dma_wait3A_596 = arith.constant 128 : i32
    %dma_wait3A_597 = arith.constant 0 : i32
    %dma_wait3A_598 = tpu.memref_slice %dma_wait3A_595[%dma_wait3A_596, %dma_wait3A_597] : memref<1024x32xf32, #tpu.memory_space<vmem>> -> memref<128x32xf32, #tpu.memory_space<vmem>>
    %dma_wait3A_599 = arith.constant 0 : i32
    %dma_wait3A_600 = arith.constant 0 : i32
    %dma_wait3A_601 = tpu.memref_slice %arg5[%dma_wait3A_589, %dma_wait3A_599, %dma_wait3A_600] : memref<2x8x128xi32, #tpu.memory_space<vmem>> -> memref<1x8x128xi32, #tpu.memory_space<vmem>>
    %dma_wait3A_602 = tpu.memref_squeeze %dma_wait3A_601 : memref<1x8x128xi32, #tpu.memory_space<vmem>> -> memref<8x128xi32, #tpu.memory_space<vmem>>
    %dma_wait3A_603 = arith.constant 0 : i32
    %dma_wait3A_604 = tpu.memref_slice %dma_wait3A_602[%dma_wait3A_590, %dma_wait3A_603] : memref<8x128xi32, #tpu.memory_space<vmem>> -> memref<1x128xi32, #tpu.memory_space<vmem>>
    %dma_wait3A_605 = tpu.memref_squeeze %dma_wait3A_604 : memref<1x128xi32, #tpu.memory_space<vmem>> -> memref<128xi32, #tpu.memory_space<vmem>>
    %dma_wait3A_606 = arith.constant 0 : i32
    %dma_wait3A_607 = arith.constant 0 : i32
    %dma_wait3A_608 = tpu.memref_slice %arg3[%dma_wait3A_606, %dma_wait3A_607] : memref<3200x32xf32, #tpu.memory_space<hbm>> -> memref<3200x32xf32, #tpu.memory_space<hbm>>
    tpu.wait_indirect_dma semaphore(%arg10 : memref<!tpu.dma_semaphore, #tpu.memory_space<semaphore_mem>>) src(%dma_wait3A_608 : memref<3200x32xf32, #tpu.memory_space<hbm>>) dst(%dma_wait3A_598 : memref<128x32xf32, #tpu.memory_space<vmem>>)
    %dma_wait3A_609 = arith.constant 1 : i32
    %dma_wait3A_610 = arith.constant 2 : i32
    %dma_wait3A_611 = arith.constant 1 : i32
    %dma_wait3A_612 = arith.constant 0 : i32
    %dma_wait3A_613 = arith.constant 0 : i32
    %dma_wait3A_614 = tpu.memref_slice %arg6[%dma_wait3A_611, %dma_wait3A_612, %dma_wait3A_613] : memref<2x1024x32xf32, #tpu.memory_space<vmem>> -> memref<1x1024x32xf32, #tpu.memory_space<vmem>>
    %dma_wait3A_615 = tpu.memref_squeeze %dma_wait3A_614 : memref<1x1024x32xf32, #tpu.memory_space<vmem>> -> memref<1024x32xf32, #tpu.memory_space<vmem>>
    %dma_wait3A_616 = arith.constant 256 : i32
    %dma_wait3A_617 = arith.constant 0 : i32
    %dma_wait3A_618 = tpu.memref_slice %dma_wait3A_615[%dma_wait3A_616, %dma_wait3A_617] : memref<1024x32xf32, #tpu.memory_space<vmem>> -> memref<128x32xf32, #tpu.memory_space<vmem>>
    %dma_wait3A_619 = arith.constant 0 : i32
    %dma_wait3A_620 = arith.constant 0 : i32
    %dma_wait3A_621 = tpu.memref_slice %arg5[%dma_wait3A_609, %dma_wait3A_619, %dma_wait3A_620] : memref<2x8x128xi32, #tpu.memory_space<vmem>> -> memref<1x8x128xi32, #tpu.memory_space<vmem>>
    %dma_wait3A_622 = tpu.memref_squeeze %dma_wait3A_621 : memref<1x8x128xi32, #tpu.memory_space<vmem>> -> memref<8x128xi32, #tpu.memory_space<vmem>>
    %dma_wait3A_623 = arith.constant 0 : i32
    %dma_wait3A_624 = tpu.memref_slice %dma_wait3A_622[%dma_wait3A_610, %dma_wait3A_623] : memref<8x128xi32, #tpu.memory_space<vmem>> -> memref<1x128xi32, #tpu.memory_space<vmem>>
    %dma_wait3A_625 = tpu.memref_squeeze %dma_wait3A_624 : memref<1x128xi32, #tpu.memory_space<vmem>> -> memref<128xi32, #tpu.memory_space<vmem>>
    %dma_wait3A_626 = arith.constant 0 : i32
    %dma_wait3A_627 = arith.constant 0 : i32
    %dma_wait3A_628 = tpu.memref_slice %arg3[%dma_wait3A_626, %dma_wait3A_627] : memref<3200x32xf32, #tpu.memory_space<hbm>> -> memref<3200x32xf32, #tpu.memory_space<hbm>>
    tpu.wait_indirect_dma semaphore(%arg10 : memref<!tpu.dma_semaphore, #tpu.memory_space<semaphore_mem>>) src(%dma_wait3A_628 : memref<3200x32xf32, #tpu.memory_space<hbm>>) dst(%dma_wait3A_618 : memref<128x32xf32, #tpu.memory_space<vmem>>)
    %dma_wait3A_629 = arith.constant 1 : i32
    %dma_wait3A_630 = arith.constant 3 : i32
    %dma_wait3A_631 = arith.constant 1 : i32
    %dma_wait3A_632 = arith.constant 0 : i32
    %dma_wait3A_633 = arith.constant 0 : i32
    %dma_wait3A_634 = tpu.memref_slice %arg6[%dma_wait3A_631, %dma_wait3A_632, %dma_wait3A_633] : memref<2x1024x32xf32, #tpu.memory_space<vmem>> -> memref<1x1024x32xf32, #tpu.memory_space<vmem>>
    %dma_wait3A_635 = tpu.memref_squeeze %dma_wait3A_634 : memref<1x1024x32xf32, #tpu.memory_space<vmem>> -> memref<1024x32xf32, #tpu.memory_space<vmem>>
    %dma_wait3A_636 = arith.constant 384 : i32
    %dma_wait3A_637 = arith.constant 0 : i32
    %dma_wait3A_638 = tpu.memref_slice %dma_wait3A_635[%dma_wait3A_636, %dma_wait3A_637] : memref<1024x32xf32, #tpu.memory_space<vmem>> -> memref<128x32xf32, #tpu.memory_space<vmem>>
    %dma_wait3A_639 = arith.constant 0 : i32
    %dma_wait3A_640 = arith.constant 0 : i32
    %dma_wait3A_641 = tpu.memref_slice %arg5[%dma_wait3A_629, %dma_wait3A_639, %dma_wait3A_640] : memref<2x8x128xi32, #tpu.memory_space<vmem>> -> memref<1x8x128xi32, #tpu.memory_space<vmem>>
    %dma_wait3A_642 = tpu.memref_squeeze %dma_wait3A_641 : memref<1x8x128xi32, #tpu.memory_space<vmem>> -> memref<8x128xi32, #tpu.memory_space<vmem>>
    %dma_wait3A_643 = arith.constant 0 : i32
    %dma_wait3A_644 = tpu.memref_slice %dma_wait3A_642[%dma_wait3A_630, %dma_wait3A_643] : memref<8x128xi32, #tpu.memory_space<vmem>> -> memref<1x128xi32, #tpu.memory_space<vmem>>
    %dma_wait3A_645 = tpu.memref_squeeze %dma_wait3A_644 : memref<1x128xi32, #tpu.memory_space<vmem>> -> memref<128xi32, #tpu.memory_space<vmem>>
    %dma_wait3A_646 = arith.constant 0 : i32
    %dma_wait3A_647 = arith.constant 0 : i32
    %dma_wait3A_648 = tpu.memref_slice %arg3[%dma_wait3A_646, %dma_wait3A_647] : memref<3200x32xf32, #tpu.memory_space<hbm>> -> memref<3200x32xf32, #tpu.memory_space<hbm>>
    tpu.wait_indirect_dma semaphore(%arg10 : memref<!tpu.dma_semaphore, #tpu.memory_space<semaphore_mem>>) src(%dma_wait3A_648 : memref<3200x32xf32, #tpu.memory_space<hbm>>) dst(%dma_wait3A_638 : memref<128x32xf32, #tpu.memory_space<vmem>>)
    %dma_wait3A_649 = arith.constant 1 : i32
    %dma_wait3A_650 = arith.constant 4 : i32
    %dma_wait3A_651 = arith.constant 1 : i32
    %dma_wait3A_652 = arith.constant 0 : i32
    %dma_wait3A_653 = arith.constant 0 : i32
    %dma_wait3A_654 = tpu.memref_slice %arg6[%dma_wait3A_651, %dma_wait3A_652, %dma_wait3A_653] : memref<2x1024x32xf32, #tpu.memory_space<vmem>> -> memref<1x1024x32xf32, #tpu.memory_space<vmem>>
    %dma_wait3A_655 = tpu.memref_squeeze %dma_wait3A_654 : memref<1x1024x32xf32, #tpu.memory_space<vmem>> -> memref<1024x32xf32, #tpu.memory_space<vmem>>
    %dma_wait3A_656 = arith.constant 512 : i32
    %dma_wait3A_657 = arith.constant 0 : i32
    %dma_wait3A_658 = tpu.memref_slice %dma_wait3A_655[%dma_wait3A_656, %dma_wait3A_657] : memref<1024x32xf32, #tpu.memory_space<vmem>> -> memref<128x32xf32, #tpu.memory_space<vmem>>
    %dma_wait3A_659 = arith.constant 0 : i32
    %dma_wait3A_660 = arith.constant 0 : i32
    %dma_wait3A_661 = tpu.memref_slice %arg5[%dma_wait3A_649, %dma_wait3A_659, %dma_wait3A_660] : memref<2x8x128xi32, #tpu.memory_space<vmem>> -> memref<1x8x128xi32, #tpu.memory_space<vmem>>
    %dma_wait3A_662 = tpu.memref_squeeze %dma_wait3A_661 : memref<1x8x128xi32, #tpu.memory_space<vmem>> -> memref<8x128xi32, #tpu.memory_space<vmem>>
    %dma_wait3A_663 = arith.constant 0 : i32
    %dma_wait3A_664 = tpu.memref_slice %dma_wait3A_662[%dma_wait3A_650, %dma_wait3A_663] : memref<8x128xi32, #tpu.memory_space<vmem>> -> memref<1x128xi32, #tpu.memory_space<vmem>>
    %dma_wait3A_665 = tpu.memref_squeeze %dma_wait3A_664 : memref<1x128xi32, #tpu.memory_space<vmem>> -> memref<128xi32, #tpu.memory_space<vmem>>
    %dma_wait3A_666 = arith.constant 0 : i32
    %dma_wait3A_667 = arith.constant 0 : i32
    %dma_wait3A_668 = tpu.memref_slice %arg3[%dma_wait3A_666, %dma_wait3A_667] : memref<3200x32xf32, #tpu.memory_space<hbm>> -> memref<3200x32xf32, #tpu.memory_space<hbm>>
    tpu.wait_indirect_dma semaphore(%arg10 : memref<!tpu.dma_semaphore, #tpu.memory_space<semaphore_mem>>) src(%dma_wait3A_668 : memref<3200x32xf32, #tpu.memory_space<hbm>>) dst(%dma_wait3A_658 : memref<128x32xf32, #tpu.memory_space<vmem>>)
    %dma_wait3A_669 = arith.constant 1 : i32
    %dma_wait3A_670 = arith.constant 5 : i32
    %dma_wait3A_671 = arith.constant 1 : i32
    %dma_wait3A_672 = arith.constant 0 : i32
    %dma_wait3A_673 = arith.constant 0 : i32
    %dma_wait3A_674 = tpu.memref_slice %arg6[%dma_wait3A_671, %dma_wait3A_672, %dma_wait3A_673] : memref<2x1024x32xf32, #tpu.memory_space<vmem>> -> memref<1x1024x32xf32, #tpu.memory_space<vmem>>
    %dma_wait3A_675 = tpu.memref_squeeze %dma_wait3A_674 : memref<1x1024x32xf32, #tpu.memory_space<vmem>> -> memref<1024x32xf32, #tpu.memory_space<vmem>>
    %dma_wait3A_676 = arith.constant 640 : i32
    %dma_wait3A_677 = arith.constant 0 : i32
    %dma_wait3A_678 = tpu.memref_slice %dma_wait3A_675[%dma_wait3A_676, %dma_wait3A_677] : memref<1024x32xf32, #tpu.memory_space<vmem>> -> memref<128x32xf32, #tpu.memory_space<vmem>>
    %dma_wait3A_679 = arith.constant 0 : i32
    %dma_wait3A_680 = arith.constant 0 : i32
    %dma_wait3A_681 = tpu.memref_slice %arg5[%dma_wait3A_669, %dma_wait3A_679, %dma_wait3A_680] : memref<2x8x128xi32, #tpu.memory_space<vmem>> -> memref<1x8x128xi32, #tpu.memory_space<vmem>>
    %dma_wait3A_682 = tpu.memref_squeeze %dma_wait3A_681 : memref<1x8x128xi32, #tpu.memory_space<vmem>> -> memref<8x128xi32, #tpu.memory_space<vmem>>
    %dma_wait3A_683 = arith.constant 0 : i32
    %dma_wait3A_684 = tpu.memref_slice %dma_wait3A_682[%dma_wait3A_670, %dma_wait3A_683] : memref<8x128xi32, #tpu.memory_space<vmem>> -> memref<1x128xi32, #tpu.memory_space<vmem>>
    %dma_wait3A_685 = tpu.memref_squeeze %dma_wait3A_684 : memref<1x128xi32, #tpu.memory_space<vmem>> -> memref<128xi32, #tpu.memory_space<vmem>>
    %dma_wait3A_686 = arith.constant 0 : i32
    %dma_wait3A_687 = arith.constant 0 : i32
    %dma_wait3A_688 = tpu.memref_slice %arg3[%dma_wait3A_686, %dma_wait3A_687] : memref<3200x32xf32, #tpu.memory_space<hbm>> -> memref<3200x32xf32, #tpu.memory_space<hbm>>
    tpu.wait_indirect_dma semaphore(%arg10 : memref<!tpu.dma_semaphore, #tpu.memory_space<semaphore_mem>>) src(%dma_wait3A_688 : memref<3200x32xf32, #tpu.memory_space<hbm>>) dst(%dma_wait3A_678 : memref<128x32xf32, #tpu.memory_space<vmem>>)
    %dma_wait3A_689 = arith.constant 1 : i32
    %dma_wait3A_690 = arith.constant 6 : i32
    %dma_wait3A_691 = arith.constant 1 : i32
    %dma_wait3A_692 = arith.constant 0 : i32
    %dma_wait3A_693 = arith.constant 0 : i32
    %dma_wait3A_694 = tpu.memref_slice %arg6[%dma_wait3A_691, %dma_wait3A_692, %dma_wait3A_693] : memref<2x1024x32xf32, #tpu.memory_space<vmem>> -> memref<1x1024x32xf32, #tpu.memory_space<vmem>>
    %dma_wait3A_695 = tpu.memref_squeeze %dma_wait3A_694 : memref<1x1024x32xf32, #tpu.memory_space<vmem>> -> memref<1024x32xf32, #tpu.memory_space<vmem>>
    %dma_wait3A_696 = arith.constant 768 : i32
    %dma_wait3A_697 = arith.constant 0 : i32
    %dma_wait3A_698 = tpu.memref_slice %dma_wait3A_695[%dma_wait3A_696, %dma_wait3A_697] : memref<1024x32xf32, #tpu.memory_space<vmem>> -> memref<128x32xf32, #tpu.memory_space<vmem>>
    %dma_wait3A_699 = arith.constant 0 : i32
    %dma_wait3A_700 = arith.constant 0 : i32
    %dma_wait3A_701 = tpu.memref_slice %arg5[%dma_wait3A_689, %dma_wait3A_699, %dma_wait3A_700] : memref<2x8x128xi32, #tpu.memory_space<vmem>> -> memref<1x8x128xi32, #tpu.memory_space<vmem>>
    %dma_wait3A_702 = tpu.memref_squeeze %dma_wait3A_701 : memref<1x8x128xi32, #tpu.memory_space<vmem>> -> memref<8x128xi32, #tpu.memory_space<vmem>>
    %dma_wait3A_703 = arith.constant 0 : i32
    %dma_wait3A_704 = tpu.memref_slice %dma_wait3A_702[%dma_wait3A_690, %dma_wait3A_703] : memref<8x128xi32, #tpu.memory_space<vmem>> -> memref<1x128xi32, #tpu.memory_space<vmem>>
    %dma_wait3A_705 = tpu.memref_squeeze %dma_wait3A_704 : memref<1x128xi32, #tpu.memory_space<vmem>> -> memref<128xi32, #tpu.memory_space<vmem>>
    %dma_wait3A_706 = arith.constant 0 : i32
    %dma_wait3A_707 = arith.constant 0 : i32
    %dma_wait3A_708 = tpu.memref_slice %arg3[%dma_wait3A_706, %dma_wait3A_707] : memref<3200x32xf32, #tpu.memory_space<hbm>> -> memref<3200x32xf32, #tpu.memory_space<hbm>>
    tpu.wait_indirect_dma semaphore(%arg10 : memref<!tpu.dma_semaphore, #tpu.memory_space<semaphore_mem>>) src(%dma_wait3A_708 : memref<3200x32xf32, #tpu.memory_space<hbm>>) dst(%dma_wait3A_698 : memref<128x32xf32, #tpu.memory_space<vmem>>)
    %dma_wait3A_709 = arith.constant 1 : i32
    %dma_wait3A_710 = arith.constant 7 : i32
    %dma_wait3A_711 = arith.constant 1 : i32
    %dma_wait3A_712 = arith.constant 0 : i32
    %dma_wait3A_713 = arith.constant 0 : i32
    %dma_wait3A_714 = tpu.memref_slice %arg6[%dma_wait3A_711, %dma_wait3A_712, %dma_wait3A_713] : memref<2x1024x32xf32, #tpu.memory_space<vmem>> -> memref<1x1024x32xf32, #tpu.memory_space<vmem>>
    %dma_wait3A_715 = tpu.memref_squeeze %dma_wait3A_714 : memref<1x1024x32xf32, #tpu.memory_space<vmem>> -> memref<1024x32xf32, #tpu.memory_space<vmem>>
    %dma_wait3A_716 = arith.constant 896 : i32
    %dma_wait3A_717 = arith.constant 0 : i32
    %dma_wait3A_718 = tpu.memref_slice %dma_wait3A_715[%dma_wait3A_716, %dma_wait3A_717] : memref<1024x32xf32, #tpu.memory_space<vmem>> -> memref<128x32xf32, #tpu.memory_space<vmem>>
    %dma_wait3A_719 = arith.constant 0 : i32
    %dma_wait3A_720 = arith.constant 0 : i32
    %dma_wait3A_721 = tpu.memref_slice %arg5[%dma_wait3A_709, %dma_wait3A_719, %dma_wait3A_720] : memref<2x8x128xi32, #tpu.memory_space<vmem>> -> memref<1x8x128xi32, #tpu.memory_space<vmem>>
    %dma_wait3A_722 = tpu.memref_squeeze %dma_wait3A_721 : memref<1x8x128xi32, #tpu.memory_space<vmem>> -> memref<8x128xi32, #tpu.memory_space<vmem>>
    %dma_wait3A_723 = arith.constant 0 : i32
    %dma_wait3A_724 = tpu.memref_slice %dma_wait3A_722[%dma_wait3A_710, %dma_wait3A_723] : memref<8x128xi32, #tpu.memory_space<vmem>> -> memref<1x128xi32, #tpu.memory_space<vmem>>
    %dma_wait3A_725 = tpu.memref_squeeze %dma_wait3A_724 : memref<1x128xi32, #tpu.memory_space<vmem>> -> memref<128xi32, #tpu.memory_space<vmem>>
    %dma_wait3A_726 = arith.constant 0 : i32
    %dma_wait3A_727 = arith.constant 0 : i32
    %dma_wait3A_728 = tpu.memref_slice %arg3[%dma_wait3A_726, %dma_wait3A_727] : memref<3200x32xf32, #tpu.memory_space<hbm>> -> memref<3200x32xf32, #tpu.memory_space<hbm>>
    tpu.wait_indirect_dma semaphore(%arg10 : memref<!tpu.dma_semaphore, #tpu.memory_space<semaphore_mem>>) src(%dma_wait3A_728 : memref<3200x32xf32, #tpu.memory_space<hbm>>) dst(%dma_wait3A_718 : memref<128x32xf32, #tpu.memory_space<vmem>>)
    %add3A_729 = arith.constant 1024 : i32
    %add3A_730 = arith.addi %mul3A_4, %add3A_729 : i32
    %dma_start3A_731 = arith.constant 1 : i32
    %dma_start3A_732 = arith.constant 0 : i32
    %dma_start3A_733 = arith.constant 0 : i32
    %dma_start3A_734 = tpu.memref_slice %arg6[%dma_start3A_731, %dma_start3A_732, %dma_start3A_733] : memref<2x1024x32xf32, #tpu.memory_space<vmem>> -> memref<1x1024x32xf32, #tpu.memory_space<vmem>>
    %dma_start3A_735 = tpu.memref_squeeze %dma_start3A_734 : memref<1x1024x32xf32, #tpu.memory_space<vmem>> -> memref<1024x32xf32, #tpu.memory_space<vmem>>
    %dma_start3A_736 = arith.constant 0 : i32
    %dma_start3A_737 = tpu.memref_slice %arg4[%add3A_730, %dma_start3A_736] : memref<262144x32xf32, #tpu.memory_space<hbm>> -> memref<1024x32xf32, #tpu.memory_space<hbm>>
    %dma_start3A_738 = arith.constant 0 : i32
    %dma_start3A_739 = tpu.memref_slice %arg4[%add3A_730, %dma_start3A_738] : memref<262144x32xf32, #tpu.memory_space<hbm>> -> memref<1024x32xf32, #tpu.memory_space<hbm>>
    %dma_start3A_740 = arith.constant 0 : i32
    %dma_start3A_741 = arith.constant 0 : i32
    %dma_start3A_742 = tpu.memref_slice %arg6[%dma_start3A_731, %dma_start3A_740, %dma_start3A_741] : memref<2x1024x32xf32, #tpu.memory_space<vmem>> -> memref<1x1024x32xf32, #tpu.memory_space<vmem>>
    %dma_start3A_743 = tpu.memref_squeeze %dma_start3A_742 : memref<1x1024x32xf32, #tpu.memory_space<vmem>> -> memref<1024x32xf32, #tpu.memory_space<vmem>>
    tpu.enqueue_dma source(%dma_start3A_743 : memref<1024x32xf32, #tpu.memory_space<vmem>>) target(%dma_start3A_739 : memref<1024x32xf32, #tpu.memory_space<hbm>>) target_semaphore(%arg12 : memref<!tpu.dma_semaphore, #tpu.memory_space<semaphore_mem>>)
    %add3A_744 = arith.constant 24 : i32
    %add3A_745 = arith.addi %mul3A_2, %add3A_744 : i32
    %dma_start3A_746 = arith.constant 1 : i32
    %dma_start3A_747 = arith.constant 0 : i32
    %dma_start3A_748 = arith.constant 0 : i32
    %dma_start3A_749 = tpu.memref_slice %arg5[%dma_start3A_746, %dma_start3A_747, %dma_start3A_748] : memref<2x8x128xi32, #tpu.memory_space<vmem>> -> memref<1x8x128xi32, #tpu.memory_space<vmem>>
    %dma_start3A_750 = tpu.memref_squeeze %dma_start3A_749 : memref<1x8x128xi32, #tpu.memory_space<vmem>> -> memref<8x128xi32, #tpu.memory_space<vmem>>
    %dma_start3A_751 = arith.constant 0 : i32
    %dma_start3A_752 = tpu.memref_slice %arg2[%add3A_745, %dma_start3A_751] : memref<2048x128xi32, #tpu.memory_space<hbm>> -> memref<8x128xi32, #tpu.memory_space<hbm>>
    %dma_start3A_753 = arith.constant 0 : i32
    %dma_start3A_754 = arith.constant 0 : i32
    %dma_start3A_755 = tpu.memref_slice %arg5[%dma_start3A_746, %dma_start3A_753, %dma_start3A_754] : memref<2x8x128xi32, #tpu.memory_space<vmem>> -> memref<1x8x128xi32, #tpu.memory_space<vmem>>
    %dma_start3A_756 = tpu.memref_squeeze %dma_start3A_755 : memref<1x8x128xi32, #tpu.memory_space<vmem>> -> memref<8x128xi32, #tpu.memory_space<vmem>>
    %dma_start3A_757 = arith.constant 0 : i32
    %dma_start3A_758 = tpu.memref_slice %arg2[%add3A_745, %dma_start3A_757] : memref<2048x128xi32, #tpu.memory_space<hbm>> -> memref<8x128xi32, #tpu.memory_space<hbm>>
    tpu.enqueue_dma source(%dma_start3A_758 : memref<8x128xi32, #tpu.memory_space<hbm>>) target(%dma_start3A_756 : memref<8x128xi32, #tpu.memory_space<vmem>>) target_semaphore(%arg8 : memref<!tpu.dma_semaphore, #tpu.memory_space<semaphore_mem>>)
    %dma_wait3A_759 = arith.constant 0 : i32
    %dma_wait3A_760 = arith.constant 0 : i32
    %dma_wait3A_761 = arith.constant 0 : i32
    %dma_wait3A_762 = tpu.memref_slice %arg5[%dma_wait3A_759, %dma_wait3A_760, %dma_wait3A_761] : memref<2x8x128xi32, #tpu.memory_space<vmem>> -> memref<1x8x128xi32, #tpu.memory_space<vmem>>
    %dma_wait3A_763 = tpu.memref_squeeze %dma_wait3A_762 : memref<1x8x128xi32, #tpu.memory_space<vmem>> -> memref<8x128xi32, #tpu.memory_space<vmem>>
    %dma_wait3A_764 = arith.constant 0 : i32
    %dma_wait3A_765 = tpu.memref_slice %arg2[%add3A_382, %dma_wait3A_764] : memref<2048x128xi32, #tpu.memory_space<hbm>> -> memref<8x128xi32, #tpu.memory_space<hbm>>
    %dma_wait3A_766 = arith.constant 0 : i32
    %dma_wait3A_767 = arith.constant 0 : i32
    %dma_wait3A_768 = tpu.memref_slice %arg5[%dma_wait3A_759, %dma_wait3A_766, %dma_wait3A_767] : memref<2x8x128xi32, #tpu.memory_space<vmem>> -> memref<1x8x128xi32, #tpu.memory_space<vmem>>
    %dma_wait3A_769 = tpu.memref_squeeze %dma_wait3A_768 : memref<1x8x128xi32, #tpu.memory_space<vmem>> -> memref<8x128xi32, #tpu.memory_space<vmem>>
    %dma_wait3A_770 = arith.constant 0 : i32
    %dma_wait3A_771 = tpu.memref_slice %arg2[%add3A_382, %dma_wait3A_770] : memref<2048x128xi32, #tpu.memory_space<hbm>> -> memref<8x128xi32, #tpu.memory_space<hbm>>
    tpu.wait_dma2 semaphore(%arg7 : memref<!tpu.dma_semaphore, #tpu.memory_space<semaphore_mem>>) src(%dma_wait3A_771 : memref<8x128xi32, #tpu.memory_space<hbm>>) dst(%dma_wait3A_769 : memref<8x128xi32, #tpu.memory_space<vmem>>)
    %dma_wait3A_772 = arith.constant 0 : i32
    %dma_wait3A_773 = arith.constant 0 : i32
    %dma_wait3A_774 = arith.constant 0 : i32
    %dma_wait3A_775 = tpu.memref_slice %arg6[%dma_wait3A_772, %dma_wait3A_773, %dma_wait3A_774] : memref<2x1024x32xf32, #tpu.memory_space<vmem>> -> memref<1x1024x32xf32, #tpu.memory_space<vmem>>
    %dma_wait3A_776 = tpu.memref_squeeze %dma_wait3A_775 : memref<1x1024x32xf32, #tpu.memory_space<vmem>> -> memref<1024x32xf32, #tpu.memory_space<vmem>>
    %dma_wait3A_777 = arith.constant 0 : i32
    %dma_wait3A_778 = tpu.memref_slice %arg4[%add3A_367, %dma_wait3A_777] : memref<262144x32xf32, #tpu.memory_space<hbm>> -> memref<1024x32xf32, #tpu.memory_space<hbm>>
    %dma_wait3A_779 = arith.constant 0 : i32
    %dma_wait3A_780 = tpu.memref_slice %arg4[%add3A_367, %dma_wait3A_779] : memref<262144x32xf32, #tpu.memory_space<hbm>> -> memref<1024x32xf32, #tpu.memory_space<hbm>>
    %dma_wait3A_781 = arith.constant 0 : i32
    %dma_wait3A_782 = arith.constant 0 : i32
    %dma_wait3A_783 = tpu.memref_slice %arg6[%dma_wait3A_772, %dma_wait3A_781, %dma_wait3A_782] : memref<2x1024x32xf32, #tpu.memory_space<vmem>> -> memref<1x1024x32xf32, #tpu.memory_space<vmem>>
    %dma_wait3A_784 = tpu.memref_squeeze %dma_wait3A_783 : memref<1x1024x32xf32, #tpu.memory_space<vmem>> -> memref<1024x32xf32, #tpu.memory_space<vmem>>
    tpu.wait_dma2 semaphore(%arg11 : memref<!tpu.dma_semaphore, #tpu.memory_space<semaphore_mem>>) src(%dma_wait3A_784 : memref<1024x32xf32, #tpu.memory_space<vmem>>) dst(%dma_wait3A_780 : memref<1024x32xf32, #tpu.memory_space<hbm>>)
    %dma_start3A_785 = arith.constant 0 : i32
    %dma_start3A_786 = arith.constant 0 : i32
    %dma_start3A_787 = arith.constant 0 : i32
    %dma_start3A_788 = arith.constant 0 : i32
    %dma_start3A_789 = arith.constant 0 : i32
    %dma_start3A_790 = tpu.memref_slice %arg6[%dma_start3A_787, %dma_start3A_788, %dma_start3A_789] : memref<2x1024x32xf32, #tpu.memory_space<vmem>> -> memref<1x1024x32xf32, #tpu.memory_space<vmem>>
    %dma_start3A_791 = tpu.memref_squeeze %dma_start3A_790 : memref<1x1024x32xf32, #tpu.memory_space<vmem>> -> memref<1024x32xf32, #tpu.memory_space<vmem>>
    %dma_start3A_792 = arith.constant 0 : i32
    %dma_start3A_793 = arith.constant 0 : i32
    %dma_start3A_794 = tpu.memref_slice %dma_start3A_791[%dma_start3A_792, %dma_start3A_793] : memref<1024x32xf32, #tpu.memory_space<vmem>> -> memref<128x32xf32, #tpu.memory_space<vmem>>
    %dma_start3A_795 = arith.constant 0 : i32
    %dma_start3A_796 = arith.constant 0 : i32
    %dma_start3A_797 = tpu.memref_slice %arg5[%dma_start3A_785, %dma_start3A_795, %dma_start3A_796] : memref<2x8x128xi32, #tpu.memory_space<vmem>> -> memref<1x8x128xi32, #tpu.memory_space<vmem>>
    %dma_start3A_798 = tpu.memref_squeeze %dma_start3A_797 : memref<1x8x128xi32, #tpu.memory_space<vmem>> -> memref<8x128xi32, #tpu.memory_space<vmem>>
    %dma_start3A_799 = arith.constant 0 : i32
    %dma_start3A_800 = tpu.memref_slice %dma_start3A_798[%dma_start3A_786, %dma_start3A_799] : memref<8x128xi32, #tpu.memory_space<vmem>> -> memref<1x128xi32, #tpu.memory_space<vmem>>
    %dma_start3A_801 = tpu.memref_squeeze %dma_start3A_800 : memref<1x128xi32, #tpu.memory_space<vmem>> -> memref<128xi32, #tpu.memory_space<vmem>>
    %dma_start3A_802 = arith.constant 0 : i32
    %dma_start3A_803 = arith.constant 0 : i32
    %dma_start3A_804 = tpu.memref_slice %arg3[%dma_start3A_802, %dma_start3A_803] : memref<3200x32xf32, #tpu.memory_space<hbm>> -> memref<3200x32xf32, #tpu.memory_space<hbm>>
    tpu.enqueue_indirect_dma source(%dma_start3A_804 : memref<3200x32xf32, #tpu.memory_space<hbm>>) target(%dma_start3A_794 : memref<128x32xf32, #tpu.memory_space<vmem>>) offsets(%dma_start3A_801 : memref<128xi32, #tpu.memory_space<vmem>>) semaphore(%arg9 : memref<!tpu.dma_semaphore, #tpu.memory_space<semaphore_mem>>)
    %dma_start3A_805 = arith.constant 0 : i32
    %dma_start3A_806 = arith.constant 1 : i32
    %dma_start3A_807 = arith.constant 0 : i32
    %dma_start3A_808 = arith.constant 0 : i32
    %dma_start3A_809 = arith.constant 0 : i32
    %dma_start3A_810 = tpu.memref_slice %arg6[%dma_start3A_807, %dma_start3A_808, %dma_start3A_809] : memref<2x1024x32xf32, #tpu.memory_space<vmem>> -> memref<1x1024x32xf32, #tpu.memory_space<vmem>>
    %dma_start3A_811 = tpu.memref_squeeze %dma_start3A_810 : memref<1x1024x32xf32, #tpu.memory_space<vmem>> -> memref<1024x32xf32, #tpu.memory_space<vmem>>
    %dma_start3A_812 = arith.constant 128 : i32
    %dma_start3A_813 = arith.constant 0 : i32
    %dma_start3A_814 = tpu.memref_slice %dma_start3A_811[%dma_start3A_812, %dma_start3A_813] : memref<1024x32xf32, #tpu.memory_space<vmem>> -> memref<128x32xf32, #tpu.memory_space<vmem>>
    %dma_start3A_815 = arith.constant 0 : i32
    %dma_start3A_816 = arith.constant 0 : i32
    %dma_start3A_817 = tpu.memref_slice %arg5[%dma_start3A_805, %dma_start3A_815, %dma_start3A_816] : memref<2x8x128xi32, #tpu.memory_space<vmem>> -> memref<1x8x128xi32, #tpu.memory_space<vmem>>
    %dma_start3A_818 = tpu.memref_squeeze %dma_start3A_817 : memref<1x8x128xi32, #tpu.memory_space<vmem>> -> memref<8x128xi32, #tpu.memory_space<vmem>>
    %dma_start3A_819 = arith.constant 0 : i32
    %dma_start3A_820 = tpu.memref_slice %dma_start3A_818[%dma_start3A_806, %dma_start3A_819] : memref<8x128xi32, #tpu.memory_space<vmem>> -> memref<1x128xi32, #tpu.memory_space<vmem>>
    %dma_start3A_821 = tpu.memref_squeeze %dma_start3A_820 : memref<1x128xi32, #tpu.memory_space<vmem>> -> memref<128xi32, #tpu.memory_space<vmem>>
    %dma_start3A_822 = arith.constant 0 : i32
    %dma_start3A_823 = arith.constant 0 : i32
    %dma_start3A_824 = tpu.memref_slice %arg3[%dma_start3A_822, %dma_start3A_823] : memref<3200x32xf32, #tpu.memory_space<hbm>> -> memref<3200x32xf32, #tpu.memory_space<hbm>>
    tpu.enqueue_indirect_dma source(%dma_start3A_824 : memref<3200x32xf32, #tpu.memory_space<hbm>>) target(%dma_start3A_814 : memref<128x32xf32, #tpu.memory_space<vmem>>) offsets(%dma_start3A_821 : memref<128xi32, #tpu.memory_space<vmem>>) semaphore(%arg9 : memref<!tpu.dma_semaphore, #tpu.memory_space<semaphore_mem>>)
    %dma_start3A_825 = arith.constant 0 : i32
    %dma_start3A_826 = arith.constant 2 : i32
    %dma_start3A_827 = arith.constant 0 : i32
    %dma_start3A_828 = arith.constant 0 : i32
    %dma_start3A_829 = arith.constant 0 : i32
    %dma_start3A_830 = tpu.memref_slice %arg6[%dma_start3A_827, %dma_start3A_828, %dma_start3A_829] : memref<2x1024x32xf32, #tpu.memory_space<vmem>> -> memref<1x1024x32xf32, #tpu.memory_space<vmem>>
    %dma_start3A_831 = tpu.memref_squeeze %dma_start3A_830 : memref<1x1024x32xf32, #tpu.memory_space<vmem>> -> memref<1024x32xf32, #tpu.memory_space<vmem>>
    %dma_start3A_832 = arith.constant 256 : i32
    %dma_start3A_833 = arith.constant 0 : i32
    %dma_start3A_834 = tpu.memref_slice %dma_start3A_831[%dma_start3A_832, %dma_start3A_833] : memref<1024x32xf32, #tpu.memory_space<vmem>> -> memref<128x32xf32, #tpu.memory_space<vmem>>
    %dma_start3A_835 = arith.constant 0 : i32
    %dma_start3A_836 = arith.constant 0 : i32
    %dma_start3A_837 = tpu.memref_slice %arg5[%dma_start3A_825, %dma_start3A_835, %dma_start3A_836] : memref<2x8x128xi32, #tpu.memory_space<vmem>> -> memref<1x8x128xi32, #tpu.memory_space<vmem>>
    %dma_start3A_838 = tpu.memref_squeeze %dma_start3A_837 : memref<1x8x128xi32, #tpu.memory_space<vmem>> -> memref<8x128xi32, #tpu.memory_space<vmem>>
    %dma_start3A_839 = arith.constant 0 : i32
    %dma_start3A_840 = tpu.memref_slice %dma_start3A_838[%dma_start3A_826, %dma_start3A_839] : memref<8x128xi32, #tpu.memory_space<vmem>> -> memref<1x128xi32, #tpu.memory_space<vmem>>
    %dma_start3A_841 = tpu.memref_squeeze %dma_start3A_840 : memref<1x128xi32, #tpu.memory_space<vmem>> -> memref<128xi32, #tpu.memory_space<vmem>>
    %dma_start3A_842 = arith.constant 0 : i32
    %dma_start3A_843 = arith.constant 0 : i32
    %dma_start3A_844 = tpu.memref_slice %arg3[%dma_start3A_842, %dma_start3A_843] : memref<3200x32xf32, #tpu.memory_space<hbm>> -> memref<3200x32xf32, #tpu.memory_space<hbm>>
    tpu.enqueue_indirect_dma source(%dma_start3A_844 : memref<3200x32xf32, #tpu.memory_space<hbm>>) target(%dma_start3A_834 : memref<128x32xf32, #tpu.memory_space<vmem>>) offsets(%dma_start3A_841 : memref<128xi32, #tpu.memory_space<vmem>>) semaphore(%arg9 : memref<!tpu.dma_semaphore, #tpu.memory_space<semaphore_mem>>)
    %dma_start3A_845 = arith.constant 0 : i32
    %dma_start3A_846 = arith.constant 3 : i32
    %dma_start3A_847 = arith.constant 0 : i32
    %dma_start3A_848 = arith.constant 0 : i32
    %dma_start3A_849 = arith.constant 0 : i32
    %dma_start3A_850 = tpu.memref_slice %arg6[%dma_start3A_847, %dma_start3A_848, %dma_start3A_849] : memref<2x1024x32xf32, #tpu.memory_space<vmem>> -> memref<1x1024x32xf32, #tpu.memory_space<vmem>>
    %dma_start3A_851 = tpu.memref_squeeze %dma_start3A_850 : memref<1x1024x32xf32, #tpu.memory_space<vmem>> -> memref<1024x32xf32, #tpu.memory_space<vmem>>
    %dma_start3A_852 = arith.constant 384 : i32
    %dma_start3A_853 = arith.constant 0 : i32
    %dma_start3A_854 = tpu.memref_slice %dma_start3A_851[%dma_start3A_852, %dma_start3A_853] : memref<1024x32xf32, #tpu.memory_space<vmem>> -> memref<128x32xf32, #tpu.memory_space<vmem>>
    %dma_start3A_855 = arith.constant 0 : i32
    %dma_start3A_856 = arith.constant 0 : i32
    %dma_start3A_857 = tpu.memref_slice %arg5[%dma_start3A_845, %dma_start3A_855, %dma_start3A_856] : memref<2x8x128xi32, #tpu.memory_space<vmem>> -> memref<1x8x128xi32, #tpu.memory_space<vmem>>
    %dma_start3A_858 = tpu.memref_squeeze %dma_start3A_857 : memref<1x8x128xi32, #tpu.memory_space<vmem>> -> memref<8x128xi32, #tpu.memory_space<vmem>>
    %dma_start3A_859 = arith.constant 0 : i32
    %dma_start3A_860 = tpu.memref_slice %dma_start3A_858[%dma_start3A_846, %dma_start3A_859] : memref<8x128xi32, #tpu.memory_space<vmem>> -> memref<1x128xi32, #tpu.memory_space<vmem>>
    %dma_start3A_861 = tpu.memref_squeeze %dma_start3A_860 : memref<1x128xi32, #tpu.memory_space<vmem>> -> memref<128xi32, #tpu.memory_space<vmem>>
    %dma_start3A_862 = arith.constant 0 : i32
    %dma_start3A_863 = arith.constant 0 : i32
    %dma_start3A_864 = tpu.memref_slice %arg3[%dma_start3A_862, %dma_start3A_863] : memref<3200x32xf32, #tpu.memory_space<hbm>> -> memref<3200x32xf32, #tpu.memory_space<hbm>>
    tpu.enqueue_indirect_dma source(%dma_start3A_864 : memref<3200x32xf32, #tpu.memory_space<hbm>>) target(%dma_start3A_854 : memref<128x32xf32, #tpu.memory_space<vmem>>) offsets(%dma_start3A_861 : memref<128xi32, #tpu.memory_space<vmem>>) semaphore(%arg9 : memref<!tpu.dma_semaphore, #tpu.memory_space<semaphore_mem>>)
    %dma_start3A_865 = arith.constant 0 : i32
    %dma_start3A_866 = arith.constant 4 : i32
    %dma_start3A_867 = arith.constant 0 : i32
    %dma_start3A_868 = arith.constant 0 : i32
    %dma_start3A_869 = arith.constant 0 : i32
    %dma_start3A_870 = tpu.memref_slice %arg6[%dma_start3A_867, %dma_start3A_868, %dma_start3A_869] : memref<2x1024x32xf32, #tpu.memory_space<vmem>> -> memref<1x1024x32xf32, #tpu.memory_space<vmem>>
    %dma_start3A_871 = tpu.memref_squeeze %dma_start3A_870 : memref<1x1024x32xf32, #tpu.memory_space<vmem>> -> memref<1024x32xf32, #tpu.memory_space<vmem>>
    %dma_start3A_872 = arith.constant 512 : i32
    %dma_start3A_873 = arith.constant 0 : i32
    %dma_start3A_874 = tpu.memref_slice %dma_start3A_871[%dma_start3A_872, %dma_start3A_873] : memref<1024x32xf32, #tpu.memory_space<vmem>> -> memref<128x32xf32, #tpu.memory_space<vmem>>
    %dma_start3A_875 = arith.constant 0 : i32
    %dma_start3A_876 = arith.constant 0 : i32
    %dma_start3A_877 = tpu.memref_slice %arg5[%dma_start3A_865, %dma_start3A_875, %dma_start3A_876] : memref<2x8x128xi32, #tpu.memory_space<vmem>> -> memref<1x8x128xi32, #tpu.memory_space<vmem>>
    %dma_start3A_878 = tpu.memref_squeeze %dma_start3A_877 : memref<1x8x128xi32, #tpu.memory_space<vmem>> -> memref<8x128xi32, #tpu.memory_space<vmem>>
    %dma_start3A_879 = arith.constant 0 : i32
    %dma_start3A_880 = tpu.memref_slice %dma_start3A_878[%dma_start3A_866, %dma_start3A_879] : memref<8x128xi32, #tpu.memory_space<vmem>> -> memref<1x128xi32, #tpu.memory_space<vmem>>
    %dma_start3A_881 = tpu.memref_squeeze %dma_start3A_880 : memref<1x128xi32, #tpu.memory_space<vmem>> -> memref<128xi32, #tpu.memory_space<vmem>>
    %dma_start3A_882 = arith.constant 0 : i32
    %dma_start3A_883 = arith.constant 0 : i32
    %dma_start3A_884 = tpu.memref_slice %arg3[%dma_start3A_882, %dma_start3A_883] : memref<3200x32xf32, #tpu.memory_space<hbm>> -> memref<3200x32xf32, #tpu.memory_space<hbm>>
    tpu.enqueue_indirect_dma source(%dma_start3A_884 : memref<3200x32xf32, #tpu.memory_space<hbm>>) target(%dma_start3A_874 : memref<128x32xf32, #tpu.memory_space<vmem>>) offsets(%dma_start3A_881 : memref<128xi32, #tpu.memory_space<vmem>>) semaphore(%arg9 : memref<!tpu.dma_semaphore, #tpu.memory_space<semaphore_mem>>)
    %dma_start3A_885 = arith.constant 0 : i32
    %dma_start3A_886 = arith.constant 5 : i32
    %dma_start3A_887 = arith.constant 0 : i32
    %dma_start3A_888 = arith.constant 0 : i32
    %dma_start3A_889 = arith.constant 0 : i32
    %dma_start3A_890 = tpu.memref_slice %arg6[%dma_start3A_887, %dma_start3A_888, %dma_start3A_889] : memref<2x1024x32xf32, #tpu.memory_space<vmem>> -> memref<1x1024x32xf32, #tpu.memory_space<vmem>>
    %dma_start3A_891 = tpu.memref_squeeze %dma_start3A_890 : memref<1x1024x32xf32, #tpu.memory_space<vmem>> -> memref<1024x32xf32, #tpu.memory_space<vmem>>
    %dma_start3A_892 = arith.constant 640 : i32
    %dma_start3A_893 = arith.constant 0 : i32
    %dma_start3A_894 = tpu.memref_slice %dma_start3A_891[%dma_start3A_892, %dma_start3A_893] : memref<1024x32xf32, #tpu.memory_space<vmem>> -> memref<128x32xf32, #tpu.memory_space<vmem>>
    %dma_start3A_895 = arith.constant 0 : i32
    %dma_start3A_896 = arith.constant 0 : i32
    %dma_start3A_897 = tpu.memref_slice %arg5[%dma_start3A_885, %dma_start3A_895, %dma_start3A_896] : memref<2x8x128xi32, #tpu.memory_space<vmem>> -> memref<1x8x128xi32, #tpu.memory_space<vmem>>
    %dma_start3A_898 = tpu.memref_squeeze %dma_start3A_897 : memref<1x8x128xi32, #tpu.memory_space<vmem>> -> memref<8x128xi32, #tpu.memory_space<vmem>>
    %dma_start3A_899 = arith.constant 0 : i32
    %dma_start3A_900 = tpu.memref_slice %dma_start3A_898[%dma_start3A_886, %dma_start3A_899] : memref<8x128xi32, #tpu.memory_space<vmem>> -> memref<1x128xi32, #tpu.memory_space<vmem>>
    %dma_start3A_901 = tpu.memref_squeeze %dma_start3A_900 : memref<1x128xi32, #tpu.memory_space<vmem>> -> memref<128xi32, #tpu.memory_space<vmem>>
    %dma_start3A_902 = arith.constant 0 : i32
    %dma_start3A_903 = arith.constant 0 : i32
    %dma_start3A_904 = tpu.memref_slice %arg3[%dma_start3A_902, %dma_start3A_903] : memref<3200x32xf32, #tpu.memory_space<hbm>> -> memref<3200x32xf32, #tpu.memory_space<hbm>>
    tpu.enqueue_indirect_dma source(%dma_start3A_904 : memref<3200x32xf32, #tpu.memory_space<hbm>>) target(%dma_start3A_894 : memref<128x32xf32, #tpu.memory_space<vmem>>) offsets(%dma_start3A_901 : memref<128xi32, #tpu.memory_space<vmem>>) semaphore(%arg9 : memref<!tpu.dma_semaphore, #tpu.memory_space<semaphore_mem>>)
    %dma_start3A_905 = arith.constant 0 : i32
    %dma_start3A_906 = arith.constant 6 : i32
    %dma_start3A_907 = arith.constant 0 : i32
    %dma_start3A_908 = arith.constant 0 : i32
    %dma_start3A_909 = arith.constant 0 : i32
    %dma_start3A_910 = tpu.memref_slice %arg6[%dma_start3A_907, %dma_start3A_908, %dma_start3A_909] : memref<2x1024x32xf32, #tpu.memory_space<vmem>> -> memref<1x1024x32xf32, #tpu.memory_space<vmem>>
    %dma_start3A_911 = tpu.memref_squeeze %dma_start3A_910 : memref<1x1024x32xf32, #tpu.memory_space<vmem>> -> memref<1024x32xf32, #tpu.memory_space<vmem>>
    %dma_start3A_912 = arith.constant 768 : i32
    %dma_start3A_913 = arith.constant 0 : i32
    %dma_start3A_914 = tpu.memref_slice %dma_start3A_911[%dma_start3A_912, %dma_start3A_913] : memref<1024x32xf32, #tpu.memory_space<vmem>> -> memref<128x32xf32, #tpu.memory_space<vmem>>
    %dma_start3A_915 = arith.constant 0 : i32
    %dma_start3A_916 = arith.constant 0 : i32
    %dma_start3A_917 = tpu.memref_slice %arg5[%dma_start3A_905, %dma_start3A_915, %dma_start3A_916] : memref<2x8x128xi32, #tpu.memory_space<vmem>> -> memref<1x8x128xi32, #tpu.memory_space<vmem>>
    %dma_start3A_918 = tpu.memref_squeeze %dma_start3A_917 : memref<1x8x128xi32, #tpu.memory_space<vmem>> -> memref<8x128xi32, #tpu.memory_space<vmem>>
    %dma_start3A_919 = arith.constant 0 : i32
    %dma_start3A_920 = tpu.memref_slice %dma_start3A_918[%dma_start3A_906, %dma_start3A_919] : memref<8x128xi32, #tpu.memory_space<vmem>> -> memref<1x128xi32, #tpu.memory_space<vmem>>
    %dma_start3A_921 = tpu.memref_squeeze %dma_start3A_920 : memref<1x128xi32, #tpu.memory_space<vmem>> -> memref<128xi32, #tpu.memory_space<vmem>>
    %dma_start3A_922 = arith.constant 0 : i32
    %dma_start3A_923 = arith.constant 0 : i32
    %dma_start3A_924 = tpu.memref_slice %arg3[%dma_start3A_922, %dma_start3A_923] : memref<3200x32xf32, #tpu.memory_space<hbm>> -> memref<3200x32xf32, #tpu.memory_space<hbm>>
    tpu.enqueue_indirect_dma source(%dma_start3A_924 : memref<3200x32xf32, #tpu.memory_space<hbm>>) target(%dma_start3A_914 : memref<128x32xf32, #tpu.memory_space<vmem>>) offsets(%dma_start3A_921 : memref<128xi32, #tpu.memory_space<vmem>>) semaphore(%arg9 : memref<!tpu.dma_semaphore, #tpu.memory_space<semaphore_mem>>)
    %dma_start3A_925 = arith.constant 0 : i32
    %dma_start3A_926 = arith.constant 7 : i32
    %dma_start3A_927 = arith.constant 0 : i32
    %dma_start3A_928 = arith.constant 0 : i32
    %dma_start3A_929 = arith.constant 0 : i32
    %dma_start3A_930 = tpu.memref_slice %arg6[%dma_start3A_927, %dma_start3A_928, %dma_start3A_929] : memref<2x1024x32xf32, #tpu.memory_space<vmem>> -> memref<1x1024x32xf32, #tpu.memory_space<vmem>>
    %dma_start3A_931 = tpu.memref_squeeze %dma_start3A_930 : memref<1x1024x32xf32, #tpu.memory_space<vmem>> -> memref<1024x32xf32, #tpu.memory_space<vmem>>
    %dma_start3A_932 = arith.constant 896 : i32
    %dma_start3A_933 = arith.constant 0 : i32
    %dma_start3A_934 = tpu.memref_slice %dma_start3A_931[%dma_start3A_932, %dma_start3A_933] : memref<1024x32xf32, #tpu.memory_space<vmem>> -> memref<128x32xf32, #tpu.memory_space<vmem>>
    %dma_start3A_935 = arith.constant 0 : i32
    %dma_start3A_936 = arith.constant 0 : i32
    %dma_start3A_937 = tpu.memref_slice %arg5[%dma_start3A_925, %dma_start3A_935, %dma_start3A_936] : memref<2x8x128xi32, #tpu.memory_space<vmem>> -> memref<1x8x128xi32, #tpu.memory_space<vmem>>
    %dma_start3A_938 = tpu.memref_squeeze %dma_start3A_937 : memref<1x8x128xi32, #tpu.memory_space<vmem>> -> memref<8x128xi32, #tpu.memory_space<vmem>>
    %dma_start3A_939 = arith.constant 0 : i32
    %dma_start3A_940 = tpu.memref_slice %dma_start3A_938[%dma_start3A_926, %dma_start3A_939] : memref<8x128xi32, #tpu.memory_space<vmem>> -> memref<1x128xi32, #tpu.memory_space<vmem>>
    %dma_start3A_941 = tpu.memref_squeeze %dma_start3A_940 : memref<1x128xi32, #tpu.memory_space<vmem>> -> memref<128xi32, #tpu.memory_space<vmem>>
    %dma_start3A_942 = arith.constant 0 : i32
    %dma_start3A_943 = arith.constant 0 : i32
    %dma_start3A_944 = tpu.memref_slice %arg3[%dma_start3A_942, %dma_start3A_943] : memref<3200x32xf32, #tpu.memory_space<hbm>> -> memref<3200x32xf32, #tpu.memory_space<hbm>>
    tpu.enqueue_indirect_dma source(%dma_start3A_944 : memref<3200x32xf32, #tpu.memory_space<hbm>>) target(%dma_start3A_934 : memref<128x32xf32, #tpu.memory_space<vmem>>) offsets(%dma_start3A_941 : memref<128xi32, #tpu.memory_space<vmem>>) semaphore(%arg9 : memref<!tpu.dma_semaphore, #tpu.memory_space<semaphore_mem>>)
    %dma_wait3A_945 = arith.constant 0 : i32
    %dma_wait3A_946 = arith.constant 0 : i32
    %dma_wait3A_947 = arith.constant 0 : i32
    %dma_wait3A_948 = arith.constant 0 : i32
    %dma_wait3A_949 = arith.constant 0 : i32
    %dma_wait3A_950 = tpu.memref_slice %arg6[%dma_wait3A_947, %dma_wait3A_948, %dma_wait3A_949] : memref<2x1024x32xf32, #tpu.memory_space<vmem>> -> memref<1x1024x32xf32, #tpu.memory_space<vmem>>
    %dma_wait3A_951 = tpu.memref_squeeze %dma_wait3A_950 : memref<1x1024x32xf32, #tpu.memory_space<vmem>> -> memref<1024x32xf32, #tpu.memory_space<vmem>>
    %dma_wait3A_952 = arith.constant 0 : i32
    %dma_wait3A_953 = arith.constant 0 : i32
    %dma_wait3A_954 = tpu.memref_slice %dma_wait3A_951[%dma_wait3A_952, %dma_wait3A_953] : memref<1024x32xf32, #tpu.memory_space<vmem>> -> memref<128x32xf32, #tpu.memory_space<vmem>>
    %dma_wait3A_955 = arith.constant 0 : i32
    %dma_wait3A_956 = arith.constant 0 : i32
    %dma_wait3A_957 = tpu.memref_slice %arg5[%dma_wait3A_945, %dma_wait3A_955, %dma_wait3A_956] : memref<2x8x128xi32, #tpu.memory_space<vmem>> -> memref<1x8x128xi32, #tpu.memory_space<vmem>>
    %dma_wait3A_958 = tpu.memref_squeeze %dma_wait3A_957 : memref<1x8x128xi32, #tpu.memory_space<vmem>> -> memref<8x128xi32, #tpu.memory_space<vmem>>
    %dma_wait3A_959 = arith.constant 0 : i32
    %dma_wait3A_960 = tpu.memref_slice %dma_wait3A_958[%dma_wait3A_946, %dma_wait3A_959] : memref<8x128xi32, #tpu.memory_space<vmem>> -> memref<1x128xi32, #tpu.memory_space<vmem>>
    %dma_wait3A_961 = tpu.memref_squeeze %dma_wait3A_960 : memref<1x128xi32, #tpu.memory_space<vmem>> -> memref<128xi32, #tpu.memory_space<vmem>>
    %dma_wait3A_962 = arith.constant 0 : i32
    %dma_wait3A_963 = arith.constant 0 : i32
    %dma_wait3A_964 = tpu.memref_slice %arg3[%dma_wait3A_962, %dma_wait3A_963] : memref<3200x32xf32, #tpu.memory_space<hbm>> -> memref<3200x32xf32, #tpu.memory_space<hbm>>
    tpu.wait_indirect_dma semaphore(%arg9 : memref<!tpu.dma_semaphore, #tpu.memory_space<semaphore_mem>>) src(%dma_wait3A_964 : memref<3200x32xf32, #tpu.memory_space<hbm>>) dst(%dma_wait3A_954 : memref<128x32xf32, #tpu.memory_space<vmem>>)
    %dma_wait3A_965 = arith.constant 0 : i32
    %dma_wait3A_966 = arith.constant 1 : i32
    %dma_wait3A_967 = arith.constant 0 : i32
    %dma_wait3A_968 = arith.constant 0 : i32
    %dma_wait3A_969 = arith.constant 0 : i32
    %dma_wait3A_970 = tpu.memref_slice %arg6[%dma_wait3A_967, %dma_wait3A_968, %dma_wait3A_969] : memref<2x1024x32xf32, #tpu.memory_space<vmem>> -> memref<1x1024x32xf32, #tpu.memory_space<vmem>>
    %dma_wait3A_971 = tpu.memref_squeeze %dma_wait3A_970 : memref<1x1024x32xf32, #tpu.memory_space<vmem>> -> memref<1024x32xf32, #tpu.memory_space<vmem>>
    %dma_wait3A_972 = arith.constant 128 : i32
    %dma_wait3A_973 = arith.constant 0 : i32
    %dma_wait3A_974 = tpu.memref_slice %dma_wait3A_971[%dma_wait3A_972, %dma_wait3A_973] : memref<1024x32xf32, #tpu.memory_space<vmem>> -> memref<128x32xf32, #tpu.memory_space<vmem>>
    %dma_wait3A_975 = arith.constant 0 : i32
    %dma_wait3A_976 = arith.constant 0 : i32
    %dma_wait3A_977 = tpu.memref_slice %arg5[%dma_wait3A_965, %dma_wait3A_975, %dma_wait3A_976] : memref<2x8x128xi32, #tpu.memory_space<vmem>> -> memref<1x8x128xi32, #tpu.memory_space<vmem>>
    %dma_wait3A_978 = tpu.memref_squeeze %dma_wait3A_977 : memref<1x8x128xi32, #tpu.memory_space<vmem>> -> memref<8x128xi32, #tpu.memory_space<vmem>>
    %dma_wait3A_979 = arith.constant 0 : i32
    %dma_wait3A_980 = tpu.memref_slice %dma_wait3A_978[%dma_wait3A_966, %dma_wait3A_979] : memref<8x128xi32, #tpu.memory_space<vmem>> -> memref<1x128xi32, #tpu.memory_space<vmem>>
    %dma_wait3A_981 = tpu.memref_squeeze %dma_wait3A_980 : memref<1x128xi32, #tpu.memory_space<vmem>> -> memref<128xi32, #tpu.memory_space<vmem>>
    %dma_wait3A_982 = arith.constant 0 : i32
    %dma_wait3A_983 = arith.constant 0 : i32
    %dma_wait3A_984 = tpu.memref_slice %arg3[%dma_wait3A_982, %dma_wait3A_983] : memref<3200x32xf32, #tpu.memory_space<hbm>> -> memref<3200x32xf32, #tpu.memory_space<hbm>>
    tpu.wait_indirect_dma semaphore(%arg9 : memref<!tpu.dma_semaphore, #tpu.memory_space<semaphore_mem>>) src(%dma_wait3A_984 : memref<3200x32xf32, #tpu.memory_space<hbm>>) dst(%dma_wait3A_974 : memref<128x32xf32, #tpu.memory_space<vmem>>)
    %dma_wait3A_985 = arith.constant 0 : i32
    %dma_wait3A_986 = arith.constant 2 : i32
    %dma_wait3A_987 = arith.constant 0 : i32
    %dma_wait3A_988 = arith.constant 0 : i32
    %dma_wait3A_989 = arith.constant 0 : i32
    %dma_wait3A_990 = tpu.memref_slice %arg6[%dma_wait3A_987, %dma_wait3A_988, %dma_wait3A_989] : memref<2x1024x32xf32, #tpu.memory_space<vmem>> -> memref<1x1024x32xf32, #tpu.memory_space<vmem>>
    %dma_wait3A_991 = tpu.memref_squeeze %dma_wait3A_990 : memref<1x1024x32xf32, #tpu.memory_space<vmem>> -> memref<1024x32xf32, #tpu.memory_space<vmem>>
    %dma_wait3A_992 = arith.constant 256 : i32
    %dma_wait3A_993 = arith.constant 0 : i32
    %dma_wait3A_994 = tpu.memref_slice %dma_wait3A_991[%dma_wait3A_992, %dma_wait3A_993] : memref<1024x32xf32, #tpu.memory_space<vmem>> -> memref<128x32xf32, #tpu.memory_space<vmem>>
    %dma_wait3A_995 = arith.constant 0 : i32
    %dma_wait3A_996 = arith.constant 0 : i32
    %dma_wait3A_997 = tpu.memref_slice %arg5[%dma_wait3A_985, %dma_wait3A_995, %dma_wait3A_996] : memref<2x8x128xi32, #tpu.memory_space<vmem>> -> memref<1x8x128xi32, #tpu.memory_space<vmem>>
    %dma_wait3A_998 = tpu.memref_squeeze %dma_wait3A_997 : memref<1x8x128xi32, #tpu.memory_space<vmem>> -> memref<8x128xi32, #tpu.memory_space<vmem>>
    %dma_wait3A_999 = arith.constant 0 : i32
    %dma_wait3A_1000 = tpu.memref_slice %dma_wait3A_998[%dma_wait3A_986, %dma_wait3A_999] : memref<8x128xi32, #tpu.memory_space<vmem>> -> memref<1x128xi32, #tpu.memory_space<vmem>>
    %dma_wait3A_1001 = tpu.memref_squeeze %dma_wait3A_1000 : memref<1x128xi32, #tpu.memory_space<vmem>> -> memref<128xi32, #tpu.memory_space<vmem>>
    %dma_wait3A_1002 = arith.constant 0 : i32
    %dma_wait3A_1003 = arith.constant 0 : i32
    %dma_wait3A_1004 = tpu.memref_slice %arg3[%dma_wait3A_1002, %dma_wait3A_1003] : memref<3200x32xf32, #tpu.memory_space<hbm>> -> memref<3200x32xf32, #tpu.memory_space<hbm>>
    tpu.wait_indirect_dma semaphore(%arg9 : memref<!tpu.dma_semaphore, #tpu.memory_space<semaphore_mem>>) src(%dma_wait3A_1004 : memref<3200x32xf32, #tpu.memory_space<hbm>>) dst(%dma_wait3A_994 : memref<128x32xf32, #tpu.memory_space<vmem>>)
    %dma_wait3A_1005 = arith.constant 0 : i32
    %dma_wait3A_1006 = arith.constant 3 : i32
    %dma_wait3A_1007 = arith.constant 0 : i32
    %dma_wait3A_1008 = arith.constant 0 : i32
    %dma_wait3A_1009 = arith.constant 0 : i32
    %dma_wait3A_1010 = tpu.memref_slice %arg6[%dma_wait3A_1007, %dma_wait3A_1008, %dma_wait3A_1009] : memref<2x1024x32xf32, #tpu.memory_space<vmem>> -> memref<1x1024x32xf32, #tpu.memory_space<vmem>>
    %dma_wait3A_1011 = tpu.memref_squeeze %dma_wait3A_1010 : memref<1x1024x32xf32, #tpu.memory_space<vmem>> -> memref<1024x32xf32, #tpu.memory_space<vmem>>
    %dma_wait3A_1012 = arith.constant 384 : i32
    %dma_wait3A_1013 = arith.constant 0 : i32
    %dma_wait3A_1014 = tpu.memref_slice %dma_wait3A_1011[%dma_wait3A_1012, %dma_wait3A_1013] : memref<1024x32xf32, #tpu.memory_space<vmem>> -> memref<128x32xf32, #tpu.memory_space<vmem>>
    %dma_wait3A_1015 = arith.constant 0 : i32
    %dma_wait3A_1016 = arith.constant 0 : i32
    %dma_wait3A_1017 = tpu.memref_slice %arg5[%dma_wait3A_1005, %dma_wait3A_1015, %dma_wait3A_1016] : memref<2x8x128xi32, #tpu.memory_space<vmem>> -> memref<1x8x128xi32, #tpu.memory_space<vmem>>
    %dma_wait3A_1018 = tpu.memref_squeeze %dma_wait3A_1017 : memref<1x8x128xi32, #tpu.memory_space<vmem>> -> memref<8x128xi32, #tpu.memory_space<vmem>>
    %dma_wait3A_1019 = arith.constant 0 : i32
    %dma_wait3A_1020 = tpu.memref_slice %dma_wait3A_1018[%dma_wait3A_1006, %dma_wait3A_1019] : memref<8x128xi32, #tpu.memory_space<vmem>> -> memref<1x128xi32, #tpu.memory_space<vmem>>
    %dma_wait3A_1021 = tpu.memref_squeeze %dma_wait3A_1020 : memref<1x128xi32, #tpu.memory_space<vmem>> -> memref<128xi32, #tpu.memory_space<vmem>>
    %dma_wait3A_1022 = arith.constant 0 : i32
    %dma_wait3A_1023 = arith.constant 0 : i32
    %dma_wait3A_1024 = tpu.memref_slice %arg3[%dma_wait3A_1022, %dma_wait3A_1023] : memref<3200x32xf32, #tpu.memory_space<hbm>> -> memref<3200x32xf32, #tpu.memory_space<hbm>>
    tpu.wait_indirect_dma semaphore(%arg9 : memref<!tpu.dma_semaphore, #tpu.memory_space<semaphore_mem>>) src(%dma_wait3A_1024 : memref<3200x32xf32, #tpu.memory_space<hbm>>) dst(%dma_wait3A_1014 : memref<128x32xf32, #tpu.memory_space<vmem>>)
    %dma_wait3A_1025 = arith.constant 0 : i32
    %dma_wait3A_1026 = arith.constant 4 : i32
    %dma_wait3A_1027 = arith.constant 0 : i32
    %dma_wait3A_1028 = arith.constant 0 : i32
    %dma_wait3A_1029 = arith.constant 0 : i32
    %dma_wait3A_1030 = tpu.memref_slice %arg6[%dma_wait3A_1027, %dma_wait3A_1028, %dma_wait3A_1029] : memref<2x1024x32xf32, #tpu.memory_space<vmem>> -> memref<1x1024x32xf32, #tpu.memory_space<vmem>>
    %dma_wait3A_1031 = tpu.memref_squeeze %dma_wait3A_1030 : memref<1x1024x32xf32, #tpu.memory_space<vmem>> -> memref<1024x32xf32, #tpu.memory_space<vmem>>
    %dma_wait3A_1032 = arith.constant 512 : i32
    %dma_wait3A_1033 = arith.constant 0 : i32
    %dma_wait3A_1034 = tpu.memref_slice %dma_wait3A_1031[%dma_wait3A_1032, %dma_wait3A_1033] : memref<1024x32xf32, #tpu.memory_space<vmem>> -> memref<128x32xf32, #tpu.memory_space<vmem>>
    %dma_wait3A_1035 = arith.constant 0 : i32
    %dma_wait3A_1036 = arith.constant 0 : i32
    %dma_wait3A_1037 = tpu.memref_slice %arg5[%dma_wait3A_1025, %dma_wait3A_1035, %dma_wait3A_1036] : memref<2x8x128xi32, #tpu.memory_space<vmem>> -> memref<1x8x128xi32, #tpu.memory_space<vmem>>
    %dma_wait3A_1038 = tpu.memref_squeeze %dma_wait3A_1037 : memref<1x8x128xi32, #tpu.memory_space<vmem>> -> memref<8x128xi32, #tpu.memory_space<vmem>>
    %dma_wait3A_1039 = arith.constant 0 : i32
    %dma_wait3A_1040 = tpu.memref_slice %dma_wait3A_1038[%dma_wait3A_1026, %dma_wait3A_1039] : memref<8x128xi32, #tpu.memory_space<vmem>> -> memref<1x128xi32, #tpu.memory_space<vmem>>
    %dma_wait3A_1041 = tpu.memref_squeeze %dma_wait3A_1040 : memref<1x128xi32, #tpu.memory_space<vmem>> -> memref<128xi32, #tpu.memory_space<vmem>>
    %dma_wait3A_1042 = arith.constant 0 : i32
    %dma_wait3A_1043 = arith.constant 0 : i32
    %dma_wait3A_1044 = tpu.memref_slice %arg3[%dma_wait3A_1042, %dma_wait3A_1043] : memref<3200x32xf32, #tpu.memory_space<hbm>> -> memref<3200x32xf32, #tpu.memory_space<hbm>>
    tpu.wait_indirect_dma semaphore(%arg9 : memref<!tpu.dma_semaphore, #tpu.memory_space<semaphore_mem>>) src(%dma_wait3A_1044 : memref<3200x32xf32, #tpu.memory_space<hbm>>) dst(%dma_wait3A_1034 : memref<128x32xf32, #tpu.memory_space<vmem>>)
    %dma_wait3A_1045 = arith.constant 0 : i32
    %dma_wait3A_1046 = arith.constant 5 : i32
    %dma_wait3A_1047 = arith.constant 0 : i32
    %dma_wait3A_1048 = arith.constant 0 : i32
    %dma_wait3A_1049 = arith.constant 0 : i32
    %dma_wait3A_1050 = tpu.memref_slice %arg6[%dma_wait3A_1047, %dma_wait3A_1048, %dma_wait3A_1049] : memref<2x1024x32xf32, #tpu.memory_space<vmem>> -> memref<1x1024x32xf32, #tpu.memory_space<vmem>>
    %dma_wait3A_1051 = tpu.memref_squeeze %dma_wait3A_1050 : memref<1x1024x32xf32, #tpu.memory_space<vmem>> -> memref<1024x32xf32, #tpu.memory_space<vmem>>
    %dma_wait3A_1052 = arith.constant 640 : i32
    %dma_wait3A_1053 = arith.constant 0 : i32
    %dma_wait3A_1054 = tpu.memref_slice %dma_wait3A_1051[%dma_wait3A_1052, %dma_wait3A_1053] : memref<1024x32xf32, #tpu.memory_space<vmem>> -> memref<128x32xf32, #tpu.memory_space<vmem>>
    %dma_wait3A_1055 = arith.constant 0 : i32
    %dma_wait3A_1056 = arith.constant 0 : i32
    %dma_wait3A_1057 = tpu.memref_slice %arg5[%dma_wait3A_1045, %dma_wait3A_1055, %dma_wait3A_1056] : memref<2x8x128xi32, #tpu.memory_space<vmem>> -> memref<1x8x128xi32, #tpu.memory_space<vmem>>
    %dma_wait3A_1058 = tpu.memref_squeeze %dma_wait3A_1057 : memref<1x8x128xi32, #tpu.memory_space<vmem>> -> memref<8x128xi32, #tpu.memory_space<vmem>>
    %dma_wait3A_1059 = arith.constant 0 : i32
    %dma_wait3A_1060 = tpu.memref_slice %dma_wait3A_1058[%dma_wait3A_1046, %dma_wait3A_1059] : memref<8x128xi32, #tpu.memory_space<vmem>> -> memref<1x128xi32, #tpu.memory_space<vmem>>
    %dma_wait3A_1061 = tpu.memref_squeeze %dma_wait3A_1060 : memref<1x128xi32, #tpu.memory_space<vmem>> -> memref<128xi32, #tpu.memory_space<vmem>>
    %dma_wait3A_1062 = arith.constant 0 : i32
    %dma_wait3A_1063 = arith.constant 0 : i32
    %dma_wait3A_1064 = tpu.memref_slice %arg3[%dma_wait3A_1062, %dma_wait3A_1063] : memref<3200x32xf32, #tpu.memory_space<hbm>> -> memref<3200x32xf32, #tpu.memory_space<hbm>>
    tpu.wait_indirect_dma semaphore(%arg9 : memref<!tpu.dma_semaphore, #tpu.memory_space<semaphore_mem>>) src(%dma_wait3A_1064 : memref<3200x32xf32, #tpu.memory_space<hbm>>) dst(%dma_wait3A_1054 : memref<128x32xf32, #tpu.memory_space<vmem>>)
    %dma_wait3A_1065 = arith.constant 0 : i32
    %dma_wait3A_1066 = arith.constant 6 : i32
    %dma_wait3A_1067 = arith.constant 0 : i32
    %dma_wait3A_1068 = arith.constant 0 : i32
    %dma_wait3A_1069 = arith.constant 0 : i32
    %dma_wait3A_1070 = tpu.memref_slice %arg6[%dma_wait3A_1067, %dma_wait3A_1068, %dma_wait3A_1069] : memref<2x1024x32xf32, #tpu.memory_space<vmem>> -> memref<1x1024x32xf32, #tpu.memory_space<vmem>>
    %dma_wait3A_1071 = tpu.memref_squeeze %dma_wait3A_1070 : memref<1x1024x32xf32, #tpu.memory_space<vmem>> -> memref<1024x32xf32, #tpu.memory_space<vmem>>
    %dma_wait3A_1072 = arith.constant 768 : i32
    %dma_wait3A_1073 = arith.constant 0 : i32
    %dma_wait3A_1074 = tpu.memref_slice %dma_wait3A_1071[%dma_wait3A_1072, %dma_wait3A_1073] : memref<1024x32xf32, #tpu.memory_space<vmem>> -> memref<128x32xf32, #tpu.memory_space<vmem>>
    %dma_wait3A_1075 = arith.constant 0 : i32
    %dma_wait3A_1076 = arith.constant 0 : i32
    %dma_wait3A_1077 = tpu.memref_slice %arg5[%dma_wait3A_1065, %dma_wait3A_1075, %dma_wait3A_1076] : memref<2x8x128xi32, #tpu.memory_space<vmem>> -> memref<1x8x128xi32, #tpu.memory_space<vmem>>
    %dma_wait3A_1078 = tpu.memref_squeeze %dma_wait3A_1077 : memref<1x8x128xi32, #tpu.memory_space<vmem>> -> memref<8x128xi32, #tpu.memory_space<vmem>>
    %dma_wait3A_1079 = arith.constant 0 : i32
    %dma_wait3A_1080 = tpu.memref_slice %dma_wait3A_1078[%dma_wait3A_1066, %dma_wait3A_1079] : memref<8x128xi32, #tpu.memory_space<vmem>> -> memref<1x128xi32, #tpu.memory_space<vmem>>
    %dma_wait3A_1081 = tpu.memref_squeeze %dma_wait3A_1080 : memref<1x128xi32, #tpu.memory_space<vmem>> -> memref<128xi32, #tpu.memory_space<vmem>>
    %dma_wait3A_1082 = arith.constant 0 : i32
    %dma_wait3A_1083 = arith.constant 0 : i32
    %dma_wait3A_1084 = tpu.memref_slice %arg3[%dma_wait3A_1082, %dma_wait3A_1083] : memref<3200x32xf32, #tpu.memory_space<hbm>> -> memref<3200x32xf32, #tpu.memory_space<hbm>>
    tpu.wait_indirect_dma semaphore(%arg9 : memref<!tpu.dma_semaphore, #tpu.memory_space<semaphore_mem>>) src(%dma_wait3A_1084 : memref<3200x32xf32, #tpu.memory_space<hbm>>) dst(%dma_wait3A_1074 : memref<128x32xf32, #tpu.memory_space<vmem>>)
    %dma_wait3A_1085 = arith.constant 0 : i32
    %dma_wait3A_1086 = arith.constant 7 : i32
    %dma_wait3A_1087 = arith.constant 0 : i32
    %dma_wait3A_1088 = arith.constant 0 : i32
    %dma_wait3A_1089 = arith.constant 0 : i32
    %dma_wait3A_1090 = tpu.memref_slice %arg6[%dma_wait3A_1087, %dma_wait3A_1088, %dma_wait3A_1089] : memref<2x1024x32xf32, #tpu.memory_space<vmem>> -> memref<1x1024x32xf32, #tpu.memory_space<vmem>>
    %dma_wait3A_1091 = tpu.memref_squeeze %dma_wait3A_1090 : memref<1x1024x32xf32, #tpu.memory_space<vmem>> -> memref<1024x32xf32, #tpu.memory_space<vmem>>
    %dma_wait3A_1092 = arith.constant 896 : i32
    %dma_wait3A_1093 = arith.constant 0 : i32
    %dma_wait3A_1094 = tpu.memref_slice %dma_wait3A_1091[%dma_wait3A_1092, %dma_wait3A_1093] : memref<1024x32xf32, #tpu.memory_space<vmem>> -> memref<128x32xf32, #tpu.memory_space<vmem>>
    %dma_wait3A_1095 = arith.constant 0 : i32
    %dma_wait3A_1096 = arith.constant 0 : i32
    %dma_wait3A_1097 = tpu.memref_slice %arg5[%dma_wait3A_1085, %dma_wait3A_1095, %dma_wait3A_1096] : memref<2x8x128xi32, #tpu.memory_space<vmem>> -> memref<1x8x128xi32, #tpu.memory_space<vmem>>
    %dma_wait3A_1098 = tpu.memref_squeeze %dma_wait3A_1097 : memref<1x8x128xi32, #tpu.memory_space<vmem>> -> memref<8x128xi32, #tpu.memory_space<vmem>>
    %dma_wait3A_1099 = arith.constant 0 : i32
    %dma_wait3A_1100 = tpu.memref_slice %dma_wait3A_1098[%dma_wait3A_1086, %dma_wait3A_1099] : memref<8x128xi32, #tpu.memory_space<vmem>> -> memref<1x128xi32, #tpu.memory_space<vmem>>
    %dma_wait3A_1101 = tpu.memref_squeeze %dma_wait3A_1100 : memref<1x128xi32, #tpu.memory_space<vmem>> -> memref<128xi32, #tpu.memory_space<vmem>>
    %dma_wait3A_1102 = arith.constant 0 : i32
    %dma_wait3A_1103 = arith.constant 0 : i32
    %dma_wait3A_1104 = tpu.memref_slice %arg3[%dma_wait3A_1102, %dma_wait3A_1103] : memref<3200x32xf32, #tpu.memory_space<hbm>> -> memref<3200x32xf32, #tpu.memory_space<hbm>>
    tpu.wait_indirect_dma semaphore(%arg9 : memref<!tpu.dma_semaphore, #tpu.memory_space<semaphore_mem>>) src(%dma_wait3A_1104 : memref<3200x32xf32, #tpu.memory_space<hbm>>) dst(%dma_wait3A_1094 : memref<128x32xf32, #tpu.memory_space<vmem>>)
    %add3A_1105 = arith.constant 2048 : i32
    %add3A_1106 = arith.addi %mul3A_4, %add3A_1105 : i32
    %dma_start3A_1107 = arith.constant 0 : i32
    %dma_start3A_1108 = arith.constant 0 : i32
    %dma_start3A_1109 = arith.constant 0 : i32
    %dma_start3A_1110 = tpu.memref_slice %arg6[%dma_start3A_1107, %dma_start3A_1108, %dma_start3A_1109] : memref<2x1024x32xf32, #tpu.memory_space<vmem>> -> memref<1x1024x32xf32, #tpu.memory_space<vmem>>
    %dma_start3A_1111 = tpu.memref_squeeze %dma_start3A_1110 : memref<1x1024x32xf32, #tpu.memory_space<vmem>> -> memref<1024x32xf32, #tpu.memory_space<vmem>>
    %dma_start3A_1112 = arith.constant 0 : i32
    %dma_start3A_1113 = tpu.memref_slice %arg4[%add3A_1106, %dma_start3A_1112] : memref<262144x32xf32, #tpu.memory_space<hbm>> -> memref<1024x32xf32, #tpu.memory_space<hbm>>
    %dma_start3A_1114 = arith.constant 0 : i32
    %dma_start3A_1115 = tpu.memref_slice %arg4[%add3A_1106, %dma_start3A_1114] : memref<262144x32xf32, #tpu.memory_space<hbm>> -> memref<1024x32xf32, #tpu.memory_space<hbm>>
    %dma_start3A_1116 = arith.constant 0 : i32
    %dma_start3A_1117 = arith.constant 0 : i32
    %dma_start3A_1118 = tpu.memref_slice %arg6[%dma_start3A_1107, %dma_start3A_1116, %dma_start3A_1117] : memref<2x1024x32xf32, #tpu.memory_space<vmem>> -> memref<1x1024x32xf32, #tpu.memory_space<vmem>>
    %dma_start3A_1119 = tpu.memref_squeeze %dma_start3A_1118 : memref<1x1024x32xf32, #tpu.memory_space<vmem>> -> memref<1024x32xf32, #tpu.memory_space<vmem>>
    tpu.enqueue_dma source(%dma_start3A_1119 : memref<1024x32xf32, #tpu.memory_space<vmem>>) target(%dma_start3A_1115 : memref<1024x32xf32, #tpu.memory_space<hbm>>) target_semaphore(%arg11 : memref<!tpu.dma_semaphore, #tpu.memory_space<semaphore_mem>>)
    %add3A_1120 = arith.constant 32 : i32
    %add3A_1121 = arith.addi %mul3A_2, %add3A_1120 : i32
    %dma_start3A_1122 = arith.constant 0 : i32
    %dma_start3A_1123 = arith.constant 0 : i32
    %dma_start3A_1124 = arith.constant 0 : i32
    %dma_start3A_1125 = tpu.memref_slice %arg5[%dma_start3A_1122, %dma_start3A_1123, %dma_start3A_1124] : memref<2x8x128xi32, #tpu.memory_space<vmem>> -> memref<1x8x128xi32, #tpu.memory_space<vmem>>
    %dma_start3A_1126 = tpu.memref_squeeze %dma_start3A_1125 : memref<1x8x128xi32, #tpu.memory_space<vmem>> -> memref<8x128xi32, #tpu.memory_space<vmem>>
    %dma_start3A_1127 = arith.constant 0 : i32
    %dma_start3A_1128 = tpu.memref_slice %arg2[%add3A_1121, %dma_start3A_1127] : memref<2048x128xi32, #tpu.memory_space<hbm>> -> memref<8x128xi32, #tpu.memory_space<hbm>>
    %dma_start3A_1129 = arith.constant 0 : i32
    %dma_start3A_1130 = arith.constant 0 : i32
    %dma_start3A_1131 = tpu.memref_slice %arg5[%dma_start3A_1122, %dma_start3A_1129, %dma_start3A_1130] : memref<2x8x128xi32, #tpu.memory_space<vmem>> -> memref<1x8x128xi32, #tpu.memory_space<vmem>>
    %dma_start3A_1132 = tpu.memref_squeeze %dma_start3A_1131 : memref<1x8x128xi32, #tpu.memory_space<vmem>> -> memref<8x128xi32, #tpu.memory_space<vmem>>
    %dma_start3A_1133 = arith.constant 0 : i32
    %dma_start3A_1134 = tpu.memref_slice %arg2[%add3A_1121, %dma_start3A_1133] : memref<2048x128xi32, #tpu.memory_space<hbm>> -> memref<8x128xi32, #tpu.memory_space<hbm>>
    tpu.enqueue_dma source(%dma_start3A_1134 : memref<8x128xi32, #tpu.memory_space<hbm>>) target(%dma_start3A_1132 : memref<8x128xi32, #tpu.memory_space<vmem>>) target_semaphore(%arg7 : memref<!tpu.dma_semaphore, #tpu.memory_space<semaphore_mem>>)
    %dma_wait3A_1135 = arith.constant 1 : i32
    %dma_wait3A_1136 = arith.constant 0 : i32
    %dma_wait3A_1137 = arith.constant 0 : i32
    %dma_wait3A_1138 = tpu.memref_slice %arg5[%dma_wait3A_1135, %dma_wait3A_1136, %dma_wait3A_1137] : memref<2x8x128xi32, #tpu.memory_space<vmem>> -> memref<1x8x128xi32, #tpu.memory_space<vmem>>
    %dma_wait3A_1139 = tpu.memref_squeeze %dma_wait3A_1138 : memref<1x8x128xi32, #tpu.memory_space<vmem>> -> memref<8x128xi32, #tpu.memory_space<vmem>>
    %dma_wait3A_1140 = arith.constant 0 : i32
    %dma_wait3A_1141 = tpu.memref_slice %arg2[%add3A_745, %dma_wait3A_1140] : memref<2048x128xi32, #tpu.memory_space<hbm>> -> memref<8x128xi32, #tpu.memory_space<hbm>>
    %dma_wait3A_1142 = arith.constant 0 : i32
    %dma_wait3A_1143 = arith.constant 0 : i32
    %dma_wait3A_1144 = tpu.memref_slice %arg5[%dma_wait3A_1135, %dma_wait3A_1142, %dma_wait3A_1143] : memref<2x8x128xi32, #tpu.memory_space<vmem>> -> memref<1x8x128xi32, #tpu.memory_space<vmem>>
    %dma_wait3A_1145 = tpu.memref_squeeze %dma_wait3A_1144 : memref<1x8x128xi32, #tpu.memory_space<vmem>> -> memref<8x128xi32, #tpu.memory_space<vmem>>
    %dma_wait3A_1146 = arith.constant 0 : i32
    %dma_wait3A_1147 = tpu.memref_slice %arg2[%add3A_745, %dma_wait3A_1146] : memref<2048x128xi32, #tpu.memory_space<hbm>> -> memref<8x128xi32, #tpu.memory_space<hbm>>
    tpu.wait_dma2 semaphore(%arg8 : memref<!tpu.dma_semaphore, #tpu.memory_space<semaphore_mem>>) src(%dma_wait3A_1147 : memref<8x128xi32, #tpu.memory_space<hbm>>) dst(%dma_wait3A_1145 : memref<8x128xi32, #tpu.memory_space<vmem>>)
    %dma_wait3A_1148 = arith.constant 1 : i32
    %dma_wait3A_1149 = arith.constant 0 : i32
    %dma_wait3A_1150 = arith.constant 0 : i32
    %dma_wait3A_1151 = tpu.memref_slice %arg6[%dma_wait3A_1148, %dma_wait3A_1149, %dma_wait3A_1150] : memref<2x1024x32xf32, #tpu.memory_space<vmem>> -> memref<1x1024x32xf32, #tpu.memory_space<vmem>>
    %dma_wait3A_1152 = tpu.memref_squeeze %dma_wait3A_1151 : memref<1x1024x32xf32, #tpu.memory_space<vmem>> -> memref<1024x32xf32, #tpu.memory_space<vmem>>
    %dma_wait3A_1153 = arith.constant 0 : i32
    %dma_wait3A_1154 = tpu.memref_slice %arg4[%add3A_730, %dma_wait3A_1153] : memref<262144x32xf32, #tpu.memory_space<hbm>> -> memref<1024x32xf32, #tpu.memory_space<hbm>>
    %dma_wait3A_1155 = arith.constant 0 : i32
    %dma_wait3A_1156 = tpu.memref_slice %arg4[%add3A_730, %dma_wait3A_1155] : memref<262144x32xf32, #tpu.memory_space<hbm>> -> memref<1024x32xf32, #tpu.memory_space<hbm>>
    %dma_wait3A_1157 = arith.constant 0 : i32
    %dma_wait3A_1158 = arith.constant 0 : i32
    %dma_wait3A_1159 = tpu.memref_slice %arg6[%dma_wait3A_1148, %dma_wait3A_1157, %dma_wait3A_1158] : memref<2x1024x32xf32, #tpu.memory_space<vmem>> -> memref<1x1024x32xf32, #tpu.memory_space<vmem>>
    %dma_wait3A_1160 = tpu.memref_squeeze %dma_wait3A_1159 : memref<1x1024x32xf32, #tpu.memory_space<vmem>> -> memref<1024x32xf32, #tpu.memory_space<vmem>>
    tpu.wait_dma2 semaphore(%arg12 : memref<!tpu.dma_semaphore, #tpu.memory_space<semaphore_mem>>) src(%dma_wait3A_1160 : memref<1024x32xf32, #tpu.memory_space<vmem>>) dst(%dma_wait3A_1156 : memref<1024x32xf32, #tpu.memory_space<hbm>>)
    %dma_start3A_1161 = arith.constant 1 : i32
    %dma_start3A_1162 = arith.constant 0 : i32
    %dma_start3A_1163 = arith.constant 1 : i32
    %dma_start3A_1164 = arith.constant 0 : i32
    %dma_start3A_1165 = arith.constant 0 : i32
    %dma_start3A_1166 = tpu.memref_slice %arg6[%dma_start3A_1163, %dma_start3A_1164, %dma_start3A_1165] : memref<2x1024x32xf32, #tpu.memory_space<vmem>> -> memref<1x1024x32xf32, #tpu.memory_space<vmem>>
    %dma_start3A_1167 = tpu.memref_squeeze %dma_start3A_1166 : memref<1x1024x32xf32, #tpu.memory_space<vmem>> -> memref<1024x32xf32, #tpu.memory_space<vmem>>
    %dma_start3A_1168 = arith.constant 0 : i32
    %dma_start3A_1169 = arith.constant 0 : i32
    %dma_start3A_1170 = tpu.memref_slice %dma_start3A_1167[%dma_start3A_1168, %dma_start3A_1169] : memref<1024x32xf32, #tpu.memory_space<vmem>> -> memref<128x32xf32, #tpu.memory_space<vmem>>
    %dma_start3A_1171 = arith.constant 0 : i32
    %dma_start3A_1172 = arith.constant 0 : i32
    %dma_start3A_1173 = tpu.memref_slice %arg5[%dma_start3A_1161, %dma_start3A_1171, %dma_start3A_1172] : memref<2x8x128xi32, #tpu.memory_space<vmem>> -> memref<1x8x128xi32, #tpu.memory_space<vmem>>
    %dma_start3A_1174 = tpu.memref_squeeze %dma_start3A_1173 : memref<1x8x128xi32, #tpu.memory_space<vmem>> -> memref<8x128xi32, #tpu.memory_space<vmem>>
    %dma_start3A_1175 = arith.constant 0 : i32
    %dma_start3A_1176 = tpu.memref_slice %dma_start3A_1174[%dma_start3A_1162, %dma_start3A_1175] : memref<8x128xi32, #tpu.memory_space<vmem>> -> memref<1x128xi32, #tpu.memory_space<vmem>>
    %dma_start3A_1177 = tpu.memref_squeeze %dma_start3A_1176 : memref<1x128xi32, #tpu.memory_space<vmem>> -> memref<128xi32, #tpu.memory_space<vmem>>
    %dma_start3A_1178 = arith.constant 0 : i32
    %dma_start3A_1179 = arith.constant 0 : i32
    %dma_start3A_1180 = tpu.memref_slice %arg3[%dma_start3A_1178, %dma_start3A_1179] : memref<3200x32xf32, #tpu.memory_space<hbm>> -> memref<3200x32xf32, #tpu.memory_space<hbm>>
    tpu.enqueue_indirect_dma source(%dma_start3A_1180 : memref<3200x32xf32, #tpu.memory_space<hbm>>) target(%dma_start3A_1170 : memref<128x32xf32, #tpu.memory_space<vmem>>) offsets(%dma_start3A_1177 : memref<128xi32, #tpu.memory_space<vmem>>) semaphore(%arg10 : memref<!tpu.dma_semaphore, #tpu.memory_space<semaphore_mem>>)
    %dma_start3A_1181 = arith.constant 1 : i32
    %dma_start3A_1182 = arith.constant 1 : i32
    %dma_start3A_1183 = arith.constant 1 : i32
    %dma_start3A_1184 = arith.constant 0 : i32
    %dma_start3A_1185 = arith.constant 0 : i32
    %dma_start3A_1186 = tpu.memref_slice %arg6[%dma_start3A_1183, %dma_start3A_1184, %dma_start3A_1185] : memref<2x1024x32xf32, #tpu.memory_space<vmem>> -> memref<1x1024x32xf32, #tpu.memory_space<vmem>>
    %dma_start3A_1187 = tpu.memref_squeeze %dma_start3A_1186 : memref<1x1024x32xf32, #tpu.memory_space<vmem>> -> memref<1024x32xf32, #tpu.memory_space<vmem>>
    %dma_start3A_1188 = arith.constant 128 : i32
    %dma_start3A_1189 = arith.constant 0 : i32
    %dma_start3A_1190 = tpu.memref_slice %dma_start3A_1187[%dma_start3A_1188, %dma_start3A_1189] : memref<1024x32xf32, #tpu.memory_space<vmem>> -> memref<128x32xf32, #tpu.memory_space<vmem>>
    %dma_start3A_1191 = arith.constant 0 : i32
    %dma_start3A_1192 = arith.constant 0 : i32
    %dma_start3A_1193 = tpu.memref_slice %arg5[%dma_start3A_1181, %dma_start3A_1191, %dma_start3A_1192] : memref<2x8x128xi32, #tpu.memory_space<vmem>> -> memref<1x8x128xi32, #tpu.memory_space<vmem>>
    %dma_start3A_1194 = tpu.memref_squeeze %dma_start3A_1193 : memref<1x8x128xi32, #tpu.memory_space<vmem>> -> memref<8x128xi32, #tpu.memory_space<vmem>>
    %dma_start3A_1195 = arith.constant 0 : i32
    %dma_start3A_1196 = tpu.memref_slice %dma_start3A_1194[%dma_start3A_1182, %dma_start3A_1195] : memref<8x128xi32, #tpu.memory_space<vmem>> -> memref<1x128xi32, #tpu.memory_space<vmem>>
    %dma_start3A_1197 = tpu.memref_squeeze %dma_start3A_1196 : memref<1x128xi32, #tpu.memory_space<vmem>> -> memref<128xi32, #tpu.memory_space<vmem>>
    %dma_start3A_1198 = arith.constant 0 : i32
    %dma_start3A_1199 = arith.constant 0 : i32
    %dma_start3A_1200 = tpu.memref_slice %arg3[%dma_start3A_1198, %dma_start3A_1199] : memref<3200x32xf32, #tpu.memory_space<hbm>> -> memref<3200x32xf32, #tpu.memory_space<hbm>>
    tpu.enqueue_indirect_dma source(%dma_start3A_1200 : memref<3200x32xf32, #tpu.memory_space<hbm>>) target(%dma_start3A_1190 : memref<128x32xf32, #tpu.memory_space<vmem>>) offsets(%dma_start3A_1197 : memref<128xi32, #tpu.memory_space<vmem>>) semaphore(%arg10 : memref<!tpu.dma_semaphore, #tpu.memory_space<semaphore_mem>>)
    %dma_start3A_1201 = arith.constant 1 : i32
    %dma_start3A_1202 = arith.constant 2 : i32
    %dma_start3A_1203 = arith.constant 1 : i32
    %dma_start3A_1204 = arith.constant 0 : i32
    %dma_start3A_1205 = arith.constant 0 : i32
    %dma_start3A_1206 = tpu.memref_slice %arg6[%dma_start3A_1203, %dma_start3A_1204, %dma_start3A_1205] : memref<2x1024x32xf32, #tpu.memory_space<vmem>> -> memref<1x1024x32xf32, #tpu.memory_space<vmem>>
    %dma_start3A_1207 = tpu.memref_squeeze %dma_start3A_1206 : memref<1x1024x32xf32, #tpu.memory_space<vmem>> -> memref<1024x32xf32, #tpu.memory_space<vmem>>
    %dma_start3A_1208 = arith.constant 256 : i32
    %dma_start3A_1209 = arith.constant 0 : i32
    %dma_start3A_1210 = tpu.memref_slice %dma_start3A_1207[%dma_start3A_1208, %dma_start3A_1209] : memref<1024x32xf32, #tpu.memory_space<vmem>> -> memref<128x32xf32, #tpu.memory_space<vmem>>
    %dma_start3A_1211 = arith.constant 0 : i32
    %dma_start3A_1212 = arith.constant 0 : i32
    %dma_start3A_1213 = tpu.memref_slice %arg5[%dma_start3A_1201, %dma_start3A_1211, %dma_start3A_1212] : memref<2x8x128xi32, #tpu.memory_space<vmem>> -> memref<1x8x128xi32, #tpu.memory_space<vmem>>
    %dma_start3A_1214 = tpu.memref_squeeze %dma_start3A_1213 : memref<1x8x128xi32, #tpu.memory_space<vmem>> -> memref<8x128xi32, #tpu.memory_space<vmem>>
    %dma_start3A_1215 = arith.constant 0 : i32
    %dma_start3A_1216 = tpu.memref_slice %dma_start3A_1214[%dma_start3A_1202, %dma_start3A_1215] : memref<8x128xi32, #tpu.memory_space<vmem>> -> memref<1x128xi32, #tpu.memory_space<vmem>>
    %dma_start3A_1217 = tpu.memref_squeeze %dma_start3A_1216 : memref<1x128xi32, #tpu.memory_space<vmem>> -> memref<128xi32, #tpu.memory_space<vmem>>
    %dma_start3A_1218 = arith.constant 0 : i32
    %dma_start3A_1219 = arith.constant 0 : i32
    %dma_start3A_1220 = tpu.memref_slice %arg3[%dma_start3A_1218, %dma_start3A_1219] : memref<3200x32xf32, #tpu.memory_space<hbm>> -> memref<3200x32xf32, #tpu.memory_space<hbm>>
    tpu.enqueue_indirect_dma source(%dma_start3A_1220 : memref<3200x32xf32, #tpu.memory_space<hbm>>) target(%dma_start3A_1210 : memref<128x32xf32, #tpu.memory_space<vmem>>) offsets(%dma_start3A_1217 : memref<128xi32, #tpu.memory_space<vmem>>) semaphore(%arg10 : memref<!tpu.dma_semaphore, #tpu.memory_space<semaphore_mem>>)
    %dma_start3A_1221 = arith.constant 1 : i32
    %dma_start3A_1222 = arith.constant 3 : i32
    %dma_start3A_1223 = arith.constant 1 : i32
    %dma_start3A_1224 = arith.constant 0 : i32
    %dma_start3A_1225 = arith.constant 0 : i32
    %dma_start3A_1226 = tpu.memref_slice %arg6[%dma_start3A_1223, %dma_start3A_1224, %dma_start3A_1225] : memref<2x1024x32xf32, #tpu.memory_space<vmem>> -> memref<1x1024x32xf32, #tpu.memory_space<vmem>>
    %dma_start3A_1227 = tpu.memref_squeeze %dma_start3A_1226 : memref<1x1024x32xf32, #tpu.memory_space<vmem>> -> memref<1024x32xf32, #tpu.memory_space<vmem>>
    %dma_start3A_1228 = arith.constant 384 : i32
    %dma_start3A_1229 = arith.constant 0 : i32
    %dma_start3A_1230 = tpu.memref_slice %dma_start3A_1227[%dma_start3A_1228, %dma_start3A_1229] : memref<1024x32xf32, #tpu.memory_space<vmem>> -> memref<128x32xf32, #tpu.memory_space<vmem>>
    %dma_start3A_1231 = arith.constant 0 : i32
    %dma_start3A_1232 = arith.constant 0 : i32
    %dma_start3A_1233 = tpu.memref_slice %arg5[%dma_start3A_1221, %dma_start3A_1231, %dma_start3A_1232] : memref<2x8x128xi32, #tpu.memory_space<vmem>> -> memref<1x8x128xi32, #tpu.memory_space<vmem>>
    %dma_start3A_1234 = tpu.memref_squeeze %dma_start3A_1233 : memref<1x8x128xi32, #tpu.memory_space<vmem>> -> memref<8x128xi32, #tpu.memory_space<vmem>>
    %dma_start3A_1235 = arith.constant 0 : i32
    %dma_start3A_1236 = tpu.memref_slice %dma_start3A_1234[%dma_start3A_1222, %dma_start3A_1235] : memref<8x128xi32, #tpu.memory_space<vmem>> -> memref<1x128xi32, #tpu.memory_space<vmem>>
    %dma_start3A_1237 = tpu.memref_squeeze %dma_start3A_1236 : memref<1x128xi32, #tpu.memory_space<vmem>> -> memref<128xi32, #tpu.memory_space<vmem>>
    %dma_start3A_1238 = arith.constant 0 : i32
    %dma_start3A_1239 = arith.constant 0 : i32
    %dma_start3A_1240 = tpu.memref_slice %arg3[%dma_start3A_1238, %dma_start3A_1239] : memref<3200x32xf32, #tpu.memory_space<hbm>> -> memref<3200x32xf32, #tpu.memory_space<hbm>>
    tpu.enqueue_indirect_dma source(%dma_start3A_1240 : memref<3200x32xf32, #tpu.memory_space<hbm>>) target(%dma_start3A_1230 : memref<128x32xf32, #tpu.memory_space<vmem>>) offsets(%dma_start3A_1237 : memref<128xi32, #tpu.memory_space<vmem>>) semaphore(%arg10 : memref<!tpu.dma_semaphore, #tpu.memory_space<semaphore_mem>>)
    %dma_start3A_1241 = arith.constant 1 : i32
    %dma_start3A_1242 = arith.constant 4 : i32
    %dma_start3A_1243 = arith.constant 1 : i32
    %dma_start3A_1244 = arith.constant 0 : i32
    %dma_start3A_1245 = arith.constant 0 : i32
    %dma_start3A_1246 = tpu.memref_slice %arg6[%dma_start3A_1243, %dma_start3A_1244, %dma_start3A_1245] : memref<2x1024x32xf32, #tpu.memory_space<vmem>> -> memref<1x1024x32xf32, #tpu.memory_space<vmem>>
    %dma_start3A_1247 = tpu.memref_squeeze %dma_start3A_1246 : memref<1x1024x32xf32, #tpu.memory_space<vmem>> -> memref<1024x32xf32, #tpu.memory_space<vmem>>
    %dma_start3A_1248 = arith.constant 512 : i32
    %dma_start3A_1249 = arith.constant 0 : i32
    %dma_start3A_1250 = tpu.memref_slice %dma_start3A_1247[%dma_start3A_1248, %dma_start3A_1249] : memref<1024x32xf32, #tpu.memory_space<vmem>> -> memref<128x32xf32, #tpu.memory_space<vmem>>
    %dma_start3A_1251 = arith.constant 0 : i32
    %dma_start3A_1252 = arith.constant 0 : i32
    %dma_start3A_1253 = tpu.memref_slice %arg5[%dma_start3A_1241, %dma_start3A_1251, %dma_start3A_1252] : memref<2x8x128xi32, #tpu.memory_space<vmem>> -> memref<1x8x128xi32, #tpu.memory_space<vmem>>
    %dma_start3A_1254 = tpu.memref_squeeze %dma_start3A_1253 : memref<1x8x128xi32, #tpu.memory_space<vmem>> -> memref<8x128xi32, #tpu.memory_space<vmem>>
    %dma_start3A_1255 = arith.constant 0 : i32
    %dma_start3A_1256 = tpu.memref_slice %dma_start3A_1254[%dma_start3A_1242, %dma_start3A_1255] : memref<8x128xi32, #tpu.memory_space<vmem>> -> memref<1x128xi32, #tpu.memory_space<vmem>>
    %dma_start3A_1257 = tpu.memref_squeeze %dma_start3A_1256 : memref<1x128xi32, #tpu.memory_space<vmem>> -> memref<128xi32, #tpu.memory_space<vmem>>
    %dma_start3A_1258 = arith.constant 0 : i32
    %dma_start3A_1259 = arith.constant 0 : i32
    %dma_start3A_1260 = tpu.memref_slice %arg3[%dma_start3A_1258, %dma_start3A_1259] : memref<3200x32xf32, #tpu.memory_space<hbm>> -> memref<3200x32xf32, #tpu.memory_space<hbm>>
    tpu.enqueue_indirect_dma source(%dma_start3A_1260 : memref<3200x32xf32, #tpu.memory_space<hbm>>) target(%dma_start3A_1250 : memref<128x32xf32, #tpu.memory_space<vmem>>) offsets(%dma_start3A_1257 : memref<128xi32, #tpu.memory_space<vmem>>) semaphore(%arg10 : memref<!tpu.dma_semaphore, #tpu.memory_space<semaphore_mem>>)
    %dma_start3A_1261 = arith.constant 1 : i32
    %dma_start3A_1262 = arith.constant 5 : i32
    %dma_start3A_1263 = arith.constant 1 : i32
    %dma_start3A_1264 = arith.constant 0 : i32
    %dma_start3A_1265 = arith.constant 0 : i32
    %dma_start3A_1266 = tpu.memref_slice %arg6[%dma_start3A_1263, %dma_start3A_1264, %dma_start3A_1265] : memref<2x1024x32xf32, #tpu.memory_space<vmem>> -> memref<1x1024x32xf32, #tpu.memory_space<vmem>>
    %dma_start3A_1267 = tpu.memref_squeeze %dma_start3A_1266 : memref<1x1024x32xf32, #tpu.memory_space<vmem>> -> memref<1024x32xf32, #tpu.memory_space<vmem>>
    %dma_start3A_1268 = arith.constant 640 : i32
    %dma_start3A_1269 = arith.constant 0 : i32
    %dma_start3A_1270 = tpu.memref_slice %dma_start3A_1267[%dma_start3A_1268, %dma_start3A_1269] : memref<1024x32xf32, #tpu.memory_space<vmem>> -> memref<128x32xf32, #tpu.memory_space<vmem>>
    %dma_start3A_1271 = arith.constant 0 : i32
    %dma_start3A_1272 = arith.constant 0 : i32
    %dma_start3A_1273 = tpu.memref_slice %arg5[%dma_start3A_1261, %dma_start3A_1271, %dma_start3A_1272] : memref<2x8x128xi32, #tpu.memory_space<vmem>> -> memref<1x8x128xi32, #tpu.memory_space<vmem>>
    %dma_start3A_1274 = tpu.memref_squeeze %dma_start3A_1273 : memref<1x8x128xi32, #tpu.memory_space<vmem>> -> memref<8x128xi32, #tpu.memory_space<vmem>>
    %dma_start3A_1275 = arith.constant 0 : i32
    %dma_start3A_1276 = tpu.memref_slice %dma_start3A_1274[%dma_start3A_1262, %dma_start3A_1275] : memref<8x128xi32, #tpu.memory_space<vmem>> -> memref<1x128xi32, #tpu.memory_space<vmem>>
    %dma_start3A_1277 = tpu.memref_squeeze %dma_start3A_1276 : memref<1x128xi32, #tpu.memory_space<vmem>> -> memref<128xi32, #tpu.memory_space<vmem>>
    %dma_start3A_1278 = arith.constant 0 : i32
    %dma_start3A_1279 = arith.constant 0 : i32
    %dma_start3A_1280 = tpu.memref_slice %arg3[%dma_start3A_1278, %dma_start3A_1279] : memref<3200x32xf32, #tpu.memory_space<hbm>> -> memref<3200x32xf32, #tpu.memory_space<hbm>>
    tpu.enqueue_indirect_dma source(%dma_start3A_1280 : memref<3200x32xf32, #tpu.memory_space<hbm>>) target(%dma_start3A_1270 : memref<128x32xf32, #tpu.memory_space<vmem>>) offsets(%dma_start3A_1277 : memref<128xi32, #tpu.memory_space<vmem>>) semaphore(%arg10 : memref<!tpu.dma_semaphore, #tpu.memory_space<semaphore_mem>>)
    %dma_start3A_1281 = arith.constant 1 : i32
    %dma_start3A_1282 = arith.constant 6 : i32
    %dma_start3A_1283 = arith.constant 1 : i32
    %dma_start3A_1284 = arith.constant 0 : i32
    %dma_start3A_1285 = arith.constant 0 : i32
    %dma_start3A_1286 = tpu.memref_slice %arg6[%dma_start3A_1283, %dma_start3A_1284, %dma_start3A_1285] : memref<2x1024x32xf32, #tpu.memory_space<vmem>> -> memref<1x1024x32xf32, #tpu.memory_space<vmem>>
    %dma_start3A_1287 = tpu.memref_squeeze %dma_start3A_1286 : memref<1x1024x32xf32, #tpu.memory_space<vmem>> -> memref<1024x32xf32, #tpu.memory_space<vmem>>
    %dma_start3A_1288 = arith.constant 768 : i32
    %dma_start3A_1289 = arith.constant 0 : i32
    %dma_start3A_1290 = tpu.memref_slice %dma_start3A_1287[%dma_start3A_1288, %dma_start3A_1289] : memref<1024x32xf32, #tpu.memory_space<vmem>> -> memref<128x32xf32, #tpu.memory_space<vmem>>
    %dma_start3A_1291 = arith.constant 0 : i32
    %dma_start3A_1292 = arith.constant 0 : i32
    %dma_start3A_1293 = tpu.memref_slice %arg5[%dma_start3A_1281, %dma_start3A_1291, %dma_start3A_1292] : memref<2x8x128xi32, #tpu.memory_space<vmem>> -> memref<1x8x128xi32, #tpu.memory_space<vmem>>
    %dma_start3A_1294 = tpu.memref_squeeze %dma_start3A_1293 : memref<1x8x128xi32, #tpu.memory_space<vmem>> -> memref<8x128xi32, #tpu.memory_space<vmem>>
    %dma_start3A_1295 = arith.constant 0 : i32
    %dma_start3A_1296 = tpu.memref_slice %dma_start3A_1294[%dma_start3A_1282, %dma_start3A_1295] : memref<8x128xi32, #tpu.memory_space<vmem>> -> memref<1x128xi32, #tpu.memory_space<vmem>>
    %dma_start3A_1297 = tpu.memref_squeeze %dma_start3A_1296 : memref<1x128xi32, #tpu.memory_space<vmem>> -> memref<128xi32, #tpu.memory_space<vmem>>
    %dma_start3A_1298 = arith.constant 0 : i32
    %dma_start3A_1299 = arith.constant 0 : i32
    %dma_start3A_1300 = tpu.memref_slice %arg3[%dma_start3A_1298, %dma_start3A_1299] : memref<3200x32xf32, #tpu.memory_space<hbm>> -> memref<3200x32xf32, #tpu.memory_space<hbm>>
    tpu.enqueue_indirect_dma source(%dma_start3A_1300 : memref<3200x32xf32, #tpu.memory_space<hbm>>) target(%dma_start3A_1290 : memref<128x32xf32, #tpu.memory_space<vmem>>) offsets(%dma_start3A_1297 : memref<128xi32, #tpu.memory_space<vmem>>) semaphore(%arg10 : memref<!tpu.dma_semaphore, #tpu.memory_space<semaphore_mem>>)
    %dma_start3A_1301 = arith.constant 1 : i32
    %dma_start3A_1302 = arith.constant 7 : i32
    %dma_start3A_1303 = arith.constant 1 : i32
    %dma_start3A_1304 = arith.constant 0 : i32
    %dma_start3A_1305 = arith.constant 0 : i32
    %dma_start3A_1306 = tpu.memref_slice %arg6[%dma_start3A_1303, %dma_start3A_1304, %dma_start3A_1305] : memref<2x1024x32xf32, #tpu.memory_space<vmem>> -> memref<1x1024x32xf32, #tpu.memory_space<vmem>>
    %dma_start3A_1307 = tpu.memref_squeeze %dma_start3A_1306 : memref<1x1024x32xf32, #tpu.memory_space<vmem>> -> memref<1024x32xf32, #tpu.memory_space<vmem>>
    %dma_start3A_1308 = arith.constant 896 : i32
    %dma_start3A_1309 = arith.constant 0 : i32
    %dma_start3A_1310 = tpu.memref_slice %dma_start3A_1307[%dma_start3A_1308, %dma_start3A_1309] : memref<1024x32xf32, #tpu.memory_space<vmem>> -> memref<128x32xf32, #tpu.memory_space<vmem>>
    %dma_start3A_1311 = arith.constant 0 : i32
    %dma_start3A_1312 = arith.constant 0 : i32
    %dma_start3A_1313 = tpu.memref_slice %arg5[%dma_start3A_1301, %dma_start3A_1311, %dma_start3A_1312] : memref<2x8x128xi32, #tpu.memory_space<vmem>> -> memref<1x8x128xi32, #tpu.memory_space<vmem>>
    %dma_start3A_1314 = tpu.memref_squeeze %dma_start3A_1313 : memref<1x8x128xi32, #tpu.memory_space<vmem>> -> memref<8x128xi32, #tpu.memory_space<vmem>>
    %dma_start3A_1315 = arith.constant 0 : i32
    %dma_start3A_1316 = tpu.memref_slice %dma_start3A_1314[%dma_start3A_1302, %dma_start3A_1315] : memref<8x128xi32, #tpu.memory_space<vmem>> -> memref<1x128xi32, #tpu.memory_space<vmem>>
    %dma_start3A_1317 = tpu.memref_squeeze %dma_start3A_1316 : memref<1x128xi32, #tpu.memory_space<vmem>> -> memref<128xi32, #tpu.memory_space<vmem>>
    %dma_start3A_1318 = arith.constant 0 : i32
    %dma_start3A_1319 = arith.constant 0 : i32
    %dma_start3A_1320 = tpu.memref_slice %arg3[%dma_start3A_1318, %dma_start3A_1319] : memref<3200x32xf32, #tpu.memory_space<hbm>> -> memref<3200x32xf32, #tpu.memory_space<hbm>>
    tpu.enqueue_indirect_dma source(%dma_start3A_1320 : memref<3200x32xf32, #tpu.memory_space<hbm>>) target(%dma_start3A_1310 : memref<128x32xf32, #tpu.memory_space<vmem>>) offsets(%dma_start3A_1317 : memref<128xi32, #tpu.memory_space<vmem>>) semaphore(%arg10 : memref<!tpu.dma_semaphore, #tpu.memory_space<semaphore_mem>>)
    %dma_wait3A_1321 = arith.constant 1 : i32
    %dma_wait3A_1322 = arith.constant 0 : i32
    %dma_wait3A_1323 = arith.constant 1 : i32
    %dma_wait3A_1324 = arith.constant 0 : i32
    %dma_wait3A_1325 = arith.constant 0 : i32
    %dma_wait3A_1326 = tpu.memref_slice %arg6[%dma_wait3A_1323, %dma_wait3A_1324, %dma_wait3A_1325] : memref<2x1024x32xf32, #tpu.memory_space<vmem>> -> memref<1x1024x32xf32, #tpu.memory_space<vmem>>
    %dma_wait3A_1327 = tpu.memref_squeeze %dma_wait3A_1326 : memref<1x1024x32xf32, #tpu.memory_space<vmem>> -> memref<1024x32xf32, #tpu.memory_space<vmem>>
    %dma_wait3A_1328 = arith.constant 0 : i32
    %dma_wait3A_1329 = arith.constant 0 : i32
    %dma_wait3A_1330 = tpu.memref_slice %dma_wait3A_1327[%dma_wait3A_1328, %dma_wait3A_1329] : memref<1024x32xf32, #tpu.memory_space<vmem>> -> memref<128x32xf32, #tpu.memory_space<vmem>>
    %dma_wait3A_1331 = arith.constant 0 : i32
    %dma_wait3A_1332 = arith.constant 0 : i32
    %dma_wait3A_1333 = tpu.memref_slice %arg5[%dma_wait3A_1321, %dma_wait3A_1331, %dma_wait3A_1332] : memref<2x8x128xi32, #tpu.memory_space<vmem>> -> memref<1x8x128xi32, #tpu.memory_space<vmem>>
    %dma_wait3A_1334 = tpu.memref_squeeze %dma_wait3A_1333 : memref<1x8x128xi32, #tpu.memory_space<vmem>> -> memref<8x128xi32, #tpu.memory_space<vmem>>
    %dma_wait3A_1335 = arith.constant 0 : i32
    %dma_wait3A_1336 = tpu.memref_slice %dma_wait3A_1334[%dma_wait3A_1322, %dma_wait3A_1335] : memref<8x128xi32, #tpu.memory_space<vmem>> -> memref<1x128xi32, #tpu.memory_space<vmem>>
    %dma_wait3A_1337 = tpu.memref_squeeze %dma_wait3A_1336 : memref<1x128xi32, #tpu.memory_space<vmem>> -> memref<128xi32, #tpu.memory_space<vmem>>
    %dma_wait3A_1338 = arith.constant 0 : i32
    %dma_wait3A_1339 = arith.constant 0 : i32
    %dma_wait3A_1340 = tpu.memref_slice %arg3[%dma_wait3A_1338, %dma_wait3A_1339] : memref<3200x32xf32, #tpu.memory_space<hbm>> -> memref<3200x32xf32, #tpu.memory_space<hbm>>
    tpu.wait_indirect_dma semaphore(%arg10 : memref<!tpu.dma_semaphore, #tpu.memory_space<semaphore_mem>>) src(%dma_wait3A_1340 : memref<3200x32xf32, #tpu.memory_space<hbm>>) dst(%dma_wait3A_1330 : memref<128x32xf32, #tpu.memory_space<vmem>>)
    %dma_wait3A_1341 = arith.constant 1 : i32
    %dma_wait3A_1342 = arith.constant 1 : i32
    %dma_wait3A_1343 = arith.constant 1 : i32
    %dma_wait3A_1344 = arith.constant 0 : i32
    %dma_wait3A_1345 = arith.constant 0 : i32
    %dma_wait3A_1346 = tpu.memref_slice %arg6[%dma_wait3A_1343, %dma_wait3A_1344, %dma_wait3A_1345] : memref<2x1024x32xf32, #tpu.memory_space<vmem>> -> memref<1x1024x32xf32, #tpu.memory_space<vmem>>
    %dma_wait3A_1347 = tpu.memref_squeeze %dma_wait3A_1346 : memref<1x1024x32xf32, #tpu.memory_space<vmem>> -> memref<1024x32xf32, #tpu.memory_space<vmem>>
    %dma_wait3A_1348 = arith.constant 128 : i32
    %dma_wait3A_1349 = arith.constant 0 : i32
    %dma_wait3A_1350 = tpu.memref_slice %dma_wait3A_1347[%dma_wait3A_1348, %dma_wait3A_1349] : memref<1024x32xf32, #tpu.memory_space<vmem>> -> memref<128x32xf32, #tpu.memory_space<vmem>>
    %dma_wait3A_1351 = arith.constant 0 : i32
    %dma_wait3A_1352 = arith.constant 0 : i32
    %dma_wait3A_1353 = tpu.memref_slice %arg5[%dma_wait3A_1341, %dma_wait3A_1351, %dma_wait3A_1352] : memref<2x8x128xi32, #tpu.memory_space<vmem>> -> memref<1x8x128xi32, #tpu.memory_space<vmem>>
    %dma_wait3A_1354 = tpu.memref_squeeze %dma_wait3A_1353 : memref<1x8x128xi32, #tpu.memory_space<vmem>> -> memref<8x128xi32, #tpu.memory_space<vmem>>
    %dma_wait3A_1355 = arith.constant 0 : i32
    %dma_wait3A_1356 = tpu.memref_slice %dma_wait3A_1354[%dma_wait3A_1342, %dma_wait3A_1355] : memref<8x128xi32, #tpu.memory_space<vmem>> -> memref<1x128xi32, #tpu.memory_space<vmem>>
    %dma_wait3A_1357 = tpu.memref_squeeze %dma_wait3A_1356 : memref<1x128xi32, #tpu.memory_space<vmem>> -> memref<128xi32, #tpu.memory_space<vmem>>
    %dma_wait3A_1358 = arith.constant 0 : i32
    %dma_wait3A_1359 = arith.constant 0 : i32
    %dma_wait3A_1360 = tpu.memref_slice %arg3[%dma_wait3A_1358, %dma_wait3A_1359] : memref<3200x32xf32, #tpu.memory_space<hbm>> -> memref<3200x32xf32, #tpu.memory_space<hbm>>
    tpu.wait_indirect_dma semaphore(%arg10 : memref<!tpu.dma_semaphore, #tpu.memory_space<semaphore_mem>>) src(%dma_wait3A_1360 : memref<3200x32xf32, #tpu.memory_space<hbm>>) dst(%dma_wait3A_1350 : memref<128x32xf32, #tpu.memory_space<vmem>>)
    %dma_wait3A_1361 = arith.constant 1 : i32
    %dma_wait3A_1362 = arith.constant 2 : i32
    %dma_wait3A_1363 = arith.constant 1 : i32
    %dma_wait3A_1364 = arith.constant 0 : i32
    %dma_wait3A_1365 = arith.constant 0 : i32
    %dma_wait3A_1366 = tpu.memref_slice %arg6[%dma_wait3A_1363, %dma_wait3A_1364, %dma_wait3A_1365] : memref<2x1024x32xf32, #tpu.memory_space<vmem>> -> memref<1x1024x32xf32, #tpu.memory_space<vmem>>
    %dma_wait3A_1367 = tpu.memref_squeeze %dma_wait3A_1366 : memref<1x1024x32xf32, #tpu.memory_space<vmem>> -> memref<1024x32xf32, #tpu.memory_space<vmem>>
    %dma_wait3A_1368 = arith.constant 256 : i32
    %dma_wait3A_1369 = arith.constant 0 : i32
    %dma_wait3A_1370 = tpu.memref_slice %dma_wait3A_1367[%dma_wait3A_1368, %dma_wait3A_1369] : memref<1024x32xf32, #tpu.memory_space<vmem>> -> memref<128x32xf32, #tpu.memory_space<vmem>>
    %dma_wait3A_1371 = arith.constant 0 : i32
    %dma_wait3A_1372 = arith.constant 0 : i32
    %dma_wait3A_1373 = tpu.memref_slice %arg5[%dma_wait3A_1361, %dma_wait3A_1371, %dma_wait3A_1372] : memref<2x8x128xi32, #tpu.memory_space<vmem>> -> memref<1x8x128xi32, #tpu.memory_space<vmem>>
    %dma_wait3A_1374 = tpu.memref_squeeze %dma_wait3A_1373 : memref<1x8x128xi32, #tpu.memory_space<vmem>> -> memref<8x128xi32, #tpu.memory_space<vmem>>
    %dma_wait3A_1375 = arith.constant 0 : i32
    %dma_wait3A_1376 = tpu.memref_slice %dma_wait3A_1374[%dma_wait3A_1362, %dma_wait3A_1375] : memref<8x128xi32, #tpu.memory_space<vmem>> -> memref<1x128xi32, #tpu.memory_space<vmem>>
    %dma_wait3A_1377 = tpu.memref_squeeze %dma_wait3A_1376 : memref<1x128xi32, #tpu.memory_space<vmem>> -> memref<128xi32, #tpu.memory_space<vmem>>
    %dma_wait3A_1378 = arith.constant 0 : i32
    %dma_wait3A_1379 = arith.constant 0 : i32
    %dma_wait3A_1380 = tpu.memref_slice %arg3[%dma_wait3A_1378, %dma_wait3A_1379] : memref<3200x32xf32, #tpu.memory_space<hbm>> -> memref<3200x32xf32, #tpu.memory_space<hbm>>
    tpu.wait_indirect_dma semaphore(%arg10 : memref<!tpu.dma_semaphore, #tpu.memory_space<semaphore_mem>>) src(%dma_wait3A_1380 : memref<3200x32xf32, #tpu.memory_space<hbm>>) dst(%dma_wait3A_1370 : memref<128x32xf32, #tpu.memory_space<vmem>>)
    %dma_wait3A_1381 = arith.constant 1 : i32
    %dma_wait3A_1382 = arith.constant 3 : i32
    %dma_wait3A_1383 = arith.constant 1 : i32
    %dma_wait3A_1384 = arith.constant 0 : i32
    %dma_wait3A_1385 = arith.constant 0 : i32
    %dma_wait3A_1386 = tpu.memref_slice %arg6[%dma_wait3A_1383, %dma_wait3A_1384, %dma_wait3A_1385] : memref<2x1024x32xf32, #tpu.memory_space<vmem>> -> memref<1x1024x32xf32, #tpu.memory_space<vmem>>
    %dma_wait3A_1387 = tpu.memref_squeeze %dma_wait3A_1386 : memref<1x1024x32xf32, #tpu.memory_space<vmem>> -> memref<1024x32xf32, #tpu.memory_space<vmem>>
    %dma_wait3A_1388 = arith.constant 384 : i32
    %dma_wait3A_1389 = arith.constant 0 : i32
    %dma_wait3A_1390 = tpu.memref_slice %dma_wait3A_1387[%dma_wait3A_1388, %dma_wait3A_1389] : memref<1024x32xf32, #tpu.memory_space<vmem>> -> memref<128x32xf32, #tpu.memory_space<vmem>>
    %dma_wait3A_1391 = arith.constant 0 : i32
    %dma_wait3A_1392 = arith.constant 0 : i32
    %dma_wait3A_1393 = tpu.memref_slice %arg5[%dma_wait3A_1381, %dma_wait3A_1391, %dma_wait3A_1392] : memref<2x8x128xi32, #tpu.memory_space<vmem>> -> memref<1x8x128xi32, #tpu.memory_space<vmem>>
    %dma_wait3A_1394 = tpu.memref_squeeze %dma_wait3A_1393 : memref<1x8x128xi32, #tpu.memory_space<vmem>> -> memref<8x128xi32, #tpu.memory_space<vmem>>
    %dma_wait3A_1395 = arith.constant 0 : i32
    %dma_wait3A_1396 = tpu.memref_slice %dma_wait3A_1394[%dma_wait3A_1382, %dma_wait3A_1395] : memref<8x128xi32, #tpu.memory_space<vmem>> -> memref<1x128xi32, #tpu.memory_space<vmem>>
    %dma_wait3A_1397 = tpu.memref_squeeze %dma_wait3A_1396 : memref<1x128xi32, #tpu.memory_space<vmem>> -> memref<128xi32, #tpu.memory_space<vmem>>
    %dma_wait3A_1398 = arith.constant 0 : i32
    %dma_wait3A_1399 = arith.constant 0 : i32
    %dma_wait3A_1400 = tpu.memref_slice %arg3[%dma_wait3A_1398, %dma_wait3A_1399] : memref<3200x32xf32, #tpu.memory_space<hbm>> -> memref<3200x32xf32, #tpu.memory_space<hbm>>
    tpu.wait_indirect_dma semaphore(%arg10 : memref<!tpu.dma_semaphore, #tpu.memory_space<semaphore_mem>>) src(%dma_wait3A_1400 : memref<3200x32xf32, #tpu.memory_space<hbm>>) dst(%dma_wait3A_1390 : memref<128x32xf32, #tpu.memory_space<vmem>>)
    %dma_wait3A_1401 = arith.constant 1 : i32
    %dma_wait3A_1402 = arith.constant 4 : i32
    %dma_wait3A_1403 = arith.constant 1 : i32
    %dma_wait3A_1404 = arith.constant 0 : i32
    %dma_wait3A_1405 = arith.constant 0 : i32
    %dma_wait3A_1406 = tpu.memref_slice %arg6[%dma_wait3A_1403, %dma_wait3A_1404, %dma_wait3A_1405] : memref<2x1024x32xf32, #tpu.memory_space<vmem>> -> memref<1x1024x32xf32, #tpu.memory_space<vmem>>
    %dma_wait3A_1407 = tpu.memref_squeeze %dma_wait3A_1406 : memref<1x1024x32xf32, #tpu.memory_space<vmem>> -> memref<1024x32xf32, #tpu.memory_space<vmem>>
    %dma_wait3A_1408 = arith.constant 512 : i32
    %dma_wait3A_1409 = arith.constant 0 : i32
    %dma_wait3A_1410 = tpu.memref_slice %dma_wait3A_1407[%dma_wait3A_1408, %dma_wait3A_1409] : memref<1024x32xf32, #tpu.memory_space<vmem>> -> memref<128x32xf32, #tpu.memory_space<vmem>>
    %dma_wait3A_1411 = arith.constant 0 : i32
    %dma_wait3A_1412 = arith.constant 0 : i32
    %dma_wait3A_1413 = tpu.memref_slice %arg5[%dma_wait3A_1401, %dma_wait3A_1411, %dma_wait3A_1412] : memref<2x8x128xi32, #tpu.memory_space<vmem>> -> memref<1x8x128xi32, #tpu.memory_space<vmem>>
    %dma_wait3A_1414 = tpu.memref_squeeze %dma_wait3A_1413 : memref<1x8x128xi32, #tpu.memory_space<vmem>> -> memref<8x128xi32, #tpu.memory_space<vmem>>
    %dma_wait3A_1415 = arith.constant 0 : i32
    %dma_wait3A_1416 = tpu.memref_slice %dma_wait3A_1414[%dma_wait3A_1402, %dma_wait3A_1415] : memref<8x128xi32, #tpu.memory_space<vmem>> -> memref<1x128xi32, #tpu.memory_space<vmem>>
    %dma_wait3A_1417 = tpu.memref_squeeze %dma_wait3A_1416 : memref<1x128xi32, #tpu.memory_space<vmem>> -> memref<128xi32, #tpu.memory_space<vmem>>
    %dma_wait3A_1418 = arith.constant 0 : i32
    %dma_wait3A_1419 = arith.constant 0 : i32
    %dma_wait3A_1420 = tpu.memref_slice %arg3[%dma_wait3A_1418, %dma_wait3A_1419] : memref<3200x32xf32, #tpu.memory_space<hbm>> -> memref<3200x32xf32, #tpu.memory_space<hbm>>
    tpu.wait_indirect_dma semaphore(%arg10 : memref<!tpu.dma_semaphore, #tpu.memory_space<semaphore_mem>>) src(%dma_wait3A_1420 : memref<3200x32xf32, #tpu.memory_space<hbm>>) dst(%dma_wait3A_1410 : memref<128x32xf32, #tpu.memory_space<vmem>>)
    %dma_wait3A_1421 = arith.constant 1 : i32
    %dma_wait3A_1422 = arith.constant 5 : i32
    %dma_wait3A_1423 = arith.constant 1 : i32
    %dma_wait3A_1424 = arith.constant 0 : i32
    %dma_wait3A_1425 = arith.constant 0 : i32
    %dma_wait3A_1426 = tpu.memref_slice %arg6[%dma_wait3A_1423, %dma_wait3A_1424, %dma_wait3A_1425] : memref<2x1024x32xf32, #tpu.memory_space<vmem>> -> memref<1x1024x32xf32, #tpu.memory_space<vmem>>
    %dma_wait3A_1427 = tpu.memref_squeeze %dma_wait3A_1426 : memref<1x1024x32xf32, #tpu.memory_space<vmem>> -> memref<1024x32xf32, #tpu.memory_space<vmem>>
    %dma_wait3A_1428 = arith.constant 640 : i32
    %dma_wait3A_1429 = arith.constant 0 : i32
    %dma_wait3A_1430 = tpu.memref_slice %dma_wait3A_1427[%dma_wait3A_1428, %dma_wait3A_1429] : memref<1024x32xf32, #tpu.memory_space<vmem>> -> memref<128x32xf32, #tpu.memory_space<vmem>>
    %dma_wait3A_1431 = arith.constant 0 : i32
    %dma_wait3A_1432 = arith.constant 0 : i32
    %dma_wait3A_1433 = tpu.memref_slice %arg5[%dma_wait3A_1421, %dma_wait3A_1431, %dma_wait3A_1432] : memref<2x8x128xi32, #tpu.memory_space<vmem>> -> memref<1x8x128xi32, #tpu.memory_space<vmem>>
    %dma_wait3A_1434 = tpu.memref_squeeze %dma_wait3A_1433 : memref<1x8x128xi32, #tpu.memory_space<vmem>> -> memref<8x128xi32, #tpu.memory_space<vmem>>
    %dma_wait3A_1435 = arith.constant 0 : i32
    %dma_wait3A_1436 = tpu.memref_slice %dma_wait3A_1434[%dma_wait3A_1422, %dma_wait3A_1435] : memref<8x128xi32, #tpu.memory_space<vmem>> -> memref<1x128xi32, #tpu.memory_space<vmem>>
    %dma_wait3A_1437 = tpu.memref_squeeze %dma_wait3A_1436 : memref<1x128xi32, #tpu.memory_space<vmem>> -> memref<128xi32, #tpu.memory_space<vmem>>
    %dma_wait3A_1438 = arith.constant 0 : i32
    %dma_wait3A_1439 = arith.constant 0 : i32
    %dma_wait3A_1440 = tpu.memref_slice %arg3[%dma_wait3A_1438, %dma_wait3A_1439] : memref<3200x32xf32, #tpu.memory_space<hbm>> -> memref<3200x32xf32, #tpu.memory_space<hbm>>
    tpu.wait_indirect_dma semaphore(%arg10 : memref<!tpu.dma_semaphore, #tpu.memory_space<semaphore_mem>>) src(%dma_wait3A_1440 : memref<3200x32xf32, #tpu.memory_space<hbm>>) dst(%dma_wait3A_1430 : memref<128x32xf32, #tpu.memory_space<vmem>>)
    %dma_wait3A_1441 = arith.constant 1 : i32
    %dma_wait3A_1442 = arith.constant 6 : i32
    %dma_wait3A_1443 = arith.constant 1 : i32
    %dma_wait3A_1444 = arith.constant 0 : i32
    %dma_wait3A_1445 = arith.constant 0 : i32
    %dma_wait3A_1446 = tpu.memref_slice %arg6[%dma_wait3A_1443, %dma_wait3A_1444, %dma_wait3A_1445] : memref<2x1024x32xf32, #tpu.memory_space<vmem>> -> memref<1x1024x32xf32, #tpu.memory_space<vmem>>
    %dma_wait3A_1447 = tpu.memref_squeeze %dma_wait3A_1446 : memref<1x1024x32xf32, #tpu.memory_space<vmem>> -> memref<1024x32xf32, #tpu.memory_space<vmem>>
    %dma_wait3A_1448 = arith.constant 768 : i32
    %dma_wait3A_1449 = arith.constant 0 : i32
    %dma_wait3A_1450 = tpu.memref_slice %dma_wait3A_1447[%dma_wait3A_1448, %dma_wait3A_1449] : memref<1024x32xf32, #tpu.memory_space<vmem>> -> memref<128x32xf32, #tpu.memory_space<vmem>>
    %dma_wait3A_1451 = arith.constant 0 : i32
    %dma_wait3A_1452 = arith.constant 0 : i32
    %dma_wait3A_1453 = tpu.memref_slice %arg5[%dma_wait3A_1441, %dma_wait3A_1451, %dma_wait3A_1452] : memref<2x8x128xi32, #tpu.memory_space<vmem>> -> memref<1x8x128xi32, #tpu.memory_space<vmem>>
    %dma_wait3A_1454 = tpu.memref_squeeze %dma_wait3A_1453 : memref<1x8x128xi32, #tpu.memory_space<vmem>> -> memref<8x128xi32, #tpu.memory_space<vmem>>
    %dma_wait3A_1455 = arith.constant 0 : i32
    %dma_wait3A_1456 = tpu.memref_slice %dma_wait3A_1454[%dma_wait3A_1442, %dma_wait3A_1455] : memref<8x128xi32, #tpu.memory_space<vmem>> -> memref<1x128xi32, #tpu.memory_space<vmem>>
    %dma_wait3A_1457 = tpu.memref_squeeze %dma_wait3A_1456 : memref<1x128xi32, #tpu.memory_space<vmem>> -> memref<128xi32, #tpu.memory_space<vmem>>
    %dma_wait3A_1458 = arith.constant 0 : i32
    %dma_wait3A_1459 = arith.constant 0 : i32
    %dma_wait3A_1460 = tpu.memref_slice %arg3[%dma_wait3A_1458, %dma_wait3A_1459] : memref<3200x32xf32, #tpu.memory_space<hbm>> -> memref<3200x32xf32, #tpu.memory_space<hbm>>
    tpu.wait_indirect_dma semaphore(%arg10 : memref<!tpu.dma_semaphore, #tpu.memory_space<semaphore_mem>>) src(%dma_wait3A_1460 : memref<3200x32xf32, #tpu.memory_space<hbm>>) dst(%dma_wait3A_1450 : memref<128x32xf32, #tpu.memory_space<vmem>>)
    %dma_wait3A_1461 = arith.constant 1 : i32
    %dma_wait3A_1462 = arith.constant 7 : i32
    %dma_wait3A_1463 = arith.constant 1 : i32
    %dma_wait3A_1464 = arith.constant 0 : i32
    %dma_wait3A_1465 = arith.constant 0 : i32
    %dma_wait3A_1466 = tpu.memref_slice %arg6[%dma_wait3A_1463, %dma_wait3A_1464, %dma_wait3A_1465] : memref<2x1024x32xf32, #tpu.memory_space<vmem>> -> memref<1x1024x32xf32, #tpu.memory_space<vmem>>
    %dma_wait3A_1467 = tpu.memref_squeeze %dma_wait3A_1466 : memref<1x1024x32xf32, #tpu.memory_space<vmem>> -> memref<1024x32xf32, #tpu.memory_space<vmem>>
    %dma_wait3A_1468 = arith.constant 896 : i32
    %dma_wait3A_1469 = arith.constant 0 : i32
    %dma_wait3A_1470 = tpu.memref_slice %dma_wait3A_1467[%dma_wait3A_1468, %dma_wait3A_1469] : memref<1024x32xf32, #tpu.memory_space<vmem>> -> memref<128x32xf32, #tpu.memory_space<vmem>>
    %dma_wait3A_1471 = arith.constant 0 : i32
    %dma_wait3A_1472 = arith.constant 0 : i32
    %dma_wait3A_1473 = tpu.memref_slice %arg5[%dma_wait3A_1461, %dma_wait3A_1471, %dma_wait3A_1472] : memref<2x8x128xi32, #tpu.memory_space<vmem>> -> memref<1x8x128xi32, #tpu.memory_space<vmem>>
    %dma_wait3A_1474 = tpu.memref_squeeze %dma_wait3A_1473 : memref<1x8x128xi32, #tpu.memory_space<vmem>> -> memref<8x128xi32, #tpu.memory_space<vmem>>
    %dma_wait3A_1475 = arith.constant 0 : i32
    %dma_wait3A_1476 = tpu.memref_slice %dma_wait3A_1474[%dma_wait3A_1462, %dma_wait3A_1475] : memref<8x128xi32, #tpu.memory_space<vmem>> -> memref<1x128xi32, #tpu.memory_space<vmem>>
    %dma_wait3A_1477 = tpu.memref_squeeze %dma_wait3A_1476 : memref<1x128xi32, #tpu.memory_space<vmem>> -> memref<128xi32, #tpu.memory_space<vmem>>
    %dma_wait3A_1478 = arith.constant 0 : i32
    %dma_wait3A_1479 = arith.constant 0 : i32
    %dma_wait3A_1480 = tpu.memref_slice %arg3[%dma_wait3A_1478, %dma_wait3A_1479] : memref<3200x32xf32, #tpu.memory_space<hbm>> -> memref<3200x32xf32, #tpu.memory_space<hbm>>
    tpu.wait_indirect_dma semaphore(%arg10 : memref<!tpu.dma_semaphore, #tpu.memory_space<semaphore_mem>>) src(%dma_wait3A_1480 : memref<3200x32xf32, #tpu.memory_space<hbm>>) dst(%dma_wait3A_1470 : memref<128x32xf32, #tpu.memory_space<vmem>>)
    %add3A_1481 = arith.constant 3072 : i32
    %add3A_1482 = arith.addi %mul3A_4, %add3A_1481 : i32
    %dma_start3A_1483 = arith.constant 1 : i32
    %dma_start3A_1484 = arith.constant 0 : i32
    %dma_start3A_1485 = arith.constant 0 : i32
    %dma_start3A_1486 = tpu.memref_slice %arg6[%dma_start3A_1483, %dma_start3A_1484, %dma_start3A_1485] : memref<2x1024x32xf32, #tpu.memory_space<vmem>> -> memref<1x1024x32xf32, #tpu.memory_space<vmem>>
    %dma_start3A_1487 = tpu.memref_squeeze %dma_start3A_1486 : memref<1x1024x32xf32, #tpu.memory_space<vmem>> -> memref<1024x32xf32, #tpu.memory_space<vmem>>
    %dma_start3A_1488 = arith.constant 0 : i32
    %dma_start3A_1489 = tpu.memref_slice %arg4[%add3A_1482, %dma_start3A_1488] : memref<262144x32xf32, #tpu.memory_space<hbm>> -> memref<1024x32xf32, #tpu.memory_space<hbm>>
    %dma_start3A_1490 = arith.constant 0 : i32
    %dma_start3A_1491 = tpu.memref_slice %arg4[%add3A_1482, %dma_start3A_1490] : memref<262144x32xf32, #tpu.memory_space<hbm>> -> memref<1024x32xf32, #tpu.memory_space<hbm>>
    %dma_start3A_1492 = arith.constant 0 : i32
    %dma_start3A_1493 = arith.constant 0 : i32
    %dma_start3A_1494 = tpu.memref_slice %arg6[%dma_start3A_1483, %dma_start3A_1492, %dma_start3A_1493] : memref<2x1024x32xf32, #tpu.memory_space<vmem>> -> memref<1x1024x32xf32, #tpu.memory_space<vmem>>
    %dma_start3A_1495 = tpu.memref_squeeze %dma_start3A_1494 : memref<1x1024x32xf32, #tpu.memory_space<vmem>> -> memref<1024x32xf32, #tpu.memory_space<vmem>>
    tpu.enqueue_dma source(%dma_start3A_1495 : memref<1024x32xf32, #tpu.memory_space<vmem>>) target(%dma_start3A_1491 : memref<1024x32xf32, #tpu.memory_space<hbm>>) target_semaphore(%arg12 : memref<!tpu.dma_semaphore, #tpu.memory_space<semaphore_mem>>)
    %add3A_1496 = arith.constant 40 : i32
    %add3A_1497 = arith.addi %mul3A_2, %add3A_1496 : i32
    %dma_start3A_1498 = arith.constant 1 : i32
    %dma_start3A_1499 = arith.constant 0 : i32
    %dma_start3A_1500 = arith.constant 0 : i32
    %dma_start3A_1501 = tpu.memref_slice %arg5[%dma_start3A_1498, %dma_start3A_1499, %dma_start3A_1500] : memref<2x8x128xi32, #tpu.memory_space<vmem>> -> memref<1x8x128xi32, #tpu.memory_space<vmem>>
    %dma_start3A_1502 = tpu.memref_squeeze %dma_start3A_1501 : memref<1x8x128xi32, #tpu.memory_space<vmem>> -> memref<8x128xi32, #tpu.memory_space<vmem>>
    %dma_start3A_1503 = arith.constant 0 : i32
    %dma_start3A_1504 = tpu.memref_slice %arg2[%add3A_1497, %dma_start3A_1503] : memref<2048x128xi32, #tpu.memory_space<hbm>> -> memref<8x128xi32, #tpu.memory_space<hbm>>
    %dma_start3A_1505 = arith.constant 0 : i32
    %dma_start3A_1506 = arith.constant 0 : i32
    %dma_start3A_1507 = tpu.memref_slice %arg5[%dma_start3A_1498, %dma_start3A_1505, %dma_start3A_1506] : memref<2x8x128xi32, #tpu.memory_space<vmem>> -> memref<1x8x128xi32, #tpu.memory_space<vmem>>
    %dma_start3A_1508 = tpu.memref_squeeze %dma_start3A_1507 : memref<1x8x128xi32, #tpu.memory_space<vmem>> -> memref<8x128xi32, #tpu.memory_space<vmem>>
    %dma_start3A_1509 = arith.constant 0 : i32
    %dma_start3A_1510 = tpu.memref_slice %arg2[%add3A_1497, %dma_start3A_1509] : memref<2048x128xi32, #tpu.memory_space<hbm>> -> memref<8x128xi32, #tpu.memory_space<hbm>>
    tpu.enqueue_dma source(%dma_start3A_1510 : memref<8x128xi32, #tpu.memory_space<hbm>>) target(%dma_start3A_1508 : memref<8x128xi32, #tpu.memory_space<vmem>>) target_semaphore(%arg8 : memref<!tpu.dma_semaphore, #tpu.memory_space<semaphore_mem>>)
    %dma_wait3A_1511 = arith.constant 0 : i32
    %dma_wait3A_1512 = arith.constant 0 : i32
    %dma_wait3A_1513 = arith.constant 0 : i32
    %dma_wait3A_1514 = tpu.memref_slice %arg5[%dma_wait3A_1511, %dma_wait3A_1512, %dma_wait3A_1513] : memref<2x8x128xi32, #tpu.memory_space<vmem>> -> memref<1x8x128xi32, #tpu.memory_space<vmem>>
    %dma_wait3A_1515 = tpu.memref_squeeze %dma_wait3A_1514 : memref<1x8x128xi32, #tpu.memory_space<vmem>> -> memref<8x128xi32, #tpu.memory_space<vmem>>
    %dma_wait3A_1516 = arith.constant 0 : i32
    %dma_wait3A_1517 = tpu.memref_slice %arg2[%add3A_1121, %dma_wait3A_1516] : memref<2048x128xi32, #tpu.memory_space<hbm>> -> memref<8x128xi32, #tpu.memory_space<hbm>>
    %dma_wait3A_1518 = arith.constant 0 : i32
    %dma_wait3A_1519 = arith.constant 0 : i32
    %dma_wait3A_1520 = tpu.memref_slice %arg5[%dma_wait3A_1511, %dma_wait3A_1518, %dma_wait3A_1519] : memref<2x8x128xi32, #tpu.memory_space<vmem>> -> memref<1x8x128xi32, #tpu.memory_space<vmem>>
    %dma_wait3A_1521 = tpu.memref_squeeze %dma_wait3A_1520 : memref<1x8x128xi32, #tpu.memory_space<vmem>> -> memref<8x128xi32, #tpu.memory_space<vmem>>
    %dma_wait3A_1522 = arith.constant 0 : i32
    %dma_wait3A_1523 = tpu.memref_slice %arg2[%add3A_1121, %dma_wait3A_1522] : memref<2048x128xi32, #tpu.memory_space<hbm>> -> memref<8x128xi32, #tpu.memory_space<hbm>>
    tpu.wait_dma2 semaphore(%arg7 : memref<!tpu.dma_semaphore, #tpu.memory_space<semaphore_mem>>) src(%dma_wait3A_1523 : memref<8x128xi32, #tpu.memory_space<hbm>>) dst(%dma_wait3A_1521 : memref<8x128xi32, #tpu.memory_space<vmem>>)
    %dma_wait3A_1524 = arith.constant 0 : i32
    %dma_wait3A_1525 = arith.constant 0 : i32
    %dma_wait3A_1526 = arith.constant 0 : i32
    %dma_wait3A_1527 = tpu.memref_slice %arg6[%dma_wait3A_1524, %dma_wait3A_1525, %dma_wait3A_1526] : memref<2x1024x32xf32, #tpu.memory_space<vmem>> -> memref<1x1024x32xf32, #tpu.memory_space<vmem>>
    %dma_wait3A_1528 = tpu.memref_squeeze %dma_wait3A_1527 : memref<1x1024x32xf32, #tpu.memory_space<vmem>> -> memref<1024x32xf32, #tpu.memory_space<vmem>>
    %dma_wait3A_1529 = arith.constant 0 : i32
    %dma_wait3A_1530 = tpu.memref_slice %arg4[%add3A_1106, %dma_wait3A_1529] : memref<262144x32xf32, #tpu.memory_space<hbm>> -> memref<1024x32xf32, #tpu.memory_space<hbm>>
    %dma_wait3A_1531 = arith.constant 0 : i32
    %dma_wait3A_1532 = tpu.memref_slice %arg4[%add3A_1106, %dma_wait3A_1531] : memref<262144x32xf32, #tpu.memory_space<hbm>> -> memref<1024x32xf32, #tpu.memory_space<hbm>>
    %dma_wait3A_1533 = arith.constant 0 : i32
    %dma_wait3A_1534 = arith.constant 0 : i32
    %dma_wait3A_1535 = tpu.memref_slice %arg6[%dma_wait3A_1524, %dma_wait3A_1533, %dma_wait3A_1534] : memref<2x1024x32xf32, #tpu.memory_space<vmem>> -> memref<1x1024x32xf32, #tpu.memory_space<vmem>>
    %dma_wait3A_1536 = tpu.memref_squeeze %dma_wait3A_1535 : memref<1x1024x32xf32, #tpu.memory_space<vmem>> -> memref<1024x32xf32, #tpu.memory_space<vmem>>
    tpu.wait_dma2 semaphore(%arg11 : memref<!tpu.dma_semaphore, #tpu.memory_space<semaphore_mem>>) src(%dma_wait3A_1536 : memref<1024x32xf32, #tpu.memory_space<vmem>>) dst(%dma_wait3A_1532 : memref<1024x32xf32, #tpu.memory_space<hbm>>)
    %dma_start3A_1537 = arith.constant 0 : i32
    %dma_start3A_1538 = arith.constant 0 : i32
    %dma_start3A_1539 = arith.constant 0 : i32
    %dma_start3A_1540 = arith.constant 0 : i32
    %dma_start3A_1541 = arith.constant 0 : i32
    %dma_start3A_1542 = tpu.memref_slice %arg6[%dma_start3A_1539, %dma_start3A_1540, %dma_start3A_1541] : memref<2x1024x32xf32, #tpu.memory_space<vmem>> -> memref<1x1024x32xf32, #tpu.memory_space<vmem>>
    %dma_start3A_1543 = tpu.memref_squeeze %dma_start3A_1542 : memref<1x1024x32xf32, #tpu.memory_space<vmem>> -> memref<1024x32xf32, #tpu.memory_space<vmem>>
    %dma_start3A_1544 = arith.constant 0 : i32
    %dma_start3A_1545 = arith.constant 0 : i32
    %dma_start3A_1546 = tpu.memref_slice %dma_start3A_1543[%dma_start3A_1544, %dma_start3A_1545] : memref<1024x32xf32, #tpu.memory_space<vmem>> -> memref<128x32xf32, #tpu.memory_space<vmem>>
    %dma_start3A_1547 = arith.constant 0 : i32
    %dma_start3A_1548 = arith.constant 0 : i32
    %dma_start3A_1549 = tpu.memref_slice %arg5[%dma_start3A_1537, %dma_start3A_1547, %dma_start3A_1548] : memref<2x8x128xi32, #tpu.memory_space<vmem>> -> memref<1x8x128xi32, #tpu.memory_space<vmem>>
    %dma_start3A_1550 = tpu.memref_squeeze %dma_start3A_1549 : memref<1x8x128xi32, #tpu.memory_space<vmem>> -> memref<8x128xi32, #tpu.memory_space<vmem>>
    %dma_start3A_1551 = arith.constant 0 : i32
    %dma_start3A_1552 = tpu.memref_slice %dma_start3A_1550[%dma_start3A_1538, %dma_start3A_1551] : memref<8x128xi32, #tpu.memory_space<vmem>> -> memref<1x128xi32, #tpu.memory_space<vmem>>
    %dma_start3A_1553 = tpu.memref_squeeze %dma_start3A_1552 : memref<1x128xi32, #tpu.memory_space<vmem>> -> memref<128xi32, #tpu.memory_space<vmem>>
    %dma_start3A_1554 = arith.constant 0 : i32
    %dma_start3A_1555 = arith.constant 0 : i32
    %dma_start3A_1556 = tpu.memref_slice %arg3[%dma_start3A_1554, %dma_start3A_1555] : memref<3200x32xf32, #tpu.memory_space<hbm>> -> memref<3200x32xf32, #tpu.memory_space<hbm>>
    tpu.enqueue_indirect_dma source(%dma_start3A_1556 : memref<3200x32xf32, #tpu.memory_space<hbm>>) target(%dma_start3A_1546 : memref<128x32xf32, #tpu.memory_space<vmem>>) offsets(%dma_start3A_1553 : memref<128xi32, #tpu.memory_space<vmem>>) semaphore(%arg9 : memref<!tpu.dma_semaphore, #tpu.memory_space<semaphore_mem>>)
    %dma_start3A_1557 = arith.constant 0 : i32
    %dma_start3A_1558 = arith.constant 1 : i32
    %dma_start3A_1559 = arith.constant 0 : i32
    %dma_start3A_1560 = arith.constant 0 : i32
    %dma_start3A_1561 = arith.constant 0 : i32
    %dma_start3A_1562 = tpu.memref_slice %arg6[%dma_start3A_1559, %dma_start3A_1560, %dma_start3A_1561] : memref<2x1024x32xf32, #tpu.memory_space<vmem>> -> memref<1x1024x32xf32, #tpu.memory_space<vmem>>
    %dma_start3A_1563 = tpu.memref_squeeze %dma_start3A_1562 : memref<1x1024x32xf32, #tpu.memory_space<vmem>> -> memref<1024x32xf32, #tpu.memory_space<vmem>>
    %dma_start3A_1564 = arith.constant 128 : i32
    %dma_start3A_1565 = arith.constant 0 : i32
    %dma_start3A_1566 = tpu.memref_slice %dma_start3A_1563[%dma_start3A_1564, %dma_start3A_1565] : memref<1024x32xf32, #tpu.memory_space<vmem>> -> memref<128x32xf32, #tpu.memory_space<vmem>>
    %dma_start3A_1567 = arith.constant 0 : i32
    %dma_start3A_1568 = arith.constant 0 : i32
    %dma_start3A_1569 = tpu.memref_slice %arg5[%dma_start3A_1557, %dma_start3A_1567, %dma_start3A_1568] : memref<2x8x128xi32, #tpu.memory_space<vmem>> -> memref<1x8x128xi32, #tpu.memory_space<vmem>>
    %dma_start3A_1570 = tpu.memref_squeeze %dma_start3A_1569 : memref<1x8x128xi32, #tpu.memory_space<vmem>> -> memref<8x128xi32, #tpu.memory_space<vmem>>
    %dma_start3A_1571 = arith.constant 0 : i32
    %dma_start3A_1572 = tpu.memref_slice %dma_start3A_1570[%dma_start3A_1558, %dma_start3A_1571] : memref<8x128xi32, #tpu.memory_space<vmem>> -> memref<1x128xi32, #tpu.memory_space<vmem>>
    %dma_start3A_1573 = tpu.memref_squeeze %dma_start3A_1572 : memref<1x128xi32, #tpu.memory_space<vmem>> -> memref<128xi32, #tpu.memory_space<vmem>>
    %dma_start3A_1574 = arith.constant 0 : i32
    %dma_start3A_1575 = arith.constant 0 : i32
    %dma_start3A_1576 = tpu.memref_slice %arg3[%dma_start3A_1574, %dma_start3A_1575] : memref<3200x32xf32, #tpu.memory_space<hbm>> -> memref<3200x32xf32, #tpu.memory_space<hbm>>
    tpu.enqueue_indirect_dma source(%dma_start3A_1576 : memref<3200x32xf32, #tpu.memory_space<hbm>>) target(%dma_start3A_1566 : memref<128x32xf32, #tpu.memory_space<vmem>>) offsets(%dma_start3A_1573 : memref<128xi32, #tpu.memory_space<vmem>>) semaphore(%arg9 : memref<!tpu.dma_semaphore, #tpu.memory_space<semaphore_mem>>)
    %dma_start3A_1577 = arith.constant 0 : i32
    %dma_start3A_1578 = arith.constant 2 : i32
    %dma_start3A_1579 = arith.constant 0 : i32
    %dma_start3A_1580 = arith.constant 0 : i32
    %dma_start3A_1581 = arith.constant 0 : i32
    %dma_start3A_1582 = tpu.memref_slice %arg6[%dma_start3A_1579, %dma_start3A_1580, %dma_start3A_1581] : memref<2x1024x32xf32, #tpu.memory_space<vmem>> -> memref<1x1024x32xf32, #tpu.memory_space<vmem>>
    %dma_start3A_1583 = tpu.memref_squeeze %dma_start3A_1582 : memref<1x1024x32xf32, #tpu.memory_space<vmem>> -> memref<1024x32xf32, #tpu.memory_space<vmem>>
    %dma_start3A_1584 = arith.constant 256 : i32
    %dma_start3A_1585 = arith.constant 0 : i32
    %dma_start3A_1586 = tpu.memref_slice %dma_start3A_1583[%dma_start3A_1584, %dma_start3A_1585] : memref<1024x32xf32, #tpu.memory_space<vmem>> -> memref<128x32xf32, #tpu.memory_space<vmem>>
    %dma_start3A_1587 = arith.constant 0 : i32
    %dma_start3A_1588 = arith.constant 0 : i32
    %dma_start3A_1589 = tpu.memref_slice %arg5[%dma_start3A_1577, %dma_start3A_1587, %dma_start3A_1588] : memref<2x8x128xi32, #tpu.memory_space<vmem>> -> memref<1x8x128xi32, #tpu.memory_space<vmem>>
    %dma_start3A_1590 = tpu.memref_squeeze %dma_start3A_1589 : memref<1x8x128xi32, #tpu.memory_space<vmem>> -> memref<8x128xi32, #tpu.memory_space<vmem>>
    %dma_start3A_1591 = arith.constant 0 : i32
    %dma_start3A_1592 = tpu.memref_slice %dma_start3A_1590[%dma_start3A_1578, %dma_start3A_1591] : memref<8x128xi32, #tpu.memory_space<vmem>> -> memref<1x128xi32, #tpu.memory_space<vmem>>
    %dma_start3A_1593 = tpu.memref_squeeze %dma_start3A_1592 : memref<1x128xi32, #tpu.memory_space<vmem>> -> memref<128xi32, #tpu.memory_space<vmem>>
    %dma_start3A_1594 = arith.constant 0 : i32
    %dma_start3A_1595 = arith.constant 0 : i32
    %dma_start3A_1596 = tpu.memref_slice %arg3[%dma_start3A_1594, %dma_start3A_1595] : memref<3200x32xf32, #tpu.memory_space<hbm>> -> memref<3200x32xf32, #tpu.memory_space<hbm>>
    tpu.enqueue_indirect_dma source(%dma_start3A_1596 : memref<3200x32xf32, #tpu.memory_space<hbm>>) target(%dma_start3A_1586 : memref<128x32xf32, #tpu.memory_space<vmem>>) offsets(%dma_start3A_1593 : memref<128xi32, #tpu.memory_space<vmem>>) semaphore(%arg9 : memref<!tpu.dma_semaphore, #tpu.memory_space<semaphore_mem>>)
    %dma_start3A_1597 = arith.constant 0 : i32
    %dma_start3A_1598 = arith.constant 3 : i32
    %dma_start3A_1599 = arith.constant 0 : i32
    %dma_start3A_1600 = arith.constant 0 : i32
    %dma_start3A_1601 = arith.constant 0 : i32
    %dma_start3A_1602 = tpu.memref_slice %arg6[%dma_start3A_1599, %dma_start3A_1600, %dma_start3A_1601] : memref<2x1024x32xf32, #tpu.memory_space<vmem>> -> memref<1x1024x32xf32, #tpu.memory_space<vmem>>
    %dma_start3A_1603 = tpu.memref_squeeze %dma_start3A_1602 : memref<1x1024x32xf32, #tpu.memory_space<vmem>> -> memref<1024x32xf32, #tpu.memory_space<vmem>>
    %dma_start3A_1604 = arith.constant 384 : i32
    %dma_start3A_1605 = arith.constant 0 : i32
    %dma_start3A_1606 = tpu.memref_slice %dma_start3A_1603[%dma_start3A_1604, %dma_start3A_1605] : memref<1024x32xf32, #tpu.memory_space<vmem>> -> memref<128x32xf32, #tpu.memory_space<vmem>>
    %dma_start3A_1607 = arith.constant 0 : i32
    %dma_start3A_1608 = arith.constant 0 : i32
    %dma_start3A_1609 = tpu.memref_slice %arg5[%dma_start3A_1597, %dma_start3A_1607, %dma_start3A_1608] : memref<2x8x128xi32, #tpu.memory_space<vmem>> -> memref<1x8x128xi32, #tpu.memory_space<vmem>>
    %dma_start3A_1610 = tpu.memref_squeeze %dma_start3A_1609 : memref<1x8x128xi32, #tpu.memory_space<vmem>> -> memref<8x128xi32, #tpu.memory_space<vmem>>
    %dma_start3A_1611 = arith.constant 0 : i32
    %dma_start3A_1612 = tpu.memref_slice %dma_start3A_1610[%dma_start3A_1598, %dma_start3A_1611] : memref<8x128xi32, #tpu.memory_space<vmem>> -> memref<1x128xi32, #tpu.memory_space<vmem>>
    %dma_start3A_1613 = tpu.memref_squeeze %dma_start3A_1612 : memref<1x128xi32, #tpu.memory_space<vmem>> -> memref<128xi32, #tpu.memory_space<vmem>>
    %dma_start3A_1614 = arith.constant 0 : i32
    %dma_start3A_1615 = arith.constant 0 : i32
    %dma_start3A_1616 = tpu.memref_slice %arg3[%dma_start3A_1614, %dma_start3A_1615] : memref<3200x32xf32, #tpu.memory_space<hbm>> -> memref<3200x32xf32, #tpu.memory_space<hbm>>
    tpu.enqueue_indirect_dma source(%dma_start3A_1616 : memref<3200x32xf32, #tpu.memory_space<hbm>>) target(%dma_start3A_1606 : memref<128x32xf32, #tpu.memory_space<vmem>>) offsets(%dma_start3A_1613 : memref<128xi32, #tpu.memory_space<vmem>>) semaphore(%arg9 : memref<!tpu.dma_semaphore, #tpu.memory_space<semaphore_mem>>)
    %dma_start3A_1617 = arith.constant 0 : i32
    %dma_start3A_1618 = arith.constant 4 : i32
    %dma_start3A_1619 = arith.constant 0 : i32
    %dma_start3A_1620 = arith.constant 0 : i32
    %dma_start3A_1621 = arith.constant 0 : i32
    %dma_start3A_1622 = tpu.memref_slice %arg6[%dma_start3A_1619, %dma_start3A_1620, %dma_start3A_1621] : memref<2x1024x32xf32, #tpu.memory_space<vmem>> -> memref<1x1024x32xf32, #tpu.memory_space<vmem>>
    %dma_start3A_1623 = tpu.memref_squeeze %dma_start3A_1622 : memref<1x1024x32xf32, #tpu.memory_space<vmem>> -> memref<1024x32xf32, #tpu.memory_space<vmem>>
    %dma_start3A_1624 = arith.constant 512 : i32
    %dma_start3A_1625 = arith.constant 0 : i32
    %dma_start3A_1626 = tpu.memref_slice %dma_start3A_1623[%dma_start3A_1624, %dma_start3A_1625] : memref<1024x32xf32, #tpu.memory_space<vmem>> -> memref<128x32xf32, #tpu.memory_space<vmem>>
    %dma_start3A_1627 = arith.constant 0 : i32
    %dma_start3A_1628 = arith.constant 0 : i32
    %dma_start3A_1629 = tpu.memref_slice %arg5[%dma_start3A_1617, %dma_start3A_1627, %dma_start3A_1628] : memref<2x8x128xi32, #tpu.memory_space<vmem>> -> memref<1x8x128xi32, #tpu.memory_space<vmem>>
    %dma_start3A_1630 = tpu.memref_squeeze %dma_start3A_1629 : memref<1x8x128xi32, #tpu.memory_space<vmem>> -> memref<8x128xi32, #tpu.memory_space<vmem>>
    %dma_start3A_1631 = arith.constant 0 : i32
    %dma_start3A_1632 = tpu.memref_slice %dma_start3A_1630[%dma_start3A_1618, %dma_start3A_1631] : memref<8x128xi32, #tpu.memory_space<vmem>> -> memref<1x128xi32, #tpu.memory_space<vmem>>
    %dma_start3A_1633 = tpu.memref_squeeze %dma_start3A_1632 : memref<1x128xi32, #tpu.memory_space<vmem>> -> memref<128xi32, #tpu.memory_space<vmem>>
    %dma_start3A_1634 = arith.constant 0 : i32
    %dma_start3A_1635 = arith.constant 0 : i32
    %dma_start3A_1636 = tpu.memref_slice %arg3[%dma_start3A_1634, %dma_start3A_1635] : memref<3200x32xf32, #tpu.memory_space<hbm>> -> memref<3200x32xf32, #tpu.memory_space<hbm>>
    tpu.enqueue_indirect_dma source(%dma_start3A_1636 : memref<3200x32xf32, #tpu.memory_space<hbm>>) target(%dma_start3A_1626 : memref<128x32xf32, #tpu.memory_space<vmem>>) offsets(%dma_start3A_1633 : memref<128xi32, #tpu.memory_space<vmem>>) semaphore(%arg9 : memref<!tpu.dma_semaphore, #tpu.memory_space<semaphore_mem>>)
    %dma_start3A_1637 = arith.constant 0 : i32
    %dma_start3A_1638 = arith.constant 5 : i32
    %dma_start3A_1639 = arith.constant 0 : i32
    %dma_start3A_1640 = arith.constant 0 : i32
    %dma_start3A_1641 = arith.constant 0 : i32
    %dma_start3A_1642 = tpu.memref_slice %arg6[%dma_start3A_1639, %dma_start3A_1640, %dma_start3A_1641] : memref<2x1024x32xf32, #tpu.memory_space<vmem>> -> memref<1x1024x32xf32, #tpu.memory_space<vmem>>
    %dma_start3A_1643 = tpu.memref_squeeze %dma_start3A_1642 : memref<1x1024x32xf32, #tpu.memory_space<vmem>> -> memref<1024x32xf32, #tpu.memory_space<vmem>>
    %dma_start3A_1644 = arith.constant 640 : i32
    %dma_start3A_1645 = arith.constant 0 : i32
    %dma_start3A_1646 = tpu.memref_slice %dma_start3A_1643[%dma_start3A_1644, %dma_start3A_1645] : memref<1024x32xf32, #tpu.memory_space<vmem>> -> memref<128x32xf32, #tpu.memory_space<vmem>>
    %dma_start3A_1647 = arith.constant 0 : i32
    %dma_start3A_1648 = arith.constant 0 : i32
    %dma_start3A_1649 = tpu.memref_slice %arg5[%dma_start3A_1637, %dma_start3A_1647, %dma_start3A_1648] : memref<2x8x128xi32, #tpu.memory_space<vmem>> -> memref<1x8x128xi32, #tpu.memory_space<vmem>>
    %dma_start3A_1650 = tpu.memref_squeeze %dma_start3A_1649 : memref<1x8x128xi32, #tpu.memory_space<vmem>> -> memref<8x128xi32, #tpu.memory_space<vmem>>
    %dma_start3A_1651 = arith.constant 0 : i32
    %dma_start3A_1652 = tpu.memref_slice %dma_start3A_1650[%dma_start3A_1638, %dma_start3A_1651] : memref<8x128xi32, #tpu.memory_space<vmem>> -> memref<1x128xi32, #tpu.memory_space<vmem>>
    %dma_start3A_1653 = tpu.memref_squeeze %dma_start3A_1652 : memref<1x128xi32, #tpu.memory_space<vmem>> -> memref<128xi32, #tpu.memory_space<vmem>>
    %dma_start3A_1654 = arith.constant 0 : i32
    %dma_start3A_1655 = arith.constant 0 : i32
    %dma_start3A_1656 = tpu.memref_slice %arg3[%dma_start3A_1654, %dma_start3A_1655] : memref<3200x32xf32, #tpu.memory_space<hbm>> -> memref<3200x32xf32, #tpu.memory_space<hbm>>
    tpu.enqueue_indirect_dma source(%dma_start3A_1656 : memref<3200x32xf32, #tpu.memory_space<hbm>>) target(%dma_start3A_1646 : memref<128x32xf32, #tpu.memory_space<vmem>>) offsets(%dma_start3A_1653 : memref<128xi32, #tpu.memory_space<vmem>>) semaphore(%arg9 : memref<!tpu.dma_semaphore, #tpu.memory_space<semaphore_mem>>)
    %dma_start3A_1657 = arith.constant 0 : i32
    %dma_start3A_1658 = arith.constant 6 : i32
    %dma_start3A_1659 = arith.constant 0 : i32
    %dma_start3A_1660 = arith.constant 0 : i32
    %dma_start3A_1661 = arith.constant 0 : i32
    %dma_start3A_1662 = tpu.memref_slice %arg6[%dma_start3A_1659, %dma_start3A_1660, %dma_start3A_1661] : memref<2x1024x32xf32, #tpu.memory_space<vmem>> -> memref<1x1024x32xf32, #tpu.memory_space<vmem>>
    %dma_start3A_1663 = tpu.memref_squeeze %dma_start3A_1662 : memref<1x1024x32xf32, #tpu.memory_space<vmem>> -> memref<1024x32xf32, #tpu.memory_space<vmem>>
    %dma_start3A_1664 = arith.constant 768 : i32
    %dma_start3A_1665 = arith.constant 0 : i32
    %dma_start3A_1666 = tpu.memref_slice %dma_start3A_1663[%dma_start3A_1664, %dma_start3A_1665] : memref<1024x32xf32, #tpu.memory_space<vmem>> -> memref<128x32xf32, #tpu.memory_space<vmem>>
    %dma_start3A_1667 = arith.constant 0 : i32
    %dma_start3A_1668 = arith.constant 0 : i32
    %dma_start3A_1669 = tpu.memref_slice %arg5[%dma_start3A_1657, %dma_start3A_1667, %dma_start3A_1668] : memref<2x8x128xi32, #tpu.memory_space<vmem>> -> memref<1x8x128xi32, #tpu.memory_space<vmem>>
    %dma_start3A_1670 = tpu.memref_squeeze %dma_start3A_1669 : memref<1x8x128xi32, #tpu.memory_space<vmem>> -> memref<8x128xi32, #tpu.memory_space<vmem>>
    %dma_start3A_1671 = arith.constant 0 : i32
    %dma_start3A_1672 = tpu.memref_slice %dma_start3A_1670[%dma_start3A_1658, %dma_start3A_1671] : memref<8x128xi32, #tpu.memory_space<vmem>> -> memref<1x128xi32, #tpu.memory_space<vmem>>
    %dma_start3A_1673 = tpu.memref_squeeze %dma_start3A_1672 : memref<1x128xi32, #tpu.memory_space<vmem>> -> memref<128xi32, #tpu.memory_space<vmem>>
    %dma_start3A_1674 = arith.constant 0 : i32
    %dma_start3A_1675 = arith.constant 0 : i32
    %dma_start3A_1676 = tpu.memref_slice %arg3[%dma_start3A_1674, %dma_start3A_1675] : memref<3200x32xf32, #tpu.memory_space<hbm>> -> memref<3200x32xf32, #tpu.memory_space<hbm>>
    tpu.enqueue_indirect_dma source(%dma_start3A_1676 : memref<3200x32xf32, #tpu.memory_space<hbm>>) target(%dma_start3A_1666 : memref<128x32xf32, #tpu.memory_space<vmem>>) offsets(%dma_start3A_1673 : memref<128xi32, #tpu.memory_space<vmem>>) semaphore(%arg9 : memref<!tpu.dma_semaphore, #tpu.memory_space<semaphore_mem>>)
    %dma_start3A_1677 = arith.constant 0 : i32
    %dma_start3A_1678 = arith.constant 7 : i32
    %dma_start3A_1679 = arith.constant 0 : i32
    %dma_start3A_1680 = arith.constant 0 : i32
    %dma_start3A_1681 = arith.constant 0 : i32
    %dma_start3A_1682 = tpu.memref_slice %arg6[%dma_start3A_1679, %dma_start3A_1680, %dma_start3A_1681] : memref<2x1024x32xf32, #tpu.memory_space<vmem>> -> memref<1x1024x32xf32, #tpu.memory_space<vmem>>
    %dma_start3A_1683 = tpu.memref_squeeze %dma_start3A_1682 : memref<1x1024x32xf32, #tpu.memory_space<vmem>> -> memref<1024x32xf32, #tpu.memory_space<vmem>>
    %dma_start3A_1684 = arith.constant 896 : i32
    %dma_start3A_1685 = arith.constant 0 : i32
    %dma_start3A_1686 = tpu.memref_slice %dma_start3A_1683[%dma_start3A_1684, %dma_start3A_1685] : memref<1024x32xf32, #tpu.memory_space<vmem>> -> memref<128x32xf32, #tpu.memory_space<vmem>>
    %dma_start3A_1687 = arith.constant 0 : i32
    %dma_start3A_1688 = arith.constant 0 : i32
    %dma_start3A_1689 = tpu.memref_slice %arg5[%dma_start3A_1677, %dma_start3A_1687, %dma_start3A_1688] : memref<2x8x128xi32, #tpu.memory_space<vmem>> -> memref<1x8x128xi32, #tpu.memory_space<vmem>>
    %dma_start3A_1690 = tpu.memref_squeeze %dma_start3A_1689 : memref<1x8x128xi32, #tpu.memory_space<vmem>> -> memref<8x128xi32, #tpu.memory_space<vmem>>
    %dma_start3A_1691 = arith.constant 0 : i32
    %dma_start3A_1692 = tpu.memref_slice %dma_start3A_1690[%dma_start3A_1678, %dma_start3A_1691] : memref<8x128xi32, #tpu.memory_space<vmem>> -> memref<1x128xi32, #tpu.memory_space<vmem>>
    %dma_start3A_1693 = tpu.memref_squeeze %dma_start3A_1692 : memref<1x128xi32, #tpu.memory_space<vmem>> -> memref<128xi32, #tpu.memory_space<vmem>>
    %dma_start3A_1694 = arith.constant 0 : i32
    %dma_start3A_1695 = arith.constant 0 : i32
    %dma_start3A_1696 = tpu.memref_slice %arg3[%dma_start3A_1694, %dma_start3A_1695] : memref<3200x32xf32, #tpu.memory_space<hbm>> -> memref<3200x32xf32, #tpu.memory_space<hbm>>
    tpu.enqueue_indirect_dma source(%dma_start3A_1696 : memref<3200x32xf32, #tpu.memory_space<hbm>>) target(%dma_start3A_1686 : memref<128x32xf32, #tpu.memory_space<vmem>>) offsets(%dma_start3A_1693 : memref<128xi32, #tpu.memory_space<vmem>>) semaphore(%arg9 : memref<!tpu.dma_semaphore, #tpu.memory_space<semaphore_mem>>)
    %dma_wait3A_1697 = arith.constant 0 : i32
    %dma_wait3A_1698 = arith.constant 0 : i32
    %dma_wait3A_1699 = arith.constant 0 : i32
    %dma_wait3A_1700 = arith.constant 0 : i32
    %dma_wait3A_1701 = arith.constant 0 : i32
    %dma_wait3A_1702 = tpu.memref_slice %arg6[%dma_wait3A_1699, %dma_wait3A_1700, %dma_wait3A_1701] : memref<2x1024x32xf32, #tpu.memory_space<vmem>> -> memref<1x1024x32xf32, #tpu.memory_space<vmem>>
    %dma_wait3A_1703 = tpu.memref_squeeze %dma_wait3A_1702 : memref<1x1024x32xf32, #tpu.memory_space<vmem>> -> memref<1024x32xf32, #tpu.memory_space<vmem>>
    %dma_wait3A_1704 = arith.constant 0 : i32
    %dma_wait3A_1705 = arith.constant 0 : i32
    %dma_wait3A_1706 = tpu.memref_slice %dma_wait3A_1703[%dma_wait3A_1704, %dma_wait3A_1705] : memref<1024x32xf32, #tpu.memory_space<vmem>> -> memref<128x32xf32, #tpu.memory_space<vmem>>
    %dma_wait3A_1707 = arith.constant 0 : i32
    %dma_wait3A_1708 = arith.constant 0 : i32
    %dma_wait3A_1709 = tpu.memref_slice %arg5[%dma_wait3A_1697, %dma_wait3A_1707, %dma_wait3A_1708] : memref<2x8x128xi32, #tpu.memory_space<vmem>> -> memref<1x8x128xi32, #tpu.memory_space<vmem>>
    %dma_wait3A_1710 = tpu.memref_squeeze %dma_wait3A_1709 : memref<1x8x128xi32, #tpu.memory_space<vmem>> -> memref<8x128xi32, #tpu.memory_space<vmem>>
    %dma_wait3A_1711 = arith.constant 0 : i32
    %dma_wait3A_1712 = tpu.memref_slice %dma_wait3A_1710[%dma_wait3A_1698, %dma_wait3A_1711] : memref<8x128xi32, #tpu.memory_space<vmem>> -> memref<1x128xi32, #tpu.memory_space<vmem>>
    %dma_wait3A_1713 = tpu.memref_squeeze %dma_wait3A_1712 : memref<1x128xi32, #tpu.memory_space<vmem>> -> memref<128xi32, #tpu.memory_space<vmem>>
    %dma_wait3A_1714 = arith.constant 0 : i32
    %dma_wait3A_1715 = arith.constant 0 : i32
    %dma_wait3A_1716 = tpu.memref_slice %arg3[%dma_wait3A_1714, %dma_wait3A_1715] : memref<3200x32xf32, #tpu.memory_space<hbm>> -> memref<3200x32xf32, #tpu.memory_space<hbm>>
    tpu.wait_indirect_dma semaphore(%arg9 : memref<!tpu.dma_semaphore, #tpu.memory_space<semaphore_mem>>) src(%dma_wait3A_1716 : memref<3200x32xf32, #tpu.memory_space<hbm>>) dst(%dma_wait3A_1706 : memref<128x32xf32, #tpu.memory_space<vmem>>)
    %dma_wait3A_1717 = arith.constant 0 : i32
    %dma_wait3A_1718 = arith.constant 1 : i32
    %dma_wait3A_1719 = arith.constant 0 : i32
    %dma_wait3A_1720 = arith.constant 0 : i32
    %dma_wait3A_1721 = arith.constant 0 : i32
    %dma_wait3A_1722 = tpu.memref_slice %arg6[%dma_wait3A_1719, %dma_wait3A_1720, %dma_wait3A_1721] : memref<2x1024x32xf32, #tpu.memory_space<vmem>> -> memref<1x1024x32xf32, #tpu.memory_space<vmem>>
    %dma_wait3A_1723 = tpu.memref_squeeze %dma_wait3A_1722 : memref<1x1024x32xf32, #tpu.memory_space<vmem>> -> memref<1024x32xf32, #tpu.memory_space<vmem>>
    %dma_wait3A_1724 = arith.constant 128 : i32
    %dma_wait3A_1725 = arith.constant 0 : i32
    %dma_wait3A_1726 = tpu.memref_slice %dma_wait3A_1723[%dma_wait3A_1724, %dma_wait3A_1725] : memref<1024x32xf32, #tpu.memory_space<vmem>> -> memref<128x32xf32, #tpu.memory_space<vmem>>
    %dma_wait3A_1727 = arith.constant 0 : i32
    %dma_wait3A_1728 = arith.constant 0 : i32
    %dma_wait3A_1729 = tpu.memref_slice %arg5[%dma_wait3A_1717, %dma_wait3A_1727, %dma_wait3A_1728] : memref<2x8x128xi32, #tpu.memory_space<vmem>> -> memref<1x8x128xi32, #tpu.memory_space<vmem>>
    %dma_wait3A_1730 = tpu.memref_squeeze %dma_wait3A_1729 : memref<1x8x128xi32, #tpu.memory_space<vmem>> -> memref<8x128xi32, #tpu.memory_space<vmem>>
    %dma_wait3A_1731 = arith.constant 0 : i32
    %dma_wait3A_1732 = tpu.memref_slice %dma_wait3A_1730[%dma_wait3A_1718, %dma_wait3A_1731] : memref<8x128xi32, #tpu.memory_space<vmem>> -> memref<1x128xi32, #tpu.memory_space<vmem>>
    %dma_wait3A_1733 = tpu.memref_squeeze %dma_wait3A_1732 : memref<1x128xi32, #tpu.memory_space<vmem>> -> memref<128xi32, #tpu.memory_space<vmem>>
    %dma_wait3A_1734 = arith.constant 0 : i32
    %dma_wait3A_1735 = arith.constant 0 : i32
    %dma_wait3A_1736 = tpu.memref_slice %arg3[%dma_wait3A_1734, %dma_wait3A_1735] : memref<3200x32xf32, #tpu.memory_space<hbm>> -> memref<3200x32xf32, #tpu.memory_space<hbm>>
    tpu.wait_indirect_dma semaphore(%arg9 : memref<!tpu.dma_semaphore, #tpu.memory_space<semaphore_mem>>) src(%dma_wait3A_1736 : memref<3200x32xf32, #tpu.memory_space<hbm>>) dst(%dma_wait3A_1726 : memref<128x32xf32, #tpu.memory_space<vmem>>)
    %dma_wait3A_1737 = arith.constant 0 : i32
    %dma_wait3A_1738 = arith.constant 2 : i32
    %dma_wait3A_1739 = arith.constant 0 : i32
    %dma_wait3A_1740 = arith.constant 0 : i32
    %dma_wait3A_1741 = arith.constant 0 : i32
    %dma_wait3A_1742 = tpu.memref_slice %arg6[%dma_wait3A_1739, %dma_wait3A_1740, %dma_wait3A_1741] : memref<2x1024x32xf32, #tpu.memory_space<vmem>> -> memref<1x1024x32xf32, #tpu.memory_space<vmem>>
    %dma_wait3A_1743 = tpu.memref_squeeze %dma_wait3A_1742 : memref<1x1024x32xf32, #tpu.memory_space<vmem>> -> memref<1024x32xf32, #tpu.memory_space<vmem>>
    %dma_wait3A_1744 = arith.constant 256 : i32
    %dma_wait3A_1745 = arith.constant 0 : i32
    %dma_wait3A_1746 = tpu.memref_slice %dma_wait3A_1743[%dma_wait3A_1744, %dma_wait3A_1745] : memref<1024x32xf32, #tpu.memory_space<vmem>> -> memref<128x32xf32, #tpu.memory_space<vmem>>
    %dma_wait3A_1747 = arith.constant 0 : i32
    %dma_wait3A_1748 = arith.constant 0 : i32
    %dma_wait3A_1749 = tpu.memref_slice %arg5[%dma_wait3A_1737, %dma_wait3A_1747, %dma_wait3A_1748] : memref<2x8x128xi32, #tpu.memory_space<vmem>> -> memref<1x8x128xi32, #tpu.memory_space<vmem>>
    %dma_wait3A_1750 = tpu.memref_squeeze %dma_wait3A_1749 : memref<1x8x128xi32, #tpu.memory_space<vmem>> -> memref<8x128xi32, #tpu.memory_space<vmem>>
    %dma_wait3A_1751 = arith.constant 0 : i32
    %dma_wait3A_1752 = tpu.memref_slice %dma_wait3A_1750[%dma_wait3A_1738, %dma_wait3A_1751] : memref<8x128xi32, #tpu.memory_space<vmem>> -> memref<1x128xi32, #tpu.memory_space<vmem>>
    %dma_wait3A_1753 = tpu.memref_squeeze %dma_wait3A_1752 : memref<1x128xi32, #tpu.memory_space<vmem>> -> memref<128xi32, #tpu.memory_space<vmem>>
    %dma_wait3A_1754 = arith.constant 0 : i32
    %dma_wait3A_1755 = arith.constant 0 : i32
    %dma_wait3A_1756 = tpu.memref_slice %arg3[%dma_wait3A_1754, %dma_wait3A_1755] : memref<3200x32xf32, #tpu.memory_space<hbm>> -> memref<3200x32xf32, #tpu.memory_space<hbm>>
    tpu.wait_indirect_dma semaphore(%arg9 : memref<!tpu.dma_semaphore, #tpu.memory_space<semaphore_mem>>) src(%dma_wait3A_1756 : memref<3200x32xf32, #tpu.memory_space<hbm>>) dst(%dma_wait3A_1746 : memref<128x32xf32, #tpu.memory_space<vmem>>)
    %dma_wait3A_1757 = arith.constant 0 : i32
    %dma_wait3A_1758 = arith.constant 3 : i32
    %dma_wait3A_1759 = arith.constant 0 : i32
    %dma_wait3A_1760 = arith.constant 0 : i32
    %dma_wait3A_1761 = arith.constant 0 : i32
    %dma_wait3A_1762 = tpu.memref_slice %arg6[%dma_wait3A_1759, %dma_wait3A_1760, %dma_wait3A_1761] : memref<2x1024x32xf32, #tpu.memory_space<vmem>> -> memref<1x1024x32xf32, #tpu.memory_space<vmem>>
    %dma_wait3A_1763 = tpu.memref_squeeze %dma_wait3A_1762 : memref<1x1024x32xf32, #tpu.memory_space<vmem>> -> memref<1024x32xf32, #tpu.memory_space<vmem>>
    %dma_wait3A_1764 = arith.constant 384 : i32
    %dma_wait3A_1765 = arith.constant 0 : i32
    %dma_wait3A_1766 = tpu.memref_slice %dma_wait3A_1763[%dma_wait3A_1764, %dma_wait3A_1765] : memref<1024x32xf32, #tpu.memory_space<vmem>> -> memref<128x32xf32, #tpu.memory_space<vmem>>
    %dma_wait3A_1767 = arith.constant 0 : i32
    %dma_wait3A_1768 = arith.constant 0 : i32
    %dma_wait3A_1769 = tpu.memref_slice %arg5[%dma_wait3A_1757, %dma_wait3A_1767, %dma_wait3A_1768] : memref<2x8x128xi32, #tpu.memory_space<vmem>> -> memref<1x8x128xi32, #tpu.memory_space<vmem>>
    %dma_wait3A_1770 = tpu.memref_squeeze %dma_wait3A_1769 : memref<1x8x128xi32, #tpu.memory_space<vmem>> -> memref<8x128xi32, #tpu.memory_space<vmem>>
    %dma_wait3A_1771 = arith.constant 0 : i32
    %dma_wait3A_1772 = tpu.memref_slice %dma_wait3A_1770[%dma_wait3A_1758, %dma_wait3A_1771] : memref<8x128xi32, #tpu.memory_space<vmem>> -> memref<1x128xi32, #tpu.memory_space<vmem>>
    %dma_wait3A_1773 = tpu.memref_squeeze %dma_wait3A_1772 : memref<1x128xi32, #tpu.memory_space<vmem>> -> memref<128xi32, #tpu.memory_space<vmem>>
    %dma_wait3A_1774 = arith.constant 0 : i32
    %dma_wait3A_1775 = arith.constant 0 : i32
    %dma_wait3A_1776 = tpu.memref_slice %arg3[%dma_wait3A_1774, %dma_wait3A_1775] : memref<3200x32xf32, #tpu.memory_space<hbm>> -> memref<3200x32xf32, #tpu.memory_space<hbm>>
    tpu.wait_indirect_dma semaphore(%arg9 : memref<!tpu.dma_semaphore, #tpu.memory_space<semaphore_mem>>) src(%dma_wait3A_1776 : memref<3200x32xf32, #tpu.memory_space<hbm>>) dst(%dma_wait3A_1766 : memref<128x32xf32, #tpu.memory_space<vmem>>)
    %dma_wait3A_1777 = arith.constant 0 : i32
    %dma_wait3A_1778 = arith.constant 4 : i32
    %dma_wait3A_1779 = arith.constant 0 : i32
    %dma_wait3A_1780 = arith.constant 0 : i32
    %dma_wait3A_1781 = arith.constant 0 : i32
    %dma_wait3A_1782 = tpu.memref_slice %arg6[%dma_wait3A_1779, %dma_wait3A_1780, %dma_wait3A_1781] : memref<2x1024x32xf32, #tpu.memory_space<vmem>> -> memref<1x1024x32xf32, #tpu.memory_space<vmem>>
    %dma_wait3A_1783 = tpu.memref_squeeze %dma_wait3A_1782 : memref<1x1024x32xf32, #tpu.memory_space<vmem>> -> memref<1024x32xf32, #tpu.memory_space<vmem>>
    %dma_wait3A_1784 = arith.constant 512 : i32
    %dma_wait3A_1785 = arith.constant 0 : i32
    %dma_wait3A_1786 = tpu.memref_slice %dma_wait3A_1783[%dma_wait3A_1784, %dma_wait3A_1785] : memref<1024x32xf32, #tpu.memory_space<vmem>> -> memref<128x32xf32, #tpu.memory_space<vmem>>
    %dma_wait3A_1787 = arith.constant 0 : i32
    %dma_wait3A_1788 = arith.constant 0 : i32
    %dma_wait3A_1789 = tpu.memref_slice %arg5[%dma_wait3A_1777, %dma_wait3A_1787, %dma_wait3A_1788] : memref<2x8x128xi32, #tpu.memory_space<vmem>> -> memref<1x8x128xi32, #tpu.memory_space<vmem>>
    %dma_wait3A_1790 = tpu.memref_squeeze %dma_wait3A_1789 : memref<1x8x128xi32, #tpu.memory_space<vmem>> -> memref<8x128xi32, #tpu.memory_space<vmem>>
    %dma_wait3A_1791 = arith.constant 0 : i32
    %dma_wait3A_1792 = tpu.memref_slice %dma_wait3A_1790[%dma_wait3A_1778, %dma_wait3A_1791] : memref<8x128xi32, #tpu.memory_space<vmem>> -> memref<1x128xi32, #tpu.memory_space<vmem>>
    %dma_wait3A_1793 = tpu.memref_squeeze %dma_wait3A_1792 : memref<1x128xi32, #tpu.memory_space<vmem>> -> memref<128xi32, #tpu.memory_space<vmem>>
    %dma_wait3A_1794 = arith.constant 0 : i32
    %dma_wait3A_1795 = arith.constant 0 : i32
    %dma_wait3A_1796 = tpu.memref_slice %arg3[%dma_wait3A_1794, %dma_wait3A_1795] : memref<3200x32xf32, #tpu.memory_space<hbm>> -> memref<3200x32xf32, #tpu.memory_space<hbm>>
    tpu.wait_indirect_dma semaphore(%arg9 : memref<!tpu.dma_semaphore, #tpu.memory_space<semaphore_mem>>) src(%dma_wait3A_1796 : memref<3200x32xf32, #tpu.memory_space<hbm>>) dst(%dma_wait3A_1786 : memref<128x32xf32, #tpu.memory_space<vmem>>)
    %dma_wait3A_1797 = arith.constant 0 : i32
    %dma_wait3A_1798 = arith.constant 5 : i32
    %dma_wait3A_1799 = arith.constant 0 : i32
    %dma_wait3A_1800 = arith.constant 0 : i32
    %dma_wait3A_1801 = arith.constant 0 : i32
    %dma_wait3A_1802 = tpu.memref_slice %arg6[%dma_wait3A_1799, %dma_wait3A_1800, %dma_wait3A_1801] : memref<2x1024x32xf32, #tpu.memory_space<vmem>> -> memref<1x1024x32xf32, #tpu.memory_space<vmem>>
    %dma_wait3A_1803 = tpu.memref_squeeze %dma_wait3A_1802 : memref<1x1024x32xf32, #tpu.memory_space<vmem>> -> memref<1024x32xf32, #tpu.memory_space<vmem>>
    %dma_wait3A_1804 = arith.constant 640 : i32
    %dma_wait3A_1805 = arith.constant 0 : i32
    %dma_wait3A_1806 = tpu.memref_slice %dma_wait3A_1803[%dma_wait3A_1804, %dma_wait3A_1805] : memref<1024x32xf32, #tpu.memory_space<vmem>> -> memref<128x32xf32, #tpu.memory_space<vmem>>
    %dma_wait3A_1807 = arith.constant 0 : i32
    %dma_wait3A_1808 = arith.constant 0 : i32
    %dma_wait3A_1809 = tpu.memref_slice %arg5[%dma_wait3A_1797, %dma_wait3A_1807, %dma_wait3A_1808] : memref<2x8x128xi32, #tpu.memory_space<vmem>> -> memref<1x8x128xi32, #tpu.memory_space<vmem>>
    %dma_wait3A_1810 = tpu.memref_squeeze %dma_wait3A_1809 : memref<1x8x128xi32, #tpu.memory_space<vmem>> -> memref<8x128xi32, #tpu.memory_space<vmem>>
    %dma_wait3A_1811 = arith.constant 0 : i32
    %dma_wait3A_1812 = tpu.memref_slice %dma_wait3A_1810[%dma_wait3A_1798, %dma_wait3A_1811] : memref<8x128xi32, #tpu.memory_space<vmem>> -> memref<1x128xi32, #tpu.memory_space<vmem>>
    %dma_wait3A_1813 = tpu.memref_squeeze %dma_wait3A_1812 : memref<1x128xi32, #tpu.memory_space<vmem>> -> memref<128xi32, #tpu.memory_space<vmem>>
    %dma_wait3A_1814 = arith.constant 0 : i32
    %dma_wait3A_1815 = arith.constant 0 : i32
    %dma_wait3A_1816 = tpu.memref_slice %arg3[%dma_wait3A_1814, %dma_wait3A_1815] : memref<3200x32xf32, #tpu.memory_space<hbm>> -> memref<3200x32xf32, #tpu.memory_space<hbm>>
    tpu.wait_indirect_dma semaphore(%arg9 : memref<!tpu.dma_semaphore, #tpu.memory_space<semaphore_mem>>) src(%dma_wait3A_1816 : memref<3200x32xf32, #tpu.memory_space<hbm>>) dst(%dma_wait3A_1806 : memref<128x32xf32, #tpu.memory_space<vmem>>)
    %dma_wait3A_1817 = arith.constant 0 : i32
    %dma_wait3A_1818 = arith.constant 6 : i32
    %dma_wait3A_1819 = arith.constant 0 : i32
    %dma_wait3A_1820 = arith.constant 0 : i32
    %dma_wait3A_1821 = arith.constant 0 : i32
    %dma_wait3A_1822 = tpu.memref_slice %arg6[%dma_wait3A_1819, %dma_wait3A_1820, %dma_wait3A_1821] : memref<2x1024x32xf32, #tpu.memory_space<vmem>> -> memref<1x1024x32xf32, #tpu.memory_space<vmem>>
    %dma_wait3A_1823 = tpu.memref_squeeze %dma_wait3A_1822 : memref<1x1024x32xf32, #tpu.memory_space<vmem>> -> memref<1024x32xf32, #tpu.memory_space<vmem>>
    %dma_wait3A_1824 = arith.constant 768 : i32
    %dma_wait3A_1825 = arith.constant 0 : i32
    %dma_wait3A_1826 = tpu.memref_slice %dma_wait3A_1823[%dma_wait3A_1824, %dma_wait3A_1825] : memref<1024x32xf32, #tpu.memory_space<vmem>> -> memref<128x32xf32, #tpu.memory_space<vmem>>
    %dma_wait3A_1827 = arith.constant 0 : i32
    %dma_wait3A_1828 = arith.constant 0 : i32
    %dma_wait3A_1829 = tpu.memref_slice %arg5[%dma_wait3A_1817, %dma_wait3A_1827, %dma_wait3A_1828] : memref<2x8x128xi32, #tpu.memory_space<vmem>> -> memref<1x8x128xi32, #tpu.memory_space<vmem>>
    %dma_wait3A_1830 = tpu.memref_squeeze %dma_wait3A_1829 : memref<1x8x128xi32, #tpu.memory_space<vmem>> -> memref<8x128xi32, #tpu.memory_space<vmem>>
    %dma_wait3A_1831 = arith.constant 0 : i32
    %dma_wait3A_1832 = tpu.memref_slice %dma_wait3A_1830[%dma_wait3A_1818, %dma_wait3A_1831] : memref<8x128xi32, #tpu.memory_space<vmem>> -> memref<1x128xi32, #tpu.memory_space<vmem>>
    %dma_wait3A_1833 = tpu.memref_squeeze %dma_wait3A_1832 : memref<1x128xi32, #tpu.memory_space<vmem>> -> memref<128xi32, #tpu.memory_space<vmem>>
    %dma_wait3A_1834 = arith.constant 0 : i32
    %dma_wait3A_1835 = arith.constant 0 : i32
    %dma_wait3A_1836 = tpu.memref_slice %arg3[%dma_wait3A_1834, %dma_wait3A_1835] : memref<3200x32xf32, #tpu.memory_space<hbm>> -> memref<3200x32xf32, #tpu.memory_space<hbm>>
    tpu.wait_indirect_dma semaphore(%arg9 : memref<!tpu.dma_semaphore, #tpu.memory_space<semaphore_mem>>) src(%dma_wait3A_1836 : memref<3200x32xf32, #tpu.memory_space<hbm>>) dst(%dma_wait3A_1826 : memref<128x32xf32, #tpu.memory_space<vmem>>)
    %dma_wait3A_1837 = arith.constant 0 : i32
    %dma_wait3A_1838 = arith.constant 7 : i32
    %dma_wait3A_1839 = arith.constant 0 : i32
    %dma_wait3A_1840 = arith.constant 0 : i32
    %dma_wait3A_1841 = arith.constant 0 : i32
    %dma_wait3A_1842 = tpu.memref_slice %arg6[%dma_wait3A_1839, %dma_wait3A_1840, %dma_wait3A_1841] : memref<2x1024x32xf32, #tpu.memory_space<vmem>> -> memref<1x1024x32xf32, #tpu.memory_space<vmem>>
    %dma_wait3A_1843 = tpu.memref_squeeze %dma_wait3A_1842 : memref<1x1024x32xf32, #tpu.memory_space<vmem>> -> memref<1024x32xf32, #tpu.memory_space<vmem>>
    %dma_wait3A_1844 = arith.constant 896 : i32
    %dma_wait3A_1845 = arith.constant 0 : i32
    %dma_wait3A_1846 = tpu.memref_slice %dma_wait3A_1843[%dma_wait3A_1844, %dma_wait3A_1845] : memref<1024x32xf32, #tpu.memory_space<vmem>> -> memref<128x32xf32, #tpu.memory_space<vmem>>
    %dma_wait3A_1847 = arith.constant 0 : i32
    %dma_wait3A_1848 = arith.constant 0 : i32
    %dma_wait3A_1849 = tpu.memref_slice %arg5[%dma_wait3A_1837, %dma_wait3A_1847, %dma_wait3A_1848] : memref<2x8x128xi32, #tpu.memory_space<vmem>> -> memref<1x8x128xi32, #tpu.memory_space<vmem>>
    %dma_wait3A_1850 = tpu.memref_squeeze %dma_wait3A_1849 : memref<1x8x128xi32, #tpu.memory_space<vmem>> -> memref<8x128xi32, #tpu.memory_space<vmem>>
    %dma_wait3A_1851 = arith.constant 0 : i32
    %dma_wait3A_1852 = tpu.memref_slice %dma_wait3A_1850[%dma_wait3A_1838, %dma_wait3A_1851] : memref<8x128xi32, #tpu.memory_space<vmem>> -> memref<1x128xi32, #tpu.memory_space<vmem>>
    %dma_wait3A_1853 = tpu.memref_squeeze %dma_wait3A_1852 : memref<1x128xi32, #tpu.memory_space<vmem>> -> memref<128xi32, #tpu.memory_space<vmem>>
    %dma_wait3A_1854 = arith.constant 0 : i32
    %dma_wait3A_1855 = arith.constant 0 : i32
    %dma_wait3A_1856 = tpu.memref_slice %arg3[%dma_wait3A_1854, %dma_wait3A_1855] : memref<3200x32xf32, #tpu.memory_space<hbm>> -> memref<3200x32xf32, #tpu.memory_space<hbm>>
    tpu.wait_indirect_dma semaphore(%arg9 : memref<!tpu.dma_semaphore, #tpu.memory_space<semaphore_mem>>) src(%dma_wait3A_1856 : memref<3200x32xf32, #tpu.memory_space<hbm>>) dst(%dma_wait3A_1846 : memref<128x32xf32, #tpu.memory_space<vmem>>)
    %add3A_1857 = arith.constant 4096 : i32
    %add3A_1858 = arith.addi %mul3A_4, %add3A_1857 : i32
    %dma_start3A_1859 = arith.constant 0 : i32
    %dma_start3A_1860 = arith.constant 0 : i32
    %dma_start3A_1861 = arith.constant 0 : i32
    %dma_start3A_1862 = tpu.memref_slice %arg6[%dma_start3A_1859, %dma_start3A_1860, %dma_start3A_1861] : memref<2x1024x32xf32, #tpu.memory_space<vmem>> -> memref<1x1024x32xf32, #tpu.memory_space<vmem>>
    %dma_start3A_1863 = tpu.memref_squeeze %dma_start3A_1862 : memref<1x1024x32xf32, #tpu.memory_space<vmem>> -> memref<1024x32xf32, #tpu.memory_space<vmem>>
    %dma_start3A_1864 = arith.constant 0 : i32
    %dma_start3A_1865 = tpu.memref_slice %arg4[%add3A_1858, %dma_start3A_1864] : memref<262144x32xf32, #tpu.memory_space<hbm>> -> memref<1024x32xf32, #tpu.memory_space<hbm>>
    %dma_start3A_1866 = arith.constant 0 : i32
    %dma_start3A_1867 = tpu.memref_slice %arg4[%add3A_1858, %dma_start3A_1866] : memref<262144x32xf32, #tpu.memory_space<hbm>> -> memref<1024x32xf32, #tpu.memory_space<hbm>>
    %dma_start3A_1868 = arith.constant 0 : i32
    %dma_start3A_1869 = arith.constant 0 : i32
    %dma_start3A_1870 = tpu.memref_slice %arg6[%dma_start3A_1859, %dma_start3A_1868, %dma_start3A_1869] : memref<2x1024x32xf32, #tpu.memory_space<vmem>> -> memref<1x1024x32xf32, #tpu.memory_space<vmem>>
    %dma_start3A_1871 = tpu.memref_squeeze %dma_start3A_1870 : memref<1x1024x32xf32, #tpu.memory_space<vmem>> -> memref<1024x32xf32, #tpu.memory_space<vmem>>
    tpu.enqueue_dma source(%dma_start3A_1871 : memref<1024x32xf32, #tpu.memory_space<vmem>>) target(%dma_start3A_1867 : memref<1024x32xf32, #tpu.memory_space<hbm>>) target_semaphore(%arg11 : memref<!tpu.dma_semaphore, #tpu.memory_space<semaphore_mem>>)
    %add3A_1872 = arith.constant 48 : i32
    %add3A_1873 = arith.addi %mul3A_2, %add3A_1872 : i32
    %dma_start3A_1874 = arith.constant 0 : i32
    %dma_start3A_1875 = arith.constant 0 : i32
    %dma_start3A_1876 = arith.constant 0 : i32
    %dma_start3A_1877 = tpu.memref_slice %arg5[%dma_start3A_1874, %dma_start3A_1875, %dma_start3A_1876] : memref<2x8x128xi32, #tpu.memory_space<vmem>> -> memref<1x8x128xi32, #tpu.memory_space<vmem>>
    %dma_start3A_1878 = tpu.memref_squeeze %dma_start3A_1877 : memref<1x8x128xi32, #tpu.memory_space<vmem>> -> memref<8x128xi32, #tpu.memory_space<vmem>>
    %dma_start3A_1879 = arith.constant 0 : i32
    %dma_start3A_1880 = tpu.memref_slice %arg2[%add3A_1873, %dma_start3A_1879] : memref<2048x128xi32, #tpu.memory_space<hbm>> -> memref<8x128xi32, #tpu.memory_space<hbm>>
    %dma_start3A_1881 = arith.constant 0 : i32
    %dma_start3A_1882 = arith.constant 0 : i32
    %dma_start3A_1883 = tpu.memref_slice %arg5[%dma_start3A_1874, %dma_start3A_1881, %dma_start3A_1882] : memref<2x8x128xi32, #tpu.memory_space<vmem>> -> memref<1x8x128xi32, #tpu.memory_space<vmem>>
    %dma_start3A_1884 = tpu.memref_squeeze %dma_start3A_1883 : memref<1x8x128xi32, #tpu.memory_space<vmem>> -> memref<8x128xi32, #tpu.memory_space<vmem>>
    %dma_start3A_1885 = arith.constant 0 : i32
    %dma_start3A_1886 = tpu.memref_slice %arg2[%add3A_1873, %dma_start3A_1885] : memref<2048x128xi32, #tpu.memory_space<hbm>> -> memref<8x128xi32, #tpu.memory_space<hbm>>
    tpu.enqueue_dma source(%dma_start3A_1886 : memref<8x128xi32, #tpu.memory_space<hbm>>) target(%dma_start3A_1884 : memref<8x128xi32, #tpu.memory_space<vmem>>) target_semaphore(%arg7 : memref<!tpu.dma_semaphore, #tpu.memory_space<semaphore_mem>>)
    %dma_wait3A_1887 = arith.constant 1 : i32
    %dma_wait3A_1888 = arith.constant 0 : i32
    %dma_wait3A_1889 = arith.constant 0 : i32
    %dma_wait3A_1890 = tpu.memref_slice %arg5[%dma_wait3A_1887, %dma_wait3A_1888, %dma_wait3A_1889] : memref<2x8x128xi32, #tpu.memory_space<vmem>> -> memref<1x8x128xi32, #tpu.memory_space<vmem>>
    %dma_wait3A_1891 = tpu.memref_squeeze %dma_wait3A_1890 : memref<1x8x128xi32, #tpu.memory_space<vmem>> -> memref<8x128xi32, #tpu.memory_space<vmem>>
    %dma_wait3A_1892 = arith.constant 0 : i32
    %dma_wait3A_1893 = tpu.memref_slice %arg2[%add3A_1497, %dma_wait3A_1892] : memref<2048x128xi32, #tpu.memory_space<hbm>> -> memref<8x128xi32, #tpu.memory_space<hbm>>
    %dma_wait3A_1894 = arith.constant 0 : i32
    %dma_wait3A_1895 = arith.constant 0 : i32
    %dma_wait3A_1896 = tpu.memref_slice %arg5[%dma_wait3A_1887, %dma_wait3A_1894, %dma_wait3A_1895] : memref<2x8x128xi32, #tpu.memory_space<vmem>> -> memref<1x8x128xi32, #tpu.memory_space<vmem>>
    %dma_wait3A_1897 = tpu.memref_squeeze %dma_wait3A_1896 : memref<1x8x128xi32, #tpu.memory_space<vmem>> -> memref<8x128xi32, #tpu.memory_space<vmem>>
    %dma_wait3A_1898 = arith.constant 0 : i32
    %dma_wait3A_1899 = tpu.memref_slice %arg2[%add3A_1497, %dma_wait3A_1898] : memref<2048x128xi32, #tpu.memory_space<hbm>> -> memref<8x128xi32, #tpu.memory_space<hbm>>
    tpu.wait_dma2 semaphore(%arg8 : memref<!tpu.dma_semaphore, #tpu.memory_space<semaphore_mem>>) src(%dma_wait3A_1899 : memref<8x128xi32, #tpu.memory_space<hbm>>) dst(%dma_wait3A_1897 : memref<8x128xi32, #tpu.memory_space<vmem>>)
    %dma_wait3A_1900 = arith.constant 1 : i32
    %dma_wait3A_1901 = arith.constant 0 : i32
    %dma_wait3A_1902 = arith.constant 0 : i32
    %dma_wait3A_1903 = tpu.memref_slice %arg6[%dma_wait3A_1900, %dma_wait3A_1901, %dma_wait3A_1902] : memref<2x1024x32xf32, #tpu.memory_space<vmem>> -> memref<1x1024x32xf32, #tpu.memory_space<vmem>>
    %dma_wait3A_1904 = tpu.memref_squeeze %dma_wait3A_1903 : memref<1x1024x32xf32, #tpu.memory_space<vmem>> -> memref<1024x32xf32, #tpu.memory_space<vmem>>
    %dma_wait3A_1905 = arith.constant 0 : i32
    %dma_wait3A_1906 = tpu.memref_slice %arg4[%add3A_1482, %dma_wait3A_1905] : memref<262144x32xf32, #tpu.memory_space<hbm>> -> memref<1024x32xf32, #tpu.memory_space<hbm>>
    %dma_wait3A_1907 = arith.constant 0 : i32
    %dma_wait3A_1908 = tpu.memref_slice %arg4[%add3A_1482, %dma_wait3A_1907] : memref<262144x32xf32, #tpu.memory_space<hbm>> -> memref<1024x32xf32, #tpu.memory_space<hbm>>
    %dma_wait3A_1909 = arith.constant 0 : i32
    %dma_wait3A_1910 = arith.constant 0 : i32
    %dma_wait3A_1911 = tpu.memref_slice %arg6[%dma_wait3A_1900, %dma_wait3A_1909, %dma_wait3A_1910] : memref<2x1024x32xf32, #tpu.memory_space<vmem>> -> memref<1x1024x32xf32, #tpu.memory_space<vmem>>
    %dma_wait3A_1912 = tpu.memref_squeeze %dma_wait3A_1911 : memref<1x1024x32xf32, #tpu.memory_space<vmem>> -> memref<1024x32xf32, #tpu.memory_space<vmem>>
    tpu.wait_dma2 semaphore(%arg12 : memref<!tpu.dma_semaphore, #tpu.memory_space<semaphore_mem>>) src(%dma_wait3A_1912 : memref<1024x32xf32, #tpu.memory_space<vmem>>) dst(%dma_wait3A_1908 : memref<1024x32xf32, #tpu.memory_space<hbm>>)
    %dma_start3A_1913 = arith.constant 1 : i32
    %dma_start3A_1914 = arith.constant 0 : i32
    %dma_start3A_1915 = arith.constant 1 : i32
    %dma_start3A_1916 = arith.constant 0 : i32
    %dma_start3A_1917 = arith.constant 0 : i32
    %dma_start3A_1918 = tpu.memref_slice %arg6[%dma_start3A_1915, %dma_start3A_1916, %dma_start3A_1917] : memref<2x1024x32xf32, #tpu.memory_space<vmem>> -> memref<1x1024x32xf32, #tpu.memory_space<vmem>>
    %dma_start3A_1919 = tpu.memref_squeeze %dma_start3A_1918 : memref<1x1024x32xf32, #tpu.memory_space<vmem>> -> memref<1024x32xf32, #tpu.memory_space<vmem>>
    %dma_start3A_1920 = arith.constant 0 : i32
    %dma_start3A_1921 = arith.constant 0 : i32
    %dma_start3A_1922 = tpu.memref_slice %dma_start3A_1919[%dma_start3A_1920, %dma_start3A_1921] : memref<1024x32xf32, #tpu.memory_space<vmem>> -> memref<128x32xf32, #tpu.memory_space<vmem>>
    %dma_start3A_1923 = arith.constant 0 : i32
    %dma_start3A_1924 = arith.constant 0 : i32
    %dma_start3A_1925 = tpu.memref_slice %arg5[%dma_start3A_1913, %dma_start3A_1923, %dma_start3A_1924] : memref<2x8x128xi32, #tpu.memory_space<vmem>> -> memref<1x8x128xi32, #tpu.memory_space<vmem>>
    %dma_start3A_1926 = tpu.memref_squeeze %dma_start3A_1925 : memref<1x8x128xi32, #tpu.memory_space<vmem>> -> memref<8x128xi32, #tpu.memory_space<vmem>>
    %dma_start3A_1927 = arith.constant 0 : i32
    %dma_start3A_1928 = tpu.memref_slice %dma_start3A_1926[%dma_start3A_1914, %dma_start3A_1927] : memref<8x128xi32, #tpu.memory_space<vmem>> -> memref<1x128xi32, #tpu.memory_space<vmem>>
    %dma_start3A_1929 = tpu.memref_squeeze %dma_start3A_1928 : memref<1x128xi32, #tpu.memory_space<vmem>> -> memref<128xi32, #tpu.memory_space<vmem>>
    %dma_start3A_1930 = arith.constant 0 : i32
    %dma_start3A_1931 = arith.constant 0 : i32
    %dma_start3A_1932 = tpu.memref_slice %arg3[%dma_start3A_1930, %dma_start3A_1931] : memref<3200x32xf32, #tpu.memory_space<hbm>> -> memref<3200x32xf32, #tpu.memory_space<hbm>>
    tpu.enqueue_indirect_dma source(%dma_start3A_1932 : memref<3200x32xf32, #tpu.memory_space<hbm>>) target(%dma_start3A_1922 : memref<128x32xf32, #tpu.memory_space<vmem>>) offsets(%dma_start3A_1929 : memref<128xi32, #tpu.memory_space<vmem>>) semaphore(%arg10 : memref<!tpu.dma_semaphore, #tpu.memory_space<semaphore_mem>>)
    %dma_start3A_1933 = arith.constant 1 : i32
    %dma_start3A_1934 = arith.constant 1 : i32
    %dma_start3A_1935 = arith.constant 1 : i32
    %dma_start3A_1936 = arith.constant 0 : i32
    %dma_start3A_1937 = arith.constant 0 : i32
    %dma_start3A_1938 = tpu.memref_slice %arg6[%dma_start3A_1935, %dma_start3A_1936, %dma_start3A_1937] : memref<2x1024x32xf32, #tpu.memory_space<vmem>> -> memref<1x1024x32xf32, #tpu.memory_space<vmem>>
    %dma_start3A_1939 = tpu.memref_squeeze %dma_start3A_1938 : memref<1x1024x32xf32, #tpu.memory_space<vmem>> -> memref<1024x32xf32, #tpu.memory_space<vmem>>
    %dma_start3A_1940 = arith.constant 128 : i32
    %dma_start3A_1941 = arith.constant 0 : i32
    %dma_start3A_1942 = tpu.memref_slice %dma_start3A_1939[%dma_start3A_1940, %dma_start3A_1941] : memref<1024x32xf32, #tpu.memory_space<vmem>> -> memref<128x32xf32, #tpu.memory_space<vmem>>
    %dma_start3A_1943 = arith.constant 0 : i32
    %dma_start3A_1944 = arith.constant 0 : i32
    %dma_start3A_1945 = tpu.memref_slice %arg5[%dma_start3A_1933, %dma_start3A_1943, %dma_start3A_1944] : memref<2x8x128xi32, #tpu.memory_space<vmem>> -> memref<1x8x128xi32, #tpu.memory_space<vmem>>
    %dma_start3A_1946 = tpu.memref_squeeze %dma_start3A_1945 : memref<1x8x128xi32, #tpu.memory_space<vmem>> -> memref<8x128xi32, #tpu.memory_space<vmem>>
    %dma_start3A_1947 = arith.constant 0 : i32
    %dma_start3A_1948 = tpu.memref_slice %dma_start3A_1946[%dma_start3A_1934, %dma_start3A_1947] : memref<8x128xi32, #tpu.memory_space<vmem>> -> memref<1x128xi32, #tpu.memory_space<vmem>>
    %dma_start3A_1949 = tpu.memref_squeeze %dma_start3A_1948 : memref<1x128xi32, #tpu.memory_space<vmem>> -> memref<128xi32, #tpu.memory_space<vmem>>
    %dma_start3A_1950 = arith.constant 0 : i32
    %dma_start3A_1951 = arith.constant 0 : i32
    %dma_start3A_1952 = tpu.memref_slice %arg3[%dma_start3A_1950, %dma_start3A_1951] : memref<3200x32xf32, #tpu.memory_space<hbm>> -> memref<3200x32xf32, #tpu.memory_space<hbm>>
    tpu.enqueue_indirect_dma source(%dma_start3A_1952 : memref<3200x32xf32, #tpu.memory_space<hbm>>) target(%dma_start3A_1942 : memref<128x32xf32, #tpu.memory_space<vmem>>) offsets(%dma_start3A_1949 : memref<128xi32, #tpu.memory_space<vmem>>) semaphore(%arg10 : memref<!tpu.dma_semaphore, #tpu.memory_space<semaphore_mem>>)
    %dma_start3A_1953 = arith.constant 1 : i32
    %dma_start3A_1954 = arith.constant 2 : i32
    %dma_start3A_1955 = arith.constant 1 : i32
    %dma_start3A_1956 = arith.constant 0 : i32
    %dma_start3A_1957 = arith.constant 0 : i32
    %dma_start3A_1958 = tpu.memref_slice %arg6[%dma_start3A_1955, %dma_start3A_1956, %dma_start3A_1957] : memref<2x1024x32xf32, #tpu.memory_space<vmem>> -> memref<1x1024x32xf32, #tpu.memory_space<vmem>>
    %dma_start3A_1959 = tpu.memref_squeeze %dma_start3A_1958 : memref<1x1024x32xf32, #tpu.memory_space<vmem>> -> memref<1024x32xf32, #tpu.memory_space<vmem>>
    %dma_start3A_1960 = arith.constant 256 : i32
    %dma_start3A_1961 = arith.constant 0 : i32
    %dma_start3A_1962 = tpu.memref_slice %dma_start3A_1959[%dma_start3A_1960, %dma_start3A_1961] : memref<1024x32xf32, #tpu.memory_space<vmem>> -> memref<128x32xf32, #tpu.memory_space<vmem>>
    %dma_start3A_1963 = arith.constant 0 : i32
    %dma_start3A_1964 = arith.constant 0 : i32
    %dma_start3A_1965 = tpu.memref_slice %arg5[%dma_start3A_1953, %dma_start3A_1963, %dma_start3A_1964] : memref<2x8x128xi32, #tpu.memory_space<vmem>> -> memref<1x8x128xi32, #tpu.memory_space<vmem>>
    %dma_start3A_1966 = tpu.memref_squeeze %dma_start3A_1965 : memref<1x8x128xi32, #tpu.memory_space<vmem>> -> memref<8x128xi32, #tpu.memory_space<vmem>>
    %dma_start3A_1967 = arith.constant 0 : i32
    %dma_start3A_1968 = tpu.memref_slice %dma_start3A_1966[%dma_start3A_1954, %dma_start3A_1967] : memref<8x128xi32, #tpu.memory_space<vmem>> -> memref<1x128xi32, #tpu.memory_space<vmem>>
    %dma_start3A_1969 = tpu.memref_squeeze %dma_start3A_1968 : memref<1x128xi32, #tpu.memory_space<vmem>> -> memref<128xi32, #tpu.memory_space<vmem>>
    %dma_start3A_1970 = arith.constant 0 : i32
    %dma_start3A_1971 = arith.constant 0 : i32
    %dma_start3A_1972 = tpu.memref_slice %arg3[%dma_start3A_1970, %dma_start3A_1971] : memref<3200x32xf32, #tpu.memory_space<hbm>> -> memref<3200x32xf32, #tpu.memory_space<hbm>>
    tpu.enqueue_indirect_dma source(%dma_start3A_1972 : memref<3200x32xf32, #tpu.memory_space<hbm>>) target(%dma_start3A_1962 : memref<128x32xf32, #tpu.memory_space<vmem>>) offsets(%dma_start3A_1969 : memref<128xi32, #tpu.memory_space<vmem>>) semaphore(%arg10 : memref<!tpu.dma_semaphore, #tpu.memory_space<semaphore_mem>>)
    %dma_start3A_1973 = arith.constant 1 : i32
    %dma_start3A_1974 = arith.constant 3 : i32
    %dma_start3A_1975 = arith.constant 1 : i32
    %dma_start3A_1976 = arith.constant 0 : i32
    %dma_start3A_1977 = arith.constant 0 : i32
    %dma_start3A_1978 = tpu.memref_slice %arg6[%dma_start3A_1975, %dma_start3A_1976, %dma_start3A_1977] : memref<2x1024x32xf32, #tpu.memory_space<vmem>> -> memref<1x1024x32xf32, #tpu.memory_space<vmem>>
    %dma_start3A_1979 = tpu.memref_squeeze %dma_start3A_1978 : memref<1x1024x32xf32, #tpu.memory_space<vmem>> -> memref<1024x32xf32, #tpu.memory_space<vmem>>
    %dma_start3A_1980 = arith.constant 384 : i32
    %dma_start3A_1981 = arith.constant 0 : i32
    %dma_start3A_1982 = tpu.memref_slice %dma_start3A_1979[%dma_start3A_1980, %dma_start3A_1981] : memref<1024x32xf32, #tpu.memory_space<vmem>> -> memref<128x32xf32, #tpu.memory_space<vmem>>
    %dma_start3A_1983 = arith.constant 0 : i32
    %dma_start3A_1984 = arith.constant 0 : i32
    %dma_start3A_1985 = tpu.memref_slice %arg5[%dma_start3A_1973, %dma_start3A_1983, %dma_start3A_1984] : memref<2x8x128xi32, #tpu.memory_space<vmem>> -> memref<1x8x128xi32, #tpu.memory_space<vmem>>
    %dma_start3A_1986 = tpu.memref_squeeze %dma_start3A_1985 : memref<1x8x128xi32, #tpu.memory_space<vmem>> -> memref<8x128xi32, #tpu.memory_space<vmem>>
    %dma_start3A_1987 = arith.constant 0 : i32
    %dma_start3A_1988 = tpu.memref_slice %dma_start3A_1986[%dma_start3A_1974, %dma_start3A_1987] : memref<8x128xi32, #tpu.memory_space<vmem>> -> memref<1x128xi32, #tpu.memory_space<vmem>>
    %dma_start3A_1989 = tpu.memref_squeeze %dma_start3A_1988 : memref<1x128xi32, #tpu.memory_space<vmem>> -> memref<128xi32, #tpu.memory_space<vmem>>
    %dma_start3A_1990 = arith.constant 0 : i32
    %dma_start3A_1991 = arith.constant 0 : i32
    %dma_start3A_1992 = tpu.memref_slice %arg3[%dma_start3A_1990, %dma_start3A_1991] : memref<3200x32xf32, #tpu.memory_space<hbm>> -> memref<3200x32xf32, #tpu.memory_space<hbm>>
    tpu.enqueue_indirect_dma source(%dma_start3A_1992 : memref<3200x32xf32, #tpu.memory_space<hbm>>) target(%dma_start3A_1982 : memref<128x32xf32, #tpu.memory_space<vmem>>) offsets(%dma_start3A_1989 : memref<128xi32, #tpu.memory_space<vmem>>) semaphore(%arg10 : memref<!tpu.dma_semaphore, #tpu.memory_space<semaphore_mem>>)
    %dma_start3A_1993 = arith.constant 1 : i32
    %dma_start3A_1994 = arith.constant 4 : i32
    %dma_start3A_1995 = arith.constant 1 : i32
    %dma_start3A_1996 = arith.constant 0 : i32
    %dma_start3A_1997 = arith.constant 0 : i32
    %dma_start3A_1998 = tpu.memref_slice %arg6[%dma_start3A_1995, %dma_start3A_1996, %dma_start3A_1997] : memref<2x1024x32xf32, #tpu.memory_space<vmem>> -> memref<1x1024x32xf32, #tpu.memory_space<vmem>>
    %dma_start3A_1999 = tpu.memref_squeeze %dma_start3A_1998 : memref<1x1024x32xf32, #tpu.memory_space<vmem>> -> memref<1024x32xf32, #tpu.memory_space<vmem>>
    %dma_start3A_2000 = arith.constant 512 : i32
    %dma_start3A_2001 = arith.constant 0 : i32
    %dma_start3A_2002 = tpu.memref_slice %dma_start3A_1999[%dma_start3A_2000, %dma_start3A_2001] : memref<1024x32xf32, #tpu.memory_space<vmem>> -> memref<128x32xf32, #tpu.memory_space<vmem>>
    %dma_start3A_2003 = arith.constant 0 : i32
    %dma_start3A_2004 = arith.constant 0 : i32
    %dma_start3A_2005 = tpu.memref_slice %arg5[%dma_start3A_1993, %dma_start3A_2003, %dma_start3A_2004] : memref<2x8x128xi32, #tpu.memory_space<vmem>> -> memref<1x8x128xi32, #tpu.memory_space<vmem>>
    %dma_start3A_2006 = tpu.memref_squeeze %dma_start3A_2005 : memref<1x8x128xi32, #tpu.memory_space<vmem>> -> memref<8x128xi32, #tpu.memory_space<vmem>>
    %dma_start3A_2007 = arith.constant 0 : i32
    %dma_start3A_2008 = tpu.memref_slice %dma_start3A_2006[%dma_start3A_1994, %dma_start3A_2007] : memref<8x128xi32, #tpu.memory_space<vmem>> -> memref<1x128xi32, #tpu.memory_space<vmem>>
    %dma_start3A_2009 = tpu.memref_squeeze %dma_start3A_2008 : memref<1x128xi32, #tpu.memory_space<vmem>> -> memref<128xi32, #tpu.memory_space<vmem>>
    %dma_start3A_2010 = arith.constant 0 : i32
    %dma_start3A_2011 = arith.constant 0 : i32
    %dma_start3A_2012 = tpu.memref_slice %arg3[%dma_start3A_2010, %dma_start3A_2011] : memref<3200x32xf32, #tpu.memory_space<hbm>> -> memref<3200x32xf32, #tpu.memory_space<hbm>>
    tpu.enqueue_indirect_dma source(%dma_start3A_2012 : memref<3200x32xf32, #tpu.memory_space<hbm>>) target(%dma_start3A_2002 : memref<128x32xf32, #tpu.memory_space<vmem>>) offsets(%dma_start3A_2009 : memref<128xi32, #tpu.memory_space<vmem>>) semaphore(%arg10 : memref<!tpu.dma_semaphore, #tpu.memory_space<semaphore_mem>>)
    %dma_start3A_2013 = arith.constant 1 : i32
    %dma_start3A_2014 = arith.constant 5 : i32
    %dma_start3A_2015 = arith.constant 1 : i32
    %dma_start3A_2016 = arith.constant 0 : i32
    %dma_start3A_2017 = arith.constant 0 : i32
    %dma_start3A_2018 = tpu.memref_slice %arg6[%dma_start3A_2015, %dma_start3A_2016, %dma_start3A_2017] : memref<2x1024x32xf32, #tpu.memory_space<vmem>> -> memref<1x1024x32xf32, #tpu.memory_space<vmem>>
    %dma_start3A_2019 = tpu.memref_squeeze %dma_start3A_2018 : memref<1x1024x32xf32, #tpu.memory_space<vmem>> -> memref<1024x32xf32, #tpu.memory_space<vmem>>
    %dma_start3A_2020 = arith.constant 640 : i32
    %dma_start3A_2021 = arith.constant 0 : i32
    %dma_start3A_2022 = tpu.memref_slice %dma_start3A_2019[%dma_start3A_2020, %dma_start3A_2021] : memref<1024x32xf32, #tpu.memory_space<vmem>> -> memref<128x32xf32, #tpu.memory_space<vmem>>
    %dma_start3A_2023 = arith.constant 0 : i32
    %dma_start3A_2024 = arith.constant 0 : i32
    %dma_start3A_2025 = tpu.memref_slice %arg5[%dma_start3A_2013, %dma_start3A_2023, %dma_start3A_2024] : memref<2x8x128xi32, #tpu.memory_space<vmem>> -> memref<1x8x128xi32, #tpu.memory_space<vmem>>
    %dma_start3A_2026 = tpu.memref_squeeze %dma_start3A_2025 : memref<1x8x128xi32, #tpu.memory_space<vmem>> -> memref<8x128xi32, #tpu.memory_space<vmem>>
    %dma_start3A_2027 = arith.constant 0 : i32
    %dma_start3A_2028 = tpu.memref_slice %dma_start3A_2026[%dma_start3A_2014, %dma_start3A_2027] : memref<8x128xi32, #tpu.memory_space<vmem>> -> memref<1x128xi32, #tpu.memory_space<vmem>>
    %dma_start3A_2029 = tpu.memref_squeeze %dma_start3A_2028 : memref<1x128xi32, #tpu.memory_space<vmem>> -> memref<128xi32, #tpu.memory_space<vmem>>
    %dma_start3A_2030 = arith.constant 0 : i32
    %dma_start3A_2031 = arith.constant 0 : i32
    %dma_start3A_2032 = tpu.memref_slice %arg3[%dma_start3A_2030, %dma_start3A_2031] : memref<3200x32xf32, #tpu.memory_space<hbm>> -> memref<3200x32xf32, #tpu.memory_space<hbm>>
    tpu.enqueue_indirect_dma source(%dma_start3A_2032 : memref<3200x32xf32, #tpu.memory_space<hbm>>) target(%dma_start3A_2022 : memref<128x32xf32, #tpu.memory_space<vmem>>) offsets(%dma_start3A_2029 : memref<128xi32, #tpu.memory_space<vmem>>) semaphore(%arg10 : memref<!tpu.dma_semaphore, #tpu.memory_space<semaphore_mem>>)
    %dma_start3A_2033 = arith.constant 1 : i32
    %dma_start3A_2034 = arith.constant 6 : i32
    %dma_start3A_2035 = arith.constant 1 : i32
    %dma_start3A_2036 = arith.constant 0 : i32
    %dma_start3A_2037 = arith.constant 0 : i32
    %dma_start3A_2038 = tpu.memref_slice %arg6[%dma_start3A_2035, %dma_start3A_2036, %dma_start3A_2037] : memref<2x1024x32xf32, #tpu.memory_space<vmem>> -> memref<1x1024x32xf32, #tpu.memory_space<vmem>>
    %dma_start3A_2039 = tpu.memref_squeeze %dma_start3A_2038 : memref<1x1024x32xf32, #tpu.memory_space<vmem>> -> memref<1024x32xf32, #tpu.memory_space<vmem>>
    %dma_start3A_2040 = arith.constant 768 : i32
    %dma_start3A_2041 = arith.constant 0 : i32
    %dma_start3A_2042 = tpu.memref_slice %dma_start3A_2039[%dma_start3A_2040, %dma_start3A_2041] : memref<1024x32xf32, #tpu.memory_space<vmem>> -> memref<128x32xf32, #tpu.memory_space<vmem>>
    %dma_start3A_2043 = arith.constant 0 : i32
    %dma_start3A_2044 = arith.constant 0 : i32
    %dma_start3A_2045 = tpu.memref_slice %arg5[%dma_start3A_2033, %dma_start3A_2043, %dma_start3A_2044] : memref<2x8x128xi32, #tpu.memory_space<vmem>> -> memref<1x8x128xi32, #tpu.memory_space<vmem>>
    %dma_start3A_2046 = tpu.memref_squeeze %dma_start3A_2045 : memref<1x8x128xi32, #tpu.memory_space<vmem>> -> memref<8x128xi32, #tpu.memory_space<vmem>>
    %dma_start3A_2047 = arith.constant 0 : i32
    %dma_start3A_2048 = tpu.memref_slice %dma_start3A_2046[%dma_start3A_2034, %dma_start3A_2047] : memref<8x128xi32, #tpu.memory_space<vmem>> -> memref<1x128xi32, #tpu.memory_space<vmem>>
    %dma_start3A_2049 = tpu.memref_squeeze %dma_start3A_2048 : memref<1x128xi32, #tpu.memory_space<vmem>> -> memref<128xi32, #tpu.memory_space<vmem>>
    %dma_start3A_2050 = arith.constant 0 : i32
    %dma_start3A_2051 = arith.constant 0 : i32
    %dma_start3A_2052 = tpu.memref_slice %arg3[%dma_start3A_2050, %dma_start3A_2051] : memref<3200x32xf32, #tpu.memory_space<hbm>> -> memref<3200x32xf32, #tpu.memory_space<hbm>>
    tpu.enqueue_indirect_dma source(%dma_start3A_2052 : memref<3200x32xf32, #tpu.memory_space<hbm>>) target(%dma_start3A_2042 : memref<128x32xf32, #tpu.memory_space<vmem>>) offsets(%dma_start3A_2049 : memref<128xi32, #tpu.memory_space<vmem>>) semaphore(%arg10 : memref<!tpu.dma_semaphore, #tpu.memory_space<semaphore_mem>>)
    %dma_start3A_2053 = arith.constant 1 : i32
    %dma_start3A_2054 = arith.constant 7 : i32
    %dma_start3A_2055 = arith.constant 1 : i32
    %dma_start3A_2056 = arith.constant 0 : i32
    %dma_start3A_2057 = arith.constant 0 : i32
    %dma_start3A_2058 = tpu.memref_slice %arg6[%dma_start3A_2055, %dma_start3A_2056, %dma_start3A_2057] : memref<2x1024x32xf32, #tpu.memory_space<vmem>> -> memref<1x1024x32xf32, #tpu.memory_space<vmem>>
    %dma_start3A_2059 = tpu.memref_squeeze %dma_start3A_2058 : memref<1x1024x32xf32, #tpu.memory_space<vmem>> -> memref<1024x32xf32, #tpu.memory_space<vmem>>
    %dma_start3A_2060 = arith.constant 896 : i32
    %dma_start3A_2061 = arith.constant 0 : i32
    %dma_start3A_2062 = tpu.memref_slice %dma_start3A_2059[%dma_start3A_2060, %dma_start3A_2061] : memref<1024x32xf32, #tpu.memory_space<vmem>> -> memref<128x32xf32, #tpu.memory_space<vmem>>
    %dma_start3A_2063 = arith.constant 0 : i32
    %dma_start3A_2064 = arith.constant 0 : i32
    %dma_start3A_2065 = tpu.memref_slice %arg5[%dma_start3A_2053, %dma_start3A_2063, %dma_start3A_2064] : memref<2x8x128xi32, #tpu.memory_space<vmem>> -> memref<1x8x128xi32, #tpu.memory_space<vmem>>
    %dma_start3A_2066 = tpu.memref_squeeze %dma_start3A_2065 : memref<1x8x128xi32, #tpu.memory_space<vmem>> -> memref<8x128xi32, #tpu.memory_space<vmem>>
    %dma_start3A_2067 = arith.constant 0 : i32
    %dma_start3A_2068 = tpu.memref_slice %dma_start3A_2066[%dma_start3A_2054, %dma_start3A_2067] : memref<8x128xi32, #tpu.memory_space<vmem>> -> memref<1x128xi32, #tpu.memory_space<vmem>>
    %dma_start3A_2069 = tpu.memref_squeeze %dma_start3A_2068 : memref<1x128xi32, #tpu.memory_space<vmem>> -> memref<128xi32, #tpu.memory_space<vmem>>
    %dma_start3A_2070 = arith.constant 0 : i32
    %dma_start3A_2071 = arith.constant 0 : i32
    %dma_start3A_2072 = tpu.memref_slice %arg3[%dma_start3A_2070, %dma_start3A_2071] : memref<3200x32xf32, #tpu.memory_space<hbm>> -> memref<3200x32xf32, #tpu.memory_space<hbm>>
    tpu.enqueue_indirect_dma source(%dma_start3A_2072 : memref<3200x32xf32, #tpu.memory_space<hbm>>) target(%dma_start3A_2062 : memref<128x32xf32, #tpu.memory_space<vmem>>) offsets(%dma_start3A_2069 : memref<128xi32, #tpu.memory_space<vmem>>) semaphore(%arg10 : memref<!tpu.dma_semaphore, #tpu.memory_space<semaphore_mem>>)
    %dma_wait3A_2073 = arith.constant 1 : i32
    %dma_wait3A_2074 = arith.constant 0 : i32
    %dma_wait3A_2075 = arith.constant 1 : i32
    %dma_wait3A_2076 = arith.constant 0 : i32
    %dma_wait3A_2077 = arith.constant 0 : i32
    %dma_wait3A_2078 = tpu.memref_slice %arg6[%dma_wait3A_2075, %dma_wait3A_2076, %dma_wait3A_2077] : memref<2x1024x32xf32, #tpu.memory_space<vmem>> -> memref<1x1024x32xf32, #tpu.memory_space<vmem>>
    %dma_wait3A_2079 = tpu.memref_squeeze %dma_wait3A_2078 : memref<1x1024x32xf32, #tpu.memory_space<vmem>> -> memref<1024x32xf32, #tpu.memory_space<vmem>>
    %dma_wait3A_2080 = arith.constant 0 : i32
    %dma_wait3A_2081 = arith.constant 0 : i32
    %dma_wait3A_2082 = tpu.memref_slice %dma_wait3A_2079[%dma_wait3A_2080, %dma_wait3A_2081] : memref<1024x32xf32, #tpu.memory_space<vmem>> -> memref<128x32xf32, #tpu.memory_space<vmem>>
    %dma_wait3A_2083 = arith.constant 0 : i32
    %dma_wait3A_2084 = arith.constant 0 : i32
    %dma_wait3A_2085 = tpu.memref_slice %arg5[%dma_wait3A_2073, %dma_wait3A_2083, %dma_wait3A_2084] : memref<2x8x128xi32, #tpu.memory_space<vmem>> -> memref<1x8x128xi32, #tpu.memory_space<vmem>>
    %dma_wait3A_2086 = tpu.memref_squeeze %dma_wait3A_2085 : memref<1x8x128xi32, #tpu.memory_space<vmem>> -> memref<8x128xi32, #tpu.memory_space<vmem>>
    %dma_wait3A_2087 = arith.constant 0 : i32
    %dma_wait3A_2088 = tpu.memref_slice %dma_wait3A_2086[%dma_wait3A_2074, %dma_wait3A_2087] : memref<8x128xi32, #tpu.memory_space<vmem>> -> memref<1x128xi32, #tpu.memory_space<vmem>>
    %dma_wait3A_2089 = tpu.memref_squeeze %dma_wait3A_2088 : memref<1x128xi32, #tpu.memory_space<vmem>> -> memref<128xi32, #tpu.memory_space<vmem>>
    %dma_wait3A_2090 = arith.constant 0 : i32
    %dma_wait3A_2091 = arith.constant 0 : i32
    %dma_wait3A_2092 = tpu.memref_slice %arg3[%dma_wait3A_2090, %dma_wait3A_2091] : memref<3200x32xf32, #tpu.memory_space<hbm>> -> memref<3200x32xf32, #tpu.memory_space<hbm>>
    tpu.wait_indirect_dma semaphore(%arg10 : memref<!tpu.dma_semaphore, #tpu.memory_space<semaphore_mem>>) src(%dma_wait3A_2092 : memref<3200x32xf32, #tpu.memory_space<hbm>>) dst(%dma_wait3A_2082 : memref<128x32xf32, #tpu.memory_space<vmem>>)
    %dma_wait3A_2093 = arith.constant 1 : i32
    %dma_wait3A_2094 = arith.constant 1 : i32
    %dma_wait3A_2095 = arith.constant 1 : i32
    %dma_wait3A_2096 = arith.constant 0 : i32
    %dma_wait3A_2097 = arith.constant 0 : i32
    %dma_wait3A_2098 = tpu.memref_slice %arg6[%dma_wait3A_2095, %dma_wait3A_2096, %dma_wait3A_2097] : memref<2x1024x32xf32, #tpu.memory_space<vmem>> -> memref<1x1024x32xf32, #tpu.memory_space<vmem>>
    %dma_wait3A_2099 = tpu.memref_squeeze %dma_wait3A_2098 : memref<1x1024x32xf32, #tpu.memory_space<vmem>> -> memref<1024x32xf32, #tpu.memory_space<vmem>>
    %dma_wait3A_2100 = arith.constant 128 : i32
    %dma_wait3A_2101 = arith.constant 0 : i32
    %dma_wait3A_2102 = tpu.memref_slice %dma_wait3A_2099[%dma_wait3A_2100, %dma_wait3A_2101] : memref<1024x32xf32, #tpu.memory_space<vmem>> -> memref<128x32xf32, #tpu.memory_space<vmem>>
    %dma_wait3A_2103 = arith.constant 0 : i32
    %dma_wait3A_2104 = arith.constant 0 : i32
    %dma_wait3A_2105 = tpu.memref_slice %arg5[%dma_wait3A_2093, %dma_wait3A_2103, %dma_wait3A_2104] : memref<2x8x128xi32, #tpu.memory_space<vmem>> -> memref<1x8x128xi32, #tpu.memory_space<vmem>>
    %dma_wait3A_2106 = tpu.memref_squeeze %dma_wait3A_2105 : memref<1x8x128xi32, #tpu.memory_space<vmem>> -> memref<8x128xi32, #tpu.memory_space<vmem>>
    %dma_wait3A_2107 = arith.constant 0 : i32
    %dma_wait3A_2108 = tpu.memref_slice %dma_wait3A_2106[%dma_wait3A_2094, %dma_wait3A_2107] : memref<8x128xi32, #tpu.memory_space<vmem>> -> memref<1x128xi32, #tpu.memory_space<vmem>>
    %dma_wait3A_2109 = tpu.memref_squeeze %dma_wait3A_2108 : memref<1x128xi32, #tpu.memory_space<vmem>> -> memref<128xi32, #tpu.memory_space<vmem>>
    %dma_wait3A_2110 = arith.constant 0 : i32
    %dma_wait3A_2111 = arith.constant 0 : i32
    %dma_wait3A_2112 = tpu.memref_slice %arg3[%dma_wait3A_2110, %dma_wait3A_2111] : memref<3200x32xf32, #tpu.memory_space<hbm>> -> memref<3200x32xf32, #tpu.memory_space<hbm>>
    tpu.wait_indirect_dma semaphore(%arg10 : memref<!tpu.dma_semaphore, #tpu.memory_space<semaphore_mem>>) src(%dma_wait3A_2112 : memref<3200x32xf32, #tpu.memory_space<hbm>>) dst(%dma_wait3A_2102 : memref<128x32xf32, #tpu.memory_space<vmem>>)
    %dma_wait3A_2113 = arith.constant 1 : i32
    %dma_wait3A_2114 = arith.constant 2 : i32
    %dma_wait3A_2115 = arith.constant 1 : i32
    %dma_wait3A_2116 = arith.constant 0 : i32
    %dma_wait3A_2117 = arith.constant 0 : i32
    %dma_wait3A_2118 = tpu.memref_slice %arg6[%dma_wait3A_2115, %dma_wait3A_2116, %dma_wait3A_2117] : memref<2x1024x32xf32, #tpu.memory_space<vmem>> -> memref<1x1024x32xf32, #tpu.memory_space<vmem>>
    %dma_wait3A_2119 = tpu.memref_squeeze %dma_wait3A_2118 : memref<1x1024x32xf32, #tpu.memory_space<vmem>> -> memref<1024x32xf32, #tpu.memory_space<vmem>>
    %dma_wait3A_2120 = arith.constant 256 : i32
    %dma_wait3A_2121 = arith.constant 0 : i32
    %dma_wait3A_2122 = tpu.memref_slice %dma_wait3A_2119[%dma_wait3A_2120, %dma_wait3A_2121] : memref<1024x32xf32, #tpu.memory_space<vmem>> -> memref<128x32xf32, #tpu.memory_space<vmem>>
    %dma_wait3A_2123 = arith.constant 0 : i32
    %dma_wait3A_2124 = arith.constant 0 : i32
    %dma_wait3A_2125 = tpu.memref_slice %arg5[%dma_wait3A_2113, %dma_wait3A_2123, %dma_wait3A_2124] : memref<2x8x128xi32, #tpu.memory_space<vmem>> -> memref<1x8x128xi32, #tpu.memory_space<vmem>>
    %dma_wait3A_2126 = tpu.memref_squeeze %dma_wait3A_2125 : memref<1x8x128xi32, #tpu.memory_space<vmem>> -> memref<8x128xi32, #tpu.memory_space<vmem>>
    %dma_wait3A_2127 = arith.constant 0 : i32
    %dma_wait3A_2128 = tpu.memref_slice %dma_wait3A_2126[%dma_wait3A_2114, %dma_wait3A_2127] : memref<8x128xi32, #tpu.memory_space<vmem>> -> memref<1x128xi32, #tpu.memory_space<vmem>>
    %dma_wait3A_2129 = tpu.memref_squeeze %dma_wait3A_2128 : memref<1x128xi32, #tpu.memory_space<vmem>> -> memref<128xi32, #tpu.memory_space<vmem>>
    %dma_wait3A_2130 = arith.constant 0 : i32
    %dma_wait3A_2131 = arith.constant 0 : i32
    %dma_wait3A_2132 = tpu.memref_slice %arg3[%dma_wait3A_2130, %dma_wait3A_2131] : memref<3200x32xf32, #tpu.memory_space<hbm>> -> memref<3200x32xf32, #tpu.memory_space<hbm>>
    tpu.wait_indirect_dma semaphore(%arg10 : memref<!tpu.dma_semaphore, #tpu.memory_space<semaphore_mem>>) src(%dma_wait3A_2132 : memref<3200x32xf32, #tpu.memory_space<hbm>>) dst(%dma_wait3A_2122 : memref<128x32xf32, #tpu.memory_space<vmem>>)
    %dma_wait3A_2133 = arith.constant 1 : i32
    %dma_wait3A_2134 = arith.constant 3 : i32
    %dma_wait3A_2135 = arith.constant 1 : i32
    %dma_wait3A_2136 = arith.constant 0 : i32
    %dma_wait3A_2137 = arith.constant 0 : i32
    %dma_wait3A_2138 = tpu.memref_slice %arg6[%dma_wait3A_2135, %dma_wait3A_2136, %dma_wait3A_2137] : memref<2x1024x32xf32, #tpu.memory_space<vmem>> -> memref<1x1024x32xf32, #tpu.memory_space<vmem>>
    %dma_wait3A_2139 = tpu.memref_squeeze %dma_wait3A_2138 : memref<1x1024x32xf32, #tpu.memory_space<vmem>> -> memref<1024x32xf32, #tpu.memory_space<vmem>>
    %dma_wait3A_2140 = arith.constant 384 : i32
    %dma_wait3A_2141 = arith.constant 0 : i32
    %dma_wait3A_2142 = tpu.memref_slice %dma_wait3A_2139[%dma_wait3A_2140, %dma_wait3A_2141] : memref<1024x32xf32, #tpu.memory_space<vmem>> -> memref<128x32xf32, #tpu.memory_space<vmem>>
    %dma_wait3A_2143 = arith.constant 0 : i32
    %dma_wait3A_2144 = arith.constant 0 : i32
    %dma_wait3A_2145 = tpu.memref_slice %arg5[%dma_wait3A_2133, %dma_wait3A_2143, %dma_wait3A_2144] : memref<2x8x128xi32, #tpu.memory_space<vmem>> -> memref<1x8x128xi32, #tpu.memory_space<vmem>>
    %dma_wait3A_2146 = tpu.memref_squeeze %dma_wait3A_2145 : memref<1x8x128xi32, #tpu.memory_space<vmem>> -> memref<8x128xi32, #tpu.memory_space<vmem>>
    %dma_wait3A_2147 = arith.constant 0 : i32
    %dma_wait3A_2148 = tpu.memref_slice %dma_wait3A_2146[%dma_wait3A_2134, %dma_wait3A_2147] : memref<8x128xi32, #tpu.memory_space<vmem>> -> memref<1x128xi32, #tpu.memory_space<vmem>>
    %dma_wait3A_2149 = tpu.memref_squeeze %dma_wait3A_2148 : memref<1x128xi32, #tpu.memory_space<vmem>> -> memref<128xi32, #tpu.memory_space<vmem>>
    %dma_wait3A_2150 = arith.constant 0 : i32
    %dma_wait3A_2151 = arith.constant 0 : i32
    %dma_wait3A_2152 = tpu.memref_slice %arg3[%dma_wait3A_2150, %dma_wait3A_2151] : memref<3200x32xf32, #tpu.memory_space<hbm>> -> memref<3200x32xf32, #tpu.memory_space<hbm>>
    tpu.wait_indirect_dma semaphore(%arg10 : memref<!tpu.dma_semaphore, #tpu.memory_space<semaphore_mem>>) src(%dma_wait3A_2152 : memref<3200x32xf32, #tpu.memory_space<hbm>>) dst(%dma_wait3A_2142 : memref<128x32xf32, #tpu.memory_space<vmem>>)
    %dma_wait3A_2153 = arith.constant 1 : i32
    %dma_wait3A_2154 = arith.constant 4 : i32
    %dma_wait3A_2155 = arith.constant 1 : i32
    %dma_wait3A_2156 = arith.constant 0 : i32
    %dma_wait3A_2157 = arith.constant 0 : i32
    %dma_wait3A_2158 = tpu.memref_slice %arg6[%dma_wait3A_2155, %dma_wait3A_2156, %dma_wait3A_2157] : memref<2x1024x32xf32, #tpu.memory_space<vmem>> -> memref<1x1024x32xf32, #tpu.memory_space<vmem>>
    %dma_wait3A_2159 = tpu.memref_squeeze %dma_wait3A_2158 : memref<1x1024x32xf32, #tpu.memory_space<vmem>> -> memref<1024x32xf32, #tpu.memory_space<vmem>>
    %dma_wait3A_2160 = arith.constant 512 : i32
    %dma_wait3A_2161 = arith.constant 0 : i32
    %dma_wait3A_2162 = tpu.memref_slice %dma_wait3A_2159[%dma_wait3A_2160, %dma_wait3A_2161] : memref<1024x32xf32, #tpu.memory_space<vmem>> -> memref<128x32xf32, #tpu.memory_space<vmem>>
    %dma_wait3A_2163 = arith.constant 0 : i32
    %dma_wait3A_2164 = arith.constant 0 : i32
    %dma_wait3A_2165 = tpu.memref_slice %arg5[%dma_wait3A_2153, %dma_wait3A_2163, %dma_wait3A_2164] : memref<2x8x128xi32, #tpu.memory_space<vmem>> -> memref<1x8x128xi32, #tpu.memory_space<vmem>>
    %dma_wait3A_2166 = tpu.memref_squeeze %dma_wait3A_2165 : memref<1x8x128xi32, #tpu.memory_space<vmem>> -> memref<8x128xi32, #tpu.memory_space<vmem>>
    %dma_wait3A_2167 = arith.constant 0 : i32
    %dma_wait3A_2168 = tpu.memref_slice %dma_wait3A_2166[%dma_wait3A_2154, %dma_wait3A_2167] : memref<8x128xi32, #tpu.memory_space<vmem>> -> memref<1x128xi32, #tpu.memory_space<vmem>>
    %dma_wait3A_2169 = tpu.memref_squeeze %dma_wait3A_2168 : memref<1x128xi32, #tpu.memory_space<vmem>> -> memref<128xi32, #tpu.memory_space<vmem>>
    %dma_wait3A_2170 = arith.constant 0 : i32
    %dma_wait3A_2171 = arith.constant 0 : i32
    %dma_wait3A_2172 = tpu.memref_slice %arg3[%dma_wait3A_2170, %dma_wait3A_2171] : memref<3200x32xf32, #tpu.memory_space<hbm>> -> memref<3200x32xf32, #tpu.memory_space<hbm>>
    tpu.wait_indirect_dma semaphore(%arg10 : memref<!tpu.dma_semaphore, #tpu.memory_space<semaphore_mem>>) src(%dma_wait3A_2172 : memref<3200x32xf32, #tpu.memory_space<hbm>>) dst(%dma_wait3A_2162 : memref<128x32xf32, #tpu.memory_space<vmem>>)
    %dma_wait3A_2173 = arith.constant 1 : i32
    %dma_wait3A_2174 = arith.constant 5 : i32
    %dma_wait3A_2175 = arith.constant 1 : i32
    %dma_wait3A_2176 = arith.constant 0 : i32
    %dma_wait3A_2177 = arith.constant 0 : i32
    %dma_wait3A_2178 = tpu.memref_slice %arg6[%dma_wait3A_2175, %dma_wait3A_2176, %dma_wait3A_2177] : memref<2x1024x32xf32, #tpu.memory_space<vmem>> -> memref<1x1024x32xf32, #tpu.memory_space<vmem>>
    %dma_wait3A_2179 = tpu.memref_squeeze %dma_wait3A_2178 : memref<1x1024x32xf32, #tpu.memory_space<vmem>> -> memref<1024x32xf32, #tpu.memory_space<vmem>>
    %dma_wait3A_2180 = arith.constant 640 : i32
    %dma_wait3A_2181 = arith.constant 0 : i32
    %dma_wait3A_2182 = tpu.memref_slice %dma_wait3A_2179[%dma_wait3A_2180, %dma_wait3A_2181] : memref<1024x32xf32, #tpu.memory_space<vmem>> -> memref<128x32xf32, #tpu.memory_space<vmem>>
    %dma_wait3A_2183 = arith.constant 0 : i32
    %dma_wait3A_2184 = arith.constant 0 : i32
    %dma_wait3A_2185 = tpu.memref_slice %arg5[%dma_wait3A_2173, %dma_wait3A_2183, %dma_wait3A_2184] : memref<2x8x128xi32, #tpu.memory_space<vmem>> -> memref<1x8x128xi32, #tpu.memory_space<vmem>>
    %dma_wait3A_2186 = tpu.memref_squeeze %dma_wait3A_2185 : memref<1x8x128xi32, #tpu.memory_space<vmem>> -> memref<8x128xi32, #tpu.memory_space<vmem>>
    %dma_wait3A_2187 = arith.constant 0 : i32
    %dma_wait3A_2188 = tpu.memref_slice %dma_wait3A_2186[%dma_wait3A_2174, %dma_wait3A_2187] : memref<8x128xi32, #tpu.memory_space<vmem>> -> memref<1x128xi32, #tpu.memory_space<vmem>>
    %dma_wait3A_2189 = tpu.memref_squeeze %dma_wait3A_2188 : memref<1x128xi32, #tpu.memory_space<vmem>> -> memref<128xi32, #tpu.memory_space<vmem>>
    %dma_wait3A_2190 = arith.constant 0 : i32
    %dma_wait3A_2191 = arith.constant 0 : i32
    %dma_wait3A_2192 = tpu.memref_slice %arg3[%dma_wait3A_2190, %dma_wait3A_2191] : memref<3200x32xf32, #tpu.memory_space<hbm>> -> memref<3200x32xf32, #tpu.memory_space<hbm>>
    tpu.wait_indirect_dma semaphore(%arg10 : memref<!tpu.dma_semaphore, #tpu.memory_space<semaphore_mem>>) src(%dma_wait3A_2192 : memref<3200x32xf32, #tpu.memory_space<hbm>>) dst(%dma_wait3A_2182 : memref<128x32xf32, #tpu.memory_space<vmem>>)
    %dma_wait3A_2193 = arith.constant 1 : i32
    %dma_wait3A_2194 = arith.constant 6 : i32
    %dma_wait3A_2195 = arith.constant 1 : i32
    %dma_wait3A_2196 = arith.constant 0 : i32
    %dma_wait3A_2197 = arith.constant 0 : i32
    %dma_wait3A_2198 = tpu.memref_slice %arg6[%dma_wait3A_2195, %dma_wait3A_2196, %dma_wait3A_2197] : memref<2x1024x32xf32, #tpu.memory_space<vmem>> -> memref<1x1024x32xf32, #tpu.memory_space<vmem>>
    %dma_wait3A_2199 = tpu.memref_squeeze %dma_wait3A_2198 : memref<1x1024x32xf32, #tpu.memory_space<vmem>> -> memref<1024x32xf32, #tpu.memory_space<vmem>>
    %dma_wait3A_2200 = arith.constant 768 : i32
    %dma_wait3A_2201 = arith.constant 0 : i32
    %dma_wait3A_2202 = tpu.memref_slice %dma_wait3A_2199[%dma_wait3A_2200, %dma_wait3A_2201] : memref<1024x32xf32, #tpu.memory_space<vmem>> -> memref<128x32xf32, #tpu.memory_space<vmem>>
    %dma_wait3A_2203 = arith.constant 0 : i32
    %dma_wait3A_2204 = arith.constant 0 : i32
    %dma_wait3A_2205 = tpu.memref_slice %arg5[%dma_wait3A_2193, %dma_wait3A_2203, %dma_wait3A_2204] : memref<2x8x128xi32, #tpu.memory_space<vmem>> -> memref<1x8x128xi32, #tpu.memory_space<vmem>>
    %dma_wait3A_2206 = tpu.memref_squeeze %dma_wait3A_2205 : memref<1x8x128xi32, #tpu.memory_space<vmem>> -> memref<8x128xi32, #tpu.memory_space<vmem>>
    %dma_wait3A_2207 = arith.constant 0 : i32
    %dma_wait3A_2208 = tpu.memref_slice %dma_wait3A_2206[%dma_wait3A_2194, %dma_wait3A_2207] : memref<8x128xi32, #tpu.memory_space<vmem>> -> memref<1x128xi32, #tpu.memory_space<vmem>>
    %dma_wait3A_2209 = tpu.memref_squeeze %dma_wait3A_2208 : memref<1x128xi32, #tpu.memory_space<vmem>> -> memref<128xi32, #tpu.memory_space<vmem>>
    %dma_wait3A_2210 = arith.constant 0 : i32
    %dma_wait3A_2211 = arith.constant 0 : i32
    %dma_wait3A_2212 = tpu.memref_slice %arg3[%dma_wait3A_2210, %dma_wait3A_2211] : memref<3200x32xf32, #tpu.memory_space<hbm>> -> memref<3200x32xf32, #tpu.memory_space<hbm>>
    tpu.wait_indirect_dma semaphore(%arg10 : memref<!tpu.dma_semaphore, #tpu.memory_space<semaphore_mem>>) src(%dma_wait3A_2212 : memref<3200x32xf32, #tpu.memory_space<hbm>>) dst(%dma_wait3A_2202 : memref<128x32xf32, #tpu.memory_space<vmem>>)
    %dma_wait3A_2213 = arith.constant 1 : i32
    %dma_wait3A_2214 = arith.constant 7 : i32
    %dma_wait3A_2215 = arith.constant 1 : i32
    %dma_wait3A_2216 = arith.constant 0 : i32
    %dma_wait3A_2217 = arith.constant 0 : i32
    %dma_wait3A_2218 = tpu.memref_slice %arg6[%dma_wait3A_2215, %dma_wait3A_2216, %dma_wait3A_2217] : memref<2x1024x32xf32, #tpu.memory_space<vmem>> -> memref<1x1024x32xf32, #tpu.memory_space<vmem>>
    %dma_wait3A_2219 = tpu.memref_squeeze %dma_wait3A_2218 : memref<1x1024x32xf32, #tpu.memory_space<vmem>> -> memref<1024x32xf32, #tpu.memory_space<vmem>>
    %dma_wait3A_2220 = arith.constant 896 : i32
    %dma_wait3A_2221 = arith.constant 0 : i32
    %dma_wait3A_2222 = tpu.memref_slice %dma_wait3A_2219[%dma_wait3A_2220, %dma_wait3A_2221] : memref<1024x32xf32, #tpu.memory_space<vmem>> -> memref<128x32xf32, #tpu.memory_space<vmem>>
    %dma_wait3A_2223 = arith.constant 0 : i32
    %dma_wait3A_2224 = arith.constant 0 : i32
    %dma_wait3A_2225 = tpu.memref_slice %arg5[%dma_wait3A_2213, %dma_wait3A_2223, %dma_wait3A_2224] : memref<2x8x128xi32, #tpu.memory_space<vmem>> -> memref<1x8x128xi32, #tpu.memory_space<vmem>>
    %dma_wait3A_2226 = tpu.memref_squeeze %dma_wait3A_2225 : memref<1x8x128xi32, #tpu.memory_space<vmem>> -> memref<8x128xi32, #tpu.memory_space<vmem>>
    %dma_wait3A_2227 = arith.constant 0 : i32
    %dma_wait3A_2228 = tpu.memref_slice %dma_wait3A_2226[%dma_wait3A_2214, %dma_wait3A_2227] : memref<8x128xi32, #tpu.memory_space<vmem>> -> memref<1x128xi32, #tpu.memory_space<vmem>>
    %dma_wait3A_2229 = tpu.memref_squeeze %dma_wait3A_2228 : memref<1x128xi32, #tpu.memory_space<vmem>> -> memref<128xi32, #tpu.memory_space<vmem>>
    %dma_wait3A_2230 = arith.constant 0 : i32
    %dma_wait3A_2231 = arith.constant 0 : i32
    %dma_wait3A_2232 = tpu.memref_slice %arg3[%dma_wait3A_2230, %dma_wait3A_2231] : memref<3200x32xf32, #tpu.memory_space<hbm>> -> memref<3200x32xf32, #tpu.memory_space<hbm>>
    tpu.wait_indirect_dma semaphore(%arg10 : memref<!tpu.dma_semaphore, #tpu.memory_space<semaphore_mem>>) src(%dma_wait3A_2232 : memref<3200x32xf32, #tpu.memory_space<hbm>>) dst(%dma_wait3A_2222 : memref<128x32xf32, #tpu.memory_space<vmem>>)
    %add3A_2233 = arith.constant 5120 : i32
    %add3A_2234 = arith.addi %mul3A_4, %add3A_2233 : i32
    %dma_start3A_2235 = arith.constant 1 : i32
    %dma_start3A_2236 = arith.constant 0 : i32
    %dma_start3A_2237 = arith.constant 0 : i32
    %dma_start3A_2238 = tpu.memref_slice %arg6[%dma_start3A_2235, %dma_start3A_2236, %dma_start3A_2237] : memref<2x1024x32xf32, #tpu.memory_space<vmem>> -> memref<1x1024x32xf32, #tpu.memory_space<vmem>>
    %dma_start3A_2239 = tpu.memref_squeeze %dma_start3A_2238 : memref<1x1024x32xf32, #tpu.memory_space<vmem>> -> memref<1024x32xf32, #tpu.memory_space<vmem>>
    %dma_start3A_2240 = arith.constant 0 : i32
    %dma_start3A_2241 = tpu.memref_slice %arg4[%add3A_2234, %dma_start3A_2240] : memref<262144x32xf32, #tpu.memory_space<hbm>> -> memref<1024x32xf32, #tpu.memory_space<hbm>>
    %dma_start3A_2242 = arith.constant 0 : i32
    %dma_start3A_2243 = tpu.memref_slice %arg4[%add3A_2234, %dma_start3A_2242] : memref<262144x32xf32, #tpu.memory_space<hbm>> -> memref<1024x32xf32, #tpu.memory_space<hbm>>
    %dma_start3A_2244 = arith.constant 0 : i32
    %dma_start3A_2245 = arith.constant 0 : i32
    %dma_start3A_2246 = tpu.memref_slice %arg6[%dma_start3A_2235, %dma_start3A_2244, %dma_start3A_2245] : memref<2x1024x32xf32, #tpu.memory_space<vmem>> -> memref<1x1024x32xf32, #tpu.memory_space<vmem>>
    %dma_start3A_2247 = tpu.memref_squeeze %dma_start3A_2246 : memref<1x1024x32xf32, #tpu.memory_space<vmem>> -> memref<1024x32xf32, #tpu.memory_space<vmem>>
    tpu.enqueue_dma source(%dma_start3A_2247 : memref<1024x32xf32, #tpu.memory_space<vmem>>) target(%dma_start3A_2243 : memref<1024x32xf32, #tpu.memory_space<hbm>>) target_semaphore(%arg12 : memref<!tpu.dma_semaphore, #tpu.memory_space<semaphore_mem>>)
    %add3A_2248 = arith.constant 56 : i32
    %add3A_2249 = arith.addi %mul3A_2, %add3A_2248 : i32
    %dma_start3A_2250 = arith.constant 1 : i32
    %dma_start3A_2251 = arith.constant 0 : i32
    %dma_start3A_2252 = arith.constant 0 : i32
    %dma_start3A_2253 = tpu.memref_slice %arg5[%dma_start3A_2250, %dma_start3A_2251, %dma_start3A_2252] : memref<2x8x128xi32, #tpu.memory_space<vmem>> -> memref<1x8x128xi32, #tpu.memory_space<vmem>>
    %dma_start3A_2254 = tpu.memref_squeeze %dma_start3A_2253 : memref<1x8x128xi32, #tpu.memory_space<vmem>> -> memref<8x128xi32, #tpu.memory_space<vmem>>
    %dma_start3A_2255 = arith.constant 0 : i32
    %dma_start3A_2256 = tpu.memref_slice %arg2[%add3A_2249, %dma_start3A_2255] : memref<2048x128xi32, #tpu.memory_space<hbm>> -> memref<8x128xi32, #tpu.memory_space<hbm>>
    %dma_start3A_2257 = arith.constant 0 : i32
    %dma_start3A_2258 = arith.constant 0 : i32
    %dma_start3A_2259 = tpu.memref_slice %arg5[%dma_start3A_2250, %dma_start3A_2257, %dma_start3A_2258] : memref<2x8x128xi32, #tpu.memory_space<vmem>> -> memref<1x8x128xi32, #tpu.memory_space<vmem>>
    %dma_start3A_2260 = tpu.memref_squeeze %dma_start3A_2259 : memref<1x8x128xi32, #tpu.memory_space<vmem>> -> memref<8x128xi32, #tpu.memory_space<vmem>>
    %dma_start3A_2261 = arith.constant 0 : i32
    %dma_start3A_2262 = tpu.memref_slice %arg2[%add3A_2249, %dma_start3A_2261] : memref<2048x128xi32, #tpu.memory_space<hbm>> -> memref<8x128xi32, #tpu.memory_space<hbm>>
    tpu.enqueue_dma source(%dma_start3A_2262 : memref<8x128xi32, #tpu.memory_space<hbm>>) target(%dma_start3A_2260 : memref<8x128xi32, #tpu.memory_space<vmem>>) target_semaphore(%arg8 : memref<!tpu.dma_semaphore, #tpu.memory_space<semaphore_mem>>)
    %dma_wait3A_2263 = arith.constant 0 : i32
    %dma_wait3A_2264 = arith.constant 0 : i32
    %dma_wait3A_2265 = arith.constant 0 : i32
    %dma_wait3A_2266 = tpu.memref_slice %arg5[%dma_wait3A_2263, %dma_wait3A_2264, %dma_wait3A_2265] : memref<2x8x128xi32, #tpu.memory_space<vmem>> -> memref<1x8x128xi32, #tpu.memory_space<vmem>>
    %dma_wait3A_2267 = tpu.memref_squeeze %dma_wait3A_2266 : memref<1x8x128xi32, #tpu.memory_space<vmem>> -> memref<8x128xi32, #tpu.memory_space<vmem>>
    %dma_wait3A_2268 = arith.constant 0 : i32
    %dma_wait3A_2269 = tpu.memref_slice %arg2[%add3A_1873, %dma_wait3A_2268] : memref<2048x128xi32, #tpu.memory_space<hbm>> -> memref<8x128xi32, #tpu.memory_space<hbm>>
    %dma_wait3A_2270 = arith.constant 0 : i32
    %dma_wait3A_2271 = arith.constant 0 : i32
    %dma_wait3A_2272 = tpu.memref_slice %arg5[%dma_wait3A_2263, %dma_wait3A_2270, %dma_wait3A_2271] : memref<2x8x128xi32, #tpu.memory_space<vmem>> -> memref<1x8x128xi32, #tpu.memory_space<vmem>>
    %dma_wait3A_2273 = tpu.memref_squeeze %dma_wait3A_2272 : memref<1x8x128xi32, #tpu.memory_space<vmem>> -> memref<8x128xi32, #tpu.memory_space<vmem>>
    %dma_wait3A_2274 = arith.constant 0 : i32
    %dma_wait3A_2275 = tpu.memref_slice %arg2[%add3A_1873, %dma_wait3A_2274] : memref<2048x128xi32, #tpu.memory_space<hbm>> -> memref<8x128xi32, #tpu.memory_space<hbm>>
    tpu.wait_dma2 semaphore(%arg7 : memref<!tpu.dma_semaphore, #tpu.memory_space<semaphore_mem>>) src(%dma_wait3A_2275 : memref<8x128xi32, #tpu.memory_space<hbm>>) dst(%dma_wait3A_2273 : memref<8x128xi32, #tpu.memory_space<vmem>>)
    %dma_wait3A_2276 = arith.constant 0 : i32
    %dma_wait3A_2277 = arith.constant 0 : i32
    %dma_wait3A_2278 = arith.constant 0 : i32
    %dma_wait3A_2279 = tpu.memref_slice %arg6[%dma_wait3A_2276, %dma_wait3A_2277, %dma_wait3A_2278] : memref<2x1024x32xf32, #tpu.memory_space<vmem>> -> memref<1x1024x32xf32, #tpu.memory_space<vmem>>
    %dma_wait3A_2280 = tpu.memref_squeeze %dma_wait3A_2279 : memref<1x1024x32xf32, #tpu.memory_space<vmem>> -> memref<1024x32xf32, #tpu.memory_space<vmem>>
    %dma_wait3A_2281 = arith.constant 0 : i32
    %dma_wait3A_2282 = tpu.memref_slice %arg4[%add3A_1858, %dma_wait3A_2281] : memref<262144x32xf32, #tpu.memory_space<hbm>> -> memref<1024x32xf32, #tpu.memory_space<hbm>>
    %dma_wait3A_2283 = arith.constant 0 : i32
    %dma_wait3A_2284 = tpu.memref_slice %arg4[%add3A_1858, %dma_wait3A_2283] : memref<262144x32xf32, #tpu.memory_space<hbm>> -> memref<1024x32xf32, #tpu.memory_space<hbm>>
    %dma_wait3A_2285 = arith.constant 0 : i32
    %dma_wait3A_2286 = arith.constant 0 : i32
    %dma_wait3A_2287 = tpu.memref_slice %arg6[%dma_wait3A_2276, %dma_wait3A_2285, %dma_wait3A_2286] : memref<2x1024x32xf32, #tpu.memory_space<vmem>> -> memref<1x1024x32xf32, #tpu.memory_space<vmem>>
    %dma_wait3A_2288 = tpu.memref_squeeze %dma_wait3A_2287 : memref<1x1024x32xf32, #tpu.memory_space<vmem>> -> memref<1024x32xf32, #tpu.memory_space<vmem>>
    tpu.wait_dma2 semaphore(%arg11 : memref<!tpu.dma_semaphore, #tpu.memory_space<semaphore_mem>>) src(%dma_wait3A_2288 : memref<1024x32xf32, #tpu.memory_space<vmem>>) dst(%dma_wait3A_2284 : memref<1024x32xf32, #tpu.memory_space<hbm>>)
    %dma_start3A_2289 = arith.constant 0 : i32
    %dma_start3A_2290 = arith.constant 0 : i32
    %dma_start3A_2291 = arith.constant 0 : i32
    %dma_start3A_2292 = arith.constant 0 : i32
    %dma_start3A_2293 = arith.constant 0 : i32
    %dma_start3A_2294 = tpu.memref_slice %arg6[%dma_start3A_2291, %dma_start3A_2292, %dma_start3A_2293] : memref<2x1024x32xf32, #tpu.memory_space<vmem>> -> memref<1x1024x32xf32, #tpu.memory_space<vmem>>
    %dma_start3A_2295 = tpu.memref_squeeze %dma_start3A_2294 : memref<1x1024x32xf32, #tpu.memory_space<vmem>> -> memref<1024x32xf32, #tpu.memory_space<vmem>>
    %dma_start3A_2296 = arith.constant 0 : i32
    %dma_start3A_2297 = arith.constant 0 : i32
    %dma_start3A_2298 = tpu.memref_slice %dma_start3A_2295[%dma_start3A_2296, %dma_start3A_2297] : memref<1024x32xf32, #tpu.memory_space<vmem>> -> memref<128x32xf32, #tpu.memory_space<vmem>>
    %dma_start3A_2299 = arith.constant 0 : i32
    %dma_start3A_2300 = arith.constant 0 : i32
    %dma_start3A_2301 = tpu.memref_slice %arg5[%dma_start3A_2289, %dma_start3A_2299, %dma_start3A_2300] : memref<2x8x128xi32, #tpu.memory_space<vmem>> -> memref<1x8x128xi32, #tpu.memory_space<vmem>>
    %dma_start3A_2302 = tpu.memref_squeeze %dma_start3A_2301 : memref<1x8x128xi32, #tpu.memory_space<vmem>> -> memref<8x128xi32, #tpu.memory_space<vmem>>
    %dma_start3A_2303 = arith.constant 0 : i32
    %dma_start3A_2304 = tpu.memref_slice %dma_start3A_2302[%dma_start3A_2290, %dma_start3A_2303] : memref<8x128xi32, #tpu.memory_space<vmem>> -> memref<1x128xi32, #tpu.memory_space<vmem>>
    %dma_start3A_2305 = tpu.memref_squeeze %dma_start3A_2304 : memref<1x128xi32, #tpu.memory_space<vmem>> -> memref<128xi32, #tpu.memory_space<vmem>>
    %dma_start3A_2306 = arith.constant 0 : i32
    %dma_start3A_2307 = arith.constant 0 : i32
    %dma_start3A_2308 = tpu.memref_slice %arg3[%dma_start3A_2306, %dma_start3A_2307] : memref<3200x32xf32, #tpu.memory_space<hbm>> -> memref<3200x32xf32, #tpu.memory_space<hbm>>
    tpu.enqueue_indirect_dma source(%dma_start3A_2308 : memref<3200x32xf32, #tpu.memory_space<hbm>>) target(%dma_start3A_2298 : memref<128x32xf32, #tpu.memory_space<vmem>>) offsets(%dma_start3A_2305 : memref<128xi32, #tpu.memory_space<vmem>>) semaphore(%arg9 : memref<!tpu.dma_semaphore, #tpu.memory_space<semaphore_mem>>)
    %dma_start3A_2309 = arith.constant 0 : i32
    %dma_start3A_2310 = arith.constant 1 : i32
    %dma_start3A_2311 = arith.constant 0 : i32
    %dma_start3A_2312 = arith.constant 0 : i32
    %dma_start3A_2313 = arith.constant 0 : i32
    %dma_start3A_2314 = tpu.memref_slice %arg6[%dma_start3A_2311, %dma_start3A_2312, %dma_start3A_2313] : memref<2x1024x32xf32, #tpu.memory_space<vmem>> -> memref<1x1024x32xf32, #tpu.memory_space<vmem>>
    %dma_start3A_2315 = tpu.memref_squeeze %dma_start3A_2314 : memref<1x1024x32xf32, #tpu.memory_space<vmem>> -> memref<1024x32xf32, #tpu.memory_space<vmem>>
    %dma_start3A_2316 = arith.constant 128 : i32
    %dma_start3A_2317 = arith.constant 0 : i32
    %dma_start3A_2318 = tpu.memref_slice %dma_start3A_2315[%dma_start3A_2316, %dma_start3A_2317] : memref<1024x32xf32, #tpu.memory_space<vmem>> -> memref<128x32xf32, #tpu.memory_space<vmem>>
    %dma_start3A_2319 = arith.constant 0 : i32
    %dma_start3A_2320 = arith.constant 0 : i32
    %dma_start3A_2321 = tpu.memref_slice %arg5[%dma_start3A_2309, %dma_start3A_2319, %dma_start3A_2320] : memref<2x8x128xi32, #tpu.memory_space<vmem>> -> memref<1x8x128xi32, #tpu.memory_space<vmem>>
    %dma_start3A_2322 = tpu.memref_squeeze %dma_start3A_2321 : memref<1x8x128xi32, #tpu.memory_space<vmem>> -> memref<8x128xi32, #tpu.memory_space<vmem>>
    %dma_start3A_2323 = arith.constant 0 : i32
    %dma_start3A_2324 = tpu.memref_slice %dma_start3A_2322[%dma_start3A_2310, %dma_start3A_2323] : memref<8x128xi32, #tpu.memory_space<vmem>> -> memref<1x128xi32, #tpu.memory_space<vmem>>
    %dma_start3A_2325 = tpu.memref_squeeze %dma_start3A_2324 : memref<1x128xi32, #tpu.memory_space<vmem>> -> memref<128xi32, #tpu.memory_space<vmem>>
    %dma_start3A_2326 = arith.constant 0 : i32
    %dma_start3A_2327 = arith.constant 0 : i32
    %dma_start3A_2328 = tpu.memref_slice %arg3[%dma_start3A_2326, %dma_start3A_2327] : memref<3200x32xf32, #tpu.memory_space<hbm>> -> memref<3200x32xf32, #tpu.memory_space<hbm>>
    tpu.enqueue_indirect_dma source(%dma_start3A_2328 : memref<3200x32xf32, #tpu.memory_space<hbm>>) target(%dma_start3A_2318 : memref<128x32xf32, #tpu.memory_space<vmem>>) offsets(%dma_start3A_2325 : memref<128xi32, #tpu.memory_space<vmem>>) semaphore(%arg9 : memref<!tpu.dma_semaphore, #tpu.memory_space<semaphore_mem>>)
    %dma_start3A_2329 = arith.constant 0 : i32
    %dma_start3A_2330 = arith.constant 2 : i32
    %dma_start3A_2331 = arith.constant 0 : i32
    %dma_start3A_2332 = arith.constant 0 : i32
    %dma_start3A_2333 = arith.constant 0 : i32
    %dma_start3A_2334 = tpu.memref_slice %arg6[%dma_start3A_2331, %dma_start3A_2332, %dma_start3A_2333] : memref<2x1024x32xf32, #tpu.memory_space<vmem>> -> memref<1x1024x32xf32, #tpu.memory_space<vmem>>
    %dma_start3A_2335 = tpu.memref_squeeze %dma_start3A_2334 : memref<1x1024x32xf32, #tpu.memory_space<vmem>> -> memref<1024x32xf32, #tpu.memory_space<vmem>>
    %dma_start3A_2336 = arith.constant 256 : i32
    %dma_start3A_2337 = arith.constant 0 : i32
    %dma_start3A_2338 = tpu.memref_slice %dma_start3A_2335[%dma_start3A_2336, %dma_start3A_2337] : memref<1024x32xf32, #tpu.memory_space<vmem>> -> memref<128x32xf32, #tpu.memory_space<vmem>>
    %dma_start3A_2339 = arith.constant 0 : i32
    %dma_start3A_2340 = arith.constant 0 : i32
    %dma_start3A_2341 = tpu.memref_slice %arg5[%dma_start3A_2329, %dma_start3A_2339, %dma_start3A_2340] : memref<2x8x128xi32, #tpu.memory_space<vmem>> -> memref<1x8x128xi32, #tpu.memory_space<vmem>>
    %dma_start3A_2342 = tpu.memref_squeeze %dma_start3A_2341 : memref<1x8x128xi32, #tpu.memory_space<vmem>> -> memref<8x128xi32, #tpu.memory_space<vmem>>
    %dma_start3A_2343 = arith.constant 0 : i32
    %dma_start3A_2344 = tpu.memref_slice %dma_start3A_2342[%dma_start3A_2330, %dma_start3A_2343] : memref<8x128xi32, #tpu.memory_space<vmem>> -> memref<1x128xi32, #tpu.memory_space<vmem>>
    %dma_start3A_2345 = tpu.memref_squeeze %dma_start3A_2344 : memref<1x128xi32, #tpu.memory_space<vmem>> -> memref<128xi32, #tpu.memory_space<vmem>>
    %dma_start3A_2346 = arith.constant 0 : i32
    %dma_start3A_2347 = arith.constant 0 : i32
    %dma_start3A_2348 = tpu.memref_slice %arg3[%dma_start3A_2346, %dma_start3A_2347] : memref<3200x32xf32, #tpu.memory_space<hbm>> -> memref<3200x32xf32, #tpu.memory_space<hbm>>
    tpu.enqueue_indirect_dma source(%dma_start3A_2348 : memref<3200x32xf32, #tpu.memory_space<hbm>>) target(%dma_start3A_2338 : memref<128x32xf32, #tpu.memory_space<vmem>>) offsets(%dma_start3A_2345 : memref<128xi32, #tpu.memory_space<vmem>>) semaphore(%arg9 : memref<!tpu.dma_semaphore, #tpu.memory_space<semaphore_mem>>)
    %dma_start3A_2349 = arith.constant 0 : i32
    %dma_start3A_2350 = arith.constant 3 : i32
    %dma_start3A_2351 = arith.constant 0 : i32
    %dma_start3A_2352 = arith.constant 0 : i32
    %dma_start3A_2353 = arith.constant 0 : i32
    %dma_start3A_2354 = tpu.memref_slice %arg6[%dma_start3A_2351, %dma_start3A_2352, %dma_start3A_2353] : memref<2x1024x32xf32, #tpu.memory_space<vmem>> -> memref<1x1024x32xf32, #tpu.memory_space<vmem>>
    %dma_start3A_2355 = tpu.memref_squeeze %dma_start3A_2354 : memref<1x1024x32xf32, #tpu.memory_space<vmem>> -> memref<1024x32xf32, #tpu.memory_space<vmem>>
    %dma_start3A_2356 = arith.constant 384 : i32
    %dma_start3A_2357 = arith.constant 0 : i32
    %dma_start3A_2358 = tpu.memref_slice %dma_start3A_2355[%dma_start3A_2356, %dma_start3A_2357] : memref<1024x32xf32, #tpu.memory_space<vmem>> -> memref<128x32xf32, #tpu.memory_space<vmem>>
    %dma_start3A_2359 = arith.constant 0 : i32
    %dma_start3A_2360 = arith.constant 0 : i32
    %dma_start3A_2361 = tpu.memref_slice %arg5[%dma_start3A_2349, %dma_start3A_2359, %dma_start3A_2360] : memref<2x8x128xi32, #tpu.memory_space<vmem>> -> memref<1x8x128xi32, #tpu.memory_space<vmem>>
    %dma_start3A_2362 = tpu.memref_squeeze %dma_start3A_2361 : memref<1x8x128xi32, #tpu.memory_space<vmem>> -> memref<8x128xi32, #tpu.memory_space<vmem>>
    %dma_start3A_2363 = arith.constant 0 : i32
    %dma_start3A_2364 = tpu.memref_slice %dma_start3A_2362[%dma_start3A_2350, %dma_start3A_2363] : memref<8x128xi32, #tpu.memory_space<vmem>> -> memref<1x128xi32, #tpu.memory_space<vmem>>
    %dma_start3A_2365 = tpu.memref_squeeze %dma_start3A_2364 : memref<1x128xi32, #tpu.memory_space<vmem>> -> memref<128xi32, #tpu.memory_space<vmem>>
    %dma_start3A_2366 = arith.constant 0 : i32
    %dma_start3A_2367 = arith.constant 0 : i32
    %dma_start3A_2368 = tpu.memref_slice %arg3[%dma_start3A_2366, %dma_start3A_2367] : memref<3200x32xf32, #tpu.memory_space<hbm>> -> memref<3200x32xf32, #tpu.memory_space<hbm>>
    tpu.enqueue_indirect_dma source(%dma_start3A_2368 : memref<3200x32xf32, #tpu.memory_space<hbm>>) target(%dma_start3A_2358 : memref<128x32xf32, #tpu.memory_space<vmem>>) offsets(%dma_start3A_2365 : memref<128xi32, #tpu.memory_space<vmem>>) semaphore(%arg9 : memref<!tpu.dma_semaphore, #tpu.memory_space<semaphore_mem>>)
    %dma_start3A_2369 = arith.constant 0 : i32
    %dma_start3A_2370 = arith.constant 4 : i32
    %dma_start3A_2371 = arith.constant 0 : i32
    %dma_start3A_2372 = arith.constant 0 : i32
    %dma_start3A_2373 = arith.constant 0 : i32
    %dma_start3A_2374 = tpu.memref_slice %arg6[%dma_start3A_2371, %dma_start3A_2372, %dma_start3A_2373] : memref<2x1024x32xf32, #tpu.memory_space<vmem>> -> memref<1x1024x32xf32, #tpu.memory_space<vmem>>
    %dma_start3A_2375 = tpu.memref_squeeze %dma_start3A_2374 : memref<1x1024x32xf32, #tpu.memory_space<vmem>> -> memref<1024x32xf32, #tpu.memory_space<vmem>>
    %dma_start3A_2376 = arith.constant 512 : i32
    %dma_start3A_2377 = arith.constant 0 : i32
    %dma_start3A_2378 = tpu.memref_slice %dma_start3A_2375[%dma_start3A_2376, %dma_start3A_2377] : memref<1024x32xf32, #tpu.memory_space<vmem>> -> memref<128x32xf32, #tpu.memory_space<vmem>>
    %dma_start3A_2379 = arith.constant 0 : i32
    %dma_start3A_2380 = arith.constant 0 : i32
    %dma_start3A_2381 = tpu.memref_slice %arg5[%dma_start3A_2369, %dma_start3A_2379, %dma_start3A_2380] : memref<2x8x128xi32, #tpu.memory_space<vmem>> -> memref<1x8x128xi32, #tpu.memory_space<vmem>>
    %dma_start3A_2382 = tpu.memref_squeeze %dma_start3A_2381 : memref<1x8x128xi32, #tpu.memory_space<vmem>> -> memref<8x128xi32, #tpu.memory_space<vmem>>
    %dma_start3A_2383 = arith.constant 0 : i32
    %dma_start3A_2384 = tpu.memref_slice %dma_start3A_2382[%dma_start3A_2370, %dma_start3A_2383] : memref<8x128xi32, #tpu.memory_space<vmem>> -> memref<1x128xi32, #tpu.memory_space<vmem>>
    %dma_start3A_2385 = tpu.memref_squeeze %dma_start3A_2384 : memref<1x128xi32, #tpu.memory_space<vmem>> -> memref<128xi32, #tpu.memory_space<vmem>>
    %dma_start3A_2386 = arith.constant 0 : i32
    %dma_start3A_2387 = arith.constant 0 : i32
    %dma_start3A_2388 = tpu.memref_slice %arg3[%dma_start3A_2386, %dma_start3A_2387] : memref<3200x32xf32, #tpu.memory_space<hbm>> -> memref<3200x32xf32, #tpu.memory_space<hbm>>
    tpu.enqueue_indirect_dma source(%dma_start3A_2388 : memref<3200x32xf32, #tpu.memory_space<hbm>>) target(%dma_start3A_2378 : memref<128x32xf32, #tpu.memory_space<vmem>>) offsets(%dma_start3A_2385 : memref<128xi32, #tpu.memory_space<vmem>>) semaphore(%arg9 : memref<!tpu.dma_semaphore, #tpu.memory_space<semaphore_mem>>)
    %dma_start3A_2389 = arith.constant 0 : i32
    %dma_start3A_2390 = arith.constant 5 : i32
    %dma_start3A_2391 = arith.constant 0 : i32
    %dma_start3A_2392 = arith.constant 0 : i32
    %dma_start3A_2393 = arith.constant 0 : i32
    %dma_start3A_2394 = tpu.memref_slice %arg6[%dma_start3A_2391, %dma_start3A_2392, %dma_start3A_2393] : memref<2x1024x32xf32, #tpu.memory_space<vmem>> -> memref<1x1024x32xf32, #tpu.memory_space<vmem>>
    %dma_start3A_2395 = tpu.memref_squeeze %dma_start3A_2394 : memref<1x1024x32xf32, #tpu.memory_space<vmem>> -> memref<1024x32xf32, #tpu.memory_space<vmem>>
    %dma_start3A_2396 = arith.constant 640 : i32
    %dma_start3A_2397 = arith.constant 0 : i32
    %dma_start3A_2398 = tpu.memref_slice %dma_start3A_2395[%dma_start3A_2396, %dma_start3A_2397] : memref<1024x32xf32, #tpu.memory_space<vmem>> -> memref<128x32xf32, #tpu.memory_space<vmem>>
    %dma_start3A_2399 = arith.constant 0 : i32
    %dma_start3A_2400 = arith.constant 0 : i32
    %dma_start3A_2401 = tpu.memref_slice %arg5[%dma_start3A_2389, %dma_start3A_2399, %dma_start3A_2400] : memref<2x8x128xi32, #tpu.memory_space<vmem>> -> memref<1x8x128xi32, #tpu.memory_space<vmem>>
    %dma_start3A_2402 = tpu.memref_squeeze %dma_start3A_2401 : memref<1x8x128xi32, #tpu.memory_space<vmem>> -> memref<8x128xi32, #tpu.memory_space<vmem>>
    %dma_start3A_2403 = arith.constant 0 : i32
    %dma_start3A_2404 = tpu.memref_slice %dma_start3A_2402[%dma_start3A_2390, %dma_start3A_2403] : memref<8x128xi32, #tpu.memory_space<vmem>> -> memref<1x128xi32, #tpu.memory_space<vmem>>
    %dma_start3A_2405 = tpu.memref_squeeze %dma_start3A_2404 : memref<1x128xi32, #tpu.memory_space<vmem>> -> memref<128xi32, #tpu.memory_space<vmem>>
    %dma_start3A_2406 = arith.constant 0 : i32
    %dma_start3A_2407 = arith.constant 0 : i32
    %dma_start3A_2408 = tpu.memref_slice %arg3[%dma_start3A_2406, %dma_start3A_2407] : memref<3200x32xf32, #tpu.memory_space<hbm>> -> memref<3200x32xf32, #tpu.memory_space<hbm>>
    tpu.enqueue_indirect_dma source(%dma_start3A_2408 : memref<3200x32xf32, #tpu.memory_space<hbm>>) target(%dma_start3A_2398 : memref<128x32xf32, #tpu.memory_space<vmem>>) offsets(%dma_start3A_2405 : memref<128xi32, #tpu.memory_space<vmem>>) semaphore(%arg9 : memref<!tpu.dma_semaphore, #tpu.memory_space<semaphore_mem>>)
    %dma_start3A_2409 = arith.constant 0 : i32
    %dma_start3A_2410 = arith.constant 6 : i32
    %dma_start3A_2411 = arith.constant 0 : i32
    %dma_start3A_2412 = arith.constant 0 : i32
    %dma_start3A_2413 = arith.constant 0 : i32
    %dma_start3A_2414 = tpu.memref_slice %arg6[%dma_start3A_2411, %dma_start3A_2412, %dma_start3A_2413] : memref<2x1024x32xf32, #tpu.memory_space<vmem>> -> memref<1x1024x32xf32, #tpu.memory_space<vmem>>
    %dma_start3A_2415 = tpu.memref_squeeze %dma_start3A_2414 : memref<1x1024x32xf32, #tpu.memory_space<vmem>> -> memref<1024x32xf32, #tpu.memory_space<vmem>>
    %dma_start3A_2416 = arith.constant 768 : i32
    %dma_start3A_2417 = arith.constant 0 : i32
    %dma_start3A_2418 = tpu.memref_slice %dma_start3A_2415[%dma_start3A_2416, %dma_start3A_2417] : memref<1024x32xf32, #tpu.memory_space<vmem>> -> memref<128x32xf32, #tpu.memory_space<vmem>>
    %dma_start3A_2419 = arith.constant 0 : i32
    %dma_start3A_2420 = arith.constant 0 : i32
    %dma_start3A_2421 = tpu.memref_slice %arg5[%dma_start3A_2409, %dma_start3A_2419, %dma_start3A_2420] : memref<2x8x128xi32, #tpu.memory_space<vmem>> -> memref<1x8x128xi32, #tpu.memory_space<vmem>>
    %dma_start3A_2422 = tpu.memref_squeeze %dma_start3A_2421 : memref<1x8x128xi32, #tpu.memory_space<vmem>> -> memref<8x128xi32, #tpu.memory_space<vmem>>
    %dma_start3A_2423 = arith.constant 0 : i32
    %dma_start3A_2424 = tpu.memref_slice %dma_start3A_2422[%dma_start3A_2410, %dma_start3A_2423] : memref<8x128xi32, #tpu.memory_space<vmem>> -> memref<1x128xi32, #tpu.memory_space<vmem>>
    %dma_start3A_2425 = tpu.memref_squeeze %dma_start3A_2424 : memref<1x128xi32, #tpu.memory_space<vmem>> -> memref<128xi32, #tpu.memory_space<vmem>>
    %dma_start3A_2426 = arith.constant 0 : i32
    %dma_start3A_2427 = arith.constant 0 : i32
    %dma_start3A_2428 = tpu.memref_slice %arg3[%dma_start3A_2426, %dma_start3A_2427] : memref<3200x32xf32, #tpu.memory_space<hbm>> -> memref<3200x32xf32, #tpu.memory_space<hbm>>
    tpu.enqueue_indirect_dma source(%dma_start3A_2428 : memref<3200x32xf32, #tpu.memory_space<hbm>>) target(%dma_start3A_2418 : memref<128x32xf32, #tpu.memory_space<vmem>>) offsets(%dma_start3A_2425 : memref<128xi32, #tpu.memory_space<vmem>>) semaphore(%arg9 : memref<!tpu.dma_semaphore, #tpu.memory_space<semaphore_mem>>)
    %dma_start3A_2429 = arith.constant 0 : i32
    %dma_start3A_2430 = arith.constant 7 : i32
    %dma_start3A_2431 = arith.constant 0 : i32
    %dma_start3A_2432 = arith.constant 0 : i32
    %dma_start3A_2433 = arith.constant 0 : i32
    %dma_start3A_2434 = tpu.memref_slice %arg6[%dma_start3A_2431, %dma_start3A_2432, %dma_start3A_2433] : memref<2x1024x32xf32, #tpu.memory_space<vmem>> -> memref<1x1024x32xf32, #tpu.memory_space<vmem>>
    %dma_start3A_2435 = tpu.memref_squeeze %dma_start3A_2434 : memref<1x1024x32xf32, #tpu.memory_space<vmem>> -> memref<1024x32xf32, #tpu.memory_space<vmem>>
    %dma_start3A_2436 = arith.constant 896 : i32
    %dma_start3A_2437 = arith.constant 0 : i32
    %dma_start3A_2438 = tpu.memref_slice %dma_start3A_2435[%dma_start3A_2436, %dma_start3A_2437] : memref<1024x32xf32, #tpu.memory_space<vmem>> -> memref<128x32xf32, #tpu.memory_space<vmem>>
    %dma_start3A_2439 = arith.constant 0 : i32
    %dma_start3A_2440 = arith.constant 0 : i32
    %dma_start3A_2441 = tpu.memref_slice %arg5[%dma_start3A_2429, %dma_start3A_2439, %dma_start3A_2440] : memref<2x8x128xi32, #tpu.memory_space<vmem>> -> memref<1x8x128xi32, #tpu.memory_space<vmem>>
    %dma_start3A_2442 = tpu.memref_squeeze %dma_start3A_2441 : memref<1x8x128xi32, #tpu.memory_space<vmem>> -> memref<8x128xi32, #tpu.memory_space<vmem>>
    %dma_start3A_2443 = arith.constant 0 : i32
    %dma_start3A_2444 = tpu.memref_slice %dma_start3A_2442[%dma_start3A_2430, %dma_start3A_2443] : memref<8x128xi32, #tpu.memory_space<vmem>> -> memref<1x128xi32, #tpu.memory_space<vmem>>
    %dma_start3A_2445 = tpu.memref_squeeze %dma_start3A_2444 : memref<1x128xi32, #tpu.memory_space<vmem>> -> memref<128xi32, #tpu.memory_space<vmem>>
    %dma_start3A_2446 = arith.constant 0 : i32
    %dma_start3A_2447 = arith.constant 0 : i32
    %dma_start3A_2448 = tpu.memref_slice %arg3[%dma_start3A_2446, %dma_start3A_2447] : memref<3200x32xf32, #tpu.memory_space<hbm>> -> memref<3200x32xf32, #tpu.memory_space<hbm>>
    tpu.enqueue_indirect_dma source(%dma_start3A_2448 : memref<3200x32xf32, #tpu.memory_space<hbm>>) target(%dma_start3A_2438 : memref<128x32xf32, #tpu.memory_space<vmem>>) offsets(%dma_start3A_2445 : memref<128xi32, #tpu.memory_space<vmem>>) semaphore(%arg9 : memref<!tpu.dma_semaphore, #tpu.memory_space<semaphore_mem>>)
    %dma_wait3A_2449 = arith.constant 0 : i32
    %dma_wait3A_2450 = arith.constant 0 : i32
    %dma_wait3A_2451 = arith.constant 0 : i32
    %dma_wait3A_2452 = arith.constant 0 : i32
    %dma_wait3A_2453 = arith.constant 0 : i32
    %dma_wait3A_2454 = tpu.memref_slice %arg6[%dma_wait3A_2451, %dma_wait3A_2452, %dma_wait3A_2453] : memref<2x1024x32xf32, #tpu.memory_space<vmem>> -> memref<1x1024x32xf32, #tpu.memory_space<vmem>>
    %dma_wait3A_2455 = tpu.memref_squeeze %dma_wait3A_2454 : memref<1x1024x32xf32, #tpu.memory_space<vmem>> -> memref<1024x32xf32, #tpu.memory_space<vmem>>
    %dma_wait3A_2456 = arith.constant 0 : i32
    %dma_wait3A_2457 = arith.constant 0 : i32
    %dma_wait3A_2458 = tpu.memref_slice %dma_wait3A_2455[%dma_wait3A_2456, %dma_wait3A_2457] : memref<1024x32xf32, #tpu.memory_space<vmem>> -> memref<128x32xf32, #tpu.memory_space<vmem>>
    %dma_wait3A_2459 = arith.constant 0 : i32
    %dma_wait3A_2460 = arith.constant 0 : i32
    %dma_wait3A_2461 = tpu.memref_slice %arg5[%dma_wait3A_2449, %dma_wait3A_2459, %dma_wait3A_2460] : memref<2x8x128xi32, #tpu.memory_space<vmem>> -> memref<1x8x128xi32, #tpu.memory_space<vmem>>
    %dma_wait3A_2462 = tpu.memref_squeeze %dma_wait3A_2461 : memref<1x8x128xi32, #tpu.memory_space<vmem>> -> memref<8x128xi32, #tpu.memory_space<vmem>>
    %dma_wait3A_2463 = arith.constant 0 : i32
    %dma_wait3A_2464 = tpu.memref_slice %dma_wait3A_2462[%dma_wait3A_2450, %dma_wait3A_2463] : memref<8x128xi32, #tpu.memory_space<vmem>> -> memref<1x128xi32, #tpu.memory_space<vmem>>
    %dma_wait3A_2465 = tpu.memref_squeeze %dma_wait3A_2464 : memref<1x128xi32, #tpu.memory_space<vmem>> -> memref<128xi32, #tpu.memory_space<vmem>>
    %dma_wait3A_2466 = arith.constant 0 : i32
    %dma_wait3A_2467 = arith.constant 0 : i32
    %dma_wait3A_2468 = tpu.memref_slice %arg3[%dma_wait3A_2466, %dma_wait3A_2467] : memref<3200x32xf32, #tpu.memory_space<hbm>> -> memref<3200x32xf32, #tpu.memory_space<hbm>>
    tpu.wait_indirect_dma semaphore(%arg9 : memref<!tpu.dma_semaphore, #tpu.memory_space<semaphore_mem>>) src(%dma_wait3A_2468 : memref<3200x32xf32, #tpu.memory_space<hbm>>) dst(%dma_wait3A_2458 : memref<128x32xf32, #tpu.memory_space<vmem>>)
    %dma_wait3A_2469 = arith.constant 0 : i32
    %dma_wait3A_2470 = arith.constant 1 : i32
    %dma_wait3A_2471 = arith.constant 0 : i32
    %dma_wait3A_2472 = arith.constant 0 : i32
    %dma_wait3A_2473 = arith.constant 0 : i32
    %dma_wait3A_2474 = tpu.memref_slice %arg6[%dma_wait3A_2471, %dma_wait3A_2472, %dma_wait3A_2473] : memref<2x1024x32xf32, #tpu.memory_space<vmem>> -> memref<1x1024x32xf32, #tpu.memory_space<vmem>>
    %dma_wait3A_2475 = tpu.memref_squeeze %dma_wait3A_2474 : memref<1x1024x32xf32, #tpu.memory_space<vmem>> -> memref<1024x32xf32, #tpu.memory_space<vmem>>
    %dma_wait3A_2476 = arith.constant 128 : i32
    %dma_wait3A_2477 = arith.constant 0 : i32
    %dma_wait3A_2478 = tpu.memref_slice %dma_wait3A_2475[%dma_wait3A_2476, %dma_wait3A_2477] : memref<1024x32xf32, #tpu.memory_space<vmem>> -> memref<128x32xf32, #tpu.memory_space<vmem>>
    %dma_wait3A_2479 = arith.constant 0 : i32
    %dma_wait3A_2480 = arith.constant 0 : i32
    %dma_wait3A_2481 = tpu.memref_slice %arg5[%dma_wait3A_2469, %dma_wait3A_2479, %dma_wait3A_2480] : memref<2x8x128xi32, #tpu.memory_space<vmem>> -> memref<1x8x128xi32, #tpu.memory_space<vmem>>
    %dma_wait3A_2482 = tpu.memref_squeeze %dma_wait3A_2481 : memref<1x8x128xi32, #tpu.memory_space<vmem>> -> memref<8x128xi32, #tpu.memory_space<vmem>>
    %dma_wait3A_2483 = arith.constant 0 : i32
    %dma_wait3A_2484 = tpu.memref_slice %dma_wait3A_2482[%dma_wait3A_2470, %dma_wait3A_2483] : memref<8x128xi32, #tpu.memory_space<vmem>> -> memref<1x128xi32, #tpu.memory_space<vmem>>
    %dma_wait3A_2485 = tpu.memref_squeeze %dma_wait3A_2484 : memref<1x128xi32, #tpu.memory_space<vmem>> -> memref<128xi32, #tpu.memory_space<vmem>>
    %dma_wait3A_2486 = arith.constant 0 : i32
    %dma_wait3A_2487 = arith.constant 0 : i32
    %dma_wait3A_2488 = tpu.memref_slice %arg3[%dma_wait3A_2486, %dma_wait3A_2487] : memref<3200x32xf32, #tpu.memory_space<hbm>> -> memref<3200x32xf32, #tpu.memory_space<hbm>>
    tpu.wait_indirect_dma semaphore(%arg9 : memref<!tpu.dma_semaphore, #tpu.memory_space<semaphore_mem>>) src(%dma_wait3A_2488 : memref<3200x32xf32, #tpu.memory_space<hbm>>) dst(%dma_wait3A_2478 : memref<128x32xf32, #tpu.memory_space<vmem>>)
    %dma_wait3A_2489 = arith.constant 0 : i32
    %dma_wait3A_2490 = arith.constant 2 : i32
    %dma_wait3A_2491 = arith.constant 0 : i32
    %dma_wait3A_2492 = arith.constant 0 : i32
    %dma_wait3A_2493 = arith.constant 0 : i32
    %dma_wait3A_2494 = tpu.memref_slice %arg6[%dma_wait3A_2491, %dma_wait3A_2492, %dma_wait3A_2493] : memref<2x1024x32xf32, #tpu.memory_space<vmem>> -> memref<1x1024x32xf32, #tpu.memory_space<vmem>>
    %dma_wait3A_2495 = tpu.memref_squeeze %dma_wait3A_2494 : memref<1x1024x32xf32, #tpu.memory_space<vmem>> -> memref<1024x32xf32, #tpu.memory_space<vmem>>
    %dma_wait3A_2496 = arith.constant 256 : i32
    %dma_wait3A_2497 = arith.constant 0 : i32
    %dma_wait3A_2498 = tpu.memref_slice %dma_wait3A_2495[%dma_wait3A_2496, %dma_wait3A_2497] : memref<1024x32xf32, #tpu.memory_space<vmem>> -> memref<128x32xf32, #tpu.memory_space<vmem>>
    %dma_wait3A_2499 = arith.constant 0 : i32
    %dma_wait3A_2500 = arith.constant 0 : i32
    %dma_wait3A_2501 = tpu.memref_slice %arg5[%dma_wait3A_2489, %dma_wait3A_2499, %dma_wait3A_2500] : memref<2x8x128xi32, #tpu.memory_space<vmem>> -> memref<1x8x128xi32, #tpu.memory_space<vmem>>
    %dma_wait3A_2502 = tpu.memref_squeeze %dma_wait3A_2501 : memref<1x8x128xi32, #tpu.memory_space<vmem>> -> memref<8x128xi32, #tpu.memory_space<vmem>>
    %dma_wait3A_2503 = arith.constant 0 : i32
    %dma_wait3A_2504 = tpu.memref_slice %dma_wait3A_2502[%dma_wait3A_2490, %dma_wait3A_2503] : memref<8x128xi32, #tpu.memory_space<vmem>> -> memref<1x128xi32, #tpu.memory_space<vmem>>
    %dma_wait3A_2505 = tpu.memref_squeeze %dma_wait3A_2504 : memref<1x128xi32, #tpu.memory_space<vmem>> -> memref<128xi32, #tpu.memory_space<vmem>>
    %dma_wait3A_2506 = arith.constant 0 : i32
    %dma_wait3A_2507 = arith.constant 0 : i32
    %dma_wait3A_2508 = tpu.memref_slice %arg3[%dma_wait3A_2506, %dma_wait3A_2507] : memref<3200x32xf32, #tpu.memory_space<hbm>> -> memref<3200x32xf32, #tpu.memory_space<hbm>>
    tpu.wait_indirect_dma semaphore(%arg9 : memref<!tpu.dma_semaphore, #tpu.memory_space<semaphore_mem>>) src(%dma_wait3A_2508 : memref<3200x32xf32, #tpu.memory_space<hbm>>) dst(%dma_wait3A_2498 : memref<128x32xf32, #tpu.memory_space<vmem>>)
    %dma_wait3A_2509 = arith.constant 0 : i32
    %dma_wait3A_2510 = arith.constant 3 : i32
    %dma_wait3A_2511 = arith.constant 0 : i32
    %dma_wait3A_2512 = arith.constant 0 : i32
    %dma_wait3A_2513 = arith.constant 0 : i32
    %dma_wait3A_2514 = tpu.memref_slice %arg6[%dma_wait3A_2511, %dma_wait3A_2512, %dma_wait3A_2513] : memref<2x1024x32xf32, #tpu.memory_space<vmem>> -> memref<1x1024x32xf32, #tpu.memory_space<vmem>>
    %dma_wait3A_2515 = tpu.memref_squeeze %dma_wait3A_2514 : memref<1x1024x32xf32, #tpu.memory_space<vmem>> -> memref<1024x32xf32, #tpu.memory_space<vmem>>
    %dma_wait3A_2516 = arith.constant 384 : i32
    %dma_wait3A_2517 = arith.constant 0 : i32
    %dma_wait3A_2518 = tpu.memref_slice %dma_wait3A_2515[%dma_wait3A_2516, %dma_wait3A_2517] : memref<1024x32xf32, #tpu.memory_space<vmem>> -> memref<128x32xf32, #tpu.memory_space<vmem>>
    %dma_wait3A_2519 = arith.constant 0 : i32
    %dma_wait3A_2520 = arith.constant 0 : i32
    %dma_wait3A_2521 = tpu.memref_slice %arg5[%dma_wait3A_2509, %dma_wait3A_2519, %dma_wait3A_2520] : memref<2x8x128xi32, #tpu.memory_space<vmem>> -> memref<1x8x128xi32, #tpu.memory_space<vmem>>
    %dma_wait3A_2522 = tpu.memref_squeeze %dma_wait3A_2521 : memref<1x8x128xi32, #tpu.memory_space<vmem>> -> memref<8x128xi32, #tpu.memory_space<vmem>>
    %dma_wait3A_2523 = arith.constant 0 : i32
    %dma_wait3A_2524 = tpu.memref_slice %dma_wait3A_2522[%dma_wait3A_2510, %dma_wait3A_2523] : memref<8x128xi32, #tpu.memory_space<vmem>> -> memref<1x128xi32, #tpu.memory_space<vmem>>
    %dma_wait3A_2525 = tpu.memref_squeeze %dma_wait3A_2524 : memref<1x128xi32, #tpu.memory_space<vmem>> -> memref<128xi32, #tpu.memory_space<vmem>>
    %dma_wait3A_2526 = arith.constant 0 : i32
    %dma_wait3A_2527 = arith.constant 0 : i32
    %dma_wait3A_2528 = tpu.memref_slice %arg3[%dma_wait3A_2526, %dma_wait3A_2527] : memref<3200x32xf32, #tpu.memory_space<hbm>> -> memref<3200x32xf32, #tpu.memory_space<hbm>>
    tpu.wait_indirect_dma semaphore(%arg9 : memref<!tpu.dma_semaphore, #tpu.memory_space<semaphore_mem>>) src(%dma_wait3A_2528 : memref<3200x32xf32, #tpu.memory_space<hbm>>) dst(%dma_wait3A_2518 : memref<128x32xf32, #tpu.memory_space<vmem>>)
    %dma_wait3A_2529 = arith.constant 0 : i32
    %dma_wait3A_2530 = arith.constant 4 : i32
    %dma_wait3A_2531 = arith.constant 0 : i32
    %dma_wait3A_2532 = arith.constant 0 : i32
    %dma_wait3A_2533 = arith.constant 0 : i32
    %dma_wait3A_2534 = tpu.memref_slice %arg6[%dma_wait3A_2531, %dma_wait3A_2532, %dma_wait3A_2533] : memref<2x1024x32xf32, #tpu.memory_space<vmem>> -> memref<1x1024x32xf32, #tpu.memory_space<vmem>>
    %dma_wait3A_2535 = tpu.memref_squeeze %dma_wait3A_2534 : memref<1x1024x32xf32, #tpu.memory_space<vmem>> -> memref<1024x32xf32, #tpu.memory_space<vmem>>
    %dma_wait3A_2536 = arith.constant 512 : i32
    %dma_wait3A_2537 = arith.constant 0 : i32
    %dma_wait3A_2538 = tpu.memref_slice %dma_wait3A_2535[%dma_wait3A_2536, %dma_wait3A_2537] : memref<1024x32xf32, #tpu.memory_space<vmem>> -> memref<128x32xf32, #tpu.memory_space<vmem>>
    %dma_wait3A_2539 = arith.constant 0 : i32
    %dma_wait3A_2540 = arith.constant 0 : i32
    %dma_wait3A_2541 = tpu.memref_slice %arg5[%dma_wait3A_2529, %dma_wait3A_2539, %dma_wait3A_2540] : memref<2x8x128xi32, #tpu.memory_space<vmem>> -> memref<1x8x128xi32, #tpu.memory_space<vmem>>
    %dma_wait3A_2542 = tpu.memref_squeeze %dma_wait3A_2541 : memref<1x8x128xi32, #tpu.memory_space<vmem>> -> memref<8x128xi32, #tpu.memory_space<vmem>>
    %dma_wait3A_2543 = arith.constant 0 : i32
    %dma_wait3A_2544 = tpu.memref_slice %dma_wait3A_2542[%dma_wait3A_2530, %dma_wait3A_2543] : memref<8x128xi32, #tpu.memory_space<vmem>> -> memref<1x128xi32, #tpu.memory_space<vmem>>
    %dma_wait3A_2545 = tpu.memref_squeeze %dma_wait3A_2544 : memref<1x128xi32, #tpu.memory_space<vmem>> -> memref<128xi32, #tpu.memory_space<vmem>>
    %dma_wait3A_2546 = arith.constant 0 : i32
    %dma_wait3A_2547 = arith.constant 0 : i32
    %dma_wait3A_2548 = tpu.memref_slice %arg3[%dma_wait3A_2546, %dma_wait3A_2547] : memref<3200x32xf32, #tpu.memory_space<hbm>> -> memref<3200x32xf32, #tpu.memory_space<hbm>>
    tpu.wait_indirect_dma semaphore(%arg9 : memref<!tpu.dma_semaphore, #tpu.memory_space<semaphore_mem>>) src(%dma_wait3A_2548 : memref<3200x32xf32, #tpu.memory_space<hbm>>) dst(%dma_wait3A_2538 : memref<128x32xf32, #tpu.memory_space<vmem>>)
    %dma_wait3A_2549 = arith.constant 0 : i32
    %dma_wait3A_2550 = arith.constant 5 : i32
    %dma_wait3A_2551 = arith.constant 0 : i32
    %dma_wait3A_2552 = arith.constant 0 : i32
    %dma_wait3A_2553 = arith.constant 0 : i32
    %dma_wait3A_2554 = tpu.memref_slice %arg6[%dma_wait3A_2551, %dma_wait3A_2552, %dma_wait3A_2553] : memref<2x1024x32xf32, #tpu.memory_space<vmem>> -> memref<1x1024x32xf32, #tpu.memory_space<vmem>>
    %dma_wait3A_2555 = tpu.memref_squeeze %dma_wait3A_2554 : memref<1x1024x32xf32, #tpu.memory_space<vmem>> -> memref<1024x32xf32, #tpu.memory_space<vmem>>
    %dma_wait3A_2556 = arith.constant 640 : i32
    %dma_wait3A_2557 = arith.constant 0 : i32
    %dma_wait3A_2558 = tpu.memref_slice %dma_wait3A_2555[%dma_wait3A_2556, %dma_wait3A_2557] : memref<1024x32xf32, #tpu.memory_space<vmem>> -> memref<128x32xf32, #tpu.memory_space<vmem>>
    %dma_wait3A_2559 = arith.constant 0 : i32
    %dma_wait3A_2560 = arith.constant 0 : i32
    %dma_wait3A_2561 = tpu.memref_slice %arg5[%dma_wait3A_2549, %dma_wait3A_2559, %dma_wait3A_2560] : memref<2x8x128xi32, #tpu.memory_space<vmem>> -> memref<1x8x128xi32, #tpu.memory_space<vmem>>
    %dma_wait3A_2562 = tpu.memref_squeeze %dma_wait3A_2561 : memref<1x8x128xi32, #tpu.memory_space<vmem>> -> memref<8x128xi32, #tpu.memory_space<vmem>>
    %dma_wait3A_2563 = arith.constant 0 : i32
    %dma_wait3A_2564 = tpu.memref_slice %dma_wait3A_2562[%dma_wait3A_2550, %dma_wait3A_2563] : memref<8x128xi32, #tpu.memory_space<vmem>> -> memref<1x128xi32, #tpu.memory_space<vmem>>
    %dma_wait3A_2565 = tpu.memref_squeeze %dma_wait3A_2564 : memref<1x128xi32, #tpu.memory_space<vmem>> -> memref<128xi32, #tpu.memory_space<vmem>>
    %dma_wait3A_2566 = arith.constant 0 : i32
    %dma_wait3A_2567 = arith.constant 0 : i32
    %dma_wait3A_2568 = tpu.memref_slice %arg3[%dma_wait3A_2566, %dma_wait3A_2567] : memref<3200x32xf32, #tpu.memory_space<hbm>> -> memref<3200x32xf32, #tpu.memory_space<hbm>>
    tpu.wait_indirect_dma semaphore(%arg9 : memref<!tpu.dma_semaphore, #tpu.memory_space<semaphore_mem>>) src(%dma_wait3A_2568 : memref<3200x32xf32, #tpu.memory_space<hbm>>) dst(%dma_wait3A_2558 : memref<128x32xf32, #tpu.memory_space<vmem>>)
    %dma_wait3A_2569 = arith.constant 0 : i32
    %dma_wait3A_2570 = arith.constant 6 : i32
    %dma_wait3A_2571 = arith.constant 0 : i32
    %dma_wait3A_2572 = arith.constant 0 : i32
    %dma_wait3A_2573 = arith.constant 0 : i32
    %dma_wait3A_2574 = tpu.memref_slice %arg6[%dma_wait3A_2571, %dma_wait3A_2572, %dma_wait3A_2573] : memref<2x1024x32xf32, #tpu.memory_space<vmem>> -> memref<1x1024x32xf32, #tpu.memory_space<vmem>>
    %dma_wait3A_2575 = tpu.memref_squeeze %dma_wait3A_2574 : memref<1x1024x32xf32, #tpu.memory_space<vmem>> -> memref<1024x32xf32, #tpu.memory_space<vmem>>
    %dma_wait3A_2576 = arith.constant 768 : i32
    %dma_wait3A_2577 = arith.constant 0 : i32
    %dma_wait3A_2578 = tpu.memref_slice %dma_wait3A_2575[%dma_wait3A_2576, %dma_wait3A_2577] : memref<1024x32xf32, #tpu.memory_space<vmem>> -> memref<128x32xf32, #tpu.memory_space<vmem>>
    %dma_wait3A_2579 = arith.constant 0 : i32
    %dma_wait3A_2580 = arith.constant 0 : i32
    %dma_wait3A_2581 = tpu.memref_slice %arg5[%dma_wait3A_2569, %dma_wait3A_2579, %dma_wait3A_2580] : memref<2x8x128xi32, #tpu.memory_space<vmem>> -> memref<1x8x128xi32, #tpu.memory_space<vmem>>
    %dma_wait3A_2582 = tpu.memref_squeeze %dma_wait3A_2581 : memref<1x8x128xi32, #tpu.memory_space<vmem>> -> memref<8x128xi32, #tpu.memory_space<vmem>>
    %dma_wait3A_2583 = arith.constant 0 : i32
    %dma_wait3A_2584 = tpu.memref_slice %dma_wait3A_2582[%dma_wait3A_2570, %dma_wait3A_2583] : memref<8x128xi32, #tpu.memory_space<vmem>> -> memref<1x128xi32, #tpu.memory_space<vmem>>
    %dma_wait3A_2585 = tpu.memref_squeeze %dma_wait3A_2584 : memref<1x128xi32, #tpu.memory_space<vmem>> -> memref<128xi32, #tpu.memory_space<vmem>>
    %dma_wait3A_2586 = arith.constant 0 : i32
    %dma_wait3A_2587 = arith.constant 0 : i32
    %dma_wait3A_2588 = tpu.memref_slice %arg3[%dma_wait3A_2586, %dma_wait3A_2587] : memref<3200x32xf32, #tpu.memory_space<hbm>> -> memref<3200x32xf32, #tpu.memory_space<hbm>>
    tpu.wait_indirect_dma semaphore(%arg9 : memref<!tpu.dma_semaphore, #tpu.memory_space<semaphore_mem>>) src(%dma_wait3A_2588 : memref<3200x32xf32, #tpu.memory_space<hbm>>) dst(%dma_wait3A_2578 : memref<128x32xf32, #tpu.memory_space<vmem>>)
    %dma_wait3A_2589 = arith.constant 0 : i32
    %dma_wait3A_2590 = arith.constant 7 : i32
    %dma_wait3A_2591 = arith.constant 0 : i32
    %dma_wait3A_2592 = arith.constant 0 : i32
    %dma_wait3A_2593 = arith.constant 0 : i32
    %dma_wait3A_2594 = tpu.memref_slice %arg6[%dma_wait3A_2591, %dma_wait3A_2592, %dma_wait3A_2593] : memref<2x1024x32xf32, #tpu.memory_space<vmem>> -> memref<1x1024x32xf32, #tpu.memory_space<vmem>>
    %dma_wait3A_2595 = tpu.memref_squeeze %dma_wait3A_2594 : memref<1x1024x32xf32, #tpu.memory_space<vmem>> -> memref<1024x32xf32, #tpu.memory_space<vmem>>
    %dma_wait3A_2596 = arith.constant 896 : i32
    %dma_wait3A_2597 = arith.constant 0 : i32
    %dma_wait3A_2598 = tpu.memref_slice %dma_wait3A_2595[%dma_wait3A_2596, %dma_wait3A_2597] : memref<1024x32xf32, #tpu.memory_space<vmem>> -> memref<128x32xf32, #tpu.memory_space<vmem>>
    %dma_wait3A_2599 = arith.constant 0 : i32
    %dma_wait3A_2600 = arith.constant 0 : i32
    %dma_wait3A_2601 = tpu.memref_slice %arg5[%dma_wait3A_2589, %dma_wait3A_2599, %dma_wait3A_2600] : memref<2x8x128xi32, #tpu.memory_space<vmem>> -> memref<1x8x128xi32, #tpu.memory_space<vmem>>
    %dma_wait3A_2602 = tpu.memref_squeeze %dma_wait3A_2601 : memref<1x8x128xi32, #tpu.memory_space<vmem>> -> memref<8x128xi32, #tpu.memory_space<vmem>>
    %dma_wait3A_2603 = arith.constant 0 : i32
    %dma_wait3A_2604 = tpu.memref_slice %dma_wait3A_2602[%dma_wait3A_2590, %dma_wait3A_2603] : memref<8x128xi32, #tpu.memory_space<vmem>> -> memref<1x128xi32, #tpu.memory_space<vmem>>
    %dma_wait3A_2605 = tpu.memref_squeeze %dma_wait3A_2604 : memref<1x128xi32, #tpu.memory_space<vmem>> -> memref<128xi32, #tpu.memory_space<vmem>>
    %dma_wait3A_2606 = arith.constant 0 : i32
    %dma_wait3A_2607 = arith.constant 0 : i32
    %dma_wait3A_2608 = tpu.memref_slice %arg3[%dma_wait3A_2606, %dma_wait3A_2607] : memref<3200x32xf32, #tpu.memory_space<hbm>> -> memref<3200x32xf32, #tpu.memory_space<hbm>>
    tpu.wait_indirect_dma semaphore(%arg9 : memref<!tpu.dma_semaphore, #tpu.memory_space<semaphore_mem>>) src(%dma_wait3A_2608 : memref<3200x32xf32, #tpu.memory_space<hbm>>) dst(%dma_wait3A_2598 : memref<128x32xf32, #tpu.memory_space<vmem>>)
    %add3A_2609 = arith.constant 6144 : i32
    %add3A_2610 = arith.addi %mul3A_4, %add3A_2609 : i32
    %dma_start3A_2611 = arith.constant 0 : i32
    %dma_start3A_2612 = arith.constant 0 : i32
    %dma_start3A_2613 = arith.constant 0 : i32
    %dma_start3A_2614 = tpu.memref_slice %arg6[%dma_start3A_2611, %dma_start3A_2612, %dma_start3A_2613] : memref<2x1024x32xf32, #tpu.memory_space<vmem>> -> memref<1x1024x32xf32, #tpu.memory_space<vmem>>
    %dma_start3A_2615 = tpu.memref_squeeze %dma_start3A_2614 : memref<1x1024x32xf32, #tpu.memory_space<vmem>> -> memref<1024x32xf32, #tpu.memory_space<vmem>>
    %dma_start3A_2616 = arith.constant 0 : i32
    %dma_start3A_2617 = tpu.memref_slice %arg4[%add3A_2610, %dma_start3A_2616] : memref<262144x32xf32, #tpu.memory_space<hbm>> -> memref<1024x32xf32, #tpu.memory_space<hbm>>
    %dma_start3A_2618 = arith.constant 0 : i32
    %dma_start3A_2619 = tpu.memref_slice %arg4[%add3A_2610, %dma_start3A_2618] : memref<262144x32xf32, #tpu.memory_space<hbm>> -> memref<1024x32xf32, #tpu.memory_space<hbm>>
    %dma_start3A_2620 = arith.constant 0 : i32
    %dma_start3A_2621 = arith.constant 0 : i32
    %dma_start3A_2622 = tpu.memref_slice %arg6[%dma_start3A_2611, %dma_start3A_2620, %dma_start3A_2621] : memref<2x1024x32xf32, #tpu.memory_space<vmem>> -> memref<1x1024x32xf32, #tpu.memory_space<vmem>>
    %dma_start3A_2623 = tpu.memref_squeeze %dma_start3A_2622 : memref<1x1024x32xf32, #tpu.memory_space<vmem>> -> memref<1024x32xf32, #tpu.memory_space<vmem>>
    tpu.enqueue_dma source(%dma_start3A_2623 : memref<1024x32xf32, #tpu.memory_space<vmem>>) target(%dma_start3A_2619 : memref<1024x32xf32, #tpu.memory_space<hbm>>) target_semaphore(%arg11 : memref<!tpu.dma_semaphore, #tpu.memory_space<semaphore_mem>>)
    %dma_wait3A_2624 = arith.constant 1 : i32
    %dma_wait3A_2625 = arith.constant 0 : i32
    %dma_wait3A_2626 = arith.constant 0 : i32
    %dma_wait3A_2627 = tpu.memref_slice %arg5[%dma_wait3A_2624, %dma_wait3A_2625, %dma_wait3A_2626] : memref<2x8x128xi32, #tpu.memory_space<vmem>> -> memref<1x8x128xi32, #tpu.memory_space<vmem>>
    %dma_wait3A_2628 = tpu.memref_squeeze %dma_wait3A_2627 : memref<1x8x128xi32, #tpu.memory_space<vmem>> -> memref<8x128xi32, #tpu.memory_space<vmem>>
    %dma_wait3A_2629 = arith.constant 0 : i32
    %dma_wait3A_2630 = tpu.memref_slice %arg2[%add3A_2249, %dma_wait3A_2629] : memref<2048x128xi32, #tpu.memory_space<hbm>> -> memref<8x128xi32, #tpu.memory_space<hbm>>
    %dma_wait3A_2631 = arith.constant 0 : i32
    %dma_wait3A_2632 = arith.constant 0 : i32
    %dma_wait3A_2633 = tpu.memref_slice %arg5[%dma_wait3A_2624, %dma_wait3A_2631, %dma_wait3A_2632] : memref<2x8x128xi32, #tpu.memory_space<vmem>> -> memref<1x8x128xi32, #tpu.memory_space<vmem>>
    %dma_wait3A_2634 = tpu.memref_squeeze %dma_wait3A_2633 : memref<1x8x128xi32, #tpu.memory_space<vmem>> -> memref<8x128xi32, #tpu.memory_space<vmem>>
    %dma_wait3A_2635 = arith.constant 0 : i32
    %dma_wait3A_2636 = tpu.memref_slice %arg2[%add3A_2249, %dma_wait3A_2635] : memref<2048x128xi32, #tpu.memory_space<hbm>> -> memref<8x128xi32, #tpu.memory_space<hbm>>
    tpu.wait_dma2 semaphore(%arg8 : memref<!tpu.dma_semaphore, #tpu.memory_space<semaphore_mem>>) src(%dma_wait3A_2636 : memref<8x128xi32, #tpu.memory_space<hbm>>) dst(%dma_wait3A_2634 : memref<8x128xi32, #tpu.memory_space<vmem>>)
    %dma_wait3A_2637 = arith.constant 1 : i32
    %dma_wait3A_2638 = arith.constant 0 : i32
    %dma_wait3A_2639 = arith.constant 0 : i32
    %dma_wait3A_2640 = tpu.memref_slice %arg6[%dma_wait3A_2637, %dma_wait3A_2638, %dma_wait3A_2639] : memref<2x1024x32xf32, #tpu.memory_space<vmem>> -> memref<1x1024x32xf32, #tpu.memory_space<vmem>>
    %dma_wait3A_2641 = tpu.memref_squeeze %dma_wait3A_2640 : memref<1x1024x32xf32, #tpu.memory_space<vmem>> -> memref<1024x32xf32, #tpu.memory_space<vmem>>
    %dma_wait3A_2642 = arith.constant 0 : i32
    %dma_wait3A_2643 = tpu.memref_slice %arg4[%add3A_2234, %dma_wait3A_2642] : memref<262144x32xf32, #tpu.memory_space<hbm>> -> memref<1024x32xf32, #tpu.memory_space<hbm>>
    %dma_wait3A_2644 = arith.constant 0 : i32
    %dma_wait3A_2645 = tpu.memref_slice %arg4[%add3A_2234, %dma_wait3A_2644] : memref<262144x32xf32, #tpu.memory_space<hbm>> -> memref<1024x32xf32, #tpu.memory_space<hbm>>
    %dma_wait3A_2646 = arith.constant 0 : i32
    %dma_wait3A_2647 = arith.constant 0 : i32
    %dma_wait3A_2648 = tpu.memref_slice %arg6[%dma_wait3A_2637, %dma_wait3A_2646, %dma_wait3A_2647] : memref<2x1024x32xf32, #tpu.memory_space<vmem>> -> memref<1x1024x32xf32, #tpu.memory_space<vmem>>
    %dma_wait3A_2649 = tpu.memref_squeeze %dma_wait3A_2648 : memref<1x1024x32xf32, #tpu.memory_space<vmem>> -> memref<1024x32xf32, #tpu.memory_space<vmem>>
    tpu.wait_dma2 semaphore(%arg12 : memref<!tpu.dma_semaphore, #tpu.memory_space<semaphore_mem>>) src(%dma_wait3A_2649 : memref<1024x32xf32, #tpu.memory_space<vmem>>) dst(%dma_wait3A_2645 : memref<1024x32xf32, #tpu.memory_space<hbm>>)
    %dma_start3A_2650 = arith.constant 1 : i32
    %dma_start3A_2651 = arith.constant 0 : i32
    %dma_start3A_2652 = arith.constant 1 : i32
    %dma_start3A_2653 = arith.constant 0 : i32
    %dma_start3A_2654 = arith.constant 0 : i32
    %dma_start3A_2655 = tpu.memref_slice %arg6[%dma_start3A_2652, %dma_start3A_2653, %dma_start3A_2654] : memref<2x1024x32xf32, #tpu.memory_space<vmem>> -> memref<1x1024x32xf32, #tpu.memory_space<vmem>>
    %dma_start3A_2656 = tpu.memref_squeeze %dma_start3A_2655 : memref<1x1024x32xf32, #tpu.memory_space<vmem>> -> memref<1024x32xf32, #tpu.memory_space<vmem>>
    %dma_start3A_2657 = arith.constant 0 : i32
    %dma_start3A_2658 = arith.constant 0 : i32
    %dma_start3A_2659 = tpu.memref_slice %dma_start3A_2656[%dma_start3A_2657, %dma_start3A_2658] : memref<1024x32xf32, #tpu.memory_space<vmem>> -> memref<128x32xf32, #tpu.memory_space<vmem>>
    %dma_start3A_2660 = arith.constant 0 : i32
    %dma_start3A_2661 = arith.constant 0 : i32
    %dma_start3A_2662 = tpu.memref_slice %arg5[%dma_start3A_2650, %dma_start3A_2660, %dma_start3A_2661] : memref<2x8x128xi32, #tpu.memory_space<vmem>> -> memref<1x8x128xi32, #tpu.memory_space<vmem>>
    %dma_start3A_2663 = tpu.memref_squeeze %dma_start3A_2662 : memref<1x8x128xi32, #tpu.memory_space<vmem>> -> memref<8x128xi32, #tpu.memory_space<vmem>>
    %dma_start3A_2664 = arith.constant 0 : i32
    %dma_start3A_2665 = tpu.memref_slice %dma_start3A_2663[%dma_start3A_2651, %dma_start3A_2664] : memref<8x128xi32, #tpu.memory_space<vmem>> -> memref<1x128xi32, #tpu.memory_space<vmem>>
    %dma_start3A_2666 = tpu.memref_squeeze %dma_start3A_2665 : memref<1x128xi32, #tpu.memory_space<vmem>> -> memref<128xi32, #tpu.memory_space<vmem>>
    %dma_start3A_2667 = arith.constant 0 : i32
    %dma_start3A_2668 = arith.constant 0 : i32
    %dma_start3A_2669 = tpu.memref_slice %arg3[%dma_start3A_2667, %dma_start3A_2668] : memref<3200x32xf32, #tpu.memory_space<hbm>> -> memref<3200x32xf32, #tpu.memory_space<hbm>>
    tpu.enqueue_indirect_dma source(%dma_start3A_2669 : memref<3200x32xf32, #tpu.memory_space<hbm>>) target(%dma_start3A_2659 : memref<128x32xf32, #tpu.memory_space<vmem>>) offsets(%dma_start3A_2666 : memref<128xi32, #tpu.memory_space<vmem>>) semaphore(%arg10 : memref<!tpu.dma_semaphore, #tpu.memory_space<semaphore_mem>>)
    %dma_start3A_2670 = arith.constant 1 : i32
    %dma_start3A_2671 = arith.constant 1 : i32
    %dma_start3A_2672 = arith.constant 1 : i32
    %dma_start3A_2673 = arith.constant 0 : i32
    %dma_start3A_2674 = arith.constant 0 : i32
    %dma_start3A_2675 = tpu.memref_slice %arg6[%dma_start3A_2672, %dma_start3A_2673, %dma_start3A_2674] : memref<2x1024x32xf32, #tpu.memory_space<vmem>> -> memref<1x1024x32xf32, #tpu.memory_space<vmem>>
    %dma_start3A_2676 = tpu.memref_squeeze %dma_start3A_2675 : memref<1x1024x32xf32, #tpu.memory_space<vmem>> -> memref<1024x32xf32, #tpu.memory_space<vmem>>
    %dma_start3A_2677 = arith.constant 128 : i32
    %dma_start3A_2678 = arith.constant 0 : i32
    %dma_start3A_2679 = tpu.memref_slice %dma_start3A_2676[%dma_start3A_2677, %dma_start3A_2678] : memref<1024x32xf32, #tpu.memory_space<vmem>> -> memref<128x32xf32, #tpu.memory_space<vmem>>
    %dma_start3A_2680 = arith.constant 0 : i32
    %dma_start3A_2681 = arith.constant 0 : i32
    %dma_start3A_2682 = tpu.memref_slice %arg5[%dma_start3A_2670, %dma_start3A_2680, %dma_start3A_2681] : memref<2x8x128xi32, #tpu.memory_space<vmem>> -> memref<1x8x128xi32, #tpu.memory_space<vmem>>
    %dma_start3A_2683 = tpu.memref_squeeze %dma_start3A_2682 : memref<1x8x128xi32, #tpu.memory_space<vmem>> -> memref<8x128xi32, #tpu.memory_space<vmem>>
    %dma_start3A_2684 = arith.constant 0 : i32
    %dma_start3A_2685 = tpu.memref_slice %dma_start3A_2683[%dma_start3A_2671, %dma_start3A_2684] : memref<8x128xi32, #tpu.memory_space<vmem>> -> memref<1x128xi32, #tpu.memory_space<vmem>>
    %dma_start3A_2686 = tpu.memref_squeeze %dma_start3A_2685 : memref<1x128xi32, #tpu.memory_space<vmem>> -> memref<128xi32, #tpu.memory_space<vmem>>
    %dma_start3A_2687 = arith.constant 0 : i32
    %dma_start3A_2688 = arith.constant 0 : i32
    %dma_start3A_2689 = tpu.memref_slice %arg3[%dma_start3A_2687, %dma_start3A_2688] : memref<3200x32xf32, #tpu.memory_space<hbm>> -> memref<3200x32xf32, #tpu.memory_space<hbm>>
    tpu.enqueue_indirect_dma source(%dma_start3A_2689 : memref<3200x32xf32, #tpu.memory_space<hbm>>) target(%dma_start3A_2679 : memref<128x32xf32, #tpu.memory_space<vmem>>) offsets(%dma_start3A_2686 : memref<128xi32, #tpu.memory_space<vmem>>) semaphore(%arg10 : memref<!tpu.dma_semaphore, #tpu.memory_space<semaphore_mem>>)
    %dma_start3A_2690 = arith.constant 1 : i32
    %dma_start3A_2691 = arith.constant 2 : i32
    %dma_start3A_2692 = arith.constant 1 : i32
    %dma_start3A_2693 = arith.constant 0 : i32
    %dma_start3A_2694 = arith.constant 0 : i32
    %dma_start3A_2695 = tpu.memref_slice %arg6[%dma_start3A_2692, %dma_start3A_2693, %dma_start3A_2694] : memref<2x1024x32xf32, #tpu.memory_space<vmem>> -> memref<1x1024x32xf32, #tpu.memory_space<vmem>>
    %dma_start3A_2696 = tpu.memref_squeeze %dma_start3A_2695 : memref<1x1024x32xf32, #tpu.memory_space<vmem>> -> memref<1024x32xf32, #tpu.memory_space<vmem>>
    %dma_start3A_2697 = arith.constant 256 : i32
    %dma_start3A_2698 = arith.constant 0 : i32
    %dma_start3A_2699 = tpu.memref_slice %dma_start3A_2696[%dma_start3A_2697, %dma_start3A_2698] : memref<1024x32xf32, #tpu.memory_space<vmem>> -> memref<128x32xf32, #tpu.memory_space<vmem>>
    %dma_start3A_2700 = arith.constant 0 : i32
    %dma_start3A_2701 = arith.constant 0 : i32
    %dma_start3A_2702 = tpu.memref_slice %arg5[%dma_start3A_2690, %dma_start3A_2700, %dma_start3A_2701] : memref<2x8x128xi32, #tpu.memory_space<vmem>> -> memref<1x8x128xi32, #tpu.memory_space<vmem>>
    %dma_start3A_2703 = tpu.memref_squeeze %dma_start3A_2702 : memref<1x8x128xi32, #tpu.memory_space<vmem>> -> memref<8x128xi32, #tpu.memory_space<vmem>>
    %dma_start3A_2704 = arith.constant 0 : i32
    %dma_start3A_2705 = tpu.memref_slice %dma_start3A_2703[%dma_start3A_2691, %dma_start3A_2704] : memref<8x128xi32, #tpu.memory_space<vmem>> -> memref<1x128xi32, #tpu.memory_space<vmem>>
    %dma_start3A_2706 = tpu.memref_squeeze %dma_start3A_2705 : memref<1x128xi32, #tpu.memory_space<vmem>> -> memref<128xi32, #tpu.memory_space<vmem>>
    %dma_start3A_2707 = arith.constant 0 : i32
    %dma_start3A_2708 = arith.constant 0 : i32
    %dma_start3A_2709 = tpu.memref_slice %arg3[%dma_start3A_2707, %dma_start3A_2708] : memref<3200x32xf32, #tpu.memory_space<hbm>> -> memref<3200x32xf32, #tpu.memory_space<hbm>>
    tpu.enqueue_indirect_dma source(%dma_start3A_2709 : memref<3200x32xf32, #tpu.memory_space<hbm>>) target(%dma_start3A_2699 : memref<128x32xf32, #tpu.memory_space<vmem>>) offsets(%dma_start3A_2706 : memref<128xi32, #tpu.memory_space<vmem>>) semaphore(%arg10 : memref<!tpu.dma_semaphore, #tpu.memory_space<semaphore_mem>>)
    %dma_start3A_2710 = arith.constant 1 : i32
    %dma_start3A_2711 = arith.constant 3 : i32
    %dma_start3A_2712 = arith.constant 1 : i32
    %dma_start3A_2713 = arith.constant 0 : i32
    %dma_start3A_2714 = arith.constant 0 : i32
    %dma_start3A_2715 = tpu.memref_slice %arg6[%dma_start3A_2712, %dma_start3A_2713, %dma_start3A_2714] : memref<2x1024x32xf32, #tpu.memory_space<vmem>> -> memref<1x1024x32xf32, #tpu.memory_space<vmem>>
    %dma_start3A_2716 = tpu.memref_squeeze %dma_start3A_2715 : memref<1x1024x32xf32, #tpu.memory_space<vmem>> -> memref<1024x32xf32, #tpu.memory_space<vmem>>
    %dma_start3A_2717 = arith.constant 384 : i32
    %dma_start3A_2718 = arith.constant 0 : i32
    %dma_start3A_2719 = tpu.memref_slice %dma_start3A_2716[%dma_start3A_2717, %dma_start3A_2718] : memref<1024x32xf32, #tpu.memory_space<vmem>> -> memref<128x32xf32, #tpu.memory_space<vmem>>
    %dma_start3A_2720 = arith.constant 0 : i32
    %dma_start3A_2721 = arith.constant 0 : i32
    %dma_start3A_2722 = tpu.memref_slice %arg5[%dma_start3A_2710, %dma_start3A_2720, %dma_start3A_2721] : memref<2x8x128xi32, #tpu.memory_space<vmem>> -> memref<1x8x128xi32, #tpu.memory_space<vmem>>
    %dma_start3A_2723 = tpu.memref_squeeze %dma_start3A_2722 : memref<1x8x128xi32, #tpu.memory_space<vmem>> -> memref<8x128xi32, #tpu.memory_space<vmem>>
    %dma_start3A_2724 = arith.constant 0 : i32
    %dma_start3A_2725 = tpu.memref_slice %dma_start3A_2723[%dma_start3A_2711, %dma_start3A_2724] : memref<8x128xi32, #tpu.memory_space<vmem>> -> memref<1x128xi32, #tpu.memory_space<vmem>>
    %dma_start3A_2726 = tpu.memref_squeeze %dma_start3A_2725 : memref<1x128xi32, #tpu.memory_space<vmem>> -> memref<128xi32, #tpu.memory_space<vmem>>
    %dma_start3A_2727 = arith.constant 0 : i32
    %dma_start3A_2728 = arith.constant 0 : i32
    %dma_start3A_2729 = tpu.memref_slice %arg3[%dma_start3A_2727, %dma_start3A_2728] : memref<3200x32xf32, #tpu.memory_space<hbm>> -> memref<3200x32xf32, #tpu.memory_space<hbm>>
    tpu.enqueue_indirect_dma source(%dma_start3A_2729 : memref<3200x32xf32, #tpu.memory_space<hbm>>) target(%dma_start3A_2719 : memref<128x32xf32, #tpu.memory_space<vmem>>) offsets(%dma_start3A_2726 : memref<128xi32, #tpu.memory_space<vmem>>) semaphore(%arg10 : memref<!tpu.dma_semaphore, #tpu.memory_space<semaphore_mem>>)
    %dma_start3A_2730 = arith.constant 1 : i32
    %dma_start3A_2731 = arith.constant 4 : i32
    %dma_start3A_2732 = arith.constant 1 : i32
    %dma_start3A_2733 = arith.constant 0 : i32
    %dma_start3A_2734 = arith.constant 0 : i32
    %dma_start3A_2735 = tpu.memref_slice %arg6[%dma_start3A_2732, %dma_start3A_2733, %dma_start3A_2734] : memref<2x1024x32xf32, #tpu.memory_space<vmem>> -> memref<1x1024x32xf32, #tpu.memory_space<vmem>>
    %dma_start3A_2736 = tpu.memref_squeeze %dma_start3A_2735 : memref<1x1024x32xf32, #tpu.memory_space<vmem>> -> memref<1024x32xf32, #tpu.memory_space<vmem>>
    %dma_start3A_2737 = arith.constant 512 : i32
    %dma_start3A_2738 = arith.constant 0 : i32
    %dma_start3A_2739 = tpu.memref_slice %dma_start3A_2736[%dma_start3A_2737, %dma_start3A_2738] : memref<1024x32xf32, #tpu.memory_space<vmem>> -> memref<128x32xf32, #tpu.memory_space<vmem>>
    %dma_start3A_2740 = arith.constant 0 : i32
    %dma_start3A_2741 = arith.constant 0 : i32
    %dma_start3A_2742 = tpu.memref_slice %arg5[%dma_start3A_2730, %dma_start3A_2740, %dma_start3A_2741] : memref<2x8x128xi32, #tpu.memory_space<vmem>> -> memref<1x8x128xi32, #tpu.memory_space<vmem>>
    %dma_start3A_2743 = tpu.memref_squeeze %dma_start3A_2742 : memref<1x8x128xi32, #tpu.memory_space<vmem>> -> memref<8x128xi32, #tpu.memory_space<vmem>>
    %dma_start3A_2744 = arith.constant 0 : i32
    %dma_start3A_2745 = tpu.memref_slice %dma_start3A_2743[%dma_start3A_2731, %dma_start3A_2744] : memref<8x128xi32, #tpu.memory_space<vmem>> -> memref<1x128xi32, #tpu.memory_space<vmem>>
    %dma_start3A_2746 = tpu.memref_squeeze %dma_start3A_2745 : memref<1x128xi32, #tpu.memory_space<vmem>> -> memref<128xi32, #tpu.memory_space<vmem>>
    %dma_start3A_2747 = arith.constant 0 : i32
    %dma_start3A_2748 = arith.constant 0 : i32
    %dma_start3A_2749 = tpu.memref_slice %arg3[%dma_start3A_2747, %dma_start3A_2748] : memref<3200x32xf32, #tpu.memory_space<hbm>> -> memref<3200x32xf32, #tpu.memory_space<hbm>>
    tpu.enqueue_indirect_dma source(%dma_start3A_2749 : memref<3200x32xf32, #tpu.memory_space<hbm>>) target(%dma_start3A_2739 : memref<128x32xf32, #tpu.memory_space<vmem>>) offsets(%dma_start3A_2746 : memref<128xi32, #tpu.memory_space<vmem>>) semaphore(%arg10 : memref<!tpu.dma_semaphore, #tpu.memory_space<semaphore_mem>>)
    %dma_start3A_2750 = arith.constant 1 : i32
    %dma_start3A_2751 = arith.constant 5 : i32
    %dma_start3A_2752 = arith.constant 1 : i32
    %dma_start3A_2753 = arith.constant 0 : i32
    %dma_start3A_2754 = arith.constant 0 : i32
    %dma_start3A_2755 = tpu.memref_slice %arg6[%dma_start3A_2752, %dma_start3A_2753, %dma_start3A_2754] : memref<2x1024x32xf32, #tpu.memory_space<vmem>> -> memref<1x1024x32xf32, #tpu.memory_space<vmem>>
    %dma_start3A_2756 = tpu.memref_squeeze %dma_start3A_2755 : memref<1x1024x32xf32, #tpu.memory_space<vmem>> -> memref<1024x32xf32, #tpu.memory_space<vmem>>
    %dma_start3A_2757 = arith.constant 640 : i32
    %dma_start3A_2758 = arith.constant 0 : i32
    %dma_start3A_2759 = tpu.memref_slice %dma_start3A_2756[%dma_start3A_2757, %dma_start3A_2758] : memref<1024x32xf32, #tpu.memory_space<vmem>> -> memref<128x32xf32, #tpu.memory_space<vmem>>
    %dma_start3A_2760 = arith.constant 0 : i32
    %dma_start3A_2761 = arith.constant 0 : i32
    %dma_start3A_2762 = tpu.memref_slice %arg5[%dma_start3A_2750, %dma_start3A_2760, %dma_start3A_2761] : memref<2x8x128xi32, #tpu.memory_space<vmem>> -> memref<1x8x128xi32, #tpu.memory_space<vmem>>
    %dma_start3A_2763 = tpu.memref_squeeze %dma_start3A_2762 : memref<1x8x128xi32, #tpu.memory_space<vmem>> -> memref<8x128xi32, #tpu.memory_space<vmem>>
    %dma_start3A_2764 = arith.constant 0 : i32
    %dma_start3A_2765 = tpu.memref_slice %dma_start3A_2763[%dma_start3A_2751, %dma_start3A_2764] : memref<8x128xi32, #tpu.memory_space<vmem>> -> memref<1x128xi32, #tpu.memory_space<vmem>>
    %dma_start3A_2766 = tpu.memref_squeeze %dma_start3A_2765 : memref<1x128xi32, #tpu.memory_space<vmem>> -> memref<128xi32, #tpu.memory_space<vmem>>
    %dma_start3A_2767 = arith.constant 0 : i32
    %dma_start3A_2768 = arith.constant 0 : i32
    %dma_start3A_2769 = tpu.memref_slice %arg3[%dma_start3A_2767, %dma_start3A_2768] : memref<3200x32xf32, #tpu.memory_space<hbm>> -> memref<3200x32xf32, #tpu.memory_space<hbm>>
    tpu.enqueue_indirect_dma source(%dma_start3A_2769 : memref<3200x32xf32, #tpu.memory_space<hbm>>) target(%dma_start3A_2759 : memref<128x32xf32, #tpu.memory_space<vmem>>) offsets(%dma_start3A_2766 : memref<128xi32, #tpu.memory_space<vmem>>) semaphore(%arg10 : memref<!tpu.dma_semaphore, #tpu.memory_space<semaphore_mem>>)
    %dma_start3A_2770 = arith.constant 1 : i32
    %dma_start3A_2771 = arith.constant 6 : i32
    %dma_start3A_2772 = arith.constant 1 : i32
    %dma_start3A_2773 = arith.constant 0 : i32
    %dma_start3A_2774 = arith.constant 0 : i32
    %dma_start3A_2775 = tpu.memref_slice %arg6[%dma_start3A_2772, %dma_start3A_2773, %dma_start3A_2774] : memref<2x1024x32xf32, #tpu.memory_space<vmem>> -> memref<1x1024x32xf32, #tpu.memory_space<vmem>>
    %dma_start3A_2776 = tpu.memref_squeeze %dma_start3A_2775 : memref<1x1024x32xf32, #tpu.memory_space<vmem>> -> memref<1024x32xf32, #tpu.memory_space<vmem>>
    %dma_start3A_2777 = arith.constant 768 : i32
    %dma_start3A_2778 = arith.constant 0 : i32
    %dma_start3A_2779 = tpu.memref_slice %dma_start3A_2776[%dma_start3A_2777, %dma_start3A_2778] : memref<1024x32xf32, #tpu.memory_space<vmem>> -> memref<128x32xf32, #tpu.memory_space<vmem>>
    %dma_start3A_2780 = arith.constant 0 : i32
    %dma_start3A_2781 = arith.constant 0 : i32
    %dma_start3A_2782 = tpu.memref_slice %arg5[%dma_start3A_2770, %dma_start3A_2780, %dma_start3A_2781] : memref<2x8x128xi32, #tpu.memory_space<vmem>> -> memref<1x8x128xi32, #tpu.memory_space<vmem>>
    %dma_start3A_2783 = tpu.memref_squeeze %dma_start3A_2782 : memref<1x8x128xi32, #tpu.memory_space<vmem>> -> memref<8x128xi32, #tpu.memory_space<vmem>>
    %dma_start3A_2784 = arith.constant 0 : i32
    %dma_start3A_2785 = tpu.memref_slice %dma_start3A_2783[%dma_start3A_2771, %dma_start3A_2784] : memref<8x128xi32, #tpu.memory_space<vmem>> -> memref<1x128xi32, #tpu.memory_space<vmem>>
    %dma_start3A_2786 = tpu.memref_squeeze %dma_start3A_2785 : memref<1x128xi32, #tpu.memory_space<vmem>> -> memref<128xi32, #tpu.memory_space<vmem>>
    %dma_start3A_2787 = arith.constant 0 : i32
    %dma_start3A_2788 = arith.constant 0 : i32
    %dma_start3A_2789 = tpu.memref_slice %arg3[%dma_start3A_2787, %dma_start3A_2788] : memref<3200x32xf32, #tpu.memory_space<hbm>> -> memref<3200x32xf32, #tpu.memory_space<hbm>>
    tpu.enqueue_indirect_dma source(%dma_start3A_2789 : memref<3200x32xf32, #tpu.memory_space<hbm>>) target(%dma_start3A_2779 : memref<128x32xf32, #tpu.memory_space<vmem>>) offsets(%dma_start3A_2786 : memref<128xi32, #tpu.memory_space<vmem>>) semaphore(%arg10 : memref<!tpu.dma_semaphore, #tpu.memory_space<semaphore_mem>>)
    %dma_start3A_2790 = arith.constant 1 : i32
    %dma_start3A_2791 = arith.constant 7 : i32
    %dma_start3A_2792 = arith.constant 1 : i32
    %dma_start3A_2793 = arith.constant 0 : i32
    %dma_start3A_2794 = arith.constant 0 : i32
    %dma_start3A_2795 = tpu.memref_slice %arg6[%dma_start3A_2792, %dma_start3A_2793, %dma_start3A_2794] : memref<2x1024x32xf32, #tpu.memory_space<vmem>> -> memref<1x1024x32xf32, #tpu.memory_space<vmem>>
    %dma_start3A_2796 = tpu.memref_squeeze %dma_start3A_2795 : memref<1x1024x32xf32, #tpu.memory_space<vmem>> -> memref<1024x32xf32, #tpu.memory_space<vmem>>
    %dma_start3A_2797 = arith.constant 896 : i32
    %dma_start3A_2798 = arith.constant 0 : i32
    %dma_start3A_2799 = tpu.memref_slice %dma_start3A_2796[%dma_start3A_2797, %dma_start3A_2798] : memref<1024x32xf32, #tpu.memory_space<vmem>> -> memref<128x32xf32, #tpu.memory_space<vmem>>
    %dma_start3A_2800 = arith.constant 0 : i32
    %dma_start3A_2801 = arith.constant 0 : i32
    %dma_start3A_2802 = tpu.memref_slice %arg5[%dma_start3A_2790, %dma_start3A_2800, %dma_start3A_2801] : memref<2x8x128xi32, #tpu.memory_space<vmem>> -> memref<1x8x128xi32, #tpu.memory_space<vmem>>
    %dma_start3A_2803 = tpu.memref_squeeze %dma_start3A_2802 : memref<1x8x128xi32, #tpu.memory_space<vmem>> -> memref<8x128xi32, #tpu.memory_space<vmem>>
    %dma_start3A_2804 = arith.constant 0 : i32
    %dma_start3A_2805 = tpu.memref_slice %dma_start3A_2803[%dma_start3A_2791, %dma_start3A_2804] : memref<8x128xi32, #tpu.memory_space<vmem>> -> memref<1x128xi32, #tpu.memory_space<vmem>>
    %dma_start3A_2806 = tpu.memref_squeeze %dma_start3A_2805 : memref<1x128xi32, #tpu.memory_space<vmem>> -> memref<128xi32, #tpu.memory_space<vmem>>
    %dma_start3A_2807 = arith.constant 0 : i32
    %dma_start3A_2808 = arith.constant 0 : i32
    %dma_start3A_2809 = tpu.memref_slice %arg3[%dma_start3A_2807, %dma_start3A_2808] : memref<3200x32xf32, #tpu.memory_space<hbm>> -> memref<3200x32xf32, #tpu.memory_space<hbm>>
    tpu.enqueue_indirect_dma source(%dma_start3A_2809 : memref<3200x32xf32, #tpu.memory_space<hbm>>) target(%dma_start3A_2799 : memref<128x32xf32, #tpu.memory_space<vmem>>) offsets(%dma_start3A_2806 : memref<128xi32, #tpu.memory_space<vmem>>) semaphore(%arg10 : memref<!tpu.dma_semaphore, #tpu.memory_space<semaphore_mem>>)
    %dma_wait3A_2810 = arith.constant 1 : i32
    %dma_wait3A_2811 = arith.constant 0 : i32
    %dma_wait3A_2812 = arith.constant 1 : i32
    %dma_wait3A_2813 = arith.constant 0 : i32
    %dma_wait3A_2814 = arith.constant 0 : i32
    %dma_wait3A_2815 = tpu.memref_slice %arg6[%dma_wait3A_2812, %dma_wait3A_2813, %dma_wait3A_2814] : memref<2x1024x32xf32, #tpu.memory_space<vmem>> -> memref<1x1024x32xf32, #tpu.memory_space<vmem>>
    %dma_wait3A_2816 = tpu.memref_squeeze %dma_wait3A_2815 : memref<1x1024x32xf32, #tpu.memory_space<vmem>> -> memref<1024x32xf32, #tpu.memory_space<vmem>>
    %dma_wait3A_2817 = arith.constant 0 : i32
    %dma_wait3A_2818 = arith.constant 0 : i32
    %dma_wait3A_2819 = tpu.memref_slice %dma_wait3A_2816[%dma_wait3A_2817, %dma_wait3A_2818] : memref<1024x32xf32, #tpu.memory_space<vmem>> -> memref<128x32xf32, #tpu.memory_space<vmem>>
    %dma_wait3A_2820 = arith.constant 0 : i32
    %dma_wait3A_2821 = arith.constant 0 : i32
    %dma_wait3A_2822 = tpu.memref_slice %arg5[%dma_wait3A_2810, %dma_wait3A_2820, %dma_wait3A_2821] : memref<2x8x128xi32, #tpu.memory_space<vmem>> -> memref<1x8x128xi32, #tpu.memory_space<vmem>>
    %dma_wait3A_2823 = tpu.memref_squeeze %dma_wait3A_2822 : memref<1x8x128xi32, #tpu.memory_space<vmem>> -> memref<8x128xi32, #tpu.memory_space<vmem>>
    %dma_wait3A_2824 = arith.constant 0 : i32
    %dma_wait3A_2825 = tpu.memref_slice %dma_wait3A_2823[%dma_wait3A_2811, %dma_wait3A_2824] : memref<8x128xi32, #tpu.memory_space<vmem>> -> memref<1x128xi32, #tpu.memory_space<vmem>>
    %dma_wait3A_2826 = tpu.memref_squeeze %dma_wait3A_2825 : memref<1x128xi32, #tpu.memory_space<vmem>> -> memref<128xi32, #tpu.memory_space<vmem>>
    %dma_wait3A_2827 = arith.constant 0 : i32
    %dma_wait3A_2828 = arith.constant 0 : i32
    %dma_wait3A_2829 = tpu.memref_slice %arg3[%dma_wait3A_2827, %dma_wait3A_2828] : memref<3200x32xf32, #tpu.memory_space<hbm>> -> memref<3200x32xf32, #tpu.memory_space<hbm>>
    tpu.wait_indirect_dma semaphore(%arg10 : memref<!tpu.dma_semaphore, #tpu.memory_space<semaphore_mem>>) src(%dma_wait3A_2829 : memref<3200x32xf32, #tpu.memory_space<hbm>>) dst(%dma_wait3A_2819 : memref<128x32xf32, #tpu.memory_space<vmem>>)
    %dma_wait3A_2830 = arith.constant 1 : i32
    %dma_wait3A_2831 = arith.constant 1 : i32
    %dma_wait3A_2832 = arith.constant 1 : i32
    %dma_wait3A_2833 = arith.constant 0 : i32
    %dma_wait3A_2834 = arith.constant 0 : i32
    %dma_wait3A_2835 = tpu.memref_slice %arg6[%dma_wait3A_2832, %dma_wait3A_2833, %dma_wait3A_2834] : memref<2x1024x32xf32, #tpu.memory_space<vmem>> -> memref<1x1024x32xf32, #tpu.memory_space<vmem>>
    %dma_wait3A_2836 = tpu.memref_squeeze %dma_wait3A_2835 : memref<1x1024x32xf32, #tpu.memory_space<vmem>> -> memref<1024x32xf32, #tpu.memory_space<vmem>>
    %dma_wait3A_2837 = arith.constant 128 : i32
    %dma_wait3A_2838 = arith.constant 0 : i32
    %dma_wait3A_2839 = tpu.memref_slice %dma_wait3A_2836[%dma_wait3A_2837, %dma_wait3A_2838] : memref<1024x32xf32, #tpu.memory_space<vmem>> -> memref<128x32xf32, #tpu.memory_space<vmem>>
    %dma_wait3A_2840 = arith.constant 0 : i32
    %dma_wait3A_2841 = arith.constant 0 : i32
    %dma_wait3A_2842 = tpu.memref_slice %arg5[%dma_wait3A_2830, %dma_wait3A_2840, %dma_wait3A_2841] : memref<2x8x128xi32, #tpu.memory_space<vmem>> -> memref<1x8x128xi32, #tpu.memory_space<vmem>>
    %dma_wait3A_2843 = tpu.memref_squeeze %dma_wait3A_2842 : memref<1x8x128xi32, #tpu.memory_space<vmem>> -> memref<8x128xi32, #tpu.memory_space<vmem>>
    %dma_wait3A_2844 = arith.constant 0 : i32
    %dma_wait3A_2845 = tpu.memref_slice %dma_wait3A_2843[%dma_wait3A_2831, %dma_wait3A_2844] : memref<8x128xi32, #tpu.memory_space<vmem>> -> memref<1x128xi32, #tpu.memory_space<vmem>>
    %dma_wait3A_2846 = tpu.memref_squeeze %dma_wait3A_2845 : memref<1x128xi32, #tpu.memory_space<vmem>> -> memref<128xi32, #tpu.memory_space<vmem>>
    %dma_wait3A_2847 = arith.constant 0 : i32
    %dma_wait3A_2848 = arith.constant 0 : i32
    %dma_wait3A_2849 = tpu.memref_slice %arg3[%dma_wait3A_2847, %dma_wait3A_2848] : memref<3200x32xf32, #tpu.memory_space<hbm>> -> memref<3200x32xf32, #tpu.memory_space<hbm>>
    tpu.wait_indirect_dma semaphore(%arg10 : memref<!tpu.dma_semaphore, #tpu.memory_space<semaphore_mem>>) src(%dma_wait3A_2849 : memref<3200x32xf32, #tpu.memory_space<hbm>>) dst(%dma_wait3A_2839 : memref<128x32xf32, #tpu.memory_space<vmem>>)
    %dma_wait3A_2850 = arith.constant 1 : i32
    %dma_wait3A_2851 = arith.constant 2 : i32
    %dma_wait3A_2852 = arith.constant 1 : i32
    %dma_wait3A_2853 = arith.constant 0 : i32
    %dma_wait3A_2854 = arith.constant 0 : i32
    %dma_wait3A_2855 = tpu.memref_slice %arg6[%dma_wait3A_2852, %dma_wait3A_2853, %dma_wait3A_2854] : memref<2x1024x32xf32, #tpu.memory_space<vmem>> -> memref<1x1024x32xf32, #tpu.memory_space<vmem>>
    %dma_wait3A_2856 = tpu.memref_squeeze %dma_wait3A_2855 : memref<1x1024x32xf32, #tpu.memory_space<vmem>> -> memref<1024x32xf32, #tpu.memory_space<vmem>>
    %dma_wait3A_2857 = arith.constant 256 : i32
    %dma_wait3A_2858 = arith.constant 0 : i32
    %dma_wait3A_2859 = tpu.memref_slice %dma_wait3A_2856[%dma_wait3A_2857, %dma_wait3A_2858] : memref<1024x32xf32, #tpu.memory_space<vmem>> -> memref<128x32xf32, #tpu.memory_space<vmem>>
    %dma_wait3A_2860 = arith.constant 0 : i32
    %dma_wait3A_2861 = arith.constant 0 : i32
    %dma_wait3A_2862 = tpu.memref_slice %arg5[%dma_wait3A_2850, %dma_wait3A_2860, %dma_wait3A_2861] : memref<2x8x128xi32, #tpu.memory_space<vmem>> -> memref<1x8x128xi32, #tpu.memory_space<vmem>>
    %dma_wait3A_2863 = tpu.memref_squeeze %dma_wait3A_2862 : memref<1x8x128xi32, #tpu.memory_space<vmem>> -> memref<8x128xi32, #tpu.memory_space<vmem>>
    %dma_wait3A_2864 = arith.constant 0 : i32
    %dma_wait3A_2865 = tpu.memref_slice %dma_wait3A_2863[%dma_wait3A_2851, %dma_wait3A_2864] : memref<8x128xi32, #tpu.memory_space<vmem>> -> memref<1x128xi32, #tpu.memory_space<vmem>>
    %dma_wait3A_2866 = tpu.memref_squeeze %dma_wait3A_2865 : memref<1x128xi32, #tpu.memory_space<vmem>> -> memref<128xi32, #tpu.memory_space<vmem>>
    %dma_wait3A_2867 = arith.constant 0 : i32
    %dma_wait3A_2868 = arith.constant 0 : i32
    %dma_wait3A_2869 = tpu.memref_slice %arg3[%dma_wait3A_2867, %dma_wait3A_2868] : memref<3200x32xf32, #tpu.memory_space<hbm>> -> memref<3200x32xf32, #tpu.memory_space<hbm>>
    tpu.wait_indirect_dma semaphore(%arg10 : memref<!tpu.dma_semaphore, #tpu.memory_space<semaphore_mem>>) src(%dma_wait3A_2869 : memref<3200x32xf32, #tpu.memory_space<hbm>>) dst(%dma_wait3A_2859 : memref<128x32xf32, #tpu.memory_space<vmem>>)
    %dma_wait3A_2870 = arith.constant 1 : i32
    %dma_wait3A_2871 = arith.constant 3 : i32
    %dma_wait3A_2872 = arith.constant 1 : i32
    %dma_wait3A_2873 = arith.constant 0 : i32
    %dma_wait3A_2874 = arith.constant 0 : i32
    %dma_wait3A_2875 = tpu.memref_slice %arg6[%dma_wait3A_2872, %dma_wait3A_2873, %dma_wait3A_2874] : memref<2x1024x32xf32, #tpu.memory_space<vmem>> -> memref<1x1024x32xf32, #tpu.memory_space<vmem>>
    %dma_wait3A_2876 = tpu.memref_squeeze %dma_wait3A_2875 : memref<1x1024x32xf32, #tpu.memory_space<vmem>> -> memref<1024x32xf32, #tpu.memory_space<vmem>>
    %dma_wait3A_2877 = arith.constant 384 : i32
    %dma_wait3A_2878 = arith.constant 0 : i32
    %dma_wait3A_2879 = tpu.memref_slice %dma_wait3A_2876[%dma_wait3A_2877, %dma_wait3A_2878] : memref<1024x32xf32, #tpu.memory_space<vmem>> -> memref<128x32xf32, #tpu.memory_space<vmem>>
    %dma_wait3A_2880 = arith.constant 0 : i32
    %dma_wait3A_2881 = arith.constant 0 : i32
    %dma_wait3A_2882 = tpu.memref_slice %arg5[%dma_wait3A_2870, %dma_wait3A_2880, %dma_wait3A_2881] : memref<2x8x128xi32, #tpu.memory_space<vmem>> -> memref<1x8x128xi32, #tpu.memory_space<vmem>>
    %dma_wait3A_2883 = tpu.memref_squeeze %dma_wait3A_2882 : memref<1x8x128xi32, #tpu.memory_space<vmem>> -> memref<8x128xi32, #tpu.memory_space<vmem>>
    %dma_wait3A_2884 = arith.constant 0 : i32
    %dma_wait3A_2885 = tpu.memref_slice %dma_wait3A_2883[%dma_wait3A_2871, %dma_wait3A_2884] : memref<8x128xi32, #tpu.memory_space<vmem>> -> memref<1x128xi32, #tpu.memory_space<vmem>>
    %dma_wait3A_2886 = tpu.memref_squeeze %dma_wait3A_2885 : memref<1x128xi32, #tpu.memory_space<vmem>> -> memref<128xi32, #tpu.memory_space<vmem>>
    %dma_wait3A_2887 = arith.constant 0 : i32
    %dma_wait3A_2888 = arith.constant 0 : i32
    %dma_wait3A_2889 = tpu.memref_slice %arg3[%dma_wait3A_2887, %dma_wait3A_2888] : memref<3200x32xf32, #tpu.memory_space<hbm>> -> memref<3200x32xf32, #tpu.memory_space<hbm>>
    tpu.wait_indirect_dma semaphore(%arg10 : memref<!tpu.dma_semaphore, #tpu.memory_space<semaphore_mem>>) src(%dma_wait3A_2889 : memref<3200x32xf32, #tpu.memory_space<hbm>>) dst(%dma_wait3A_2879 : memref<128x32xf32, #tpu.memory_space<vmem>>)
    %dma_wait3A_2890 = arith.constant 1 : i32
    %dma_wait3A_2891 = arith.constant 4 : i32
    %dma_wait3A_2892 = arith.constant 1 : i32
    %dma_wait3A_2893 = arith.constant 0 : i32
    %dma_wait3A_2894 = arith.constant 0 : i32
    %dma_wait3A_2895 = tpu.memref_slice %arg6[%dma_wait3A_2892, %dma_wait3A_2893, %dma_wait3A_2894] : memref<2x1024x32xf32, #tpu.memory_space<vmem>> -> memref<1x1024x32xf32, #tpu.memory_space<vmem>>
    %dma_wait3A_2896 = tpu.memref_squeeze %dma_wait3A_2895 : memref<1x1024x32xf32, #tpu.memory_space<vmem>> -> memref<1024x32xf32, #tpu.memory_space<vmem>>
    %dma_wait3A_2897 = arith.constant 512 : i32
    %dma_wait3A_2898 = arith.constant 0 : i32
    %dma_wait3A_2899 = tpu.memref_slice %dma_wait3A_2896[%dma_wait3A_2897, %dma_wait3A_2898] : memref<1024x32xf32, #tpu.memory_space<vmem>> -> memref<128x32xf32, #tpu.memory_space<vmem>>
    %dma_wait3A_2900 = arith.constant 0 : i32
    %dma_wait3A_2901 = arith.constant 0 : i32
    %dma_wait3A_2902 = tpu.memref_slice %arg5[%dma_wait3A_2890, %dma_wait3A_2900, %dma_wait3A_2901] : memref<2x8x128xi32, #tpu.memory_space<vmem>> -> memref<1x8x128xi32, #tpu.memory_space<vmem>>
    %dma_wait3A_2903 = tpu.memref_squeeze %dma_wait3A_2902 : memref<1x8x128xi32, #tpu.memory_space<vmem>> -> memref<8x128xi32, #tpu.memory_space<vmem>>
    %dma_wait3A_2904 = arith.constant 0 : i32
    %dma_wait3A_2905 = tpu.memref_slice %dma_wait3A_2903[%dma_wait3A_2891, %dma_wait3A_2904] : memref<8x128xi32, #tpu.memory_space<vmem>> -> memref<1x128xi32, #tpu.memory_space<vmem>>
    %dma_wait3A_2906 = tpu.memref_squeeze %dma_wait3A_2905 : memref<1x128xi32, #tpu.memory_space<vmem>> -> memref<128xi32, #tpu.memory_space<vmem>>
    %dma_wait3A_2907 = arith.constant 0 : i32
    %dma_wait3A_2908 = arith.constant 0 : i32
    %dma_wait3A_2909 = tpu.memref_slice %arg3[%dma_wait3A_2907, %dma_wait3A_2908] : memref<3200x32xf32, #tpu.memory_space<hbm>> -> memref<3200x32xf32, #tpu.memory_space<hbm>>
    tpu.wait_indirect_dma semaphore(%arg10 : memref<!tpu.dma_semaphore, #tpu.memory_space<semaphore_mem>>) src(%dma_wait3A_2909 : memref<3200x32xf32, #tpu.memory_space<hbm>>) dst(%dma_wait3A_2899 : memref<128x32xf32, #tpu.memory_space<vmem>>)
    %dma_wait3A_2910 = arith.constant 1 : i32
    %dma_wait3A_2911 = arith.constant 5 : i32
    %dma_wait3A_2912 = arith.constant 1 : i32
    %dma_wait3A_2913 = arith.constant 0 : i32
    %dma_wait3A_2914 = arith.constant 0 : i32
    %dma_wait3A_2915 = tpu.memref_slice %arg6[%dma_wait3A_2912, %dma_wait3A_2913, %dma_wait3A_2914] : memref<2x1024x32xf32, #tpu.memory_space<vmem>> -> memref<1x1024x32xf32, #tpu.memory_space<vmem>>
    %dma_wait3A_2916 = tpu.memref_squeeze %dma_wait3A_2915 : memref<1x1024x32xf32, #tpu.memory_space<vmem>> -> memref<1024x32xf32, #tpu.memory_space<vmem>>
    %dma_wait3A_2917 = arith.constant 640 : i32
    %dma_wait3A_2918 = arith.constant 0 : i32
    %dma_wait3A_2919 = tpu.memref_slice %dma_wait3A_2916[%dma_wait3A_2917, %dma_wait3A_2918] : memref<1024x32xf32, #tpu.memory_space<vmem>> -> memref<128x32xf32, #tpu.memory_space<vmem>>
    %dma_wait3A_2920 = arith.constant 0 : i32
    %dma_wait3A_2921 = arith.constant 0 : i32
    %dma_wait3A_2922 = tpu.memref_slice %arg5[%dma_wait3A_2910, %dma_wait3A_2920, %dma_wait3A_2921] : memref<2x8x128xi32, #tpu.memory_space<vmem>> -> memref<1x8x128xi32, #tpu.memory_space<vmem>>
    %dma_wait3A_2923 = tpu.memref_squeeze %dma_wait3A_2922 : memref<1x8x128xi32, #tpu.memory_space<vmem>> -> memref<8x128xi32, #tpu.memory_space<vmem>>
    %dma_wait3A_2924 = arith.constant 0 : i32
    %dma_wait3A_2925 = tpu.memref_slice %dma_wait3A_2923[%dma_wait3A_2911, %dma_wait3A_2924] : memref<8x128xi32, #tpu.memory_space<vmem>> -> memref<1x128xi32, #tpu.memory_space<vmem>>
    %dma_wait3A_2926 = tpu.memref_squeeze %dma_wait3A_2925 : memref<1x128xi32, #tpu.memory_space<vmem>> -> memref<128xi32, #tpu.memory_space<vmem>>
    %dma_wait3A_2927 = arith.constant 0 : i32
    %dma_wait3A_2928 = arith.constant 0 : i32
    %dma_wait3A_2929 = tpu.memref_slice %arg3[%dma_wait3A_2927, %dma_wait3A_2928] : memref<3200x32xf32, #tpu.memory_space<hbm>> -> memref<3200x32xf32, #tpu.memory_space<hbm>>
    tpu.wait_indirect_dma semaphore(%arg10 : memref<!tpu.dma_semaphore, #tpu.memory_space<semaphore_mem>>) src(%dma_wait3A_2929 : memref<3200x32xf32, #tpu.memory_space<hbm>>) dst(%dma_wait3A_2919 : memref<128x32xf32, #tpu.memory_space<vmem>>)
    %dma_wait3A_2930 = arith.constant 1 : i32
    %dma_wait3A_2931 = arith.constant 6 : i32
    %dma_wait3A_2932 = arith.constant 1 : i32
    %dma_wait3A_2933 = arith.constant 0 : i32
    %dma_wait3A_2934 = arith.constant 0 : i32
    %dma_wait3A_2935 = tpu.memref_slice %arg6[%dma_wait3A_2932, %dma_wait3A_2933, %dma_wait3A_2934] : memref<2x1024x32xf32, #tpu.memory_space<vmem>> -> memref<1x1024x32xf32, #tpu.memory_space<vmem>>
    %dma_wait3A_2936 = tpu.memref_squeeze %dma_wait3A_2935 : memref<1x1024x32xf32, #tpu.memory_space<vmem>> -> memref<1024x32xf32, #tpu.memory_space<vmem>>
    %dma_wait3A_2937 = arith.constant 768 : i32
    %dma_wait3A_2938 = arith.constant 0 : i32
    %dma_wait3A_2939 = tpu.memref_slice %dma_wait3A_2936[%dma_wait3A_2937, %dma_wait3A_2938] : memref<1024x32xf32, #tpu.memory_space<vmem>> -> memref<128x32xf32, #tpu.memory_space<vmem>>
    %dma_wait3A_2940 = arith.constant 0 : i32
    %dma_wait3A_2941 = arith.constant 0 : i32
    %dma_wait3A_2942 = tpu.memref_slice %arg5[%dma_wait3A_2930, %dma_wait3A_2940, %dma_wait3A_2941] : memref<2x8x128xi32, #tpu.memory_space<vmem>> -> memref<1x8x128xi32, #tpu.memory_space<vmem>>
    %dma_wait3A_2943 = tpu.memref_squeeze %dma_wait3A_2942 : memref<1x8x128xi32, #tpu.memory_space<vmem>> -> memref<8x128xi32, #tpu.memory_space<vmem>>
    %dma_wait3A_2944 = arith.constant 0 : i32
    %dma_wait3A_2945 = tpu.memref_slice %dma_wait3A_2943[%dma_wait3A_2931, %dma_wait3A_2944] : memref<8x128xi32, #tpu.memory_space<vmem>> -> memref<1x128xi32, #tpu.memory_space<vmem>>
    %dma_wait3A_2946 = tpu.memref_squeeze %dma_wait3A_2945 : memref<1x128xi32, #tpu.memory_space<vmem>> -> memref<128xi32, #tpu.memory_space<vmem>>
    %dma_wait3A_2947 = arith.constant 0 : i32
    %dma_wait3A_2948 = arith.constant 0 : i32
    %dma_wait3A_2949 = tpu.memref_slice %arg3[%dma_wait3A_2947, %dma_wait3A_2948] : memref<3200x32xf32, #tpu.memory_space<hbm>> -> memref<3200x32xf32, #tpu.memory_space<hbm>>
    tpu.wait_indirect_dma semaphore(%arg10 : memref<!tpu.dma_semaphore, #tpu.memory_space<semaphore_mem>>) src(%dma_wait3A_2949 : memref<3200x32xf32, #tpu.memory_space<hbm>>) dst(%dma_wait3A_2939 : memref<128x32xf32, #tpu.memory_space<vmem>>)
    %dma_wait3A_2950 = arith.constant 1 : i32
    %dma_wait3A_2951 = arith.constant 7 : i32
    %dma_wait3A_2952 = arith.constant 1 : i32
    %dma_wait3A_2953 = arith.constant 0 : i32
    %dma_wait3A_2954 = arith.constant 0 : i32
    %dma_wait3A_2955 = tpu.memref_slice %arg6[%dma_wait3A_2952, %dma_wait3A_2953, %dma_wait3A_2954] : memref<2x1024x32xf32, #tpu.memory_space<vmem>> -> memref<1x1024x32xf32, #tpu.memory_space<vmem>>
    %dma_wait3A_2956 = tpu.memref_squeeze %dma_wait3A_2955 : memref<1x1024x32xf32, #tpu.memory_space<vmem>> -> memref<1024x32xf32, #tpu.memory_space<vmem>>
    %dma_wait3A_2957 = arith.constant 896 : i32
    %dma_wait3A_2958 = arith.constant 0 : i32
    %dma_wait3A_2959 = tpu.memref_slice %dma_wait3A_2956[%dma_wait3A_2957, %dma_wait3A_2958] : memref<1024x32xf32, #tpu.memory_space<vmem>> -> memref<128x32xf32, #tpu.memory_space<vmem>>
    %dma_wait3A_2960 = arith.constant 0 : i32
    %dma_wait3A_2961 = arith.constant 0 : i32
    %dma_wait3A_2962 = tpu.memref_slice %arg5[%dma_wait3A_2950, %dma_wait3A_2960, %dma_wait3A_2961] : memref<2x8x128xi32, #tpu.memory_space<vmem>> -> memref<1x8x128xi32, #tpu.memory_space<vmem>>
    %dma_wait3A_2963 = tpu.memref_squeeze %dma_wait3A_2962 : memref<1x8x128xi32, #tpu.memory_space<vmem>> -> memref<8x128xi32, #tpu.memory_space<vmem>>
    %dma_wait3A_2964 = arith.constant 0 : i32
    %dma_wait3A_2965 = tpu.memref_slice %dma_wait3A_2963[%dma_wait3A_2951, %dma_wait3A_2964] : memref<8x128xi32, #tpu.memory_space<vmem>> -> memref<1x128xi32, #tpu.memory_space<vmem>>
    %dma_wait3A_2966 = tpu.memref_squeeze %dma_wait3A_2965 : memref<1x128xi32, #tpu.memory_space<vmem>> -> memref<128xi32, #tpu.memory_space<vmem>>
    %dma_wait3A_2967 = arith.constant 0 : i32
    %dma_wait3A_2968 = arith.constant 0 : i32
    %dma_wait3A_2969 = tpu.memref_slice %arg3[%dma_wait3A_2967, %dma_wait3A_2968] : memref<3200x32xf32, #tpu.memory_space<hbm>> -> memref<3200x32xf32, #tpu.memory_space<hbm>>
    tpu.wait_indirect_dma semaphore(%arg10 : memref<!tpu.dma_semaphore, #tpu.memory_space<semaphore_mem>>) src(%dma_wait3A_2969 : memref<3200x32xf32, #tpu.memory_space<hbm>>) dst(%dma_wait3A_2959 : memref<128x32xf32, #tpu.memory_space<vmem>>)
    %add3A_2970 = arith.constant 7168 : i32
    %add3A_2971 = arith.addi %mul3A_4, %add3A_2970 : i32
    %dma_start3A_2972 = arith.constant 1 : i32
    %dma_start3A_2973 = arith.constant 0 : i32
    %dma_start3A_2974 = arith.constant 0 : i32
    %dma_start3A_2975 = tpu.memref_slice %arg6[%dma_start3A_2972, %dma_start3A_2973, %dma_start3A_2974] : memref<2x1024x32xf32, #tpu.memory_space<vmem>> -> memref<1x1024x32xf32, #tpu.memory_space<vmem>>
    %dma_start3A_2976 = tpu.memref_squeeze %dma_start3A_2975 : memref<1x1024x32xf32, #tpu.memory_space<vmem>> -> memref<1024x32xf32, #tpu.memory_space<vmem>>
    %dma_start3A_2977 = arith.constant 0 : i32
    %dma_start3A_2978 = tpu.memref_slice %arg4[%add3A_2971, %dma_start3A_2977] : memref<262144x32xf32, #tpu.memory_space<hbm>> -> memref<1024x32xf32, #tpu.memory_space<hbm>>
    %dma_start3A_2979 = arith.constant 0 : i32
    %dma_start3A_2980 = tpu.memref_slice %arg4[%add3A_2971, %dma_start3A_2979] : memref<262144x32xf32, #tpu.memory_space<hbm>> -> memref<1024x32xf32, #tpu.memory_space<hbm>>
    %dma_start3A_2981 = arith.constant 0 : i32
    %dma_start3A_2982 = arith.constant 0 : i32
    %dma_start3A_2983 = tpu.memref_slice %arg6[%dma_start3A_2972, %dma_start3A_2981, %dma_start3A_2982] : memref<2x1024x32xf32, #tpu.memory_space<vmem>> -> memref<1x1024x32xf32, #tpu.memory_space<vmem>>
    %dma_start3A_2984 = tpu.memref_squeeze %dma_start3A_2983 : memref<1x1024x32xf32, #tpu.memory_space<vmem>> -> memref<1024x32xf32, #tpu.memory_space<vmem>>
    tpu.enqueue_dma source(%dma_start3A_2984 : memref<1024x32xf32, #tpu.memory_space<vmem>>) target(%dma_start3A_2980 : memref<1024x32xf32, #tpu.memory_space<hbm>>) target_semaphore(%arg12 : memref<!tpu.dma_semaphore, #tpu.memory_space<semaphore_mem>>)
    %dma_wait3A_2985 = arith.constant 0 : i32
    %dma_wait3A_2986 = arith.constant 0 : i32
    %dma_wait3A_2987 = arith.constant 0 : i32
    %dma_wait3A_2988 = tpu.memref_slice %arg6[%dma_wait3A_2985, %dma_wait3A_2986, %dma_wait3A_2987] : memref<2x1024x32xf32, #tpu.memory_space<vmem>> -> memref<1x1024x32xf32, #tpu.memory_space<vmem>>
    %dma_wait3A_2989 = tpu.memref_squeeze %dma_wait3A_2988 : memref<1x1024x32xf32, #tpu.memory_space<vmem>> -> memref<1024x32xf32, #tpu.memory_space<vmem>>
    %dma_wait3A_2990 = arith.constant 0 : i32
    %dma_wait3A_2991 = tpu.memref_slice %arg4[%add3A_2610, %dma_wait3A_2990] : memref<262144x32xf32, #tpu.memory_space<hbm>> -> memref<1024x32xf32, #tpu.memory_space<hbm>>
    %dma_wait3A_2992 = arith.constant 0 : i32
    %dma_wait3A_2993 = tpu.memref_slice %arg4[%add3A_2610, %dma_wait3A_2992] : memref<262144x32xf32, #tpu.memory_space<hbm>> -> memref<1024x32xf32, #tpu.memory_space<hbm>>
    %dma_wait3A_2994 = arith.constant 0 : i32
    %dma_wait3A_2995 = arith.constant 0 : i32
    %dma_wait3A_2996 = tpu.memref_slice %arg6[%dma_wait3A_2985, %dma_wait3A_2994, %dma_wait3A_2995] : memref<2x1024x32xf32, #tpu.memory_space<vmem>> -> memref<1x1024x32xf32, #tpu.memory_space<vmem>>
    %dma_wait3A_2997 = tpu.memref_squeeze %dma_wait3A_2996 : memref<1x1024x32xf32, #tpu.memory_space<vmem>> -> memref<1024x32xf32, #tpu.memory_space<vmem>>
    tpu.wait_dma2 semaphore(%arg11 : memref<!tpu.dma_semaphore, #tpu.memory_space<semaphore_mem>>) src(%dma_wait3A_2997 : memref<1024x32xf32, #tpu.memory_space<vmem>>) dst(%dma_wait3A_2993 : memref<1024x32xf32, #tpu.memory_space<hbm>>)
    %dma_wait3A_2998 = arith.constant 1 : i32
    %dma_wait3A_2999 = arith.constant 0 : i32
    %dma_wait3A_3000 = arith.constant 0 : i32
    %dma_wait3A_3001 = tpu.memref_slice %arg6[%dma_wait3A_2998, %dma_wait3A_2999, %dma_wait3A_3000] : memref<2x1024x32xf32, #tpu.memory_space<vmem>> -> memref<1x1024x32xf32, #tpu.memory_space<vmem>>
    %dma_wait3A_3002 = tpu.memref_squeeze %dma_wait3A_3001 : memref<1x1024x32xf32, #tpu.memory_space<vmem>> -> memref<1024x32xf32, #tpu.memory_space<vmem>>
    %dma_wait3A_3003 = arith.constant 0 : i32
    %dma_wait3A_3004 = tpu.memref_slice %arg4[%add3A_2971, %dma_wait3A_3003] : memref<262144x32xf32, #tpu.memory_space<hbm>> -> memref<1024x32xf32, #tpu.memory_space<hbm>>
    %dma_wait3A_3005 = arith.constant 0 : i32
    %dma_wait3A_3006 = tpu.memref_slice %arg4[%add3A_2971, %dma_wait3A_3005] : memref<262144x32xf32, #tpu.memory_space<hbm>> -> memref<1024x32xf32, #tpu.memory_space<hbm>>
    %dma_wait3A_3007 = arith.constant 0 : i32
    %dma_wait3A_3008 = arith.constant 0 : i32
    %dma_wait3A_3009 = tpu.memref_slice %arg6[%dma_wait3A_2998, %dma_wait3A_3007, %dma_wait3A_3008] : memref<2x1024x32xf32, #tpu.memory_space<vmem>> -> memref<1x1024x32xf32, #tpu.memory_space<vmem>>
    %dma_wait3A_3010 = tpu.memref_squeeze %dma_wait3A_3009 : memref<1x1024x32xf32, #tpu.memory_space<vmem>> -> memref<1024x32xf32, #tpu.memory_space<vmem>>
    tpu.wait_dma2 semaphore(%arg12 : memref<!tpu.dma_semaphore, #tpu.memory_space<semaphore_mem>>) src(%dma_wait3A_3010 : memref<1024x32xf32, #tpu.memory_space<vmem>>) dst(%dma_wait3A_3006 : memref<1024x32xf32, #tpu.memory_space<hbm>>)
    return
  }
}

module attributes {stable_mosaic.version = 14 : i64} {
  func.func @_idx_body(%arg0: i32, %arg1: memref<32768x32xf32, #tpu.memory_space<vmem>>, %arg2: memref<1x1x32768xi32, #tpu.memory_space<vmem>>, %arg3: memref<1x1x32768xi32, #tpu.memory_space<vmem>>) attributes {dimension_semantics = [#tpu.dimension_semantics<arbitrary>], iteration_bounds = array<i64: 8>, scalar_prefetch = 0 : i64, scratch_operands = 0 : i64, tpu.core_type = #tpu.core_type<tc>, window_params = [{transform_indices = @transform_0, window_bounds = array<i64: 32768, 32>}, {transform_indices = @transform_1, window_bounds = array<i64: 1, 1, 32768>}, {transform_indices = @transform_2, window_bounds = array<i64: 1, 1, 32768>}]} {
    %iota3A = tpu.iota {dimensions = array<i32: 1>} : vector<1x32xi32>
    %convert_element_type3A = arith.sitofp %iota3A : vector<1x32xi32> to vector<1x32xf32>
    %get3A = arith.constant 0 : index
    %get3A_0 = arith.constant 0 : index
    %get3A_1 = vector.load %arg1[%get3A, %get3A_0] : memref<32768x32xf32, #tpu.memory_space<vmem>>, vector<32768x32xf32>
    %dot_general3A = arith.constant dense<0.000000e+00> : vector<1x32768xf32>
    %dot_general3A_2 = tpu.matmul %convert_element_type3A, %get3A_1, %dot_general3A {dimension_numbers = #tpu.dot_dimension_numbers<[1], [1], [0], [0], [0, 0, 1, 0], [], []>, transpose_lhs_hint = false} : vector<1x32xf32>, vector<32768x32xf32>, vector<1x32768xf32> -> vector<1x32768xf32>
    %get3A_3 = arith.constant 0 : index
    %get3A_4 = arith.constant 0 : index
    %get3A_5 = arith.constant 0 : index
    %get3A_6 = vector.load %arg2[%get3A_3, %get3A_4, %get3A_5] : memref<1x1x32768xi32, #tpu.memory_space<vmem>>, vector<1x1x32768xi32>
    %mul3A = arith.constant 32 : i32
    %mul3A_7 = vector.broadcast %mul3A : i32 to vector<1x1x32768xi32>
    %mul3A_8 = arith.muli %get3A_6, %mul3A_7 : vector<1x1x32768xi32>
    %add3A = arith.constant 5.000000e-01 : f32
    %add3A_9 = vector.broadcast %add3A : f32 to vector<1x32768xf32>
    %add3A_10 = arith.addf %dot_general3A_2, %add3A_9 : vector<1x32768xf32>
    %convert_element_type3A_11 = arith.fptosi %add3A_10 : vector<1x32768xf32> to vector<1x32768xi32>
    %reshape3A = vector.shape_cast %convert_element_type3A_11 : vector<1x32768xi32> to vector<1x1x32768xi32>
    %add3A_12 = arith.addi %mul3A_8, %reshape3A : vector<1x1x32768xi32>
    %swap3A = arith.constant 0 : index
    %swap3A_13 = arith.constant 0 : index
    %swap3A_14 = arith.constant 0 : index
    %swap3A_15 = vector.load %arg3[%swap3A, %swap3A_13, %swap3A_14] : memref<1x1x32768xi32, #tpu.memory_space<vmem>>, vector<1x1x32768xi32>
    tpu.vector_store %arg3[%swap3A, %swap3A_13, %swap3A_14], %add3A_12 {strides = array<i32>} : memref<1x1x32768xi32, #tpu.memory_space<vmem>>, vector<1x1x32768xi32>,
    return
  }
  func.func @transform_0(%arg0: i32) -> (i32, i32) {
    %c0_i32 = arith.constant 0 : i32
    %c0_i32_0 = arith.constant 0 : i32
    return %arg0, %c0_i32 : i32, i32
  }
  func.func @transform_1(%arg0: i32) -> (i32, i32, i32) {
    %c0_i32 = arith.constant 0 : i32
    %c0_i32_0 = arith.constant 0 : i32
    %c0_i32_1 = arith.constant 0 : i32
    return %arg0, %c0_i32, %c0_i32_0 : i32, i32, i32
  }
  func.func @transform_2(%arg0: i32) -> (i32, i32, i32) {
    %c0_i32 = arith.constant 0 : i32
    %c0_i32_0 = arith.constant 0 : i32
    %c0_i32_1 = arith.constant 0 : i32
    return %arg0, %c0_i32, %c0_i32_0 : i32, i32, i32
  }
}

</mosaic_0001>

<sc_bundles>
// kernel: kernel.4.cloned.1.call-start
scs
__scs_entry_jumppad:
0x0: {  	(pc) =	sbr.rel $0x88, $3  }
0x1: {  	(tag) =	ssettag $0x0;
	lr =	simm.s32 $0x1  }
0x2: {  	[smem:$0x3F9E] =	sst lr;
	_ =	strace $0xD0000000  }
0x3: {  	_ = 	snop  }
0x4: {  	_ = 	snop  }
0x5: {  	_ = 	snop  }
0x6: {  	_ = 	snop  }
0x7: {  	_ = 	snop  }
__scs_overlays_trampoline_lowered:
0x8: {  	[smem:$0x3FAD] =	sst s0  }
0x9: {  	[smem:$0x3FAE] =	sst s1  }
0xa: {  	[smem:$0x3FAF] =	sst s2  }
0xb: {  	[smem:$0x3FB0] =	sst s3  }
0xc: {  	[smem:$0x3FB1] =	sst s4  }
0xd: {  	[smem:$0x3FB2] =	sst s5  }
0xe: {  	[smem:$0x3FB3] =	sst s6  }
0xf: {  	[smem:$0x3FB4] =	sst s7  }
0x10: {  	[smem:$0x3FB5] =	sst s8  }
0x11: {  	[smem:$0x3FB6] =	sst s9;
	s0 =	simm.s32 @!p0 $0x0  }
0x12: {  	s1 =	sld [smem:$0x3F9C];
	s0 =	simm.s32 @p0 $0x1  }
0x13: {  	[smem:$0x3FB7] =	sst s0;
	s0 =	simm.s32 @!p1 $0x0  }
0x14: {  	s2 =	sld [smem:$0x3F9B];
	s0 =	simm.s32 @p1 $0x1  }
0x15: {  	[smem:$0x3FB8] =	sst s0;
	s0 =	simm.s32 @!p2 $0x0  }
0x16: {  	s3 =	sld [smem:$0x3FDB];
	s0 =	simm.s32 @p2 $0x1  }
0x17: {  	s4 =	simm.s32 $0x1BF5;
	[smem:$0x3FBA] =	sst s0  }
0x18: {  	s0 =	sld [smem:$0x3F9D];
	_ =	swait.ge [sflag:s4], $0x0  }
0x19: {  	s7 =	sld [smem:$0x3F9E]  }
0x1a: {  	s8 =	sadd.s32 $0xFFFFE003, lr  }
0x1b: {  	s9 =	sadd.s32 $0xFFFFFEF7, lr;
	s5 =	simm.s32 $0xFFFFFFFF;
	p2 =	slt.u32 s8, $0xFFFFF086  }
0x1c: {  	p1 =	slt.u32 s9, $0xF7A;
	s5 =	simm.s32 @!p2 $0x0  }
0x1d: {  	s5 =	simm.s32 @p1 $0x1;
	p0 =	seq.s32 s7, s2  }
0x1e: {  	s7 =	smul.u32 @!p0 $0xF7A, s2;
	p2 =	seq.s32 @!p0 s5, $0x0  }
0x1f: {  	s9 =	smul.u32 $0xF7A, s1;
	s8 =	simm.s32 @!p0 $0x1BF5;
	p2 =	por !p2, p0  }
0x20: {  	[sflag:s8] =	ssyncset.s32 @!p0 $0xFFFFF086;
	s6 =	sadd.s32 @!p0 s3, s7;
	s7 =	simm.s32 @!p0 $0x108  }
0x21: {  	s3 =	sadd.s32 s3, s9;
	s6 =	sadd.s32 @!p0 $0x88, s6;
	s7 =	simm.s32 @p2 $0x1082  }
0x22: {  	[simem:s7], [sflag:s8] =	dma.local @!p0 [hbm:s6], $0xF7A  }
0x23: {  	s9 =	sor.u32 $0xD0000000, s2;
	s6 =	simm.s32 $0x108;
	_ =	swait.ge @!p0 [sflag:s8], $0x0  }
0x24: {  	s3 =	sadd.s32 $0x88, s3;
	s6 =	simm.s32 @!p1 $0x1082;
	[sflag:s4] =	ssyncset.s32 $0xFFFFF086  }
0x25: {  	[simem:s6], [sflag:s4] =	dma.local [hbm:s3], $0xF7A  }
0x26: {  	[smem:$0x3F9E] =	sst s1;
	(tag) =	ssettag s2;
	_ =	strace s9  }
0x27: {  	s1 =	sld [smem:$0x3FAE]  }
0x28: {  	s2 =	sld [smem:$0x3FAF]  }
0x29: {  	s4 =	sld [smem:$0x3FB1]  }
0x2a: {  	p0 =	seq.s32 s5, $0x0;
	s5 =	sld [smem:$0x3FB2]  }
0x2b: {  	s6 =	sld [smem:$0x3FB3]  }
0x2c: {  	s7 =	sld [smem:$0x3FB4]  }
0x2d: {  	s3 =	simm.s32 $0x108;
	s8 =	sld [smem:$0x3FB5]  }
0x2e: {  	s3 =	simm.s32 @!p0 $0x1082;
	s9 =	sld [smem:$0x3FB6]  }
0x2f: {  	lr =	sadd.s32 s0, s3;
	s0 =	sld [smem:$0x3FAD]  }
0x30: {  	s3 =	sld [smem:$0x3FB0]  }
0x31: {  	[smem:$0x3FB9] =	sst s10  }
0x32: {  	s10 =	sld [smem:$0x3FB7];
	_ =	sdelay $0x3  }
0x33: {  	p0 =	seq.s32 s10, $0x1;
	s10 =	sld [smem:$0x3FB9];
	_ =	sdelay $0x3  }
0x34: {  	[smem:$0x3FB9] =	sst s10  }
0x35: {  	s10 =	sld [smem:$0x3FB8];
	_ =	sdelay $0x3  }
0x36: {  	p1 =	seq.s32 s10, $0x1;
	s10 =	sld [smem:$0x3FB9];
	_ =	sdelay $0x3  }
0x37: {  	[smem:$0x3FB9] =	sst s10  }
0x38: {  	s10 =	sld [smem:$0x3FBA]  }
0x39: {  	_ = 	snop;
	(pc) =	sbr.ind lr, $3  }
0x3a: {  	_ = 	snop  }
0x3b: {  	_ = 	snop  }
0x3c: {  	p2 =	seq.s32 s10, $0x1;
	s10 =	sld [smem:$0x3FB9]  }
0x3d: {  	_ =	shalt  }
0x3e: {  	_ =	shalt  }
0x3f: {  	_ =	shalt  }
0x40: {  	_ =	shalt  }
0x41: {  	_ =	shalt  }
0x42: {  	_ =	shalt  }
0x43: {  	_ =	shalt  }
0x44: {  	_ =	shalt  }
0x45: {  	_ =	shalt  }
0x46: {  	_ =	shalt  }
0x47: {  	_ =	shalt  }
0x48: {  	_ =	shalt  }
0x49: {  	_ =	shalt  }
0x4a: {  	_ =	shalt  }
0x4b: {  	_ =	shalt  }
0x4c: {  	_ =	shalt  }
0x4d: {  	_ =	shalt  }
0x4e: {  	_ =	shalt  }
0x4f: {  	_ =	shalt  }
0x50: {  	_ =	shalt  }
0x51: {  	_ =	shalt  }
0x52: {  	_ =	shalt  }
0x53: {  	_ =	shalt  }
0x54: {  	_ =	shalt  }
0x55: {  	_ =	shalt  }
0x56: {  	_ =	shalt  }
0x57: {  	_ =	shalt  }
0x58: {  	_ =	shalt  }
0x59: {  	_ =	shalt  }
0x5a: {  	_ =	shalt  }
0x5b: {  	_ =	shalt  }
0x5c: {  	_ =	shalt  }
0x5d: {  	_ =	shalt  }
0x5e: {  	_ =	shalt  }
0x5f: {  	_ =	shalt  }
0x60: {  	_ =	shalt  }
0x61: {  	_ =	shalt  }
0x62: {  	_ =	shalt  }
0x63: {  	_ =	shalt  }
0x64: {  	_ =	shalt  }
0x65: {  	_ =	shalt  }
0x66: {  	_ =	shalt  }
0x67: {  	_ =	shalt  }
0x68: {  	_ =	shalt  }
0x69: {  	_ =	shalt  }
0x6a: {  	_ =	shalt  }
0x6b: {  	_ =	shalt  }
0x6c: {  	_ =	shalt  }
0x6d: {  	_ =	shalt  }
0x6e: {  	_ =	shalt  }
0x6f: {  	_ =	shalt  }
0x70: {  	_ =	shalt  }
0x71: {  	_ =	shalt  }
0x72: {  	_ =	shalt  }
0x73: {  	_ =	shalt  }
0x74: {  	_ =	shalt  }
0x75: {  	_ =	shalt  }
0x76: {  	_ =	shalt  }
0x77: {  	_ =	shalt  }
0x78: {  	_ =	shalt  }
0x79: {  	_ =	shalt  }
0x7a: {  	_ =	shalt  }
0x7b: {  	_ =	shalt  }
0x7c: {  	_ =	shalt  }
0x7d: {  	_ =	shalt  }
0x7e: {  	_ =	shalt  }
0x7f: {  	_ =	shalt  }
0x80: {  	_ =	shalt  }
0x81: {  	_ =	shalt  }
0x82: {  	_ =	shalt  }
0x83: {  	_ =	shalt  }
0x84: {  	_ =	shalt  }
0x85: {  	_ =	shalt  }
0x86: {  	_ =	shalt  }
0x87: {  	_ =	shalt  }
.Lfunc_end0:
.L_simem_size_0:
called_computation.1_lowered:
.L_overlay_start_0:
0x88: {  	s2 =	sld [smem:$0x3FD9]  }
0x89: {  	s3 =	sld [smem:$0x3FFE];
	_ =	sdelay $0x1  }
0x8a: {  	s1 =	srdreg.scid  }
0x8b: {  	s0 =	sand.u32 $0x1, s1  }
0x8c: {  	s17 =	sshll.u32 s0, $0xA;
	s2 =	sadd.s32 s3, s2  }
0x8d: {  	s2 =	sadd.s32 s2, s17  }
0x8e: {  	[smem:$0x3FC5] =	sst s2  }
0x8f: {  	_ = 	snop  }
0x90: {  	s2 =	sld [smem:$0x3FD0];
	(tm) =	ssettm $0x1  }
0x91: {  	s18 =	sld [smem:$0x3FFB];
	_ =	sdelay $0x3  }
0x92: {  	_ =	strace s18  }
0x93: {  	s3 =	sld [smem:$0x3FFC];
	_ =	sdelay $0x3  }
0x94: {  	_ =	strace s3  }
0x95: {  	s3 =	sld [smem:$0x3FFD];
	_ =	sdelay $0x3  }
0x96: {  	_ =	strace s3  }
0x97: {  	_ =	strace $0x8FFFFFFF  }
0x98: {  	s19 =	sld [smem:$0x3FDB];
	_ =	sdelay $0x1  }
0x99: {  	s4 =	simm.s32 $_scs_section_size  }
0x9a: {  	s5 =	simm.s32 $_size__tile_overlayer_lowered;
	s6 =	simm.s32 $_tile_overlayer_lowered  }
0x9b: {  	s22 =	simm.s32 $0x1BFF;
	s21 =	sshll.u32 s6, $0x1;
	s3 =	sadd.s32 s4, s19  }
0x9c: {  	s7 =	simm.s32 $0x0;
	s20 =	sshll.u32 s5, $0x1;
	s5 =	sadd.s32 s21, s3  }
0x9d: {  	[timem:s7], [sflag:s22] =	dma.local [hbm:s5], s20  }
0x9e: {  	_ =	swait.ge [sflag:s22], s20  }
0x9f: {  	s4 =	ssub.s32 $0x0, s20;
	[sflag:s22] =	ssyncset.done $0x0  }
0xa0: {  	[sflag:s22] =	ssyncadd.s32 s4;
	_ =	sdelay $0x1  }
0xa1: {  	s23 =	simm.s32 $0x1B8B  }
0xa2: {  	_ =	swait.ge [sflag:s23], $0x1  }
0xa3: {  	[sflag:s23] =	ssyncset.done $0x0  }
0xa4: {  	s25 =	simm.s32 $0x1B8E;
	s24 =	sld [smem:$0x3FFE];
	[sflag:s23] =	ssyncadd.s32 $0xFFFFFFFF  }
0xa5: {  	s26 =	simm.s32 $execute0_lowered;
	[smem:$0x3FD2] =	sst s25  }
0xa6: {  	s5 =	sshll.u32 s26, $0x1;
	_ =	strace $0x80000046;
	[dreg:$0x1] =	wrdreg $0xFFFFFFFF  }
0xa7: {  	s28 =	simm.s32 $_size_execute0_lowered;
	s3 =	sadd.s32 s3, s5;
	[dreg:$0x0] =	wrdreg $0x0  }
0xa8: {  	s5 =	sshll.u32 s28, $0x1;
	[dreg:$0x2] =	wrdreg s3  }
0xa9: {  	[dreg:$0x3] =	wrdreg s5  }
0xaa: {  	[dreg:$0x4] =	wrdreg $0xC0  }
0xab: {  	_ =	task [dreg:s7], $0x5FFFF  }
0xac: {  	[dreg:$0x1] =	wrdreg $0xFFFFFFFF  }
0xad: {  	[dreg:$0x0] =	wrdreg $0x60  }
0xae: {  	[dreg:$0x2] =	wrdreg s24  }
0xaf: {  	[dreg:$0x3] =	wrdreg s2  }
0xb0: {  	[dreg:$0x4] =	wrdreg $0x9  }
0xb1: {  	_ =	task.clear_ibuf [dreg:s7], $0x5FFFF;
	_ =	strace $0x90000046  }
0xb2: {  	s29 =	simm.s32 $0x9;
	_ =	strace $0x80000048  }
0xb3: {  	_ =	swait.ge [sflag:s29], $0x1  }
0xb4: {  	[sflag:s29] =	ssyncadd.s32 $0xFFFFFFFF  }
0xb5: {  	_ =	strace $0x90000048  }
0xb6: {  	_ =	sfence  }
0xb7: {  	s30 =	sld [smem:$0x0];
	_ =	sdelay $0x2  }
0xb8: {  	s31 =	sshll.u32 s1, $0xD;
	s1 =	sshrl.u32 s1, $0x2  }
0xb9: {  	s3 =	sand.u32 $0x4000, s31;
	s1 =	sadd.s32 s1, s30  }
0xba: {  	s0 =	sor.u32 s3, s0;
	s1 =	sshll.u32 s1, $0x11  }
0xbb: {  	s0 =	sor.u32 s1, s0  }
0xbc: {  	s0 =	sadd.s32 $0x8F2B, s0  }
0xbd: {  	[sflag:s0] =	ssyncadd.remote.s32 $0x1  }
0xbe: {  	_ =	sfence.sel $0xFFFF  }
0xbf: {  	[dreg:$0x0] =	wrdreg $0xFFFFFFFF;
	(pc) =	sbr.abs _section_cstart, $3  }
0xc0: {  	[dreg:$0x1] =	wrdreg $0xFFFFFFFF  }
0xc1: {  	_ =	task.clear_ibuf [dreg:s7], $0x2FFFF;
	_ =	strace $0x9FFFFFFF  }
0xc2: {  	(tm) =	ssettm $0x7FFFFFFF  }
0xc3: {  	_ =	shalt  }
tec
execute0_lowered:
.L_overlay_start_1:
0x0: {  	(tag) =	ssettag $0x1  }
0x1: {  	s0 =	srdreg.scid  }
0x2: {  	s1 =	rddreg [dreg:$0x0];
	s0 =	sand.u32 $0x1, s0  }
0x3: {  	s4 =	stileid.u32;
	s3 =	rddreg [dreg:$0x1];
	s2 =	sshll.u32 s0, $0x4  }
0x4: {  	s31 =	simm.s32 $0x3800;
	s11 =	simm.s32 $0x2;
	s4 =	sor.u32 s4, s2  }
0x5: {  	s2 =	simm.s32 $0x0;
	s5 =	sshll.u32 s4, $0xA;
	s4 =	sshll.u32 s4, $0xF  }
0x6: {  	[smem:$0x7FF] =	sst s2;
	s5 =	sadd.s32 s5, s1;
	s4 =	sadd.s32 s3, s4  }
0x7: {  	_ =	strace $0x80000047;
	s6 =	sadd.s32 $0x3E00, s5;
	[dreg:$0x12] =	wrdreg s4  }
0x8: {  	p0 =	por $0x0, $0x0;
	s15 =	sadd.s32 $0x3E80, s5;
	[dreg:$0x3] =	wrdreg s6  }
0x9: {  	s9 =	simm.s32 $0x4;
	s16 =	sadd.s32 $0x3F00, s5;
	[dreg:$0x4] =	wrdreg s15  }
0xa: {  	s10 =	simm.s32 $0x5;
	s17 =	sadd.s32 $0x1000, s4;
	[dreg:$0x5] =	wrdreg s16  }
0xb: {  	s8 =	simm.s32 $0x6;
	s18 =	sadd.s32 $0x3F80, s5;
	[dreg:$0x6] =	wrdreg s17  }
0xc: {  	s0 =	ssub.s32 $0x2, s0;
	s19 =	sadd.s32 $0x2000, s4;
	[dreg:$0x7] =	wrdreg s18  }
0xd: {  	s29 =	sshrl.u32 s0, $0x1;
	s20 =	sadd.s32 $0x4000, s5;
	[dreg:$0x8] =	wrdreg s19  }
0xe: {  	s0 =	ssub.s32 s0, s29;
	s21 =	sadd.s32 $0x3000, s4;
	[dreg:$0x9] =	wrdreg s20  }
0xf: {  	s7 =	smax.u32 s0, $0x1;
	s22 =	sadd.s32 $0x4080, s5;
	[dreg:$0xa] =	wrdreg s21  }
0x10: {  	s0 =	simm.s32 $0x800;
	s23 =	sadd.s32 $0x4000, s4;
	[dreg:$0xb] =	wrdreg s22  }
0x11: {  	s3 =	simm.s32 $0x8800;
	s24 =	sadd.s32 $0x4100, s5;
	[dreg:$0xc] =	wrdreg s23  }
0x12: {  	s25 =	sadd.s32 $0x5000, s4;
	s26 =	sadd.s32 $0x4180, s5;
	[dreg:$0xd] =	wrdreg s24  }
0x13: {  	s28 =	sadd.s32 $0x6000, s4;
	p1 =	sne.s32 s7, $0x1;
	[dreg:$0xe] =	wrdreg s25  }
.Ltmp0:
0x14: {  	s30 =	sadd.s32 $0x7000, s4;
	[dreg:$0xf] =	wrdreg s26;
	(pc) =	sbr.rel @!p1 .LBB2_1-.Ltmp0, $4  }
0x15: {  	s4 =	sadd.s32 $0xC00, s1;
	s1 =	simm.s32 $0x1;
	[dreg:$0x10] =	wrdreg s28  }
0x16: {  	s5 =	simm.s32 $0x80;
	s7 =	sadd.s32 $0xFFFFFFFF, s7;
	[dreg:$0x11] =	wrdreg s30  }
0x17: {  	s6 =	simm.s32 $0x400;
	s23 =	simm.s32 $0x1800;
	s24 =	simm.s32 $0x180  }
0x18: {  	s26 =	simm.s32 $0x200;
	s17 =	simm.s32 $0x3;
	s22 =	rddreg [dreg:$0x3]  }
0x19: {  	[tilespmem:s2], [sflag:$0x1] =	stream.linear.gather [hbm4b:s22+s2], $0x400, $0x38;
	[tilespmem:$0x10800] =	vst v63  }
0x1a: {  	s21 =	rddreg [dreg:$0x4]  }
0x1b: {  	[tilespmem:s6], [sflag:$0x2] =	stream.linear.gather [hbm4b:s21+s2], $0x400, $0x38;
	[tilespmem:$0x10800] =	vst v63  }
0x1c: {  	_ =	swait.ge [sflag:s1], $0x400  }
0x1d: {  	[sflag:s1] =	ssyncset.done $0x0  }
0x1e: {  	[sflag:s1] =	ssyncadd.s32 $0xFFFFFC00  }
0x1f: {  	[tilespmem:s0], [sflag:$0x3] =	stream.indirect.gather [hbm4b:s4+s5], $0x20, s2, s5, $0xb8;
	[tilespmem:$0x10800] =	vst v63  }
0x20: {  	_ = 	snop  }
0x21: {  	[tilespmem:s23], [sflag:$0x3] =	stream.indirect.gather [hbm4b:s4+s5], $0x20, s5, s5, $0xb8;
	[tilespmem:$0x10800] =	vst v63  }
0x22: {  	s28 =	simm.s32 $0x2800;
	s29 =	simm.s32 $0x100  }
0x23: {  	[tilespmem:s28], [sflag:$0x3] =	stream.indirect.gather [hbm4b:s4+s5], $0x20, s29, s5, $0xb8;
	[tilespmem:$0x10800] =	vst v63  }
0x24: {  	_ = 	snop  }
0x25: {  	[tilespmem:s31], [sflag:$0x3] =	stream.indirect.gather [hbm4b:s4+s5], $0x20, s24, s5, $0xb8;
	[tilespmem:$0x10800] =	vst v63  }
0x26: {  	s30 =	simm.s32 $0x4800  }
0x27: {  	[tilespmem:s30], [sflag:$0x3] =	stream.indirect.gather [hbm4b:s4+s5], $0x20, s26, s5, $0xb8;
	[tilespmem:$0x10800] =	vst v63  }
0x28: {  	s8 =	simm.s32 $0x5800;
	s1 =	simm.s32 $0x280  }
0x29: {  	[tilespmem:s8], [sflag:$0x3] =	stream.indirect.gather [hbm4b:s4+s5], $0x20, s1, s5, $0xb8;
	[tilespmem:$0x10800] =	vst v63  }
0x2a: {  	s10 =	simm.s32 $0x300;
	s12 =	simm.s32 $0x6800  }
0x2b: {  	[tilespmem:s12], [sflag:$0x3] =	stream.indirect.gather [hbm4b:s4+s5], $0x20, s10, s5, $0xb8;
	[tilespmem:$0x10800] =	vst v63  }
0x2c: {  	s13 =	simm.s32 $0x380;
	s15 =	simm.s32 $0x7800;
	[dreg:$0x13] =	wrdreg s7  }
0x2d: {  	[tilespmem:s15], [sflag:$0x3] =	stream.indirect.gather [hbm4b:s4+s5], $0x20, s13, s5, $0xb8;
	[tilespmem:$0x10800] =	vst v63  }
0x2e: {  	_ =	swait.ge [sflag:s17], $0x1000  }
0x2f: {  	[sflag:s17] =	ssyncset.done $0x0  }
0x30: {  	[sflag:s17] =	ssyncadd.s32 $0xFFFFF000  }
0x31: {  	_ =	swait.ge [sflag:s17], $0x1000  }
0x32: {  	[sflag:s17] =	ssyncset.done $0x0  }
0x33: {  	[sflag:s17] =	ssyncadd.s32 $0xFFFFF000  }
0x34: {  	_ =	swait.ge [sflag:s17], $0x1000  }
0x35: {  	[sflag:s17] =	ssyncset.done $0x0  }
0x36: {  	[sflag:s17] =	ssyncadd.s32 $0xFFFFF000  }
0x37: {  	_ =	swait.ge [sflag:s17], $0x1000  }
0x38: {  	[sflag:s17] =	ssyncset.done $0x0  }
0x39: {  	[sflag:s17] =	ssyncadd.s32 $0xFFFFF000  }
0x3a: {  	_ =	swait.ge [sflag:s17], $0x1000  }
0x3b: {  	[sflag:s17] =	ssyncset.done $0x0  }
0x3c: {  	[sflag:s17] =	ssyncadd.s32 $0xFFFFF000  }
0x3d: {  	_ =	swait.ge [sflag:s17], $0x1000  }
0x3e: {  	[sflag:s17] =	ssyncset.done $0x0  }
0x3f: {  	[sflag:s17] =	ssyncadd.s32 $0xFFFFF000  }
0x40: {  	_ =	swait.ge [sflag:s17], $0x1000  }
0x41: {  	[sflag:s17] =	ssyncset.done $0x0  }
0x42: {  	[sflag:s17] =	ssyncadd.s32 $0xFFFFF000  }
0x43: {  	_ =	swait.ge [sflag:s17], $0x1000  }
0x44: {  	[sflag:s17] =	ssyncset.done $0x0  }
0x45: {  	s29 =	simm.s32 $0x800;
	s18 =	rddreg [dreg:$0x12];
	[sflag:s17] =	ssyncadd.s32 $0xFFFFF000  }
0x46: {  	[hbm4b:s18+s2] =	stream.linear.scatter [tilespmem:s29], [sflag:$0x5], $0x8000, $0x38;
	[tilespmem:$0x10800] =	vst v63  }
0x47: {  	s16 =	rddreg [dreg:$0x5]  }
0x48: {  	[tilespmem:s2], [sflag:$0x1] =	stream.linear.gather [hbm4b:s16+s2], $0x400, $0x38;
	[tilespmem:$0x10800] =	vst v63  }
0x49: {  	_ =	swait.ge [sflag:s11], $0x400  }
0x4a: {  	[sflag:s11] =	ssyncset.done $0x0  }
0x4b: {  	[sflag:s11] =	ssyncadd.s32 $0xFFFFFC00  }
0x4c: {  	[tilespmem:s3], [sflag:$0x4] =	stream.indirect.gather [hbm4b:s4+s5], $0x20, s6, s5, $0xb8;
	[tilespmem:$0x10800] =	vst v63  }
0x4d: {  	s25 =	simm.s32 $0x480;
	s18 =	simm.s32 $0x9800  }
0x4e: {  	[tilespmem:s18], [sflag:$0x4] =	stream.indirect.gather [hbm4b:s4+s5], $0x20, s25, s5, $0xb8;
	[tilespmem:$0x10800] =	vst v63  }
0x4f: {  	s28 =	simm.s32 $0x500;
	s30 =	simm.s32 $0xA800  }
0x50: {  	[tilespmem:s30], [sflag:$0x4] =	stream.indirect.gather [hbm4b:s4+s5], $0x20, s28, s5, $0xb8;
	[tilespmem:$0x10800] =	vst v63  }
0x51: {  	s15 =	simm.s32 $0x580;
	s16 =	simm.s32 $0xB800  }
0x52: {  	[tilespmem:s16], [sflag:$0x4] =	stream.indirect.gather [hbm4b:s4+s5], $0x20, s15, s5, $0xb8;
	[tilespmem:$0x10800] =	vst v63  }
0x53: {  	s18 =	simm.s32 $0x600;
	s30 =	simm.s32 $0xC800  }
0x54: {  	[tilespmem:s30], [sflag:$0x4] =	stream.indirect.gather [hbm4b:s4+s5], $0x20, s18, s5, $0xb8;
	[tilespmem:$0x10800] =	vst v63  }
0x55: {  	s21 =	simm.s32 $0x680;
	s1 =	simm.s32 $0xD800  }
0x56: {  	[tilespmem:s1], [sflag:$0x4] =	stream.indirect.gather [hbm4b:s4+s5], $0x20, s21, s5, $0xb8;
	[tilespmem:$0x10800] =	vst v63  }
0x57: {  	s22 =	simm.s32 $0x700;
	s3 =	simm.s32 $0xE800  }
0x58: {  	[tilespmem:s3], [sflag:$0x4] =	stream.indirect.gather [hbm4b:s4+s5], $0x20, s22, s5, $0xb8;
	[tilespmem:$0x10800] =	vst v63  }
0x59: {  	s7 =	simm.s32 $0x780;
	s6 =	simm.s32 $0xF800  }
0x5a: {  	[tilespmem:s6], [sflag:$0x4] =	stream.indirect.gather [hbm4b:s4+s5], $0x20, s7, s5, $0xb8;
	[tilespmem:$0x10800] =	vst v63  }
0x5b: {  	_ =	swait.ge [sflag:s9], $0x1000  }
0x5c: {  	[sflag:s9] =	ssyncset.done $0x0  }
0x5d: {  	[sflag:s9] =	ssyncadd.s32 $0xFFFFF000  }
0x5e: {  	_ =	swait.ge [sflag:s9], $0x1000  }
0x5f: {  	[sflag:s9] =	ssyncset.done $0x0  }
0x60: {  	[sflag:s9] =	ssyncadd.s32 $0xFFFFF000  }
0x61: {  	_ =	swait.ge [sflag:s9], $0x1000  }
0x62: {  	[sflag:s9] =	ssyncset.done $0x0  }
0x63: {  	[sflag:s9] =	ssyncadd.s32 $0xFFFFF000  }
0x64: {  	_ =	swait.ge [sflag:s9], $0x1000  }
0x65: {  	[sflag:s9] =	ssyncset.done $0x0  }
0x66: {  	[sflag:s9] =	ssyncadd.s32 $0xFFFFF000  }
0x67: {  	_ =	swait.ge [sflag:s9], $0x1000  }
0x68: {  	[sflag:s9] =	ssyncset.done $0x0  }
0x69: {  	[sflag:s9] =	ssyncadd.s32 $0xFFFFF000  }
0x6a: {  	_ =	swait.ge [sflag:s9], $0x1000  }
0x6b: {  	[sflag:s9] =	ssyncset.done $0x0  }
0x6c: {  	[sflag:s9] =	ssyncadd.s32 $0xFFFFF000  }
0x6d: {  	_ =	swait.ge [sflag:s9], $0x1000  }
0x6e: {  	[sflag:s9] =	ssyncset.done $0x0  }
0x6f: {  	[sflag:s9] =	ssyncadd.s32 $0xFFFFF000  }
0x70: {  	_ =	swait.ge [sflag:s9], $0x1000  }
0x71: {  	[sflag:s9] =	ssyncset.done $0x0  }
0x72: {  	s6 =	simm.s32 $0x8800;
	s1 =	rddreg [dreg:$0x6];
	[sflag:s9] =	ssyncadd.s32 $0xFFFFF000  }
0x73: {  	[hbm4b:s1+s2] =	stream.linear.scatter [tilespmem:s6], [sflag:$0x6], $0x8000, $0x38;
	[tilespmem:$0x10800] =	vst v63  }
0x74: {  	s12 =	simm.s32 $0x1;
	s7 =	simm.s32 $0x400;
	s3 =	rddreg [dreg:$0x7]  }
0x75: {  	[tilespmem:s7], [sflag:$0x2] =	stream.linear.gather [hbm4b:s3+s2], $0x400, $0x38;
	[tilespmem:$0x10800] =	vst v63  }
0x76: {  	_ =	swait.ge [sflag:s12], $0x400  }
0x77: {  	[sflag:s12] =	ssyncset.done $0x0  }
0x78: {  	s11 =	simm.s32 $0x5;
	[sflag:s12] =	ssyncadd.s32 $0xFFFFFC00  }
0x79: {  	_ =	swait.ge [sflag:s11], $0x8000  }
0x7a: {  	[sflag:s11] =	ssyncset.done $0x0  }
0x7b: {  	[sflag:s11] =	ssyncadd.s32 $0xFFFF8000  }
0x7c: {  	[tilespmem:s29], [sflag:$0x3] =	stream.indirect.gather [hbm4b:s4+s5], $0x20, s2, s5, $0xb8;
	[tilespmem:$0x10800] =	vst v63  }
0x7d: {  	_ = 	snop  }
0x7e: {  	[tilespmem:s23], [sflag:$0x3] =	stream.indirect.gather [hbm4b:s4+s5], $0x20, s5, s5, $0xb8;
	[tilespmem:$0x10800] =	vst v63  }
0x7f: {  	s19 =	simm.s32 $0x100;
	s16 =	simm.s32 $0x2800  }
0x80: {  	[tilespmem:s16], [sflag:$0x3] =	stream.indirect.gather [hbm4b:s4+s5], $0x20, s19, s5, $0xb8;
	[tilespmem:$0x10800] =	vst v63  }
0x81: {  	_ = 	snop  }
0x82: {  	[tilespmem:s31], [sflag:$0x3] =	stream.indirect.gather [hbm4b:s4+s5], $0x20, s24, s5, $0xb8;
	[tilespmem:$0x10800] =	vst v63  }
0x83: {  	s14 =	simm.s32 $0x4800  }
0x84: {  	[tilespmem:s14], [sflag:$0x3] =	stream.indirect.gather [hbm4b:s4+s5], $0x20, s26, s5, $0xb8;
	[tilespmem:$0x10800] =	vst v63  }
0x85: {  	s0 =	simm.s32 $0x5800;
	s7 =	simm.s32 $0x280  }
0x86: {  	[tilespmem:s0], [sflag:$0x3] =	stream.indirect.gather [hbm4b:s4+s5], $0x20, s7, s5, $0xb8;
	[tilespmem:$0x10800] =	vst v63  }
0x87: {  	s20 =	simm.s32 $0x300;
	s1 =	simm.s32 $0x6800  }
0x88: {  	[tilespmem:s1], [sflag:$0x3] =	stream.indirect.gather [hbm4b:s4+s5], $0x20, s20, s5, $0xb8;
	[tilespmem:$0x10800] =	vst v63  }
0x89: {  	s13 =	simm.s32 $0x380;
	s20 =	simm.s32 $0x7800  }
0x8a: {  	[tilespmem:s20], [sflag:$0x3] =	stream.indirect.gather [hbm4b:s4+s5], $0x20, s13, s5, $0xb8;
	[tilespmem:$0x10800] =	vst v63  }
0x8b: {  	_ =	swait.ge [sflag:s17], $0x1000  }
0x8c: {  	[sflag:s17] =	ssyncset.done $0x0  }
0x8d: {  	[sflag:s17] =	ssyncadd.s32 $0xFFFFF000  }
0x8e: {  	_ =	swait.ge [sflag:s17], $0x1000  }
0x8f: {  	[sflag:s17] =	ssyncset.done $0x0  }
0x90: {  	[sflag:s17] =	ssyncadd.s32 $0xFFFFF000  }
0x91: {  	_ =	swait.ge [sflag:s17], $0x1000  }
0x92: {  	[sflag:s17] =	ssyncset.done $0x0  }
0x93: {  	[sflag:s17] =	ssyncadd.s32 $0xFFFFF000  }
0x94: {  	_ =	swait.ge [sflag:s17], $0x1000  }
0x95: {  	[sflag:s17] =	ssyncset.done $0x0  }
0x96: {  	[sflag:s17] =	ssyncadd.s32 $0xFFFFF000  }
0x97: {  	_ =	swait.ge [sflag:s17], $0x1000  }
0x98: {  	[sflag:s17] =	ssyncset.done $0x0  }
0x99: {  	[sflag:s17] =	ssyncadd.s32 $0xFFFFF000  }
0x9a: {  	_ =	swait.ge [sflag:s17], $0x1000  }
0x9b: {  	[sflag:s17] =	ssyncset.done $0x0  }
0x9c: {  	[sflag:s17] =	ssyncadd.s32 $0xFFFFF000  }
0x9d: {  	_ =	swait.ge [sflag:s17], $0x1000  }
0x9e: {  	[sflag:s17] =	ssyncset.done $0x0  }
0x9f: {  	[sflag:s17] =	ssyncadd.s32 $0xFFFFF000  }
0xa0: {  	_ =	swait.ge [sflag:s17], $0x1000  }
0xa1: {  	[sflag:s17] =	ssyncset.done $0x0  }
0xa2: {  	s14 =	rddreg [dreg:$0x8];
	[sflag:s17] =	ssyncadd.s32 $0xFFFFF000  }
0xa3: {  	[hbm4b:s14+s2] =	stream.linear.scatter [tilespmem:s29], [sflag:$0x5], $0x8000, $0x38;
	[tilespmem:$0x10800] =	vst v63  }
0xa4: {  	s8 =	simm.s32 $0x2;
	s18 =	rddreg [dreg:$0x9]  }
0xa5: {  	[tilespmem:s2], [sflag:$0x1] =	stream.linear.gather [hbm4b:s18+s2], $0x400, $0x38;
	[tilespmem:$0x10800] =	vst v63  }
0xa6: {  	_ =	swait.ge [sflag:s8], $0x400  }
0xa7: {  	[sflag:s8] =	ssyncset.done $0x0  }
0xa8: {  	s10 =	simm.s32 $0x6;
	[sflag:s8] =	ssyncadd.s32 $0xFFFFFC00  }
0xa9: {  	_ =	swait.ge [sflag:s10], $0x8000  }
0xaa: {  	[sflag:s10] =	ssyncset.done $0x0  }
0xab: {  	s21 =	simm.s32 $0x400;
	s19 =	simm.s32 $0x8800;
	[sflag:s10] =	ssyncadd.s32 $0xFFFF8000  }
0xac: {  	[tilespmem:s19], [sflag:$0x4] =	stream.indirect.gather [hbm4b:s4+s5], $0x20, s21, s5, $0xb8;
	[tilespmem:$0x10800] =	vst v63  }
0xad: {  	s25 =	simm.s32 $0x480;
	s14 =	simm.s32 $0x9800  }
0xae: {  	[tilespmem:s14], [sflag:$0x4] =	stream.indirect.gather [hbm4b:s4+s5], $0x20, s25, s5, $0xb8;
	[tilespmem:$0x10800] =	vst v63  }
0xaf: {  	s6 =	simm.s32 $0x500;
	s18 =	simm.s32 $0xA800  }
0xb0: {  	[tilespmem:s18], [sflag:$0x4] =	stream.indirect.gather [hbm4b:s4+s5], $0x20, s6, s5, $0xb8;
	[tilespmem:$0x10800] =	vst v63  }
0xb1: {  	s28 =	simm.s32 $0x580;
	s25 =	simm.s32 $0xB800  }
0xb2: {  	[tilespmem:s25], [sflag:$0x4] =	stream.indirect.gather [hbm4b:s4+s5], $0x20, s28, s5, $0xb8;
	[tilespmem:$0x10800] =	vst v63  }
0xb3: {  	s19 =	simm.s32 $0xC800;
	s28 =	simm.s32 $0x600  }
0xb4: {  	[tilespmem:s19], [sflag:$0x4] =	stream.indirect.gather [hbm4b:s4+s5], $0x20, s28, s5, $0xb8;
	[tilespmem:$0x10800] =	vst v63  }
0xb5: {  	s15 =	simm.s32 $0xD800;
	s13 =	simm.s32 $0x680  }
0xb6: {  	[tilespmem:s15], [sflag:$0x4] =	stream.indirect.gather [hbm4b:s4+s5], $0x20, s13, s5, $0xb8;
	[tilespmem:$0x10800] =	vst v63  }
0xb7: {  	s3 =	simm.s32 $0xE800;
	s15 =	simm.s32 $0x700  }
0xb8: {  	[tilespmem:s3], [sflag:$0x4] =	stream.indirect.gather [hbm4b:s4+s5], $0x20, s15, s5, $0xb8;
	[tilespmem:$0x10800] =	vst v63  }
0xb9: {  	s30 =	simm.s32 $0xF800;
	s22 =	simm.s32 $0x780  }
0xba: {  	[tilespmem:s30], [sflag:$0x4] =	stream.indirect.gather [hbm4b:s4+s5], $0x20, s22, s5, $0xb8;
	[tilespmem:$0x10800] =	vst v63  }
0xbb: {  	_ =	swait.ge [sflag:s9], $0x1000  }
0xbc: {  	[sflag:s9] =	ssyncset.done $0x0  }
0xbd: {  	[sflag:s9] =	ssyncadd.s32 $0xFFFFF000  }
0xbe: {  	_ =	swait.ge [sflag:s9], $0x1000  }
0xbf: {  	[sflag:s9] =	ssyncset.done $0x0  }
0xc0: {  	[sflag:s9] =	ssyncadd.s32 $0xFFFFF000  }
0xc1: {  	_ =	swait.ge [sflag:s9], $0x1000  }
0xc2: {  	[sflag:s9] =	ssyncset.done $0x0  }
0xc3: {  	[sflag:s9] =	ssyncadd.s32 $0xFFFFF000  }
0xc4: {  	_ =	swait.ge [sflag:s9], $0x1000  }
0xc5: {  	[sflag:s9] =	ssyncset.done $0x0  }
0xc6: {  	[sflag:s9] =	ssyncadd.s32 $0xFFFFF000  }
0xc7: {  	_ =	swait.ge [sflag:s9], $0x1000  }
0xc8: {  	[sflag:s9] =	ssyncset.done $0x0  }
0xc9: {  	[sflag:s9] =	ssyncadd.s32 $0xFFFFF000  }
0xca: {  	_ =	swait.ge [sflag:s9], $0x1000  }
0xcb: {  	[sflag:s9] =	ssyncset.done $0x0  }
0xcc: {  	[sflag:s9] =	ssyncadd.s32 $0xFFFFF000  }
0xcd: {  	_ =	swait.ge [sflag:s9], $0x1000  }
0xce: {  	[sflag:s9] =	ssyncset.done $0x0  }
0xcf: {  	[sflag:s9] =	ssyncadd.s32 $0xFFFFF000  }
0xd0: {  	_ =	swait.ge [sflag:s9], $0x1000  }
0xd1: {  	[sflag:s9] =	ssyncset.done $0x0  }
0xd2: {  	s30 =	simm.s32 $0x8800;
	s21 =	rddreg [dreg:$0xa];
	[sflag:s9] =	ssyncadd.s32 $0xFFFFF000  }
0xd3: {  	[hbm4b:s21+s2] =	stream.linear.scatter [tilespmem:s30], [sflag:$0x6], $0x8000, $0x38;
	[tilespmem:$0x10800] =	vst v63  }
0xd4: {  	s22 =	rddreg [dreg:$0xb];
	s30 =	simm.s32 $0x400  }
0xd5: {  	[tilespmem:s30], [sflag:$0x2] =	stream.linear.gather [hbm4b:s22+s2], $0x400, $0x38;
	[tilespmem:$0x10800] =	vst v63  }
0xd6: {  	_ =	swait.ge [sflag:s12], $0x400  }
0xd7: {  	[sflag:s12] =	ssyncset.done $0x0  }
0xd8: {  	[sflag:s12] =	ssyncadd.s32 $0xFFFFFC00  }
0xd9: {  	_ =	swait.ge [sflag:s11], $0x8000  }
0xda: {  	[sflag:s11] =	ssyncset.done $0x0  }
0xdb: {  	[sflag:s11] =	ssyncadd.s32 $0xFFFF8000  }
0xdc: {  	[tilespmem:s29], [sflag:$0x3] =	stream.indirect.gather [hbm4b:s4+s5], $0x20, s2, s5, $0xb8;
	[tilespmem:$0x10800] =	vst v63  }
0xdd: {  	_ = 	snop  }
0xde: {  	[tilespmem:s23], [sflag:$0x3] =	stream.indirect.gather [hbm4b:s4+s5], $0x20, s5, s5, $0xb8;
	[tilespmem:$0x10800] =	vst v63  }
0xdf: {  	s22 =	simm.s32 $0x100  }
0xe0: {  	[tilespmem:s16], [sflag:$0x3] =	stream.indirect.gather [hbm4b:s4+s5], $0x20, s22, s5, $0xb8;
	[tilespmem:$0x10800] =	vst v63  }
0xe1: {  	_ = 	snop  }
0xe2: {  	[tilespmem:s31], [sflag:$0x3] =	stream.indirect.gather [hbm4b:s4+s5], $0x20, s24, s5, $0xb8;
	[tilespmem:$0x10800] =	vst v63  }
0xe3: {  	s30 =	simm.s32 $0x4800  }
0xe4: {  	[tilespmem:s30], [sflag:$0x3] =	stream.indirect.gather [hbm4b:s4+s5], $0x20, s26, s5, $0xb8;
	[tilespmem:$0x10800] =	vst v63  }
0xe5: {  	_ = 	snop  }
0xe6: {  	[tilespmem:s0], [sflag:$0x3] =	stream.indirect.gather [hbm4b:s4+s5], $0x20, s7, s5, $0xb8;
	[tilespmem:$0x10800] =	vst v63  }
0xe7: {  	s7 =	simm.s32 $0x300  }
0xe8: {  	[tilespmem:s1], [sflag:$0x3] =	stream.indirect.gather [hbm4b:s4+s5], $0x20, s7, s5, $0xb8;
	[tilespmem:$0x10800] =	vst v63  }
0xe9: {  	s30 =	simm.s32 $0x380  }
0xea: {  	[tilespmem:s20], [sflag:$0x3] =	stream.indirect.gather [hbm4b:s4+s5], $0x20, s30, s5, $0xb8;
	[tilespmem:$0x10800] =	vst v63  }
0xeb: {  	_ =	swait.ge [sflag:s17], $0x1000  }
0xec: {  	[sflag:s17] =	ssyncset.done $0x0  }
0xed: {  	[sflag:s17] =	ssyncadd.s32 $0xFFFFF000  }
0xee: {  	_ =	swait.ge [sflag:s17], $0x1000  }
0xef: {  	[sflag:s17] =	ssyncset.done $0x0  }
0xf0: {  	[sflag:s17] =	ssyncadd.s32 $0xFFFFF000  }
0xf1: {  	_ =	swait.ge [sflag:s17], $0x1000  }
0xf2: {  	[sflag:s17] =	ssyncset.done $0x0  }
0xf3: {  	[sflag:s17] =	ssyncadd.s32 $0xFFFFF000  }
0xf4: {  	_ =	swait.ge [sflag:s17], $0x1000  }
0xf5: {  	[sflag:s17] =	ssyncset.done $0x0  }
0xf6: {  	[sflag:s17] =	ssyncadd.s32 $0xFFFFF000  }
0xf7: {  	_ =	swait.ge [sflag:s17], $0x1000  }
0xf8: {  	[sflag:s17] =	ssyncset.done $0x0  }
0xf9: {  	[sflag:s17] =	ssyncadd.s32 $0xFFFFF000  }
0xfa: {  	_ =	swait.ge [sflag:s17], $0x1000  }
0xfb: {  	[sflag:s17] =	ssyncset.done $0x0  }
0xfc: {  	[sflag:s17] =	ssyncadd.s32 $0xFFFFF000  }
0xfd: {  	_ =	swait.ge [sflag:s17], $0x1000  }
0xfe: {  	[sflag:s17] =	ssyncset.done $0x0  }
0xff: {  	[sflag:s17] =	ssyncadd.s32 $0xFFFFF000  }
0x100: {  	_ =	swait.ge [sflag:s17], $0x1000  }
0x101: {  	[sflag:s17] =	ssyncset.done $0x0  }
0x102: {  	s12 =	rddreg [dreg:$0xc];
	[sflag:s17] =	ssyncadd.s32 $0xFFFFF000  }
0x103: {  	[hbm4b:s12+s2] =	stream.linear.scatter [tilespmem:s29], [sflag:$0x5], $0x8000, $0x38;
	[tilespmem:$0x10800] =	vst v63  }
0x104: {  	s20 =	rddreg [dreg:$0xd]  }
0x105: {  	[tilespmem:s2], [sflag:$0x1] =	stream.linear.gather [hbm4b:s20+s2], $0x400, $0x38;
	[tilespmem:$0x10800] =	vst v63  }
0x106: {  	_ =	swait.ge [sflag:s8], $0x400  }
0x107: {  	[sflag:s8] =	ssyncset.done $0x0  }
0x108: {  	[sflag:s8] =	ssyncadd.s32 $0xFFFFFC00  }
0x109: {  	_ =	swait.ge [sflag:s10], $0x8000  }
0x10a: {  	[sflag:s10] =	ssyncset.done $0x0  }
0x10b: {  	s21 =	simm.s32 $0x8800;
	s22 =	simm.s32 $0x400;
	[sflag:s10] =	ssyncadd.s32 $0xFFFF8000  }
0x10c: {  	[tilespmem:s21], [sflag:$0x4] =	stream.indirect.gather [hbm4b:s4+s5], $0x20, s22, s5, $0xb8;
	[tilespmem:$0x10800] =	vst v63  }
0x10d: {  	s7 =	simm.s32 $0x480  }
0x10e: {  	[tilespmem:s14], [sflag:$0x4] =	stream.indirect.gather [hbm4b:s4+s5], $0x20, s7, s5, $0xb8;
	[tilespmem:$0x10800] =	vst v63  }
0x10f: {  	_ = 	snop  }
0x110: {  	[tilespmem:s18], [sflag:$0x4] =	stream.indirect.gather [hbm4b:s4+s5], $0x20, s6, s5, $0xb8;
	[tilespmem:$0x10800] =	vst v63  }
0x111: {  	s12 =	simm.s32 $0x580  }
0x112: {  	[tilespmem:s25], [sflag:$0x4] =	stream.indirect.gather [hbm4b:s4+s5], $0x20, s12, s5, $0xb8;
	[tilespmem:$0x10800] =	vst v63  }
0x113: {  	_ = 	snop  }
0x114: {  	[tilespmem:s19], [sflag:$0x4] =	stream.indirect.gather [hbm4b:s4+s5], $0x20, s28, s5, $0xb8;
	[tilespmem:$0x10800] =	vst v63  }
0x115: {  	s20 =	simm.s32 $0xD800  }
0x116: {  	[tilespmem:s20], [sflag:$0x4] =	stream.indirect.gather [hbm4b:s4+s5], $0x20, s13, s5, $0xb8;
	[tilespmem:$0x10800] =	vst v63  }
0x117: {  	_ = 	snop  }
0x118: {  	[tilespmem:s3], [sflag:$0x4] =	stream.indirect.gather [hbm4b:s4+s5], $0x20, s15, s5, $0xb8;
	[tilespmem:$0x10800] =	vst v63  }
0x119: {  	s25 =	simm.s32 $0x780;
	s15 =	simm.s32 $0xF800  }
0x11a: {  	[tilespmem:s15], [sflag:$0x4] =	stream.indirect.gather [hbm4b:s4+s5], $0x20, s25, s5, $0xb8;
	[tilespmem:$0x10800] =	vst v63  }
0x11b: {  	_ =	swait.ge [sflag:s9], $0x1000  }
0x11c: {  	[sflag:s9] =	ssyncset.done $0x0  }
0x11d: {  	[sflag:s9] =	ssyncadd.s32 $0xFFFFF000  }
0x11e: {  	_ =	swait.ge [sflag:s9], $0x1000  }
0x11f: {  	[sflag:s9] =	ssyncset.done $0x0  }
0x120: {  	[sflag:s9] =	ssyncadd.s32 $0xFFFFF000  }
0x121: {  	_ =	swait.ge [sflag:s9], $0x1000  }
0x122: {  	[sflag:s9] =	ssyncset.done $0x0  }
0x123: {  	[sflag:s9] =	ssyncadd.s32 $0xFFFFF000  }
0x124: {  	_ =	swait.ge [sflag:s9], $0x1000  }
0x125: {  	[sflag:s9] =	ssyncset.done $0x0  }
0x126: {  	[sflag:s9] =	ssyncadd.s32 $0xFFFFF000  }
0x127: {  	_ =	swait.ge [sflag:s9], $0x1000  }
0x128: {  	[sflag:s9] =	ssyncset.done $0x0  }
0x129: {  	[sflag:s9] =	ssyncadd.s32 $0xFFFFF000  }
0x12a: {  	_ =	swait.ge [sflag:s9], $0x1000  }
0x12b: {  	[sflag:s9] =	ssyncset.done $0x0  }
0x12c: {  	[sflag:s9] =	ssyncadd.s32 $0xFFFFF000  }
0x12d: {  	_ =	swait.ge [sflag:s9], $0x1000  }
0x12e: {  	[sflag:s9] =	ssyncset.done $0x0  }
0x12f: {  	[sflag:s9] =	ssyncadd.s32 $0xFFFFF000  }
0x130: {  	_ =	swait.ge [sflag:s9], $0x1000  }
0x131: {  	[sflag:s9] =	ssyncset.done $0x0  }
0x132: {  	s8 =	simm.s32 $0x8800;
	s3 =	rddreg [dreg:$0xe];
	[sflag:s9] =	ssyncadd.s32 $0xFFFFF000  }
0x133: {  	[hbm4b:s3+s2] =	stream.linear.scatter [tilespmem:s8], [sflag:$0x6], $0x8000, $0x38;
	[tilespmem:$0x10800] =	vst v63  }
0x134: {  	s1 =	simm.s32 $0x1;
	s21 =	simm.s32 $0x400;
	s6 =	rddreg [dreg:$0xf]  }
0x135: {  	[tilespmem:s21], [sflag:$0x2] =	stream.linear.gather [hbm4b:s6+s2], $0x400, $0x38;
	[tilespmem:$0x10800] =	vst v63  }
0x136: {  	_ =	swait.ge [sflag:s1], $0x400  }
0x137: {  	[sflag:s1] =	ssyncset.done $0x0  }
0x138: {  	[sflag:s1] =	ssyncadd.s32 $0xFFFFFC00  }
0x139: {  	_ =	swait.ge [sflag:s11], $0x8000  }
0x13a: {  	[sflag:s11] =	ssyncset.done $0x0  }
0x13b: {  	[sflag:s11] =	ssyncadd.s32 $0xFFFF8000  }
0x13c: {  	[tilespmem:s29], [sflag:$0x3] =	stream.indirect.gather [hbm4b:s4+s5], $0x20, s2, s5, $0xb8;
	[tilespmem:$0x10800] =	vst v63  }
0x13d: {  	_ = 	snop  }
0x13e: {  	[tilespmem:s23], [sflag:$0x3] =	stream.indirect.gather [hbm4b:s4+s5], $0x20, s5, s5, $0xb8;
	[tilespmem:$0x10800] =	vst v63  }
0x13f: {  	s22 =	simm.s32 $0x100;
	s29 =	simm.s32 $0x2800  }
0x140: {  	[tilespmem:s29], [sflag:$0x3] =	stream.indirect.gather [hbm4b:s4+s5], $0x20, s22, s5, $0xb8;
	[tilespmem:$0x10800] =	vst v63  }
0x141: {  	_ = 	snop  }
0x142: {  	[tilespmem:s31], [sflag:$0x3] =	stream.indirect.gather [hbm4b:s4+s5], $0x20, s24, s5, $0xb8;
	[tilespmem:$0x10800] =	vst v63  }
0x143: {  	s8 =	simm.s32 $0x4800  }
0x144: {  	[tilespmem:s8], [sflag:$0x3] =	stream.indirect.gather [hbm4b:s4+s5], $0x20, s26, s5, $0xb8;
	[tilespmem:$0x10800] =	vst v63  }
0x145: {  	s16 =	simm.s32 $0x280;
	s21 =	simm.s32 $0x5800  }
0x146: {  	[tilespmem:s21], [sflag:$0x3] =	stream.indirect.gather [hbm4b:s4+s5], $0x20, s16, s5, $0xb8;
	[tilespmem:$0x10800] =	vst v63  }
0x147: {  	s0 =	simm.s32 $0x6800;
	s22 =	simm.s32 $0x300  }
0x148: {  	[tilespmem:s0], [sflag:$0x3] =	stream.indirect.gather [hbm4b:s4+s5], $0x20, s22, s5, $0xb8;
	[tilespmem:$0x10800] =	vst v63  }
0x149: {  	s29 =	simm.s32 $0x7800  }
0x14a: {  	[tilespmem:s29], [sflag:$0x3] =	stream.indirect.gather [hbm4b:s4+s5], $0x20, s30, s5, $0xb8;
	[tilespmem:$0x10800] =	vst v63  }
0x14b: {  	_ =	swait.ge [sflag:s17], $0x1000  }
0x14c: {  	[sflag:s17] =	ssyncset.done $0x0  }
0x14d: {  	[sflag:s17] =	ssyncadd.s32 $0xFFFFF000  }
0x14e: {  	_ =	swait.ge [sflag:s17], $0x1000  }
0x14f: {  	[sflag:s17] =	ssyncset.done $0x0  }
0x150: {  	[sflag:s17] =	ssyncadd.s32 $0xFFFFF000  }
0x151: {  	_ =	swait.ge [sflag:s17], $0x1000  }
0x152: {  	[sflag:s17] =	ssyncset.done $0x0  }
0x153: {  	[sflag:s17] =	ssyncadd.s32 $0xFFFFF000  }
0x154: {  	_ =	swait.ge [sflag:s17], $0x1000  }
0x155: {  	[sflag:s17] =	ssyncset.done $0x0  }
0x156: {  	[sflag:s17] =	ssyncadd.s32 $0xFFFFF000  }
0x157: {  	_ =	swait.ge [sflag:s17], $0x1000  }
0x158: {  	[sflag:s17] =	ssyncset.done $0x0  }
0x159: {  	[sflag:s17] =	ssyncadd.s32 $0xFFFFF000  }
0x15a: {  	_ =	swait.ge [sflag:s17], $0x1000  }
0x15b: {  	[sflag:s17] =	ssyncset.done $0x0  }
0x15c: {  	[sflag:s17] =	ssyncadd.s32 $0xFFFFF000  }
0x15d: {  	_ =	swait.ge [sflag:s17], $0x1000  }
0x15e: {  	[sflag:s17] =	ssyncset.done $0x0  }
0x15f: {  	[sflag:s17] =	ssyncadd.s32 $0xFFFFF000  }
0x160: {  	_ =	swait.ge [sflag:s17], $0x1000  }
0x161: {  	s11 =	simm.s32 $0x2;
	[sflag:s17] =	ssyncset.done $0x0  }
0x162: {  	s0 =	simm.s32 $0x800;
	s6 =	rddreg [dreg:$0x10];
	[sflag:s17] =	ssyncadd.s32 $0xFFFFF000  }
0x163: {  	[hbm4b:s6+s2] =	stream.linear.scatter [tilespmem:s0], [sflag:$0x5], $0x8000, $0x38;
	[tilespmem:$0x10800] =	vst v63  }
0x164: {  	_ =	swait.ge [sflag:s11], $0x400  }
0x165: {  	[sflag:s11] =	ssyncset.done $0x0  }
0x166: {  	[sflag:s11] =	ssyncadd.s32 $0xFFFFFC00  }
0x167: {  	_ =	swait.ge [sflag:s10], $0x8000  }
0x168: {  	[sflag:s10] =	ssyncset.done $0x0  }
0x169: {  	s8 =	simm.s32 $0x8800;
	[sflag:s10] =	ssyncadd.s32 $0xFFFF8000;
	s10 =	simm.s32 $0x400  }
0x16a: {  	[tilespmem:s8], [sflag:$0x4] =	stream.indirect.gather [hbm4b:s4+s5], $0x20, s10, s5, $0xb8;
	[tilespmem:$0x10800] =	vst v63  }
0x16b: {  	s14 =	simm.s32 $0x9800  }
0x16c: {  	[tilespmem:s14], [sflag:$0x4] =	stream.indirect.gather [hbm4b:s4+s5], $0x20, s7, s5, $0xb8;
	[tilespmem:$0x10800] =	vst v63  }
0x16d: {  	s18 =	simm.s32 $0xA800;
	s16 =	simm.s32 $0x500  }
0x16e: {  	[tilespmem:s18], [sflag:$0x4] =	stream.indirect.gather [hbm4b:s4+s5], $0x20, s16, s5, $0xb8;
	[tilespmem:$0x10800] =	vst v63  }
0x16f: {  	s18 =	simm.s32 $0xB800  }
0x170: {  	[tilespmem:s18], [sflag:$0x4] =	stream.indirect.gather [hbm4b:s4+s5], $0x20, s12, s5, $0xb8;
	[tilespmem:$0x10800] =	vst v63  }
0x171: {  	s21 =	simm.s32 $0x600;
	s22 =	simm.s32 $0xC800  }
0x172: {  	[tilespmem:s22], [sflag:$0x4] =	stream.indirect.gather [hbm4b:s4+s5], $0x20, s21, s5, $0xb8;
	[tilespmem:$0x10800] =	vst v63  }
0x173: {  	s28 =	simm.s32 $0x680  }
0x174: {  	[tilespmem:s20], [sflag:$0x4] =	stream.indirect.gather [hbm4b:s4+s5], $0x20, s28, s5, $0xb8;
	[tilespmem:$0x10800] =	vst v63  }
0x175: {  	s19 =	simm.s32 $0xE800;
	s13 =	simm.s32 $0x700  }
0x176: {  	[tilespmem:s19], [sflag:$0x4] =	stream.indirect.gather [hbm4b:s4+s5], $0x20, s13, s5, $0xb8;
	[tilespmem:$0x10800] =	vst v63  }
0x177: {  	_ = 	snop  }
0x178: {  	[tilespmem:s15], [sflag:$0x4] =	stream.indirect.gather [hbm4b:s4+s5], $0x20, s25, s5, $0xb8;
	[tilespmem:$0x10800] =	vst v63  }
0x179: {  	_ =	swait.ge [sflag:s9], $0x1000  }
0x17a: {  	[sflag:s9] =	ssyncset.done $0x0  }
0x17b: {  	[sflag:s9] =	ssyncadd.s32 $0xFFFFF000  }
0x17c: {  	_ =	swait.ge [sflag:s9], $0x1000  }
0x17d: {  	[sflag:s9] =	ssyncset.done $0x0  }
0x17e: {  	[sflag:s9] =	ssyncadd.s32 $0xFFFFF000  }
0x17f: {  	_ =	swait.ge [sflag:s9], $0x1000  }
0x180: {  	[sflag:s9] =	ssyncset.done $0x0  }
0x181: {  	[sflag:s9] =	ssyncadd.s32 $0xFFFFF000  }
0x182: {  	_ =	swait.ge [sflag:s9], $0x1000  }
0x183: {  	[sflag:s9] =	ssyncset.done $0x0  }
0x184: {  	[sflag:s9] =	ssyncadd.s32 $0xFFFFF000  }
0x185: {  	_ =	swait.ge [sflag:s9], $0x1000  }
0x186: {  	[sflag:s9] =	ssyncset.done $0x0  }
0x187: {  	[sflag:s9] =	ssyncadd.s32 $0xFFFFF000  }
0x188: {  	_ =	swait.ge [sflag:s9], $0x1000  }
0x189: {  	[sflag:s9] =	ssyncset.done $0x0  }
0x18a: {  	[sflag:s9] =	ssyncadd.s32 $0xFFFFF000  }
0x18b: {  	_ =	swait.ge [sflag:s9], $0x1000  }
0x18c: {  	[sflag:s9] =	ssyncset.done $0x0  }
0x18d: {  	[sflag:s9] =	ssyncadd.s32 $0xFFFFF000  }
0x18e: {  	_ =	swait.ge [sflag:s9], $0x1000  }
0x18f: {  	s3 =	simm.s32 $0x8800;
	[sflag:s9] =	ssyncset.done $0x0  }
0x190: {  	s10 =	simm.s32 $0x5;
	s29 =	rddreg [dreg:$0x11];
	[sflag:s9] =	ssyncadd.s32 $0xFFFFF000  }
0x191: {  	[hbm4b:s29+s2] =	stream.linear.scatter [tilespmem:s3], [sflag:$0x6], $0x8000, $0x38;
	[tilespmem:$0x10800] =	vst v63  }
0x192: {  	_ =	swait.ge [sflag:s10], $0x8000  }
0x193: {  	s30 =	rddreg [dreg:$0x13]  }
0x194: {  	p1 =	sne.s32 s30, $0x1  }
.Ltmp1:
0x195: {  	_ = 	snop;
	(pc) =	sbr.rel @!p1 .LBB2_7-.Ltmp1, $4  }
0x196: {  	[sflag:s10] =	ssyncset.done $0x0  }
0x197: {  	s8 =	simm.s32 $0x6;
	[sflag:s10] =	ssyncadd.s32 $0xFFFF8000  }
0x198: {  	p0 =	por $0x1, $0x1;
	s6 =	simm.s32 $0x400;
	_ =	swait.ge [sflag:s8], $0x8000  }
0x199: {  	s21 =	sadd.s32 $0xFFFFFFFF, s30;
	s22 =	rddreg [dreg:$0x3];
	[sflag:s8] =	ssyncset.done $0x0  }
0x19a: {  	s31 =	simm.s32 $0x3800  }
.LBB2_4:
0x19b: {  	[sflag:s8] =	ssyncadd.s32 $0xFFFF8000  }
0x19c: {  	[tilespmem:s2], [sflag:$0x1] =	stream.linear.gather [hbm4b:s22+s2], $0x400, $0x38;
	[tilespmem:$0x10800] =	vst v63  }
0x19d: {  	s23 =	rddreg [dreg:$0x4]  }
0x19e: {  	[tilespmem:s6], [sflag:$0x2] =	stream.linear.gather [hbm4b:s23+s2], $0x400, $0x38;
	[tilespmem:$0x10800] =	vst v63  }
0x19f: {  	_ =	swait.ge [sflag:s1], $0x400  }
0x1a0: {  	[sflag:s1] =	ssyncset.done $0x0  }
0x1a1: {  	[sflag:s1] =	ssyncadd.s32 $0xFFFFFC00  }
0x1a2: {  	[tilespmem:s0], [sflag:$0x3] =	stream.indirect.gather [hbm4b:s4+s5], $0x20, s2, s5, $0xb8;
	[tilespmem:$0x10800] =	vst v63  }
0x1a3: {  	s19 =	simm.s32 $0x1800  }
0x1a4: {  	[tilespmem:s19], [sflag:$0x3] =	stream.indirect.gather [hbm4b:s4+s5], $0x20, s5, s5, $0xb8;
	[tilespmem:$0x10800] =	vst v63  }
0x1a5: {  	s24 =	simm.s32 $0x2800;
	s20 =	simm.s32 $0x100  }
0x1a6: {  	[tilespmem:s24], [sflag:$0x3] =	stream.indirect.gather [hbm4b:s4+s5], $0x20, s20, s5, $0xb8;
	[tilespmem:$0x10800] =	vst v63  }
0x1a7: {  	s26 =	simm.s32 $0x3800;
	s25 =	simm.s32 $0x180  }
0x1a8: {  	[tilespmem:s26], [sflag:$0x3] =	stream.indirect.gather [hbm4b:s4+s5], $0x20, s25, s5, $0xb8;
	[tilespmem:$0x10800] =	vst v63  }
0x1a9: {  	s23 =	simm.s32 $0x4800;
	s26 =	simm.s32 $0x200  }
0x1aa: {  	[tilespmem:s23], [sflag:$0x3] =	stream.indirect.gather [hbm4b:s4+s5], $0x20, s26, s5, $0xb8;
	[tilespmem:$0x10800] =	vst v63  }
0x1ab: {  	s28 =	simm.s32 $0x5800;
	s25 =	simm.s32 $0x280  }
0x1ac: {  	[tilespmem:s28], [sflag:$0x3] =	stream.indirect.gather [hbm4b:s4+s5], $0x20, s25, s5, $0xb8;
	[tilespmem:$0x10800] =	vst v63  }
0x1ad: {  	s29 =	simm.s32 $0x300;
	s30 =	simm.s32 $0x6800  }
0x1ae: {  	[tilespmem:s30], [sflag:$0x3] =	stream.indirect.gather [hbm4b:s4+s5], $0x20, s29, s5, $0xb8;
	[tilespmem:$0x10800] =	vst v63  }
0x1af: {  	s8 =	simm.s32 $0x7800;
	s1 =	simm.s32 $0x380  }
0x1b0: {  	[tilespmem:s8], [sflag:$0x3] =	stream.indirect.gather [hbm4b:s4+s5], $0x20, s1, s5, $0xb8;
	[tilespmem:$0x10800] =	vst v63  }
0x1b1: {  	_ =	swait.ge [sflag:s17], $0x1000  }
0x1b2: {  	[sflag:s17] =	ssyncset.done $0x0  }
0x1b3: {  	[sflag:s17] =	ssyncadd.s32 $0xFFFFF000  }
0x1b4: {  	_ =	swait.ge [sflag:s17], $0x1000  }
0x1b5: {  	[sflag:s17] =	ssyncset.done $0x0  }
0x1b6: {  	[sflag:s17] =	ssyncadd.s32 $0xFFFFF000  }
0x1b7: {  	_ =	swait.ge [sflag:s17], $0x1000  }
0x1b8: {  	[sflag:s17] =	ssyncset.done $0x0  }
0x1b9: {  	[sflag:s17] =	ssyncadd.s32 $0xFFFFF000  }
0x1ba: {  	_ =	swait.ge [sflag:s17], $0x1000  }
0x1bb: {  	[sflag:s17] =	ssyncset.done $0x0  }
0x1bc: {  	[sflag:s17] =	ssyncadd.s32 $0xFFFFF000  }
0x1bd: {  	_ =	swait.ge [sflag:s17], $0x1000  }
0x1be: {  	[sflag:s17] =	ssyncset.done $0x0  }
0x1bf: {  	[sflag:s17] =	ssyncadd.s32 $0xFFFFF000  }
0x1c0: {  	_ =	swait.ge [sflag:s17], $0x1000  }
0x1c1: {  	[sflag:s17] =	ssyncset.done $0x0  }
0x1c2: {  	[sflag:s17] =	ssyncadd.s32 $0xFFFFF000  }
0x1c3: {  	_ =	swait.ge [sflag:s17], $0x1000  }
0x1c4: {  	[sflag:s17] =	ssyncset.done $0x0  }
0x1c5: {  	[sflag:s17] =	ssyncadd.s32 $0xFFFFF000  }
0x1c6: {  	_ =	swait.ge [sflag:s17], $0x1000  }
0x1c7: {  	[sflag:s17] =	ssyncset.done $0x0  }
0x1c8: {  	s7 =	simm.s32 $0x800;
	s12 =	rddreg [dreg:$0x12];
	[sflag:s17] =	ssyncadd.s32 $0xFFFFF000  }
0x1c9: {  	[hbm4b:s12+s2] =	stream.linear.scatter [tilespmem:s7], [sflag:$0x5], $0x8000, $0x38;
	[tilespmem:$0x10800] =	vst v63  }
0x1ca: {  	s10 =	rddreg [dreg:$0x5]  }
0x1cb: {  	[tilespmem:s2], [sflag:$0x1] =	stream.linear.gather [hbm4b:s10+s2], $0x400, $0x38;
	[tilespmem:$0x10800] =	vst v63  }
0x1cc: {  	_ =	swait.ge [sflag:s11], $0x400  }
0x1cd: {  	[sflag:s11] =	ssyncset.done $0x0  }
0x1ce: {  	[sflag:s11] =	ssyncadd.s32 $0xFFFFFC00  }
0x1cf: {  	[tilespmem:s3], [sflag:$0x4] =	stream.indirect.gather [hbm4b:s4+s5], $0x20, s6, s5, $0xb8;
	[tilespmem:$0x10800] =	vst v63  }
0x1d0: {  	s22 =	simm.s32 $0x480;
	s12 =	simm.s32 $0x9800  }
0x1d1: {  	[tilespmem:s12], [sflag:$0x4] =	stream.indirect.gather [hbm4b:s4+s5], $0x20, s22, s5, $0xb8;
	[tilespmem:$0x10800] =	vst v63  }
0x1d2: {  	s23 =	simm.s32 $0x500;
	s25 =	simm.s32 $0xA800  }
0x1d3: {  	[tilespmem:s25], [sflag:$0x4] =	stream.indirect.gather [hbm4b:s4+s5], $0x20, s23, s5, $0xb8;
	[tilespmem:$0x10800] =	vst v63  }
0x1d4: {  	s3 =	simm.s32 $0x580;
	s23 =	simm.s32 $0xB800  }
0x1d5: {  	[tilespmem:s23], [sflag:$0x4] =	stream.indirect.gather [hbm4b:s4+s5], $0x20, s3, s5, $0xb8;
	[tilespmem:$0x10800] =	vst v63  }
0x1d6: {  	s22 =	simm.s32 $0x600;
	s23 =	simm.s32 $0xC800  }
0x1d7: {  	[tilespmem:s23], [sflag:$0x4] =	stream.indirect.gather [hbm4b:s4+s5], $0x20, s22, s5, $0xb8;
	[tilespmem:$0x10800] =	vst v63  }
0x1d8: {  	s22 =	simm.s32 $0x680;
	s23 =	simm.s32 $0xD800  }
0x1d9: {  	[tilespmem:s23], [sflag:$0x4] =	stream.indirect.gather [hbm4b:s4+s5], $0x20, s22, s5, $0xb8;
	[tilespmem:$0x10800] =	vst v63  }
0x1da: {  	s22 =	simm.s32 $0x700;
	s23 =	simm.s32 $0xE800  }
0x1db: {  	[tilespmem:s23], [sflag:$0x4] =	stream.indirect.gather [hbm4b:s4+s5], $0x20, s22, s5, $0xb8;
	[tilespmem:$0x10800] =	vst v63  }
0x1dc: {  	s22 =	simm.s32 $0x780;
	s23 =	simm.s32 $0xF800  }
0x1dd: {  	[tilespmem:s23], [sflag:$0x4] =	stream.indirect.gather [hbm4b:s4+s5], $0x20, s22, s5, $0xb8;
	[tilespmem:$0x10800] =	vst v63  }
0x1de: {  	_ =	swait.ge [sflag:s9], $0x1000  }
0x1df: {  	[sflag:s9] =	ssyncset.done $0x0  }
0x1e0: {  	[sflag:s9] =	ssyncadd.s32 $0xFFFFF000  }
0x1e1: {  	_ =	swait.ge [sflag:s9], $0x1000  }
0x1e2: {  	[sflag:s9] =	ssyncset.done $0x0  }
0x1e3: {  	[sflag:s9] =	ssyncadd.s32 $0xFFFFF000  }
0x1e4: {  	_ =	swait.ge [sflag:s9], $0x1000  }
0x1e5: {  	[sflag:s9] =	ssyncset.done $0x0  }
0x1e6: {  	[sflag:s9] =	ssyncadd.s32 $0xFFFFF000  }
0x1e7: {  	_ =	swait.ge [sflag:s9], $0x1000  }
0x1e8: {  	[sflag:s9] =	ssyncset.done $0x0  }
0x1e9: {  	[sflag:s9] =	ssyncadd.s32 $0xFFFFF000  }
0x1ea: {  	_ =	swait.ge [sflag:s9], $0x1000  }
0x1eb: {  	[sflag:s9] =	ssyncset.done $0x0  }
0x1ec: {  	[sflag:s9] =	ssyncadd.s32 $0xFFFFF000  }
0x1ed: {  	_ =	swait.ge [sflag:s9], $0x1000  }
0x1ee: {  	[sflag:s9] =	ssyncset.done $0x0  }
0x1ef: {  	[sflag:s9] =	ssyncadd.s32 $0xFFFFF000  }
0x1f0: {  	_ =	swait.ge [sflag:s9], $0x1000  }
0x1f1: {  	[sflag:s9] =	ssyncset.done $0x0  }
0x1f2: {  	[sflag:s9] =	ssyncadd.s32 $0xFFFFF000  }
0x1f3: {  	_ =	swait.ge [sflag:s9], $0x1000  }
0x1f4: {  	[sflag:s9] =	ssyncset.done $0x0  }
0x1f5: {  	s6 =	simm.s32 $0x8800;
	s22 =	rddreg [dreg:$0x6];
	[sflag:s9] =	ssyncadd.s32 $0xFFFFF000  }
0x1f6: {  	[hbm4b:s22+s2] =	stream.linear.scatter [tilespmem:s6], [sflag:$0x6], $0x8000, $0x38;
	[tilespmem:$0x10800] =	vst v63  }
0x1f7: {  	s0 =	simm.s32 $0x1;
	s10 =	simm.s32 $0x400;
	s23 =	rddreg [dreg:$0x7]  }
0x1f8: {  	[tilespmem:s10], [sflag:$0x2] =	stream.linear.gather [hbm4b:s23+s2], $0x400, $0x38;
	[tilespmem:$0x10800] =	vst v63  }
0x1f9: {  	_ =	swait.ge [sflag:s0], $0x400  }
0x1fa: {  	[sflag:s0] =	ssyncset.done $0x0  }
0x1fb: {  	s11 =	simm.s32 $0x5;
	[sflag:s0] =	ssyncadd.s32 $0xFFFFFC00  }
0x1fc: {  	_ =	swait.ge [sflag:s11], $0x8000  }
0x1fd: {  	[sflag:s11] =	ssyncset.done $0x0  }
0x1fe: {  	[sflag:s11] =	ssyncadd.s32 $0xFFFF8000  }
0x1ff: {  	[tilespmem:s7], [sflag:$0x3] =	stream.indirect.gather [hbm4b:s4+s5], $0x20, s2, s5, $0xb8;
	[tilespmem:$0x10800] =	vst v63  }
0x200: {  	_ = 	snop  }
0x201: {  	[tilespmem:s19], [sflag:$0x3] =	stream.indirect.gather [hbm4b:s4+s5], $0x20, s5, s5, $0xb8;
	[tilespmem:$0x10800] =	vst v63  }
0x202: {  	_ = 	snop  }
0x203: {  	[tilespmem:s24], [sflag:$0x3] =	stream.indirect.gather [hbm4b:s4+s5], $0x20, s20, s5, $0xb8;
	[tilespmem:$0x10800] =	vst v63  }
0x204: {  	s24 =	simm.s32 $0x180  }
0x205: {  	[tilespmem:s31], [sflag:$0x3] =	stream.indirect.gather [hbm4b:s4+s5], $0x20, s24, s5, $0xb8;
	[tilespmem:$0x10800] =	vst v63  }
0x206: {  	s18 =	simm.s32 $0x4800  }
0x207: {  	[tilespmem:s18], [sflag:$0x3] =	stream.indirect.gather [hbm4b:s4+s5], $0x20, s26, s5, $0xb8;
	[tilespmem:$0x10800] =	vst v63  }
0x208: {  	s16 =	simm.s32 $0x280;
	s28 =	simm.s32 $0x5800  }
0x209: {  	[tilespmem:s28], [sflag:$0x3] =	stream.indirect.gather [hbm4b:s4+s5], $0x20, s16, s5, $0xb8;
	[tilespmem:$0x10800] =	vst v63  }
0x20a: {  	s14 =	simm.s32 $0x6800;
	s13 =	simm.s32 $0x300  }
0x20b: {  	[tilespmem:s14], [sflag:$0x3] =	stream.indirect.gather [hbm4b:s4+s5], $0x20, s13, s5, $0xb8;
	[tilespmem:$0x10800] =	vst v63  }
0x20c: {  	s15 =	simm.s32 $0x380;
	s29 =	simm.s32 $0x7800  }
0x20d: {  	[tilespmem:s29], [sflag:$0x3] =	stream.indirect.gather [hbm4b:s4+s5], $0x20, s15, s5, $0xb8;
	[tilespmem:$0x10800] =	vst v63  }
0x20e: {  	_ =	swait.ge [sflag:s17], $0x1000  }
0x20f: {  	[sflag:s17] =	ssyncset.done $0x0  }
0x210: {  	[sflag:s17] =	ssyncadd.s32 $0xFFFFF000  }
0x211: {  	_ =	swait.ge [sflag:s17], $0x1000  }
0x212: {  	[sflag:s17] =	ssyncset.done $0x0  }
0x213: {  	[sflag:s17] =	ssyncadd.s32 $0xFFFFF000  }
0x214: {  	_ =	swait.ge [sflag:s17], $0x1000  }
0x215: {  	[sflag:s17] =	ssyncset.done $0x0  }
0x216: {  	[sflag:s17] =	ssyncadd.s32 $0xFFFFF000  }
0x217: {  	_ =	swait.ge [sflag:s17], $0x1000  }
0x218: {  	[sflag:s17] =	ssyncset.done $0x0  }
0x219: {  	[sflag:s17] =	ssyncadd.s32 $0xFFFFF000  }
0x21a: {  	_ =	swait.ge [sflag:s17], $0x1000  }
0x21b: {  	[sflag:s17] =	ssyncset.done $0x0  }
0x21c: {  	[sflag:s17] =	ssyncadd.s32 $0xFFFFF000  }
0x21d: {  	_ =	swait.ge [sflag:s17], $0x1000  }
0x21e: {  	[sflag:s17] =	ssyncset.done $0x0  }
0x21f: {  	[sflag:s17] =	ssyncadd.s32 $0xFFFFF000  }
0x220: {  	_ =	swait.ge [sflag:s17], $0x1000  }
0x221: {  	[sflag:s17] =	ssyncset.done $0x0  }
0x222: {  	[sflag:s17] =	ssyncadd.s32 $0xFFFFF000  }
0x223: {  	_ =	swait.ge [sflag:s17], $0x1000  }
0x224: {  	[sflag:s17] =	ssyncset.done $0x0  }
0x225: {  	s13 =	rddreg [dreg:$0x8];
	[sflag:s17] =	ssyncadd.s32 $0xFFFFF000  }
0x226: {  	[hbm4b:s13+s2] =	stream.linear.scatter [tilespmem:s7], [sflag:$0x5], $0x8000, $0x38;
	[tilespmem:$0x10800] =	vst v63  }
0x227: {  	s1 =	simm.s32 $0x2;
	s15 =	rddreg [dreg:$0x9]  }
0x228: {  	[tilespmem:s2], [sflag:$0x1] =	stream.linear.gather [hbm4b:s15+s2], $0x400, $0x38;
	[tilespmem:$0x10800] =	vst v63  }
0x229: {  	_ =	swait.ge [sflag:s1], $0x400  }
0x22a: {  	[sflag:s1] =	ssyncset.done $0x0  }
0x22b: {  	s8 =	simm.s32 $0x6;
	[sflag:s1] =	ssyncadd.s32 $0xFFFFFC00  }
0x22c: {  	_ =	swait.ge [sflag:s8], $0x8000  }
0x22d: {  	[sflag:s8] =	ssyncset.done $0x0  }
0x22e: {  	[sflag:s8] =	ssyncadd.s32 $0xFFFF8000  }
0x22f: {  	[tilespmem:s6], [sflag:$0x4] =	stream.indirect.gather [hbm4b:s4+s5], $0x20, s10, s5, $0xb8;
	[tilespmem:$0x10800] =	vst v63  }
0x230: {  	s30 =	simm.s32 $0x480;
	s23 =	simm.s32 $0x9800  }
0x231: {  	[tilespmem:s23], [sflag:$0x4] =	stream.indirect.gather [hbm4b:s4+s5], $0x20, s30, s5, $0xb8;
	[tilespmem:$0x10800] =	vst v63  }
0x232: {  	s12 =	simm.s32 $0x500;
	s25 =	simm.s32 $0xA800  }
0x233: {  	[tilespmem:s25], [sflag:$0x4] =	stream.indirect.gather [hbm4b:s4+s5], $0x20, s12, s5, $0xb8;
	[tilespmem:$0x10800] =	vst v63  }
0x234: {  	s3 =	simm.s32 $0x580;
	s28 =	simm.s32 $0xB800  }
0x235: {  	[tilespmem:s28], [sflag:$0x4] =	stream.indirect.gather [hbm4b:s4+s5], $0x20, s3, s5, $0xb8;
	[tilespmem:$0x10800] =	vst v63  }
0x236: {  	s22 =	simm.s32 $0x600;
	s15 =	simm.s32 $0xC800  }
0x237: {  	[tilespmem:s15], [sflag:$0x4] =	stream.indirect.gather [hbm4b:s4+s5], $0x20, s22, s5, $0xb8;
	[tilespmem:$0x10800] =	vst v63  }
0x238: {  	s23 =	simm.s32 $0x680;
	s25 =	simm.s32 $0xD800  }
0x239: {  	[tilespmem:s25], [sflag:$0x4] =	stream.indirect.gather [hbm4b:s4+s5], $0x20, s23, s5, $0xb8;
	[tilespmem:$0x10800] =	vst v63  }
0x23a: {  	s12 =	simm.s32 $0x700;
	s22 =	simm.s32 $0xE800  }
0x23b: {  	[tilespmem:s22], [sflag:$0x4] =	stream.indirect.gather [hbm4b:s4+s5], $0x20, s12, s5, $0xb8;
	[tilespmem:$0x10800] =	vst v63  }
0x23c: {  	s23 =	simm.s32 $0x780;
	s25 =	simm.s32 $0xF800  }
0x23d: {  	[tilespmem:s25], [sflag:$0x4] =	stream.indirect.gather [hbm4b:s4+s5], $0x20, s23, s5, $0xb8;
	[tilespmem:$0x10800] =	vst v63  }
0x23e: {  	_ =	swait.ge [sflag:s9], $0x1000  }
0x23f: {  	[sflag:s9] =	ssyncset.done $0x0  }
0x240: {  	[sflag:s9] =	ssyncadd.s32 $0xFFFFF000  }
0x241: {  	_ =	swait.ge [sflag:s9], $0x1000  }
0x242: {  	[sflag:s9] =	ssyncset.done $0x0  }
0x243: {  	[sflag:s9] =	ssyncadd.s32 $0xFFFFF000  }
0x244: {  	_ =	swait.ge [sflag:s9], $0x1000  }
0x245: {  	[sflag:s9] =	ssyncset.done $0x0  }
0x246: {  	[sflag:s9] =	ssyncadd.s32 $0xFFFFF000  }
0x247: {  	_ =	swait.ge [sflag:s9], $0x1000  }
0x248: {  	[sflag:s9] =	ssyncset.done $0x0  }
0x249: {  	[sflag:s9] =	ssyncadd.s32 $0xFFFFF000  }
0x24a: {  	_ =	swait.ge [sflag:s9], $0x1000  }
0x24b: {  	[sflag:s9] =	ssyncset.done $0x0  }
0x24c: {  	[sflag:s9] =	ssyncadd.s32 $0xFFFFF000  }
0x24d: {  	_ =	swait.ge [sflag:s9], $0x1000  }
0x24e: {  	[sflag:s9] =	ssyncset.done $0x0  }
0x24f: {  	[sflag:s9] =	ssyncadd.s32 $0xFFFFF000  }
0x250: {  	_ =	swait.ge [sflag:s9], $0x1000  }
0x251: {  	[sflag:s9] =	ssyncset.done $0x0  }
0x252: {  	[sflag:s9] =	ssyncadd.s32 $0xFFFFF000  }
0x253: {  	_ =	swait.ge [sflag:s9], $0x1000  }
0x254: {  	[sflag:s9] =	ssyncset.done $0x0  }
0x255: {  	s3 =	rddreg [dreg:$0xa];
	[sflag:s9] =	ssyncadd.s32 $0xFFFFF000  }
0x256: {  	[hbm4b:s3+s2] =	stream.linear.scatter [tilespmem:s6], [sflag:$0x6], $0x8000, $0x38;
	[tilespmem:$0x10800] =	vst v63  }
0x257: {  	s12 =	rddreg [dreg:$0xb]  }
0x258: {  	[tilespmem:s10], [sflag:$0x2] =	stream.linear.gather [hbm4b:s12+s2], $0x400, $0x38;
	[tilespmem:$0x10800] =	vst v63  }
0x259: {  	_ =	swait.ge [sflag:s0], $0x400  }
0x25a: {  	[sflag:s0] =	ssyncset.done $0x0  }
0x25b: {  	[sflag:s0] =	ssyncadd.s32 $0xFFFFFC00  }
0x25c: {  	_ =	swait.ge [sflag:s11], $0x8000  }
0x25d: {  	[sflag:s11] =	ssyncset.done $0x0  }
0x25e: {  	[sflag:s11] =	ssyncadd.s32 $0xFFFF8000  }
0x25f: {  	[tilespmem:s7], [sflag:$0x3] =	stream.indirect.gather [hbm4b:s4+s5], $0x20, s2, s5, $0xb8;
	[tilespmem:$0x10800] =	vst v63  }
0x260: {  	_ = 	snop  }
0x261: {  	[tilespmem:s19], [sflag:$0x3] =	stream.indirect.gather [hbm4b:s4+s5], $0x20, s5, s5, $0xb8;
	[tilespmem:$0x10800] =	vst v63  }
0x262: {  	s25 =	simm.s32 $0x100;
	s23 =	simm.s32 $0x2800  }
0x263: {  	[tilespmem:s23], [sflag:$0x3] =	stream.indirect.gather [hbm4b:s4+s5], $0x20, s25, s5, $0xb8;
	[tilespmem:$0x10800] =	vst v63  }
0x264: {  	_ = 	snop  }
0x265: {  	[tilespmem:s31], [sflag:$0x3] =	stream.indirect.gather [hbm4b:s4+s5], $0x20, s24, s5, $0xb8;
	[tilespmem:$0x10800] =	vst v63  }
0x266: {  	s3 =	simm.s32 $0x4800  }
0x267: {  	[tilespmem:s3], [sflag:$0x3] =	stream.indirect.gather [hbm4b:s4+s5], $0x20, s26, s5, $0xb8;
	[tilespmem:$0x10800] =	vst v63  }
0x268: {  	s16 =	simm.s32 $0x280;
	s12 =	simm.s32 $0x5800  }
0x269: {  	[tilespmem:s12], [sflag:$0x3] =	stream.indirect.gather [hbm4b:s4+s5], $0x20, s16, s5, $0xb8;
	[tilespmem:$0x10800] =	vst v63  }
0x26a: {  	s18 =	simm.s32 $0x300;
	s16 =	simm.s32 $0x6800  }
0x26b: {  	[tilespmem:s16], [sflag:$0x3] =	stream.indirect.gather [hbm4b:s4+s5], $0x20, s18, s5, $0xb8;
	[tilespmem:$0x10800] =	vst v63  }
0x26c: {  	s20 =	simm.s32 $0x380;
	s14 =	simm.s32 $0x7800  }
0x26d: {  	[tilespmem:s14], [sflag:$0x3] =	stream.indirect.gather [hbm4b:s4+s5], $0x20, s20, s5, $0xb8;
	[tilespmem:$0x10800] =	vst v63  }
0x26e: {  	_ =	swait.ge [sflag:s17], $0x1000  }
0x26f: {  	[sflag:s17] =	ssyncset.done $0x0  }
0x270: {  	[sflag:s17] =	ssyncadd.s32 $0xFFFFF000  }
0x271: {  	_ =	swait.ge [sflag:s17], $0x1000  }
0x272: {  	[sflag:s17] =	ssyncset.done $0x0  }
0x273: {  	[sflag:s17] =	ssyncadd.s32 $0xFFFFF000  }
0x274: {  	_ =	swait.ge [sflag:s17], $0x1000  }
0x275: {  	[sflag:s17] =	ssyncset.done $0x0  }
0x276: {  	[sflag:s17] =	ssyncadd.s32 $0xFFFFF000  }
0x277: {  	_ =	swait.ge [sflag:s17], $0x1000  }
0x278: {  	[sflag:s17] =	ssyncset.done $0x0  }
0x279: {  	[sflag:s17] =	ssyncadd.s32 $0xFFFFF000  }
0x27a: {  	_ =	swait.ge [sflag:s17], $0x1000  }
0x27b: {  	[sflag:s17] =	ssyncset.done $0x0  }
0x27c: {  	[sflag:s17] =	ssyncadd.s32 $0xFFFFF000  }
0x27d: {  	_ =	swait.ge [sflag:s17], $0x1000  }
0x27e: {  	[sflag:s17] =	ssyncset.done $0x0  }
0x27f: {  	[sflag:s17] =	ssyncadd.s32 $0xFFFFF000  }
0x280: {  	_ =	swait.ge [sflag:s17], $0x1000  }
0x281: {  	[sflag:s17] =	ssyncset.done $0x0  }
0x282: {  	[sflag:s17] =	ssyncadd.s32 $0xFFFFF000  }
0x283: {  	_ =	swait.ge [sflag:s17], $0x1000  }
0x284: {  	[sflag:s17] =	ssyncset.done $0x0  }
0x285: {  	s19 =	rddreg [dreg:$0xc];
	[sflag:s17] =	ssyncadd.s32 $0xFFFFF000  }
0x286: {  	[hbm4b:s19+s2] =	stream.linear.scatter [tilespmem:s7], [sflag:$0x5], $0x8000, $0x38;
	[tilespmem:$0x10800] =	vst v63  }
0x287: {  	s20 =	rddreg [dreg:$0xd]  }
0x288: {  	[tilespmem:s2], [sflag:$0x1] =	stream.linear.gather [hbm4b:s20+s2], $0x400, $0x38;
	[tilespmem:$0x10800] =	vst v63  }
0x289: {  	_ =	swait.ge [sflag:s1], $0x400  }
0x28a: {  	[sflag:s1] =	ssyncset.done $0x0  }
0x28b: {  	[sflag:s1] =	ssyncadd.s32 $0xFFFFFC00  }
0x28c: {  	_ =	swait.ge [sflag:s8], $0x8000  }
0x28d: {  	[sflag:s8] =	ssyncset.done $0x0  }
0x28e: {  	[sflag:s8] =	ssyncadd.s32 $0xFFFF8000  }
0x28f: {  	[tilespmem:s6], [sflag:$0x4] =	stream.indirect.gather [hbm4b:s4+s5], $0x20, s10, s5, $0xb8;
	[tilespmem:$0x10800] =	vst v63  }
0x290: {  	s13 =	simm.s32 $0x480;
	s23 =	simm.s32 $0x9800  }
0x291: {  	[tilespmem:s23], [sflag:$0x4] =	stream.indirect.gather [hbm4b:s4+s5], $0x20, s13, s5, $0xb8;
	[tilespmem:$0x10800] =	vst v63  }
0x292: {  	s29 =	simm.s32 $0xA800;
	s30 =	simm.s32 $0x500  }
0x293: {  	[tilespmem:s29], [sflag:$0x4] =	stream.indirect.gather [hbm4b:s4+s5], $0x20, s30, s5, $0xb8;
	[tilespmem:$0x10800] =	vst v63  }
0x294: {  	s28 =	simm.s32 $0x580;
	s3 =	simm.s32 $0xB800  }
0x295: {  	[tilespmem:s3], [sflag:$0x4] =	stream.indirect.gather [hbm4b:s4+s5], $0x20, s28, s5, $0xb8;
	[tilespmem:$0x10800] =	vst v63  }
0x296: {  	s15 =	simm.s32 $0xC800;
	s12 =	simm.s32 $0x600  }
0x297: {  	[tilespmem:s15], [sflag:$0x4] =	stream.indirect.gather [hbm4b:s4+s5], $0x20, s12, s5, $0xb8;
	[tilespmem:$0x10800] =	vst v63  }
0x298: {  	s14 =	simm.s32 $0xD800;
	s13 =	simm.s32 $0x680  }
0x299: {  	[tilespmem:s14], [sflag:$0x4] =	stream.indirect.gather [hbm4b:s4+s5], $0x20, s13, s5, $0xb8;
	[tilespmem:$0x10800] =	vst v63  }
0x29a: {  	s16 =	simm.s32 $0xE800;
	s15 =	simm.s32 $0x700  }
0x29b: {  	[tilespmem:s16], [sflag:$0x4] =	stream.indirect.gather [hbm4b:s4+s5], $0x20, s15, s5, $0xb8;
	[tilespmem:$0x10800] =	vst v63  }
0x29c: {  	s22 =	simm.s32 $0xF800;
	s18 =	simm.s32 $0x780  }
0x29d: {  	[tilespmem:s22], [sflag:$0x4] =	stream.indirect.gather [hbm4b:s4+s5], $0x20, s18, s5, $0xb8;
	[tilespmem:$0x10800] =	vst v63  }
0x29e: {  	_ =	swait.ge [sflag:s9], $0x1000  }
0x29f: {  	[sflag:s9] =	ssyncset.done $0x0  }
0x2a0: {  	[sflag:s9] =	ssyncadd.s32 $0xFFFFF000  }
0x2a1: {  	_ =	swait.ge [sflag:s9], $0x1000  }
0x2a2: {  	[sflag:s9] =	ssyncset.done $0x0  }
0x2a3: {  	[sflag:s9] =	ssyncadd.s32 $0xFFFFF000  }
0x2a4: {  	_ =	swait.ge [sflag:s9], $0x1000  }
0x2a5: {  	[sflag:s9] =	ssyncset.done $0x0  }
0x2a6: {  	[sflag:s9] =	ssyncadd.s32 $0xFFFFF000  }
0x2a7: {  	_ =	swait.ge [sflag:s9], $0x1000  }
0x2a8: {  	[sflag:s9] =	ssyncset.done $0x0  }
0x2a9: {  	[sflag:s9] =	ssyncadd.s32 $0xFFFFF000  }
0x2aa: {  	_ =	swait.ge [sflag:s9], $0x1000  }
0x2ab: {  	[sflag:s9] =	ssyncset.done $0x0  }
0x2ac: {  	[sflag:s9] =	ssyncadd.s32 $0xFFFFF000  }
0x2ad: {  	_ =	swait.ge [sflag:s9], $0x1000  }
0x2ae: {  	[sflag:s9] =	ssyncset.done $0x0  }
0x2af: {  	[sflag:s9] =	ssyncadd.s32 $0xFFFFF000  }
0x2b0: {  	_ =	swait.ge [sflag:s9], $0x1000  }
0x2b1: {  	[sflag:s9] =	ssyncset.done $0x0  }
0x2b2: {  	[sflag:s9] =	ssyncadd.s32 $0xFFFFF000  }
0x2b3: {  	_ =	swait.ge [sflag:s9], $0x1000  }
0x2b4: {  	[sflag:s9] =	ssyncset.done $0x0  }
0x2b5: {  	s23 =	rddreg [dreg:$0xe];
	[sflag:s9] =	ssyncadd.s32 $0xFFFFF000  }
0x2b6: {  	[hbm4b:s23+s2] =	stream.linear.scatter [tilespmem:s6], [sflag:$0x6], $0x8000, $0x38;
	[tilespmem:$0x10800] =	vst v63  }
0x2b7: {  	s1 =	simm.s32 $0x1;
	s0 =	rddreg [dreg:$0xf]  }
0x2b8: {  	[tilespmem:s10], [sflag:$0x2] =	stream.linear.gather [hbm4b:s0+s2], $0x400, $0x38;
	[tilespmem:$0x10800] =	vst v63  }
0x2b9: {  	_ =	swait.ge [sflag:s1], $0x400  }
0x2ba: {  	[sflag:s1] =	ssyncset.done $0x0  }
0x2bb: {  	[sflag:s1] =	ssyncadd.s32 $0xFFFFFC00  }
0x2bc: {  	_ =	swait.ge [sflag:s11], $0x8000  }
0x2bd: {  	[sflag:s11] =	ssyncset.done $0x0  }
0x2be: {  	[sflag:s11] =	ssyncadd.s32 $0xFFFF8000  }
0x2bf: {  	[tilespmem:s7], [sflag:$0x3] =	stream.indirect.gather [hbm4b:s4+s5], $0x20, s2, s5, $0xb8;
	[tilespmem:$0x10800] =	vst v63  }
0x2c0: {  	s23 =	simm.s32 $0x1800  }
0x2c1: {  	[tilespmem:s23], [sflag:$0x3] =	stream.indirect.gather [hbm4b:s4+s5], $0x20, s5, s5, $0xb8;
	[tilespmem:$0x10800] =	vst v63  }
0x2c2: {  	s3 =	simm.s32 $0x2800  }
0x2c3: {  	[tilespmem:s3], [sflag:$0x3] =	stream.indirect.gather [hbm4b:s4+s5], $0x20, s25, s5, $0xb8;
	[tilespmem:$0x10800] =	vst v63  }
0x2c4: {  	_ = 	snop  }
0x2c5: {  	[tilespmem:s31], [sflag:$0x3] =	stream.indirect.gather [hbm4b:s4+s5], $0x20, s24, s5, $0xb8;
	[tilespmem:$0x10800] =	vst v63  }
0x2c6: {  	s7 =	simm.s32 $0x4800  }
0x2c7: {  	[tilespmem:s7], [sflag:$0x3] =	stream.indirect.gather [hbm4b:s4+s5], $0x20, s26, s5, $0xb8;
	[tilespmem:$0x10800] =	vst v63  }
0x2c8: {  	s22 =	simm.s32 $0x280;
	s25 =	simm.s32 $0x5800  }
0x2c9: {  	[tilespmem:s25], [sflag:$0x3] =	stream.indirect.gather [hbm4b:s4+s5], $0x20, s22, s5, $0xb8;
	[tilespmem:$0x10800] =	vst v63  }
0x2ca: {  	s3 =	simm.s32 $0x300;
	s7 =	simm.s32 $0x6800  }
0x2cb: {  	[tilespmem:s7], [sflag:$0x3] =	stream.indirect.gather [hbm4b:s4+s5], $0x20, s3, s5, $0xb8;
	[tilespmem:$0x10800] =	vst v63  }
0x2cc: {  	s22 =	simm.s32 $0x380;
	s25 =	simm.s32 $0x7800  }
0x2cd: {  	[tilespmem:s25], [sflag:$0x3] =	stream.indirect.gather [hbm4b:s4+s5], $0x20, s22, s5, $0xb8;
	[tilespmem:$0x10800] =	vst v63  }
0x2ce: {  	_ =	swait.ge [sflag:s17], $0x1000  }
0x2cf: {  	[sflag:s17] =	ssyncset.done $0x0  }
0x2d0: {  	[sflag:s17] =	ssyncadd.s32 $0xFFFFF000  }
0x2d1: {  	_ =	swait.ge [sflag:s17], $0x1000  }
0x2d2: {  	[sflag:s17] =	ssyncset.done $0x0  }
0x2d3: {  	[sflag:s17] =	ssyncadd.s32 $0xFFFFF000  }
0x2d4: {  	_ =	swait.ge [sflag:s17], $0x1000  }
0x2d5: {  	[sflag:s17] =	ssyncset.done $0x0  }
0x2d6: {  	[sflag:s17] =	ssyncadd.s32 $0xFFFFF000  }
0x2d7: {  	_ =	swait.ge [sflag:s17], $0x1000  }
0x2d8: {  	[sflag:s17] =	ssyncset.done $0x0  }
0x2d9: {  	[sflag:s17] =	ssyncadd.s32 $0xFFFFF000  }
0x2da: {  	_ =	swait.ge [sflag:s17], $0x1000  }
0x2db: {  	[sflag:s17] =	ssyncset.done $0x0  }
0x2dc: {  	[sflag:s17] =	ssyncadd.s32 $0xFFFFF000  }
0x2dd: {  	_ =	swait.ge [sflag:s17], $0x1000  }
0x2de: {  	[sflag:s17] =	ssyncset.done $0x0  }
0x2df: {  	[sflag:s17] =	ssyncadd.s32 $0xFFFFF000  }
0x2e0: {  	_ =	swait.ge [sflag:s17], $0x1000  }
0x2e1: {  	[sflag:s17] =	ssyncset.done $0x0  }
0x2e2: {  	[sflag:s17] =	ssyncadd.s32 $0xFFFFF000  }
0x2e3: {  	_ =	swait.ge [sflag:s17], $0x1000  }
0x2e4: {  	s0 =	simm.s32 $0x800;
	[sflag:s17] =	ssyncset.done $0x0  }
0x2e5: {  	s11 =	simm.s32 $0x2;
	s3 =	rddreg [dreg:$0x10];
	[sflag:s17] =	ssyncadd.s32 $0xFFFFF000  }
0x2e6: {  	[hbm4b:s3+s2] =	stream.linear.scatter [tilespmem:s0], [sflag:$0x5], $0x8000, $0x38;
	[tilespmem:$0x10800] =	vst v63  }
0x2e7: {  	_ =	swait.ge [sflag:s11], $0x400  }
0x2e8: {  	[sflag:s11] =	ssyncset.done $0x0  }
0x2e9: {  	[sflag:s11] =	ssyncadd.s32 $0xFFFFFC00  }
0x2ea: {  	_ =	swait.ge [sflag:s8], $0x8000  }
0x2eb: {  	[sflag:s8] =	ssyncset.done $0x0  }
0x2ec: {  	[sflag:s8] =	ssyncadd.s32 $0xFFFF8000  }
0x2ed: {  	[tilespmem:s6], [sflag:$0x4] =	stream.indirect.gather [hbm4b:s4+s5], $0x20, s10, s5, $0xb8;
	[tilespmem:$0x10800] =	vst v63  }
0x2ee: {  	s7 =	simm.s32 $0x480;
	s22 =	simm.s32 $0x9800  }
0x2ef: {  	[tilespmem:s22], [sflag:$0x4] =	stream.indirect.gather [hbm4b:s4+s5], $0x20, s7, s5, $0xb8;
	[tilespmem:$0x10800] =	vst v63  }
0x2f0: {  	s30 =	simm.s32 $0xA800;
	s25 =	simm.s32 $0x500  }
0x2f1: {  	[tilespmem:s30], [sflag:$0x4] =	stream.indirect.gather [hbm4b:s4+s5], $0x20, s25, s5, $0xb8;
	[tilespmem:$0x10800] =	vst v63  }
0x2f2: {  	s20 =	simm.s32 $0x580;
	s29 =	simm.s32 $0xB800  }
0x2f3: {  	[tilespmem:s29], [sflag:$0x4] =	stream.indirect.gather [hbm4b:s4+s5], $0x20, s20, s5, $0xb8;
	[tilespmem:$0x10800] =	vst v63  }
0x2f4: {  	s19 =	simm.s32 $0xC800;
	s28 =	simm.s32 $0x600  }
0x2f5: {  	[tilespmem:s19], [sflag:$0x4] =	stream.indirect.gather [hbm4b:s4+s5], $0x20, s28, s5, $0xb8;
	[tilespmem:$0x10800] =	vst v63  }
0x2f6: {  	s12 =	simm.s32 $0x680;
	s13 =	simm.s32 $0xD800  }
0x2f7: {  	[tilespmem:s13], [sflag:$0x4] =	stream.indirect.gather [hbm4b:s4+s5], $0x20, s12, s5, $0xb8;
	[tilespmem:$0x10800] =	vst v63  }
0x2f8: {  	s14 =	simm.s32 $0x700;
	s15 =	simm.s32 $0xE800  }
0x2f9: {  	[tilespmem:s15], [sflag:$0x4] =	stream.indirect.gather [hbm4b:s4+s5], $0x20, s14, s5, $0xb8;
	[tilespmem:$0x10800] =	vst v63  }
0x2fa: {  	s16 =	simm.s32 $0x780;
	s18 =	simm.s32 $0xF800  }
0x2fb: {  	[tilespmem:s18], [sflag:$0x4] =	stream.indirect.gather [hbm4b:s4+s5], $0x20, s16, s5, $0xb8;
	[tilespmem:$0x10800] =	vst v63  }
0x2fc: {  	_ =	swait.ge [sflag:s9], $0x1000  }
0x2fd: {  	[sflag:s9] =	ssyncset.done $0x0  }
0x2fe: {  	[sflag:s9] =	ssyncadd.s32 $0xFFFFF000  }
0x2ff: {  	_ =	swait.ge [sflag:s9], $0x1000  }
0x300: {  	[sflag:s9] =	ssyncset.done $0x0  }
0x301: {  	[sflag:s9] =	ssyncadd.s32 $0xFFFFF000  }
0x302: {  	_ =	swait.ge [sflag:s9], $0x1000  }
0x303: {  	[sflag:s9] =	ssyncset.done $0x0  }
0x304: {  	[sflag:s9] =	ssyncadd.s32 $0xFFFFF000  }
0x305: {  	_ =	swait.ge [sflag:s9], $0x1000  }
0x306: {  	[sflag:s9] =	ssyncset.done $0x0  }
0x307: {  	[sflag:s9] =	ssyncadd.s32 $0xFFFFF000  }
0x308: {  	_ =	swait.ge [sflag:s9], $0x1000  }
0x309: {  	[sflag:s9] =	ssyncset.done $0x0  }
0x30a: {  	[sflag:s9] =	ssyncadd.s32 $0xFFFFF000  }
0x30b: {  	_ =	swait.ge [sflag:s9], $0x1000  }
0x30c: {  	[sflag:s9] =	ssyncset.done $0x0  }
0x30d: {  	[sflag:s9] =	ssyncadd.s32 $0xFFFFF000  }
0x30e: {  	_ =	swait.ge [sflag:s9], $0x1000  }
0x30f: {  	[sflag:s9] =	ssyncset.done $0x0  }
0x310: {  	[sflag:s9] =	ssyncadd.s32 $0xFFFFF000  }
0x311: {  	_ =	swait.ge [sflag:s9], $0x1000  }
0x312: {  	p1 =	sne.s32 s21, $0x1;
	s3 =	simm.s32 $0x8800;
	[sflag:s9] =	ssyncset.done $0x0  }
0x313: {  	s10 =	simm.s32 $0x5;
	s30 =	rddreg [dreg:$0x11];
	[sflag:s9] =	ssyncadd.s32 $0xFFFFF000  }
0x314: {  	[hbm4b:s30+s2] =	stream.linear.scatter [tilespmem:s3], [sflag:$0x6], $0x8000, $0x38;
	[tilespmem:$0x10800] =	vst v63  }
.Ltmp2:
0x315: {  	_ =	swait.ge [sflag:s10], $0x8000;
	(pc) =	sbr.rel @p1 .LBB2_4-.Ltmp2, $4  }
0x316: {  	[sflag:s10] =	ssyncset.done $0x0  }
0x317: {  	s8 =	simm.s32 $0x6;
	[sflag:s10] =	ssyncadd.s32 $0xFFFF8000  }
0x318: {  	s21 =	sadd.s32 $0xFFFFFFFF, s21;
	_ =	swait.ge [sflag:s8], $0x8000  }
0x319: {  	s6 =	simm.s32 $0x400;
	s22 =	rddreg [dreg:$0x3];
	[sflag:s8] =	ssyncset.done $0x0  }
0x31a: {  	s20 =	rddreg [dreg:$0x12]  }
.LBB2_6:
0x31b: {  	[sflag:s8] =	ssyncadd.s32 @p0 $0xFFFF8000  }
0x31c: {  	[tilespmem:s2], [sflag:$0x1] =	stream.linear.gather [hbm4b:s22+s2], $0x400, $0x38;
	[tilespmem:$0x10800] =	vst v63  }
0x31d: {  	s21 =	rddreg [dreg:$0x4]  }
0x31e: {  	[tilespmem:s6], [sflag:$0x2] =	stream.linear.gather [hbm4b:s21+s2], $0x400, $0x38;
	[tilespmem:$0x10800] =	vst v63  }
0x31f: {  	_ =	swait.ge [sflag:s1], $0x400  }
0x320: {  	[sflag:s1] =	ssyncset.done $0x0  }
0x321: {  	[sflag:s1] =	ssyncadd.s32 $0xFFFFFC00  }
0x322: {  	[tilespmem:s0], [sflag:$0x3] =	stream.indirect.gather [hbm4b:s4+s5], $0x20, s2, s5, $0xb8;
	[tilespmem:$0x10800] =	vst v63  }
0x323: {  	_ = 	snop  }
0x324: {  	[tilespmem:s23], [sflag:$0x3] =	stream.indirect.gather [hbm4b:s4+s5], $0x20, s5, s5, $0xb8;
	[tilespmem:$0x10800] =	vst v63  }
0x325: {  	s7 =	simm.s32 $0x100;
	s22 =	simm.s32 $0x2800  }
0x326: {  	[tilespmem:s22], [sflag:$0x3] =	stream.indirect.gather [hbm4b:s4+s5], $0x20, s7, s5, $0xb8;
	[tilespmem:$0x10800] =	vst v63  }
0x327: {  	_ = 	snop  }
0x328: {  	[tilespmem:s31], [sflag:$0x3] =	stream.indirect.gather [hbm4b:s4+s5], $0x20, s24, s5, $0xb8;
	[tilespmem:$0x10800] =	vst v63  }
0x329: {  	s23 =	simm.s32 $0x4800  }
0x32a: {  	[tilespmem:s23], [sflag:$0x3] =	stream.indirect.gather [hbm4b:s4+s5], $0x20, s26, s5, $0xb8;
	[tilespmem:$0x10800] =	vst v63  }
0x32b: {  	s25 =	simm.s32 $0x5800;
	s24 =	simm.s32 $0x280  }
0x32c: {  	[tilespmem:s25], [sflag:$0x3] =	stream.indirect.gather [hbm4b:s4+s5], $0x20, s24, s5, $0xb8;
	[tilespmem:$0x10800] =	vst v63  }
0x32d: {  	s28 =	simm.s32 $0x6800;
	s26 =	simm.s32 $0x300  }
0x32e: {  	[tilespmem:s28], [sflag:$0x3] =	stream.indirect.gather [hbm4b:s4+s5], $0x20, s26, s5, $0xb8;
	[tilespmem:$0x10800] =	vst v63  }
0x32f: {  	s29 =	simm.s32 $0x380;
	s30 =	simm.s32 $0x7800  }
0x330: {  	[tilespmem:s30], [sflag:$0x3] =	stream.indirect.gather [hbm4b:s4+s5], $0x20, s29, s5, $0xb8;
	[tilespmem:$0x10800] =	vst v63  }
0x331: {  	_ =	swait.ge [sflag:s17], $0x1000  }
0x332: {  	[sflag:s17] =	ssyncset.done $0x0  }
0x333: {  	[sflag:s17] =	ssyncadd.s32 $0xFFFFF000  }
0x334: {  	_ =	swait.ge [sflag:s17], $0x1000  }
0x335: {  	[sflag:s17] =	ssyncset.done $0x0  }
0x336: {  	[sflag:s17] =	ssyncadd.s32 $0xFFFFF000  }
0x337: {  	_ =	swait.ge [sflag:s17], $0x1000  }
0x338: {  	[sflag:s17] =	ssyncset.done $0x0  }
0x339: {  	[sflag:s17] =	ssyncadd.s32 $0xFFFFF000  }
0x33a: {  	_ =	swait.ge [sflag:s17], $0x1000  }
0x33b: {  	[sflag:s17] =	ssyncset.done $0x0  }
0x33c: {  	[sflag:s17] =	ssyncadd.s32 $0xFFFFF000  }
0x33d: {  	_ =	swait.ge [sflag:s17], $0x1000  }
0x33e: {  	[sflag:s17] =	ssyncset.done $0x0  }
0x33f: {  	[sflag:s17] =	ssyncadd.s32 $0xFFFFF000  }
0x340: {  	_ =	swait.ge [sflag:s17], $0x1000  }
0x341: {  	[sflag:s17] =	ssyncset.done $0x0  }
0x342: {  	[sflag:s17] =	ssyncadd.s32 $0xFFFFF000  }
0x343: {  	_ =	swait.ge [sflag:s17], $0x1000  }
0x344: {  	[sflag:s17] =	ssyncset.done $0x0  }
0x345: {  	[sflag:s17] =	ssyncadd.s32 $0xFFFFF000  }
0x346: {  	_ =	swait.ge [sflag:s17], $0x1000  }
0x347: {  	[sflag:s17] =	ssyncset.done $0x0  }
0x348: {  	s23 =	simm.s32 $0x800;
	[sflag:s17] =	ssyncadd.s32 $0xFFFFF000  }
0x349: {  	[hbm4b:s20+s2] =	stream.linear.scatter [tilespmem:s23], [sflag:$0x5], $0x8000, $0x38;
	[tilespmem:$0x10800] =	vst v63  }
0x34a: {  	s31 =	rddreg [dreg:$0x5]  }
0x34b: {  	[tilespmem:s2], [sflag:$0x1] =	stream.linear.gather [hbm4b:s31+s2], $0x400, $0x38;
	[tilespmem:$0x10800] =	vst v63  }
0x34c: {  	_ =	swait.ge [sflag:s11], $0x400  }
0x34d: {  	[sflag:s11] =	ssyncset.done $0x0  }
0x34e: {  	[sflag:s11] =	ssyncadd.s32 $0xFFFFFC00  }
0x34f: {  	[tilespmem:s3], [sflag:$0x4] =	stream.indirect.gather [hbm4b:s4+s5], $0x20, s6, s5, $0xb8;
	[tilespmem:$0x10800] =	vst v63  }
0x350: {  	s15 =	simm.s32 $0x9800;
	s0 =	simm.s32 $0x480  }
0x351: {  	[tilespmem:s15], [sflag:$0x4] =	stream.indirect.gather [hbm4b:s4+s5], $0x20, s0, s5, $0xb8;
	[tilespmem:$0x10800] =	vst v63  }
0x352: {  	s16 =	simm.s32 $0x500;
	s18 =	simm.s32 $0xA800  }
0x353: {  	[tilespmem:s18], [sflag:$0x4] =	stream.indirect.gather [hbm4b:s4+s5], $0x20, s16, s5, $0xb8;
	[tilespmem:$0x10800] =	vst v63  }
0x354: {  	s19 =	simm.s32 $0x580;
	s20 =	simm.s32 $0xB800  }
0x355: {  	[tilespmem:s20], [sflag:$0x4] =	stream.indirect.gather [hbm4b:s4+s5], $0x20, s19, s5, $0xb8;
	[tilespmem:$0x10800] =	vst v63  }
0x356: {  	s22 =	simm.s32 $0x600;
	s24 =	simm.s32 $0xC800  }
0x357: {  	[tilespmem:s24], [sflag:$0x4] =	stream.indirect.gather [hbm4b:s4+s5], $0x20, s22, s5, $0xb8;
	[tilespmem:$0x10800] =	vst v63  }
0x358: {  	s25 =	simm.s32 $0x680;
	s26 =	simm.s32 $0xD800  }
0x359: {  	[tilespmem:s26], [sflag:$0x4] =	stream.indirect.gather [hbm4b:s4+s5], $0x20, s25, s5, $0xb8;
	[tilespmem:$0x10800] =	vst v63  }
0x35a: {  	s0 =	simm.s32 $0x700;
	s18 =	simm.s32 $0xE800  }
0x35b: {  	[tilespmem:s18], [sflag:$0x4] =	stream.indirect.gather [hbm4b:s4+s5], $0x20, s0, s5, $0xb8;
	[tilespmem:$0x10800] =	vst v63  }
0x35c: {  	s19 =	simm.s32 $0x780;
	s20 =	simm.s32 $0xF800  }
0x35d: {  	[tilespmem:s20], [sflag:$0x4] =	stream.indirect.gather [hbm4b:s4+s5], $0x20, s19, s5, $0xb8;
	[tilespmem:$0x10800] =	vst v63  }
0x35e: {  	_ =	swait.ge [sflag:s9], $0x1000  }
0x35f: {  	[sflag:s9] =	ssyncset.done $0x0  }
0x360: {  	[sflag:s9] =	ssyncadd.s32 $0xFFFFF000  }
0x361: {  	_ =	swait.ge [sflag:s9], $0x1000  }
0x362: {  	[sflag:s9] =	ssyncset.done $0x0  }
0x363: {  	[sflag:s9] =	ssyncadd.s32 $0xFFFFF000  }
0x364: {  	_ =	swait.ge [sflag:s9], $0x1000  }
0x365: {  	[sflag:s9] =	ssyncset.done $0x0  }
0x366: {  	[sflag:s9] =	ssyncadd.s32 $0xFFFFF000  }
0x367: {  	_ =	swait.ge [sflag:s9], $0x1000  }
0x368: {  	[sflag:s9] =	ssyncset.done $0x0  }
0x369: {  	[sflag:s9] =	ssyncadd.s32 $0xFFFFF000  }
0x36a: {  	_ =	swait.ge [sflag:s9], $0x1000  }
0x36b: {  	[sflag:s9] =	ssyncset.done $0x0  }
0x36c: {  	[sflag:s9] =	ssyncadd.s32 $0xFFFFF000  }
0x36d: {  	_ =	swait.ge [sflag:s9], $0x1000  }
0x36e: {  	[sflag:s9] =	ssyncset.done $0x0  }
0x36f: {  	[sflag:s9] =	ssyncadd.s32 $0xFFFFF000  }
0x370: {  	_ =	swait.ge [sflag:s9], $0x1000  }
0x371: {  	[sflag:s9] =	ssyncset.done $0x0  }
0x372: {  	[sflag:s9] =	ssyncadd.s32 $0xFFFFF000  }
0x373: {  	_ =	swait.ge [sflag:s9], $0x1000  }
0x374: {  	[sflag:s9] =	ssyncset.done $0x0  }
0x375: {  	s22 =	rddreg [dreg:$0x6];
	[sflag:s9] =	ssyncadd.s32 $0xFFFFF000  }
0x376: {  	[hbm4b:s22+s2] =	stream.linear.scatter [tilespmem:s3], [sflag:$0x6], $0x8000, $0x38;
	[tilespmem:$0x10800] =	vst v63  }
0x377: {  	s18 =	rddreg [dreg:$0x7]  }
0x378: {  	[tilespmem:s6], [sflag:$0x2] =	stream.linear.gather [hbm4b:s18+s2], $0x400, $0x38;
	[tilespmem:$0x10800] =	vst v63  }
0x379: {  	_ =	swait.ge [sflag:s1], $0x400  }
0x37a: {  	[sflag:s1] =	ssyncset.done $0x0  }
0x37b: {  	[sflag:s1] =	ssyncadd.s32 $0xFFFFFC00  }
0x37c: {  	_ =	swait.ge [sflag:s10], $0x8000  }
0x37d: {  	[sflag:s10] =	ssyncset.done $0x0  }
0x37e: {  	[sflag:s10] =	ssyncadd.s32 $0xFFFF8000  }
0x37f: {  	[tilespmem:s23], [sflag:$0x3] =	stream.indirect.gather [hbm4b:s4+s5], $0x20, s2, s5, $0xb8;
	[tilespmem:$0x10800] =	vst v63  }
0x380: {  	s16 =	simm.s32 $0x1800  }
0x381: {  	[tilespmem:s16], [sflag:$0x3] =	stream.indirect.gather [hbm4b:s4+s5], $0x20, s5, s5, $0xb8;
	[tilespmem:$0x10800] =	vst v63  }
0x382: {  	s13 =	simm.s32 $0x100;
	s12 =	simm.s32 $0x2800  }
0x383: {  	[tilespmem:s12], [sflag:$0x3] =	stream.indirect.gather [hbm4b:s4+s5], $0x20, s13, s5, $0xb8;
	[tilespmem:$0x10800] =	vst v63  }
0x384: {  	s14 =	simm.s32 $0x3800;
	s7 =	simm.s32 $0x180  }
0x385: {  	[tilespmem:s14], [sflag:$0x3] =	stream.indirect.gather [hbm4b:s4+s5], $0x20, s7, s5, $0xb8;
	[tilespmem:$0x10800] =	vst v63  }
0x386: {  	s15 =	simm.s32 $0x200;
	s16 =	simm.s32 $0x4800  }
0x387: {  	[tilespmem:s16], [sflag:$0x3] =	stream.indirect.gather [hbm4b:s4+s5], $0x20, s15, s5, $0xb8;
	[tilespmem:$0x10800] =	vst v63  }
0x388: {  	s13 =	simm.s32 $0x5800;
	s14 =	simm.s32 $0x280  }
0x389: {  	[tilespmem:s13], [sflag:$0x3] =	stream.indirect.gather [hbm4b:s4+s5], $0x20, s14, s5, $0xb8;
	[tilespmem:$0x10800] =	vst v63  }
0x38a: {  	s18 =	simm.s32 $0x300;
	s7 =	simm.s32 $0x6800  }
0x38b: {  	[tilespmem:s7], [sflag:$0x3] =	stream.indirect.gather [hbm4b:s4+s5], $0x20, s18, s5, $0xb8;
	[tilespmem:$0x10800] =	vst v63  }
0x38c: {  	s12 =	simm.s32 $0x7800;
	s15 =	simm.s32 $0x380  }
0x38d: {  	[tilespmem:s12], [sflag:$0x3] =	stream.indirect.gather [hbm4b:s4+s5], $0x20, s15, s5, $0xb8;
	[tilespmem:$0x10800] =	vst v63  }
0x38e: {  	_ =	swait.ge [sflag:s17], $0x1000  }
0x38f: {  	[sflag:s17] =	ssyncset.done $0x0  }
0x390: {  	[sflag:s17] =	ssyncadd.s32 $0xFFFFF000  }
0x391: {  	_ =	swait.ge [sflag:s17], $0x1000  }
0x392: {  	[sflag:s17] =	ssyncset.done $0x0  }
0x393: {  	[sflag:s17] =	ssyncadd.s32 $0xFFFFF000  }
0x394: {  	_ =	swait.ge [sflag:s17], $0x1000  }
0x395: {  	[sflag:s17] =	ssyncset.done $0x0  }
0x396: {  	[sflag:s17] =	ssyncadd.s32 $0xFFFFF000  }
0x397: {  	_ =	swait.ge [sflag:s17], $0x1000  }
0x398: {  	[sflag:s17] =	ssyncset.done $0x0  }
0x399: {  	[sflag:s17] =	ssyncadd.s32 $0xFFFFF000  }
0x39a: {  	_ =	swait.ge [sflag:s17], $0x1000  }
0x39b: {  	[sflag:s17] =	ssyncset.done $0x0  }
0x39c: {  	[sflag:s17] =	ssyncadd.s32 $0xFFFFF000  }
0x39d: {  	_ =	swait.ge [sflag:s17], $0x1000  }
0x39e: {  	[sflag:s17] =	ssyncset.done $0x0  }
0x39f: {  	[sflag:s17] =	ssyncadd.s32 $0xFFFFF000  }
0x3a0: {  	_ =	swait.ge [sflag:s17], $0x1000  }
0x3a1: {  	[sflag:s17] =	ssyncset.done $0x0  }
0x3a2: {  	[sflag:s17] =	ssyncadd.s32 $0xFFFFF000  }
0x3a3: {  	_ =	swait.ge [sflag:s17], $0x1000  }
0x3a4: {  	[sflag:s17] =	ssyncset.done $0x0  }
0x3a5: {  	s21 =	rddreg [dreg:$0x8];
	[sflag:s17] =	ssyncadd.s32 $0xFFFFF000  }
0x3a6: {  	[hbm4b:s21+s2] =	stream.linear.scatter [tilespmem:s23], [sflag:$0x5], $0x8000, $0x38;
	[tilespmem:$0x10800] =	vst v63  }
0x3a7: {  	s22 =	rddreg [dreg:$0x9]  }
0x3a8: {  	[tilespmem:s2], [sflag:$0x1] =	stream.linear.gather [hbm4b:s22+s2], $0x400, $0x38;
	[tilespmem:$0x10800] =	vst v63  }
0x3a9: {  	_ =	swait.ge [sflag:s11], $0x400  }
0x3aa: {  	[sflag:s11] =	ssyncset.done $0x0  }
0x3ab: {  	[sflag:s11] =	ssyncadd.s32 $0xFFFFFC00  }
0x3ac: {  	_ =	swait.ge [sflag:s8], $0x8000  }
0x3ad: {  	[sflag:s8] =	ssyncset.done $0x0  }
0x3ae: {  	[sflag:s8] =	ssyncadd.s32 $0xFFFF8000  }
0x3af: {  	[tilespmem:s3], [sflag:$0x4] =	stream.indirect.gather [hbm4b:s4+s5], $0x20, s6, s5, $0xb8;
	[tilespmem:$0x10800] =	vst v63  }
0x3b0: {  	s21 =	simm.s32 $0x9800;
	s22 =	simm.s32 $0x480  }
0x3b1: {  	[tilespmem:s21], [sflag:$0x4] =	stream.indirect.gather [hbm4b:s4+s5], $0x20, s22, s5, $0xb8;
	[tilespmem:$0x10800] =	vst v63  }
0x3b2: {  	s21 =	simm.s32 $0xA800;
	s22 =	simm.s32 $0x500  }
0x3b3: {  	[tilespmem:s21], [sflag:$0x4] =	stream.indirect.gather [hbm4b:s4+s5], $0x20, s22, s5, $0xb8;
	[tilespmem:$0x10800] =	vst v63  }
0x3b4: {  	s29 =	simm.s32 $0xB800;
	s31 =	simm.s32 $0x580  }
0x3b5: {  	[tilespmem:s29], [sflag:$0x4] =	stream.indirect.gather [hbm4b:s4+s5], $0x20, s31, s5, $0xb8;
	[tilespmem:$0x10800] =	vst v63  }
0x3b6: {  	s28 =	simm.s32 $0xC800;
	s30 =	simm.s32 $0x600  }
0x3b7: {  	[tilespmem:s28], [sflag:$0x4] =	stream.indirect.gather [hbm4b:s4+s5], $0x20, s30, s5, $0xb8;
	[tilespmem:$0x10800] =	vst v63  }
0x3b8: {  	s26 =	simm.s32 $0xD800;
	s25 =	simm.s32 $0x680  }
0x3b9: {  	[tilespmem:s26], [sflag:$0x4] =	stream.indirect.gather [hbm4b:s4+s5], $0x20, s25, s5, $0xb8;
	[tilespmem:$0x10800] =	vst v63  }
0x3ba: {  	s24 =	simm.s32 $0xE800;
	s0 =	simm.s32 $0x700  }
0x3bb: {  	[tilespmem:s24], [sflag:$0x4] =	stream.indirect.gather [hbm4b:s4+s5], $0x20, s0, s5, $0xb8;
	[tilespmem:$0x10800] =	vst v63  }
0x3bc: {  	s20 =	simm.s32 $0xF800;
	s19 =	simm.s32 $0x780  }
0x3bd: {  	[tilespmem:s20], [sflag:$0x4] =	stream.indirect.gather [hbm4b:s4+s5], $0x20, s19, s5, $0xb8;
	[tilespmem:$0x10800] =	vst v63  }
0x3be: {  	_ =	swait.ge [sflag:s9], $0x1000  }
0x3bf: {  	[sflag:s9] =	ssyncset.done $0x0  }
0x3c0: {  	[sflag:s9] =	ssyncadd.s32 $0xFFFFF000  }
0x3c1: {  	_ =	swait.ge [sflag:s9], $0x1000  }
0x3c2: {  	[sflag:s9] =	ssyncset.done $0x0  }
0x3c3: {  	[sflag:s9] =	ssyncadd.s32 $0xFFFFF000  }
0x3c4: {  	_ =	swait.ge [sflag:s9], $0x1000  }
0x3c5: {  	[sflag:s9] =	ssyncset.done $0x0  }
0x3c6: {  	[sflag:s9] =	ssyncadd.s32 $0xFFFFF000  }
0x3c7: {  	_ =	swait.ge [sflag:s9], $0x1000  }
0x3c8: {  	[sflag:s9] =	ssyncset.done $0x0  }
0x3c9: {  	[sflag:s9] =	ssyncadd.s32 $0xFFFFF000  }
0x3ca: {  	_ =	swait.ge [sflag:s9], $0x1000  }
0x3cb: {  	[sflag:s9] =	ssyncset.done $0x0  }
0x3cc: {  	[sflag:s9] =	ssyncadd.s32 $0xFFFFF000  }
0x3cd: {  	_ =	swait.ge [sflag:s9], $0x1000  }
0x3ce: {  	[sflag:s9] =	ssyncset.done $0x0  }
0x3cf: {  	[sflag:s9] =	ssyncadd.s32 $0xFFFFF000  }
0x3d0: {  	_ =	swait.ge [sflag:s9], $0x1000  }
0x3d1: {  	[sflag:s9] =	ssyncset.done $0x0  }
0x3d2: {  	[sflag:s9] =	ssyncadd.s32 $0xFFFFF000  }
0x3d3: {  	_ =	swait.ge [sflag:s9], $0x1000  }
0x3d4: {  	[sflag:s9] =	ssyncset.done $0x0  }
0x3d5: {  	s22 =	rddreg [dreg:$0xa];
	[sflag:s9] =	ssyncadd.s32 $0xFFFFF000  }
0x3d6: {  	[hbm4b:s22+s2] =	stream.linear.scatter [tilespmem:s3], [sflag:$0x6], $0x8000, $0x38;
	[tilespmem:$0x10800] =	vst v63  }
0x3d7: {  	s24 =	rddreg [dreg:$0xb]  }
0x3d8: {  	[tilespmem:s6], [sflag:$0x2] =	stream.linear.gather [hbm4b:s24+s2], $0x400, $0x38;
	[tilespmem:$0x10800] =	vst v63  }
0x3d9: {  	_ =	swait.ge [sflag:s1], $0x400  }
0x3da: {  	[sflag:s1] =	ssyncset.done $0x0  }
0x3db: {  	[sflag:s1] =	ssyncadd.s32 $0xFFFFFC00  }
0x3dc: {  	_ =	swait.ge [sflag:s10], $0x8000  }
0x3dd: {  	[sflag:s10] =	ssyncset.done $0x0  }
0x3de: {  	[sflag:s10] =	ssyncadd.s32 $0xFFFF8000  }
0x3df: {  	[tilespmem:s23], [sflag:$0x3] =	stream.indirect.gather [hbm4b:s4+s5], $0x20, s2, s5, $0xb8;
	[tilespmem:$0x10800] =	vst v63  }
0x3e0: {  	s25 =	simm.s32 $0x1800  }
0x3e1: {  	[tilespmem:s25], [sflag:$0x3] =	stream.indirect.gather [hbm4b:s4+s5], $0x20, s5, s5, $0xb8;
	[tilespmem:$0x10800] =	vst v63  }
0x3e2: {  	s28 =	simm.s32 $0x2800;
	s26 =	simm.s32 $0x100  }
0x3e3: {  	[tilespmem:s28], [sflag:$0x3] =	stream.indirect.gather [hbm4b:s4+s5], $0x20, s26, s5, $0xb8;
	[tilespmem:$0x10800] =	vst v63  }
0x3e4: {  	s30 =	simm.s32 $0x180;
	s0 =	simm.s32 $0x3800  }
0x3e5: {  	[tilespmem:s0], [sflag:$0x3] =	stream.indirect.gather [hbm4b:s4+s5], $0x20, s30, s5, $0xb8;
	[tilespmem:$0x10800] =	vst v63  }
0x3e6: {  	s0 =	simm.s32 $0x200  }
0x3e7: {  	[tilespmem:s16], [sflag:$0x3] =	stream.indirect.gather [hbm4b:s4+s5], $0x20, s0, s5, $0xb8;
	[tilespmem:$0x10800] =	vst v63  }
0x3e8: {  	_ = 	snop  }
0x3e9: {  	[tilespmem:s13], [sflag:$0x3] =	stream.indirect.gather [hbm4b:s4+s5], $0x20, s14, s5, $0xb8;
	[tilespmem:$0x10800] =	vst v63  }
0x3ea: {  	_ = 	snop  }
0x3eb: {  	[tilespmem:s7], [sflag:$0x3] =	stream.indirect.gather [hbm4b:s4+s5], $0x20, s18, s5, $0xb8;
	[tilespmem:$0x10800] =	vst v63  }
0x3ec: {  	_ = 	snop  }
0x3ed: {  	[tilespmem:s12], [sflag:$0x3] =	stream.indirect.gather [hbm4b:s4+s5], $0x20, s15, s5, $0xb8;
	[tilespmem:$0x10800] =	vst v63  }
0x3ee: {  	_ =	swait.ge [sflag:s17], $0x1000  }
0x3ef: {  	[sflag:s17] =	ssyncset.done $0x0  }
0x3f0: {  	[sflag:s17] =	ssyncadd.s32 $0xFFFFF000  }
0x3f1: {  	_ =	swait.ge [sflag:s17], $0x1000  }
0x3f2: {  	[sflag:s17] =	ssyncset.done $0x0  }
0x3f3: {  	[sflag:s17] =	ssyncadd.s32 $0xFFFFF000  }
0x3f4: {  	_ =	swait.ge [sflag:s17], $0x1000  }
0x3f5: {  	[sflag:s17] =	ssyncset.done $0x0  }
0x3f6: {  	[sflag:s17] =	ssyncadd.s32 $0xFFFFF000  }
0x3f7: {  	_ =	swait.ge [sflag:s17], $0x1000  }
0x3f8: {  	[sflag:s17] =	ssyncset.done $0x0  }
0x3f9: {  	[sflag:s17] =	ssyncadd.s32 $0xFFFFF000  }
0x3fa: {  	_ =	swait.ge [sflag:s17], $0x1000  }
0x3fb: {  	[sflag:s17] =	ssyncset.done $0x0  }
0x3fc: {  	[sflag:s17] =	ssyncadd.s32 $0xFFFFF000  }
0x3fd: {  	_ =	swait.ge [sflag:s17], $0x1000  }
0x3fe: {  	[sflag:s17] =	ssyncset.done $0x0  }
0x3ff: {  	[sflag:s17] =	ssyncadd.s32 $0xFFFFF000  }
0x400: {  	_ =	swait.ge [sflag:s17], $0x1000  }
0x401: {  	[sflag:s17] =	ssyncset.done $0x0  }
0x402: {  	[sflag:s17] =	ssyncadd.s32 $0xFFFFF000  }
0x403: {  	_ =	swait.ge [sflag:s17], $0x1000  }
0x404: {  	[sflag:s17] =	ssyncset.done $0x0  }
0x405: {  	s13 =	rddreg [dreg:$0xc];
	[sflag:s17] =	ssyncadd.s32 $0xFFFFF000  }
0x406: {  	[hbm4b:s13+s2] =	stream.linear.scatter [tilespmem:s23], [sflag:$0x5], $0x8000, $0x38;
	[tilespmem:$0x10800] =	vst v63  }
0x407: {  	s14 =	rddreg [dreg:$0xd]  }
0x408: {  	[tilespmem:s2], [sflag:$0x1] =	stream.linear.gather [hbm4b:s14+s2], $0x400, $0x38;
	[tilespmem:$0x10800] =	vst v63  }
0x409: {  	_ =	swait.ge [sflag:s11], $0x400  }
0x40a: {  	[sflag:s11] =	ssyncset.done $0x0  }
0x40b: {  	[sflag:s11] =	ssyncadd.s32 $0xFFFFFC00  }
0x40c: {  	_ =	swait.ge [sflag:s8], $0x8000  }
0x40d: {  	[sflag:s8] =	ssyncset.done $0x0  }
0x40e: {  	[sflag:s8] =	ssyncadd.s32 $0xFFFF8000  }
0x40f: {  	[tilespmem:s3], [sflag:$0x4] =	stream.indirect.gather [hbm4b:s4+s5], $0x20, s6, s5, $0xb8;
	[tilespmem:$0x10800] =	vst v63  }
0x410: {  	s16 =	simm.s32 $0x480;
	s18 =	simm.s32 $0x9800  }
0x411: {  	[tilespmem:s18], [sflag:$0x4] =	stream.indirect.gather [hbm4b:s4+s5], $0x20, s16, s5, $0xb8;
	[tilespmem:$0x10800] =	vst v63  }
0x412: {  	s19 =	simm.s32 $0xA800;
	s13 =	simm.s32 $0x500  }
0x413: {  	[tilespmem:s19], [sflag:$0x4] =	stream.indirect.gather [hbm4b:s4+s5], $0x20, s13, s5, $0xb8;
	[tilespmem:$0x10800] =	vst v63  }
0x414: {  	s29 =	simm.s32 $0x580;
	s15 =	simm.s32 $0xB800  }
0x415: {  	[tilespmem:s15], [sflag:$0x4] =	stream.indirect.gather [hbm4b:s4+s5], $0x20, s29, s5, $0xb8;
	[tilespmem:$0x10800] =	vst v63  }
0x416: {  	s31 =	simm.s32 $0x600;
	s20 =	simm.s32 $0xC800  }
0x417: {  	[tilespmem:s20], [sflag:$0x4] =	stream.indirect.gather [hbm4b:s4+s5], $0x20, s31, s5, $0xb8;
	[tilespmem:$0x10800] =	vst v63  }
0x418: {  	s21 =	simm.s32 $0x680;
	s15 =	simm.s32 $0xD800  }
0x419: {  	[tilespmem:s15], [sflag:$0x4] =	stream.indirect.gather [hbm4b:s4+s5], $0x20, s21, s5, $0xb8;
	[tilespmem:$0x10800] =	vst v63  }
0x41a: {  	s7 =	simm.s32 $0x700;
	s20 =	simm.s32 $0xE800  }
0x41b: {  	[tilespmem:s20], [sflag:$0x4] =	stream.indirect.gather [hbm4b:s4+s5], $0x20, s7, s5, $0xb8;
	[tilespmem:$0x10800] =	vst v63  }
0x41c: {  	s12 =	simm.s32 $0x780;
	s14 =	simm.s32 $0xF800  }
0x41d: {  	[tilespmem:s14], [sflag:$0x4] =	stream.indirect.gather [hbm4b:s4+s5], $0x20, s12, s5, $0xb8;
	[tilespmem:$0x10800] =	vst v63  }
0x41e: {  	_ =	swait.ge [sflag:s9], $0x1000  }
0x41f: {  	[sflag:s9] =	ssyncset.done $0x0  }
0x420: {  	[sflag:s9] =	ssyncadd.s32 $0xFFFFF000  }
0x421: {  	_ =	swait.ge [sflag:s9], $0x1000  }
0x422: {  	[sflag:s9] =	ssyncset.done $0x0  }
0x423: {  	[sflag:s9] =	ssyncadd.s32 $0xFFFFF000  }
0x424: {  	_ =	swait.ge [sflag:s9], $0x1000  }
0x425: {  	[sflag:s9] =	ssyncset.done $0x0  }
0x426: {  	[sflag:s9] =	ssyncadd.s32 $0xFFFFF000  }
0x427: {  	_ =	swait.ge [sflag:s9], $0x1000  }
0x428: {  	[sflag:s9] =	ssyncset.done $0x0  }
0x429: {  	[sflag:s9] =	ssyncadd.s32 $0xFFFFF000  }
0x42a: {  	_ =	swait.ge [sflag:s9], $0x1000  }
0x42b: {  	[sflag:s9] =	ssyncset.done $0x0  }
0x42c: {  	[sflag:s9] =	ssyncadd.s32 $0xFFFFF000  }
0x42d: {  	_ =	swait.ge [sflag:s9], $0x1000  }
0x42e: {  	[sflag:s9] =	ssyncset.done $0x0  }
0x42f: {  	[sflag:s9] =	ssyncadd.s32 $0xFFFFF000  }
0x430: {  	_ =	swait.ge [sflag:s9], $0x1000  }
0x431: {  	[sflag:s9] =	ssyncset.done $0x0  }
0x432: {  	[sflag:s9] =	ssyncadd.s32 $0xFFFFF000  }
0x433: {  	_ =	swait.ge [sflag:s9], $0x1000  }
0x434: {  	[sflag:s9] =	ssyncset.done $0x0  }
0x435: {  	s21 =	rddreg [dreg:$0xe];
	[sflag:s9] =	ssyncadd.s32 $0xFFFFF000  }
0x436: {  	[hbm4b:s21+s2] =	stream.linear.scatter [tilespmem:s3], [sflag:$0x6], $0x8000, $0x38;
	[tilespmem:$0x10800] =	vst v63  }
0x437: {  	s22 =	rddreg [dreg:$0xf]  }
0x438: {  	[tilespmem:s6], [sflag:$0x2] =	stream.linear.gather [hbm4b:s22+s2], $0x400, $0x38;
	[tilespmem:$0x10800] =	vst v63  }
0x439: {  	_ =	swait.ge [sflag:s1], $0x400  }
0x43a: {  	[sflag:s1] =	ssyncset.done $0x0  }
0x43b: {  	[sflag:s1] =	ssyncadd.s32 $0xFFFFFC00  }
0x43c: {  	_ =	swait.ge [sflag:s10], $0x8000  }
0x43d: {  	[sflag:s10] =	ssyncset.done $0x0  }
0x43e: {  	[sflag:s10] =	ssyncadd.s32 $0xFFFF8000  }
0x43f: {  	[tilespmem:s23], [sflag:$0x3] =	stream.indirect.gather [hbm4b:s4+s5], $0x20, s2, s5, $0xb8;
	[tilespmem:$0x10800] =	vst v63  }
0x440: {  	s22 =	simm.s32 $0x1800  }
0x441: {  	[tilespmem:s22], [sflag:$0x3] =	stream.indirect.gather [hbm4b:s4+s5], $0x20, s5, s5, $0xb8;
	[tilespmem:$0x10800] =	vst v63  }
0x442: {  	s21 =	simm.s32 $0x2800;
	s22 =	simm.s32 $0x100  }
0x443: {  	[tilespmem:s21], [sflag:$0x3] =	stream.indirect.gather [hbm4b:s4+s5], $0x20, s22, s5, $0xb8;
	[tilespmem:$0x10800] =	vst v63  }
0x444: {  	s21 =	simm.s32 $0x3800;
	s22 =	simm.s32 $0x180  }
0x445: {  	[tilespmem:s21], [sflag:$0x3] =	stream.indirect.gather [hbm4b:s4+s5], $0x20, s22, s5, $0xb8;
	[tilespmem:$0x10800] =	vst v63  }
0x446: {  	s28 =	simm.s32 $0x4800  }
0x447: {  	[tilespmem:s28], [sflag:$0x3] =	stream.indirect.gather [hbm4b:s4+s5], $0x20, s0, s5, $0xb8;
	[tilespmem:$0x10800] =	vst v63  }
0x448: {  	s22 =	simm.s32 $0x5800;
	s28 =	simm.s32 $0x280  }
0x449: {  	[tilespmem:s22], [sflag:$0x3] =	stream.indirect.gather [hbm4b:s4+s5], $0x20, s28, s5, $0xb8;
	[tilespmem:$0x10800] =	vst v63  }
0x44a: {  	s30 =	simm.s32 $0x300;
	s1 =	simm.s32 $0x6800  }
0x44b: {  	[tilespmem:s1], [sflag:$0x3] =	stream.indirect.gather [hbm4b:s4+s5], $0x20, s30, s5, $0xb8;
	[tilespmem:$0x10800] =	vst v63  }
0x44c: {  	s21 =	simm.s32 $0x7800;
	s22 =	simm.s32 $0x380  }
0x44d: {  	[tilespmem:s21], [sflag:$0x3] =	stream.indirect.gather [hbm4b:s4+s5], $0x20, s22, s5, $0xb8;
	[tilespmem:$0x10800] =	vst v63  }
0x44e: {  	_ =	swait.ge [sflag:s17], $0x1000  }
0x44f: {  	[sflag:s17] =	ssyncset.done $0x0  }
0x450: {  	[sflag:s17] =	ssyncadd.s32 $0xFFFFF000  }
0x451: {  	_ =	swait.ge [sflag:s17], $0x1000  }
0x452: {  	[sflag:s17] =	ssyncset.done $0x0  }
0x453: {  	[sflag:s17] =	ssyncadd.s32 $0xFFFFF000  }
0x454: {  	_ =	swait.ge [sflag:s17], $0x1000  }
0x455: {  	[sflag:s17] =	ssyncset.done $0x0  }
0x456: {  	[sflag:s17] =	ssyncadd.s32 $0xFFFFF000  }
0x457: {  	_ =	swait.ge [sflag:s17], $0x1000  }
0x458: {  	[sflag:s17] =	ssyncset.done $0x0  }
0x459: {  	[sflag:s17] =	ssyncadd.s32 $0xFFFFF000  }
0x45a: {  	_ =	swait.ge [sflag:s17], $0x1000  }
0x45b: {  	[sflag:s17] =	ssyncset.done $0x0  }
0x45c: {  	[sflag:s17] =	ssyncadd.s32 $0xFFFFF000  }
0x45d: {  	_ =	swait.ge [sflag:s17], $0x1000  }
0x45e: {  	[sflag:s17] =	ssyncset.done $0x0  }
0x45f: {  	[sflag:s17] =	ssyncadd.s32 $0xFFFFF000  }
0x460: {  	_ =	swait.ge [sflag:s17], $0x1000  }
0x461: {  	[sflag:s17] =	ssyncset.done $0x0  }
0x462: {  	[sflag:s17] =	ssyncadd.s32 $0xFFFFF000  }
0x463: {  	_ =	swait.ge [sflag:s17], $0x1000  }
0x464: {  	[sflag:s17] =	ssyncset.done $0x0  }
0x465: {  	s28 =	rddreg [dreg:$0x10];
	[sflag:s17] =	ssyncadd.s32 $0xFFFFF000  }
0x466: {  	[hbm4b:s28+s2] =	stream.linear.scatter [tilespmem:s23], [sflag:$0x5], $0x8000, $0x38;
	[tilespmem:$0x10800] =	vst v63  }
0x467: {  	_ =	swait.ge [sflag:s11], $0x400  }
0x468: {  	[sflag:s11] =	ssyncset.done $0x0  }
0x469: {  	[sflag:s11] =	ssyncadd.s32 $0xFFFFFC00  }
0x46a: {  	_ =	swait.ge [sflag:s8], $0x8000  }
0x46b: {  	[sflag:s8] =	ssyncset.done $0x0  }
0x46c: {  	[sflag:s8] =	ssyncadd.s32 $0xFFFF8000  }
0x46d: {  	[tilespmem:s3], [sflag:$0x4] =	stream.indirect.gather [hbm4b:s4+s5], $0x20, s6, s5, $0xb8;
	[tilespmem:$0x10800] =	vst v63  }
0x46e: {  	_ = 	snop  }
0x46f: {  	[tilespmem:s18], [sflag:$0x4] =	stream.indirect.gather [hbm4b:s4+s5], $0x20, s16, s5, $0xb8;
	[tilespmem:$0x10800] =	vst v63  }
0x470: {  	_ = 	snop  }
0x471: {  	[tilespmem:s19], [sflag:$0x4] =	stream.indirect.gather [hbm4b:s4+s5], $0x20, s13, s5, $0xb8;
	[tilespmem:$0x10800] =	vst v63  }
0x472: {  	s25 =	simm.s32 $0x580;
	s29 =	simm.s32 $0xB800  }
0x473: {  	[tilespmem:s29], [sflag:$0x4] =	stream.indirect.gather [hbm4b:s4+s5], $0x20, s25, s5, $0xb8;
	[tilespmem:$0x10800] =	vst v63  }
0x474: {  	s26 =	simm.s32 $0x600;
	s31 =	simm.s32 $0xC800  }
0x475: {  	[tilespmem:s31], [sflag:$0x4] =	stream.indirect.gather [hbm4b:s4+s5], $0x20, s26, s5, $0xb8;
	[tilespmem:$0x10800] =	vst v63  }
0x476: {  	s24 =	simm.s32 $0x680  }
0x477: {  	[tilespmem:s15], [sflag:$0x4] =	stream.indirect.gather [hbm4b:s4+s5], $0x20, s24, s5, $0xb8;
	[tilespmem:$0x10800] =	vst v63  }
0x478: {  	_ = 	snop  }
0x479: {  	[tilespmem:s20], [sflag:$0x4] =	stream.indirect.gather [hbm4b:s4+s5], $0x20, s7, s5, $0xb8;
	[tilespmem:$0x10800] =	vst v63  }
0x47a: {  	_ = 	snop  }
0x47b: {  	[tilespmem:s14], [sflag:$0x4] =	stream.indirect.gather [hbm4b:s4+s5], $0x20, s12, s5, $0xb8;
	[tilespmem:$0x10800] =	vst v63  }
0x47c: {  	_ =	swait.ge [sflag:s9], $0x1000  }
0x47d: {  	[sflag:s9] =	ssyncset.done $0x0  }
0x47e: {  	[sflag:s9] =	ssyncadd.s32 $0xFFFFF000  }
0x47f: {  	_ =	swait.ge [sflag:s9], $0x1000  }
0x480: {  	[sflag:s9] =	ssyncset.done $0x0  }
0x481: {  	[sflag:s9] =	ssyncadd.s32 $0xFFFFF000  }
0x482: {  	_ =	swait.ge [sflag:s9], $0x1000  }
0x483: {  	[sflag:s9] =	ssyncset.done $0x0  }
0x484: {  	[sflag:s9] =	ssyncadd.s32 $0xFFFFF000  }
0x485: {  	_ =	swait.ge [sflag:s9], $0x1000  }
0x486: {  	[sflag:s9] =	ssyncset.done $0x0  }
0x487: {  	[sflag:s9] =	ssyncadd.s32 $0xFFFFF000  }
0x488: {  	_ =	swait.ge [sflag:s9], $0x1000  }
0x489: {  	[sflag:s9] =	ssyncset.done $0x0  }
0x48a: {  	[sflag:s9] =	ssyncadd.s32 $0xFFFFF000  }
0x48b: {  	_ =	swait.ge [sflag:s9], $0x1000  }
0x48c: {  	[sflag:s9] =	ssyncset.done $0x0  }
0x48d: {  	[sflag:s9] =	ssyncadd.s32 $0xFFFFF000  }
0x48e: {  	_ =	swait.ge [sflag:s9], $0x1000  }
0x48f: {  	[sflag:s9] =	ssyncset.done $0x0  }
0x490: {  	[sflag:s9] =	ssyncadd.s32 $0xFFFFF000  }
0x491: {  	_ =	swait.ge [sflag:s9], $0x1000  }
0x492: {  	[sflag:s9] =	ssyncset.done $0x0  }
0x493: {  	s30 =	rddreg [dreg:$0x11];
	[sflag:s9] =	ssyncadd.s32 $0xFFFFF000  }
0x494: {  	[hbm4b:s30+s2] =	stream.linear.scatter [tilespmem:s3], [sflag:$0x6], $0x8000, $0x38;
	[tilespmem:$0x10800] =	vst v63  }
0x495: {  	_ =	swait.ge [sflag:s10], $0x8000  }
0x496: {  	[sflag:s10] =	ssyncset.done $0x0  }
0x497: {  	[sflag:s10] =	ssyncadd.s32 $0xFFFF8000  }
0x498: {  	_ =	swait.ge [sflag:s8], $0x8000  }
0x499: {  	[sflag:s8] =	ssyncset.done $0x0  }
0x49a: {  	[sflag:s8] =	ssyncadd.s32 $0xFFFF8000  }
0x49b: {  	_ =	sfence.sel $0x180000  }
0x49c: {  	[bflag:$0x0] =	sbarrier.arrive $0xFFFF  }
0x49d: {  	_ =	strace $0x90000047  }
0x49e: {  	s31 =	stileid.u32;
	[bflag:$0x2] =	sbarrier.arrive $0xFFFF  }
0x49f: {  	p0 =	sne.s32 s31, $0x0;
	s0 =	rddreg [dreg:$0x2]  }
0x4a0: {  	s0 =	sadd.s32 @!p0 $0x100000, s0  }
0x4a1: {  	[sflag:s0] =	ssyncadd.tile.s32 @!p0 $0x1;
	_ =	shalt  }
.LBB2_1:
.Ltmp3:
0x4a2: {  	(pc) =	sbr.rel .LBB2_6-.Ltmp3, $2  }
0x4a3: {  	_ =	sdelay $0x2  }
0x4a4: {  	s20 =	rddreg [dreg:$0x12]  }
.LBB2_7:
.Ltmp4:
0x4a5: {  	(pc) =	sbr.rel .LBB2_6-.Ltmp4, $2  }
0x4a6: {  	_ =	sdelay $0x2  }
0x4a7: {  	s20 =	rddreg [dreg:$0x12]  }
.Lfunc_end2:
_tile_overlayer_lowered:
.L_overlay_start_2:
0x4a8: {  	(tag) =	ssettag $0x2  }
0x4a9: {  	s0 =	rddreg [dreg:$0x0];
	s2 =	stileid.u32  }
0x4aa: {  	s1 =	rddreg [dreg:$0x1];
	p0 =	sne.s32 s2, $0x0  }
0x4ab: {  	s3 =	rddreg [dreg:$0x2];
	[bflag:$0x3] =	sbarrier.arrive $0xFFFF;
	s2 =	simm.s32 @!p0 $0x1C07  }
0x4ac: {  	[timem:s3], [sflag:s2] =	dma.local @!p0 [hbm:s0], s1  }
0x4ad: {  	s0 =	simm.s32 @!p0 $0x7  }
0x4ae: {  	_ =	swait.ge @!p0 [sflag:s0], s1  }
0x4af: {  	s1 =	ssub.s32 @!p0 $0x0, s1;
	[sflag:s0] =	ssyncset.done @!p0 $0x0  }
0x4b0: {  	[sflag:s0] =	ssyncadd.s32 @!p0 s1  }
0x4b1: {  	[bflag:$0x3] =	sbarrier.arrive $0xFFFF  }
0x4b2: {  	_ =	shalt  }

// kernel: sparse-core-data-format-call.cloned.1.call-start
scs
called_computation_lowered:
.L_overlay_start_0:
0x0: {  	s2 =	sld [smem:$0x3FD9]  }
0x1: {  	s3 =	sld [smem:$0x3FFE];
	_ =	sdelay $0x1  }
0x2: {  	s1 =	srdreg.scid  }
0x3: {  	s0 =	sand.u32 $0x1, s1  }
0x4: {  	s18 =	sshll.u32 s0, $0xA;
	s2 =	sadd.s32 s3, s2  }
0x5: {  	s2 =	sadd.s32 s2, s18  }
0x6: {  	[smem:$0x3FC5] =	sst s2  }
0x7: {  	_ = 	snop  }
0x8: {  	s2 =	sld [smem:$0x3FD0];
	(tm) =	ssettm $0x1  }
0x9: {  	s19 =	sld [smem:$0x3FFB];
	_ =	sdelay $0x3  }
0xa: {  	_ =	strace s19  }
0xb: {  	s3 =	sld [smem:$0x3FFC];
	_ =	sdelay $0x3  }
0xc: {  	_ =	strace s3  }
0xd: {  	s3 =	sld [smem:$0x3FFD];
	_ =	sdelay $0x3  }
0xe: {  	_ =	strace s3  }
0xf: {  	_ =	strace $0x8FFFFFFF  }
0x10: {  	s20 =	sld [smem:$0x3FDB];
	_ =	sdelay $0x1  }
0x11: {  	s4 =	simm.s32 $_scs_section_size  }
0x12: {  	s5 =	simm.s32 $_size__tile_overlayer_lowered;
	s6 =	simm.s32 $_tile_overlayer_lowered  }
0x13: {  	s23 =	simm.s32 $0x1BFF;
	s22 =	sshll.u32 s6, $0x1;
	s3 =	sadd.s32 s4, s20  }
0x14: {  	s7 =	simm.s32 $0x0;
	s21 =	sshll.u32 s5, $0x1;
	s5 =	sadd.s32 s22, s3  }
0x15: {  	[timem:s7], [sflag:s23] =	dma.local [hbm:s5], s21  }
0x16: {  	_ =	swait.ge [sflag:s23], s21  }
0x17: {  	s4 =	ssub.s32 $0x0, s21;
	[sflag:s23] =	ssyncset.done $0x0  }
0x18: {  	[sflag:s23] =	ssyncadd.s32 s4;
	_ =	sdelay $0x1  }
0x19: {  	s24 =	simm.s32 $0x1B8B  }
0x1a: {  	_ =	swait.ge [sflag:s24], $0x1  }
0x1b: {  	[sflag:s24] =	ssyncset.done $0x0  }
0x1c: {  	s26 =	simm.s32 $0x1B8E;
	s25 =	sld [smem:$0x3FFE];
	[sflag:s24] =	ssyncadd.s32 $0xFFFFFFFF  }
0x1d: {  	s27 =	simm.s32 $execute0_lowered;
	[smem:$0x3FD2] =	sst s26  }
0x1e: {  	s5 =	sshll.u32 s27, $0x1;
	_ =	strace $0x80000049;
	[dreg:$0x1] =	wrdreg $0xFFFFFFFF  }
0x1f: {  	s28 =	simm.s32 $_size_execute0_lowered;
	s3 =	sadd.s32 s3, s5;
	[dreg:$0x0] =	wrdreg $0x0  }
0x20: {  	s5 =	sshll.u32 s28, $0x1;
	[dreg:$0x2] =	wrdreg s3  }
0x21: {  	[dreg:$0x3] =	wrdreg s5  }
0x22: {  	[dreg:$0x4] =	wrdreg $0xC0  }
0x23: {  	_ =	task [dreg:s7], $0x5FFFF  }
0x24: {  	[dreg:$0x1] =	wrdreg $0xFFFFFFFF  }
0x25: {  	[dreg:$0x0] =	wrdreg $0x60  }
0x26: {  	[dreg:$0x2] =	wrdreg s25  }
0x27: {  	[dreg:$0x3] =	wrdreg s2  }
0x28: {  	[dreg:$0x4] =	wrdreg $0x9  }
0x29: {  	_ =	task.clear_ibuf [dreg:s7], $0x5FFFF;
	_ =	strace $0x90000049  }
0x2a: {  	s29 =	simm.s32 $0x9;
	_ =	strace $0x8000004B  }
0x2b: {  	_ =	swait.ge [sflag:s29], $0x1  }
0x2c: {  	[sflag:s29] =	ssyncadd.s32 $0xFFFFFFFF  }
0x2d: {  	_ =	strace $0x9000004B  }
0x2e: {  	_ =	sfence  }
0x2f: {  	s30 =	sld [smem:$0x0];
	_ =	sdelay $0x2  }
0x30: {  	s31 =	sshll.u32 s1, $0xD;
	s1 =	sshrl.u32 s1, $0x2  }
0x31: {  	s3 =	sand.u32 $0x4000, s31;
	s1 =	sadd.s32 s1, s30  }
0x32: {  	s0 =	sor.u32 s3, s0;
	s1 =	sshll.u32 s1, $0x11  }
0x33: {  	s0 =	sor.u32 s1, s0  }
0x34: {  	s0 =	sadd.s32 $0x8F2B, s0  }
0x35: {  	[sflag:s0] =	ssyncadd.remote.s32 $0x1  }
0x36: {  	_ =	sfence.sel $0xFFFF  }
0x37: {  	[dreg:$0x0] =	wrdreg $0xFFFFFFFF;
	(pc) =	sbr.abs _section_cstart, $3  }
0x38: {  	[dreg:$0x1] =	wrdreg $0xFFFFFFFF  }
0x39: {  	_ =	task.clear_ibuf [dreg:s7], $0x2FFFF;
	_ =	strace $0x9FFFFFFF  }
0x3a: {  	(tm) =	ssettm $0x7FFFFFFF  }
0x3b: {  	_ =	shalt  }
tec
execute0_lowered:
.L_overlay_start_1:
0x0: {  	(tag) =	ssettag $0x1  }
0x1: {  	s0 =	srdreg.scid  }
0x2: {  	s1 =	sshll.u32 s0, $0x4  }
0x3: {  	s4 =	rddreg [dreg:$0x0];
	s0 =	stileid.u32;
	s1 =	sand.u32 $0x10, s1  }
0x4: {  	s2 =	rddreg [dreg:$0x1];
	s7 =	simm.s32 $0x1;
	s1 =	sor.u32 s0, s1  }
0x5: {  	s8 =	simm.s32 $0x2;
	s11 =	simm.s32 $0x0;
	s3 =	sshll.u32 s1, $0x7  }
0x6: {  	s10 =	simm.s32 $0x0;
	s4 =	sadd.s32 $0xC00, s4;
	s6 =	ssub.s32 $0x40000, s3  }
.Ltmp0:
0x7: {  	s1 =	rddreg [dreg:$0x2];
	s5 =	sand.u32 $0xF80, s6;
	(pc) =	sbr.rel .LBB1_1-.Ltmp0, $4  }
0x8: {  	_ =	strace $0x8000004A;
	s9 =	smov.u32 s3;
	p0 =	sne.s32 s5, $0x0  }
0x9: {  	s6 =	sshrl.u32 s6, $0xC;
	s5 =	simm.s32 $0x1;
	s7 =	simm.s32 @!p0 $0x0  }
0xa: {  	[sflag:s5] =	ssyncpa.u1 $0x0;
	p0 =	por $0x0, $0x0;
	s6 =	sadd.s32 s7, s6  }
0xb: {  	[sflag:s8] =	ssyncpa.u1 $0x0;
	s8 =	simm.s32 $0x200000;
	s7 =	sadd.s32 $0x1, s6  }
.LBB1_4:
0xc: {  	s13 =	sshll.u32 s11, $0x3  }
0xd: {  	s15 =	sand.u32 $0x78, s11;
	s13 =	sand.u32 $0x3FC00, s13  }
0xe: {  	s30 =	sand.u32 $0xF8000, s11;
	s31 =	sand.u32 $0x7, s11;
	s13 =	sor.u32 s15, s13  }
0xf: {  	s11 =	sshll.u32 s31, $0x12;
	s15 =	sadd.s32 s2, s30;
	s13 =	sshrl.u32 s13, $0x3  }
0x10: {  	[tilespmem:s14+$0x0 ss:$0x81] =	vst.msk $0xffff, v0;
	s11 =	sor.u32 $0x400, s11;
	s13 =	sadd.s32 s13, s15  }
0x11: {  	[hbm4b:s13+s11] =	stream.strided.scatter [tilespmem:s12], [sflag:$0x2], $0x1000, s8, s11, $0x20;
	[tilespmem:$0x4040] =	vst v63  }
.LBB1_5:
0x12: {  	s13 =	sadd.s32 $0x1000, s9  }
0x13: {  	p2 =	sgt.s32 s13, $0x3FFFF  }
0x14: {  	s13 =	smov.u32 @p2 s3;
	p2 =	sne.s32 s10, s7  }
.Ltmp1:
0x15: {  	p1 =	slt.u32 s10, $0x2;
	(pc) =	sbr.rel @!p2 .LBB1_6-.Ltmp1, $4  }
0x16: {  	s12 =	simm.s32 @!p1 $0x2  }
0x17: {  	s14 =	sadd.s32 $0x1, s10;
	_ =	swait.ge @!p1 [sflag:s12], $0x1000  }
0x18: {  	s11 =	smov.u32 s9;
	p0 =	por !p0, !p0;
	[sflag:s12] =	ssyncset.done @!p1 $0x0  }
0x19: {  	s10 =	smov.u32 s14;
	s9 =	smov.u32 s13;
	[sflag:s12] =	ssyncadd.s32 @!p1 $0xFFFFF000  }
.LBB1_1:
0x1a: {  	p1 =	sge.u32 s10, s6  }
0x1b: {  	s31 =	sadd.s32 $0xFFFFFFFF, s10;
	s12 =	sxor.u32 @!p1 $0xFFFFFFFF, s10;
	s13 =	sshll.u32 @!p1 s9, $0x4  }
0x1c: {  	s14 =	simm.s32 @!p1 $0x20;
	s12 =	sshll.u32 @!p1 s12, $0xC;
	s13 =	sand.u32 @!p1 $0x3FFFF0, s13  }
0x1d: {  	s15 =	simm.s32 @!p1 $0x80;
	s12 =	sand.u32 @!p1 $0x1000, s12;
	s13 =	sadd.s32 @!p1 s4, s13  }
0x1e: {  	[tilespmem:s12], [sflag:$0x1] =	stream.strided.gather @!p1 [hbm4b:s13+s14], $0x1000, s15, s14, $0x38;
	[tilespmem:$0x4040] =	vst v63  }
0x1f: {  	p1 =	sge.u32 s31, s6  }
.Ltmp2:
0x20: {  	_ = 	snop;
	(pc) =	sbr.rel @p1 .LBB1_5-.Ltmp2, $1  }
0x21: {  	_ =	sdelay $0x3  }
0x22: {  	s12 =	simm.s32 $0x1  }
0x23: {  	_ =	swait.ge [sflag:s5], $0x1000;
	s12 =	simm.s32 @!p0 $0x0  }
0x24: {  	[sflag:s5] =	ssyncset.done $0x0;
	s13 =	sshll.u32 s12, $0xC  }
0x25: {  	[sflag:s5] =	ssyncadd.s32 $0xFFFFF000;
	s16 =	sor.u32 $0x10, s13  }
0x26: {  	s12 =	smul.u32 $0x4080, s12;
	v1 =	vld [tilespmem:s16+$0x0]  }
0x27: {  	s30 =	sand.u32 $0x1, s10;
	v0 =	vld [tilespmem:s16+$0xFFFFFFF0]  }
0x28: {  	s14 =	smul.u32 $0x4080, s30;
	s12 =	sshrl.u32 s12, $0x2  }
0x29: {  	s13 =	sor.u32 $0x2000, s12  }
0x2a: {  	s31 =	sshrl.u32 s14, $0x2;
	s14 =	sadd.s32 $0x0, s13  }
0x2b: {  	s15 =	simm.s32 $0x4;
	s16 =	sadd.s32 $0x20, s16;
	s12 =	sor.u32 $0x2000, s31;
	[tilespmem:s14+$0x810 ss:$0x81] =	vst.msk $0xffff, v1  }
.LBB1_3:
0x2c: {  	v1 =	vld [tilespmem:s16+$0x0];
	p1 =	sne.s32 s15, $0x1FC;
	[tilespmem:s14+$0x0 ss:$0x81] =	vst.msk $0xffff, v0;
	s14 =	smov.u32 s15;
	s15 =	sadd.s32 $0x4, s15  }
.Ltmp3:
0x2d: {  	v0 =	vld [tilespmem:s16+$0xFFFFFFF0];
	(pc) =	sbr.rel @p1 .LBB1_3-.Ltmp3, $4  }
0x2e: {  	_ = 	snop  }
0x2f: {  	s14 =	sshra.s32 s14, $0x2  }
0x30: {  	s14 =	sadd.s32 s14, s13  }
0x31: {  	s16 =	sadd.s32 $0x20, s16;
	[tilespmem:s14+$0x810 ss:$0x81] =	vst.msk $0xffff, v1  }
.Ltmp4:
0x32: {  	_ = 	snop;
	(pc) =	sbr.rel .LBB1_4-.Ltmp4, $1  }
0x33: {  	_ =	sdelay $0x3  }
.LBB1_6:
0x34: {  	_ =	sfence.sel $0x180000  }
0x35: {  	s2 =	simm.s32 $0x1;
	[bflag:$0x0] =	sbarrier.arrive $0xFFFF  }
0x36: {  	s31 =	simm.s32 $0x2;
	[sflag:s2] =	ssyncpa.u1 $0x1  }
0x37: {  	[sflag:s31] =	ssyncpa.u1 $0x1  }
0x38: {  	p0 =	sne.s32 s0, $0x0;
	_ =	strace $0x9000004A  }
0x39: {  	s0 =	sadd.s32 @!p0 $0x100000, s1;
	[bflag:$0x2] =	sbarrier.arrive $0xFFFF  }
0x3a: {  	[sflag:s0] =	ssyncadd.tile.s32 @!p0 $0x1;
	_ =	shalt  }
.Lfunc_end1:
_tile_overlayer_lowered:
.L_overlay_start_2:
0x3b: {  	(tag) =	ssettag $0x2  }
0x3c: {  	s0 =	rddreg [dreg:$0x0];
	s2 =	stileid.u32  }
0x3d: {  	s1 =	rddreg [dreg:$0x1];
	p0 =	sne.s32 s2, $0x0  }
0x3e: {  	s3 =	rddreg [dreg:$0x2];
	[bflag:$0x3] =	sbarrier.arrive $0xFFFF;
	s2 =	simm.s32 @!p0 $0x1C01  }
0x3f: {  	[timem:s3], [sflag:s2] =	dma.local @!p0 [hbm:s0], s1  }
0x40: {  	s0 =	simm.s32 @!p0 $0x1  }
0x41: {  	_ =	swait.ge @!p0 [sflag:s0], s1  }
0x42: {  	s1 =	ssub.s32 @!p0 $0x0, s1;
	[sflag:s0] =	ssyncset.done @!p0 $0x0  }
0x43: {  	[sflag:s0] =	ssyncadd.s32 @!p0 s1  }
0x44: {  	[bflag:$0x3] =	sbarrier.arrive $0xFFFF  }
0x45: {  	_ =	shalt  }

</sc_bundles>
